<compile_context>
chip_gen: v7x
topology: tpu7x:2x2x1
jax: 0.10.2.dev20260603
libtpu: 0.0.44.dev20260713+nightly
codegen_flags: <defaults>
</compile_context>

<pallas_src>
import jax
import jax.numpy as jnp
from jax import lax
from jax.experimental import pallas as pl
from jax.experimental.pallas import tpu as pltpu
from jax.experimental.pallas import tpu_sc as plsc

B, S, V, D = 4096, 200, 64, 64
NC, NS, L = 2, 16, 16
NW = NC * NS
BPW = B // NW
TPW = BPW * S
NVREG = (S + L - 1) // L
PAD = 65
SBLK = 2
NBLK = S // SBLK
BLKF = SBLK * D * BPW

THRESHOLDS = (1, 2, 7, 20, 54, 148, 403, 1096, 2980, 8103,
              22026, 59874, 162754, 442413)


def _sc_body(ts_hbm, te_hbm, out_hbm, ts_v, idx_v, te_v, tep_v,
             buf0_v, buf1_v, wsem0, wsem1):
    wid = lax.axis_index("s") * NC + lax.axis_index("c")
    tok0 = wid * TPW
    b0 = wid * BPW

    pltpu.sync_copy(ts_hbm.at[pl.ds(tok0, TPW)], ts_v)
    pltpu.sync_copy(te_hbm, te_v)

    iota = lax.iota(jnp.int32, L)

    def pad_row(v, carry):
        dst0 = v * PAD
        src0 = v * D
        for j in range(D // L):
            val = te_v[pl.ds(src0 + j * L, L)]
            plsc.store_scatter(tep_v, [dst0 + j * L + iota], val)
        return carry

    lax.fori_loop(0, V, pad_row, 0, unroll=False)

    @plsc.parallel_loop(0, BPW, step=1, unroll=1)
    def compute_row(r):
        rb = r * S
        cur_raw = jnp.max(ts_v[pl.ds(rb + S - L, L)])
        c3600 = lax.div(cur_raw, jnp.int32(3600)) * jnp.int32(3600)
        cuts = [c3600 - jnp.int32(3600 * (s - 1)) for s in THRESHOLDS]
        for j in range(NVREG):
            off = j * L if j < NVREG - 1 else S - L
            v = ts_v[pl.ds(rb + off, L)]
            acc = (v < cuts[0]).astype(jnp.int32)
            for c in cuts[1:]:
                acc = acc + (v < c).astype(jnp.int32)
            idx_v[pl.ds(rb + off, L)] = acc

    bufs = (buf0_v, buf1_v)
    sems = (wsem0, wsem1)
    NG = BPW // L

    bgbase = [iota * jnp.int32(S) + jnp.int32(bg * L * S) for bg in range(NG)]

    def fill_block(blk, buf):
        for ss in range(SBLK):
            s = blk * SBLK + ss
            i65 = []
            for bg in range(NG):
                iv = plsc.load_gather(idx_v, [bgbase[bg] + s])
                i65.append(iv * jnp.int32(PAD))

            @plsc.parallel_loop(0, D, step=1, unroll=8)
            def _cloop(c):
                row = ss * D + c
                for bg in range(NG):
                    val = plsc.load_gather(tep_v, [i65[bg] + c])
                    buf[row, pl.ds(bg * L, L)] = val

    def outer(o, carry):
        for b in range(2):
            blk = o * 2 + b

            @pl.when(o > 0)
            def _():
                pltpu.make_async_copy(
                    bufs[b],
                    out_hbm.at[pl.ds((blk - 2) * SBLK * D, SBLK * D),
                               pl.ds(b0, BPW)],
                    sems[b]).wait()

            fill_block(blk, bufs[b])
            pltpu.async_copy(
                bufs[b],
                out_hbm.at[pl.ds(blk * SBLK * D, SBLK * D),
                           pl.ds(b0, BPW)],
                sems[b])
        return carry

    lax.fori_loop(0, NBLK // 2, outer, 0, unroll=False)

    for b in range(2):
        last_blk = NBLK - 2 + b
        pltpu.make_async_copy(
            bufs[b],
            out_hbm.at[pl.ds(last_blk * SBLK * D, SBLK * D),
                       pl.ds(b0, BPW)],
            sems[b]).wait()


@jax.jit
def _time_embedding(timestamps, te):
    mesh = plsc.VectorSubcoreMesh(core_axis_name="c", subcore_axis_name="s")
    f = pl.kernel(
        _sc_body,
        out_type=jax.ShapeDtypeStruct((S * D, B), jnp.float32),
        mesh=mesh,
        scratch_types=[
            pltpu.VMEM((TPW,), jnp.int32),
            pltpu.VMEM((TPW,), jnp.int32),
            pltpu.VMEM((V * D,), jnp.float32),
            pltpu.VMEM((V * PAD,), jnp.float32),
            pltpu.VMEM((SBLK * D, BPW), jnp.float32),
            pltpu.VMEM((SBLK * D, BPW), jnp.float32),
            pltpu.SemaphoreType.DMA,
            pltpu.SemaphoreType.DMA,
        ],
        compiler_params=pltpu.CompilerParams(needs_layout_passes=False),
    )
    out = f(timestamps.reshape(B * S), te.reshape(V * D))
    return jnp.transpose(out.reshape(S, D, B), (2, 0, 1))


def kernel(timestamps, te):
    return _time_embedding(timestamps, te)

# --- scband reference (transcript-rebuilt; emitter-appended) ---
"""Pipeline reference for scband-time-embedding-23244363006001 (READ-ONLY COPY).

The authoritative reference and input builder live on the scoring server;
editing this copy changes nothing except your own understanding.
"""

import jax, jax.numpy as jnp
import numpy as np


def setup_inputs(seed: int = 0) -> dict:
    key = jax.random.key(seed)
    k_ts, k_te = jax.random.split(key)
    # timestamps: sorted per row so the last element is the max (current time)
    timestamps = jnp.sort(
        jax.random.randint(k_ts, (4096, 200), 0, 1000000000, dtype=jnp.int32),
        axis=-1,
    )
    # learned embedding table, nn.Embedding default init ~ N(0,1)
    te = jax.random.normal(k_te, (64, 64), dtype=jnp.float32)
    return {"timestamps": timestamps, "te": te}


def reference(timestamps, te):
    # torch.div(timestamps, 3600, rounding_mode='floor')
    ts = jnp.floor_divide(timestamps, 3600)
    seq_len = ts.shape[1]
    cur_time = ts[:, -1]
    # cur_time.repeat(seq_len, 1).transpose(0, 1) - timestamps
    delta_times = jnp.broadcast_to(cur_time[:, None], (ts.shape[0], seq_len)) - ts
    # torch.log promotes int -> float
    deltas = jnp.log(delta_times.astype(jnp.float32) + 1.0)
    idx = jnp.ceil(deltas).astype(jnp.int32)
    # embedding lookup
    return jnp.take(te, idx, axis=0)

if __name__ == "__main__":
    import jax
    _d = setup_inputs()
    print(jax.jit(kernel)(*tuple(_d.values())))

</pallas_src>

<mosaic_0001>
#map = affine_map<(d0, d1) -> (0)>
#map1 = affine_map<(d0, d1) -> (0, 0)>
module attributes {stable_mosaic.version = 14 : i64} {
  func.func @_sc_body(%arg0: i32, %arg1: i32, %arg2: memref<819200xi32, #tpu.memory_space<hbm>>, %arg3: memref<4096xf32, #tpu.memory_space<hbm>>, %arg4: memref<12800x4096xf32, #tpu.memory_space<hbm>>, %arg5: memref<25600xi32, #tpu.memory_space<vmem>>, %arg6: memref<25600xi32, #tpu.memory_space<vmem>>, %arg7: memref<4096xf32, #tpu.memory_space<vmem>>, %arg8: memref<4160xf32, #tpu.memory_space<vmem>>, %arg9: memref<128x128xf32, #tpu.memory_space<vmem>>, %arg10: memref<128x128xf32, #tpu.memory_space<vmem>>, %arg11: memref<!tpu.dma_semaphore, #tpu.memory_space<semaphore_mem>>, %arg12: memref<!tpu.dma_semaphore, #tpu.memory_space<semaphore_mem>>) attributes {dimension_semantics = [#tpu.dimension_semantics<core_parallel>, #tpu.dimension_semantics<subcore_parallel>], iteration_bounds = array<i64: 2, 16>, scalar_prefetch = 0 : i64, scratch_operands = 8 : i64, tpu.core_type = #tpu.core_type<sc_vector_subcore>, window_params = [{transform_indices = #map}, {transform_indices = #map}, {transform_indices = #map1}]} {
    %mul3A = arith.constant 2 : i32
    %mul3A_0 = arith.muli %arg1, %mul3A : i32
    %add3A = arith.addi %mul3A_0, %arg0 : i32
    %mul3A_1 = arith.constant 25600 : i32
    %mul3A_2 = arith.muli %add3A, %mul3A_1 : i32
    %mul3A_3 = arith.constant 128 : i32
    %mul3A_4 = arith.muli %add3A, %mul3A_3 : i32
    "tpu.region"() ({
      %run_scoped3A = tpu.sem_alloc : memref<!tpu.dma_semaphore, #tpu.memory_space<semaphore_mem>>
      %dma_start3A = tpu.memref_slice %arg2[%mul3A_2] : memref<819200xi32, #tpu.memory_space<hbm>> -> memref<25600xi32, #tpu.memory_space<hbm>>
      %dma_start3A_73 = tpu.memref_slice %arg2[%mul3A_2] : memref<819200xi32, #tpu.memory_space<hbm>> -> memref<25600xi32, #tpu.memory_space<hbm>>
      tpu.enqueue_dma source(%dma_start3A_73 : memref<25600xi32, #tpu.memory_space<hbm>>) target(%arg5 : memref<25600xi32, #tpu.memory_space<vmem>>) target_semaphore(%run_scoped3A : memref<!tpu.dma_semaphore, #tpu.memory_space<semaphore_mem>>)
      %dma_wait3A_74 = tpu.memref_slice %arg2[%mul3A_2] : memref<819200xi32, #tpu.memory_space<hbm>> -> memref<25600xi32, #tpu.memory_space<hbm>>
      %dma_wait3A_75 = tpu.memref_slice %arg2[%mul3A_2] : memref<819200xi32, #tpu.memory_space<hbm>> -> memref<25600xi32, #tpu.memory_space<hbm>>
      tpu.wait_dma2 semaphore(%run_scoped3A : memref<!tpu.dma_semaphore, #tpu.memory_space<semaphore_mem>>) src(%dma_wait3A_75 : memref<25600xi32, #tpu.memory_space<hbm>>) dst(%arg5 : memref<25600xi32, #tpu.memory_space<vmem>>)
      tpu.yield
    }) : () -> ()
    "tpu.region"() ({
      %run_scoped3A = tpu.sem_alloc : memref<!tpu.dma_semaphore, #tpu.memory_space<semaphore_mem>>
      tpu.enqueue_dma source(%arg3 : memref<4096xf32, #tpu.memory_space<hbm>>) target(%arg7 : memref<4096xf32, #tpu.memory_space<vmem>>) target_semaphore(%run_scoped3A : memref<!tpu.dma_semaphore, #tpu.memory_space<semaphore_mem>>)
      tpu.wait_dma2 semaphore(%run_scoped3A : memref<!tpu.dma_semaphore, #tpu.memory_space<semaphore_mem>>) src(%arg3 : memref<4096xf32, #tpu.memory_space<hbm>>) dst(%arg7 : memref<4096xf32, #tpu.memory_space<vmem>>)
      tpu.yield
    }) : () -> ()
    %iota3A = tpu.iota {dimensions = array<i32: 0>} : vector<16xi32>
    %scan3A = arith.constant 0 : i32
    %scan3A_5 = arith.constant 0 : i32
    %scan3A_6 = arith.constant 64 : i32
    %scan3A_7 = arith.addi %scan3A_5, %scan3A_6 : i32
    %scan3A_8 = arith.constant 1 : i32
    scf.for %scan3A_73 = %scan3A_5 to %scan3A_7 step %scan3A_8  : i32 {
      %mul3A_74 = arith.constant 65 : i32
      %mul3A_75 = arith.muli %scan3A_73, %mul3A_74 : i32
      %mul3A_76 = arith.constant 64 : i32
      %mul3A_77 = arith.muli %scan3A_73, %mul3A_76 : i32
      %add3A_78 = arith.constant 0 : i32
      %add3A_79 = arith.addi %mul3A_77, %add3A_78 : i32
      %get3A = arith.index_cast %add3A_79 : i32 to index
      %get3A_80 = tpu.vector_load %arg7[%get3A] {strides = array<i32>} : memref<4096xf32, #tpu.memory_space<vmem>>, vector<16xf32>,
      %add3A_81 = arith.constant 0 : i32
      %add3A_82 = arith.addi %mul3A_75, %add3A_81 : i32
      %add3A_83 = vector.broadcast %add3A_82 : i32 to vector<16xi32>
      %add3A_84 = arith.addi %add3A_83, %iota3A : vector<16xi32>
      tpu.vector_store_idx %arg8[%add3A_84], %get3A_80 : memref<4160xf32, #tpu.memory_space<vmem>>[vector<16xi32>], vector<16xf32>,
      %add3A_85 = arith.constant 16 : i32
      %add3A_86 = arith.addi %mul3A_77, %add3A_85 : i32
      %get3A_87 = arith.index_cast %add3A_86 : i32 to index
      %get3A_88 = tpu.vector_load %arg7[%get3A_87] {strides = array<i32>} : memref<4096xf32, #tpu.memory_space<vmem>>, vector<16xf32>,
      %add3A_89 = arith.constant 16 : i32
      %add3A_90 = arith.addi %mul3A_75, %add3A_89 : i32
      %add3A_91 = vector.broadcast %add3A_90 : i32 to vector<16xi32>
      %add3A_92 = arith.addi %add3A_91, %iota3A : vector<16xi32>
      tpu.vector_store_idx %arg8[%add3A_92], %get3A_88 : memref<4160xf32, #tpu.memory_space<vmem>>[vector<16xi32>], vector<16xf32>,
      %add3A_93 = arith.constant 32 : i32
      %add3A_94 = arith.addi %mul3A_77, %add3A_93 : i32
      %get3A_95 = arith.index_cast %add3A_94 : i32 to index
      %get3A_96 = tpu.vector_load %arg7[%get3A_95] {strides = array<i32>} : memref<4096xf32, #tpu.memory_space<vmem>>, vector<16xf32>,
      %add3A_97 = arith.constant 32 : i32
      %add3A_98 = arith.addi %mul3A_75, %add3A_97 : i32
      %add3A_99 = vector.broadcast %add3A_98 : i32 to vector<16xi32>
      %add3A_100 = arith.addi %add3A_99, %iota3A : vector<16xi32>
      tpu.vector_store_idx %arg8[%add3A_100], %get3A_96 : memref<4160xf32, #tpu.memory_space<vmem>>[vector<16xi32>], vector<16xf32>,
      %add3A_101 = arith.constant 48 : i32
      %add3A_102 = arith.addi %mul3A_77, %add3A_101 : i32
      %get3A_103 = arith.index_cast %add3A_102 : i32 to index
      %get3A_104 = tpu.vector_load %arg7[%get3A_103] {strides = array<i32>} : memref<4096xf32, #tpu.memory_space<vmem>>, vector<16xf32>,
      %add3A_105 = arith.constant 48 : i32
      %add3A_106 = arith.addi %mul3A_75, %add3A_105 : i32
      %add3A_107 = vector.broadcast %add3A_106 : i32 to vector<16xi32>
      %add3A_108 = arith.addi %add3A_107, %iota3A : vector<16xi32>
      tpu.vector_store_idx %arg8[%add3A_108], %get3A_104 : memref<4160xf32, #tpu.memory_space<vmem>>[vector<16xi32>], vector<16xf32>,
    }
    %scan3A_9 = arith.constant 64 : i32
    %parallel_loop3A = arith.constant 0 : i32
    %parallel_loop3A_10 = arith.constant 128 : i32
    %parallel_loop3A_11 = arith.constant 1 : i32
    scf.for %parallel_loop3A_73 = %parallel_loop3A to %parallel_loop3A_10 step %parallel_loop3A_11  : i32 {
      %parallel_loop3A_74 = arith.constant 200 : i32
      %parallel_loop3A_75 = arith.muli %parallel_loop3A_73, %parallel_loop3A_74 : i32
      %parallel_loop3A_76 = arith.constant 200 : i32
      %parallel_loop3A_77 = arith.addi %parallel_loop3A_75, %parallel_loop3A_76 : i32
      %parallel_loop3A_78 = arith.constant 16 : i32
      %parallel_loop3A_79 = arith.subi %parallel_loop3A_77, %parallel_loop3A_78 : i32
      %parallel_loop3A_80 = arith.index_cast %parallel_loop3A_79 : i32 to index
      %parallel_loop3A_81 = tpu.vector_load %arg5[%parallel_loop3A_80] {strides = array<i32>} : memref<25600xi32, #tpu.memory_space<vmem>>, vector<16xi32>,
      %parallel_loop3A_82 = arith.constant true
      %parallel_loop3A_83 = vector.broadcast %parallel_loop3A_82 : i1 to vector<16xi1>
      %parallel_loop3A_84 = arith.constant -2147483648 : i32
      %parallel_loop3A_85 = vector.broadcast %parallel_loop3A_84 : i32 to vector<16xi32>
      %parallel_loop3A_86 = arith.xori %parallel_loop3A_81, %parallel_loop3A_85 : vector<16xi32>
      %parallel_loop3A_87 = tpu.scan <max>, %parallel_loop3A_86 masked %parallel_loop3A_83 : vector<16xi32>, vector<16xi1> -> vector<16xi32>
      %parallel_loop3A_88 = arith.xori %parallel_loop3A_87, %parallel_loop3A_85 : vector<16xi32>
      %parallel_loop3A_89 = vector.extract %parallel_loop3A_88[15] : i32 from vector<16xi32>
      %parallel_loop3A_90 = arith.constant 3600 : i32
      %parallel_loop3A_91 = arith.divsi %parallel_loop3A_89, %parallel_loop3A_90 : i32
      %parallel_loop3A_92 = arith.constant 3600 : i32
      %parallel_loop3A_93 = arith.muli %parallel_loop3A_91, %parallel_loop3A_92 : i32
      %parallel_loop3A_94 = arith.constant 0 : i32
      %parallel_loop3A_95 = arith.subi %parallel_loop3A_93, %parallel_loop3A_94 : i32
      %parallel_loop3A_96 = arith.constant 3600 : i32
      %parallel_loop3A_97 = arith.subi %parallel_loop3A_93, %parallel_loop3A_96 : i32
      %parallel_loop3A_98 = arith.constant 21600 : i32
      %parallel_loop3A_99 = arith.subi %parallel_loop3A_93, %parallel_loop3A_98 : i32
      %parallel_loop3A_100 = arith.constant 68400 : i32
      %parallel_loop3A_101 = arith.subi %parallel_loop3A_93, %parallel_loop3A_100 : i32
      %parallel_loop3A_102 = arith.constant 190800 : i32
      %parallel_loop3A_103 = arith.subi %parallel_loop3A_93, %parallel_loop3A_102 : i32
      %parallel_loop3A_104 = arith.constant 529200 : i32
      %parallel_loop3A_105 = arith.subi %parallel_loop3A_93, %parallel_loop3A_104 : i32
      %parallel_loop3A_106 = arith.constant 1447200 : i32
      %parallel_loop3A_107 = arith.subi %parallel_loop3A_93, %parallel_loop3A_106 : i32
      %parallel_loop3A_108 = arith.constant 3942000 : i32
      %parallel_loop3A_109 = arith.subi %parallel_loop3A_93, %parallel_loop3A_108 : i32
      %parallel_loop3A_110 = arith.constant 10724400 : i32
      %parallel_loop3A_111 = arith.subi %parallel_loop3A_93, %parallel_loop3A_110 : i32
      %parallel_loop3A_112 = arith.constant 29167200 : i32
      %parallel_loop3A_113 = arith.subi %parallel_loop3A_93, %parallel_loop3A_112 : i32
      %parallel_loop3A_114 = arith.constant 79290000 : i32
      %parallel_loop3A_115 = arith.subi %parallel_loop3A_93, %parallel_loop3A_114 : i32
      %parallel_loop3A_116 = arith.constant 215542800 : i32
      %parallel_loop3A_117 = arith.subi %parallel_loop3A_93, %parallel_loop3A_116 : i32
      %parallel_loop3A_118 = arith.constant 585910800 : i32
      %parallel_loop3A_119 = arith.subi %parallel_loop3A_93, %parallel_loop3A_118 : i32
      %parallel_loop3A_120 = arith.constant 1592683200 : i32
      %parallel_loop3A_121 = arith.subi %parallel_loop3A_93, %parallel_loop3A_120 : i32
      %parallel_loop3A_122 = arith.constant 0 : i32
      %parallel_loop3A_123 = arith.addi %parallel_loop3A_75, %parallel_loop3A_122 : i32
      %parallel_loop3A_124 = arith.index_cast %parallel_loop3A_123 : i32 to index
      %parallel_loop3A_125 = tpu.vector_load %arg5[%parallel_loop3A_124] {strides = array<i32>} : memref<25600xi32, #tpu.memory_space<vmem>>, vector<16xi32>,
      %parallel_loop3A_126 = vector.broadcast %parallel_loop3A_95 : i32 to vector<16xi32>
      %parallel_loop3A_127 = arith.cmpi slt, %parallel_loop3A_125, %parallel_loop3A_126 : vector<16xi32>
      %parallel_loop3A_128 = arith.extui %parallel_loop3A_127 : vector<16xi1> to vector<16xi32>
      %parallel_loop3A_129 = vector.broadcast %parallel_loop3A_97 : i32 to vector<16xi32>
      %parallel_loop3A_130 = arith.cmpi slt, %parallel_loop3A_125, %parallel_loop3A_129 : vector<16xi32>
      %parallel_loop3A_131 = arith.extui %parallel_loop3A_130 : vector<16xi1> to vector<16xi32>
      %parallel_loop3A_132 = arith.addi %parallel_loop3A_128, %parallel_loop3A_131 : vector<16xi32>
      %parallel_loop3A_133 = vector.broadcast %parallel_loop3A_99 : i32 to vector<16xi32>
      %parallel_loop3A_134 = arith.cmpi slt, %parallel_loop3A_125, %parallel_loop3A_133 : vector<16xi32>
      %parallel_loop3A_135 = arith.extui %parallel_loop3A_134 : vector<16xi1> to vector<16xi32>
      %parallel_loop3A_136 = arith.addi %parallel_loop3A_132, %parallel_loop3A_135 : vector<16xi32>
      %parallel_loop3A_137 = vector.broadcast %parallel_loop3A_101 : i32 to vector<16xi32>
      %parallel_loop3A_138 = arith.cmpi slt, %parallel_loop3A_125, %parallel_loop3A_137 : vector<16xi32>
      %parallel_loop3A_139 = arith.extui %parallel_loop3A_138 : vector<16xi1> to vector<16xi32>
      %parallel_loop3A_140 = arith.addi %parallel_loop3A_136, %parallel_loop3A_139 : vector<16xi32>
      %parallel_loop3A_141 = vector.broadcast %parallel_loop3A_103 : i32 to vector<16xi32>
      %parallel_loop3A_142 = arith.cmpi slt, %parallel_loop3A_125, %parallel_loop3A_141 : vector<16xi32>
      %parallel_loop3A_143 = arith.extui %parallel_loop3A_142 : vector<16xi1> to vector<16xi32>
      %parallel_loop3A_144 = arith.addi %parallel_loop3A_140, %parallel_loop3A_143 : vector<16xi32>
      %parallel_loop3A_145 = vector.broadcast %parallel_loop3A_105 : i32 to vector<16xi32>
      %parallel_loop3A_146 = arith.cmpi slt, %parallel_loop3A_125, %parallel_loop3A_145 : vector<16xi32>
      %parallel_loop3A_147 = arith.extui %parallel_loop3A_146 : vector<16xi1> to vector<16xi32>
      %parallel_loop3A_148 = arith.addi %parallel_loop3A_144, %parallel_loop3A_147 : vector<16xi32>
      %parallel_loop3A_149 = vector.broadcast %parallel_loop3A_107 : i32 to vector<16xi32>
      %parallel_loop3A_150 = arith.cmpi slt, %parallel_loop3A_125, %parallel_loop3A_149 : vector<16xi32>
      %parallel_loop3A_151 = arith.extui %parallel_loop3A_150 : vector<16xi1> to vector<16xi32>
      %parallel_loop3A_152 = arith.addi %parallel_loop3A_148, %parallel_loop3A_151 : vector<16xi32>
      %parallel_loop3A_153 = vector.broadcast %parallel_loop3A_109 : i32 to vector<16xi32>
      %parallel_loop3A_154 = arith.cmpi slt, %parallel_loop3A_125, %parallel_loop3A_153 : vector<16xi32>
      %parallel_loop3A_155 = arith.extui %parallel_loop3A_154 : vector<16xi1> to vector<16xi32>
      %parallel_loop3A_156 = arith.addi %parallel_loop3A_152, %parallel_loop3A_155 : vector<16xi32>
      %parallel_loop3A_157 = vector.broadcast %parallel_loop3A_111 : i32 to vector<16xi32>
      %parallel_loop3A_158 = arith.cmpi slt, %parallel_loop3A_125, %parallel_loop3A_157 : vector<16xi32>
      %parallel_loop3A_159 = arith.extui %parallel_loop3A_158 : vector<16xi1> to vector<16xi32>
      %parallel_loop3A_160 = arith.addi %parallel_loop3A_156, %parallel_loop3A_159 : vector<16xi32>
      %parallel_loop3A_161 = vector.broadcast %parallel_loop3A_113 : i32 to vector<16xi32>
      %parallel_loop3A_162 = arith.cmpi slt, %parallel_loop3A_125, %parallel_loop3A_161 : vector<16xi32>
      %parallel_loop3A_163 = arith.extui %parallel_loop3A_162 : vector<16xi1> to vector<16xi32>
      %parallel_loop3A_164 = arith.addi %parallel_loop3A_160, %parallel_loop3A_163 : vector<16xi32>
      %parallel_loop3A_165 = vector.broadcast %parallel_loop3A_115 : i32 to vector<16xi32>
      %parallel_loop3A_166 = arith.cmpi slt, %parallel_loop3A_125, %parallel_loop3A_165 : vector<16xi32>
      %parallel_loop3A_167 = arith.extui %parallel_loop3A_166 : vector<16xi1> to vector<16xi32>
      %parallel_loop3A_168 = arith.addi %parallel_loop3A_164, %parallel_loop3A_167 : vector<16xi32>
      %parallel_loop3A_169 = vector.broadcast %parallel_loop3A_117 : i32 to vector<16xi32>
      %parallel_loop3A_170 = arith.cmpi slt, %parallel_loop3A_125, %parallel_loop3A_169 : vector<16xi32>
      %parallel_loop3A_171 = arith.extui %parallel_loop3A_170 : vector<16xi1> to vector<16xi32>
      %parallel_loop3A_172 = arith.addi %parallel_loop3A_168, %parallel_loop3A_171 : vector<16xi32>
      %parallel_loop3A_173 = vector.broadcast %parallel_loop3A_119 : i32 to vector<16xi32>
      %parallel_loop3A_174 = arith.cmpi slt, %parallel_loop3A_125, %parallel_loop3A_173 : vector<16xi32>
      %parallel_loop3A_175 = arith.extui %parallel_loop3A_174 : vector<16xi1> to vector<16xi32>
      %parallel_loop3A_176 = arith.addi %parallel_loop3A_172, %parallel_loop3A_175 : vector<16xi32>
      %parallel_loop3A_177 = vector.broadcast %parallel_loop3A_121 : i32 to vector<16xi32>
      %parallel_loop3A_178 = arith.cmpi slt, %parallel_loop3A_125, %parallel_loop3A_177 : vector<16xi32>
      %parallel_loop3A_179 = arith.extui %parallel_loop3A_178 : vector<16xi1> to vector<16xi32>
      %parallel_loop3A_180 = arith.addi %parallel_loop3A_176, %parallel_loop3A_179 : vector<16xi32>
      %parallel_loop3A_181 = arith.constant 0 : i32
      %parallel_loop3A_182 = arith.addi %parallel_loop3A_75, %parallel_loop3A_181 : i32
      %parallel_loop3A_183 = arith.index_cast %parallel_loop3A_182 : i32 to index
      %parallel_loop3A_184 = tpu.vector_load %arg6[%parallel_loop3A_183] {strides = array<i32>} : memref<25600xi32, #tpu.memory_space<vmem>>, vector<16xi32>,
      tpu.vector_store %arg6[%parallel_loop3A_183], %parallel_loop3A_180 {strides = array<i32>} : memref<25600xi32, #tpu.memory_space<vmem>>, vector<16xi32>,
      %parallel_loop3A_185 = arith.constant 16 : i32
      %parallel_loop3A_186 = arith.addi %parallel_loop3A_75, %parallel_loop3A_185 : i32
      %parallel_loop3A_187 = arith.index_cast %parallel_loop3A_186 : i32 to index
      %parallel_loop3A_188 = tpu.vector_load %arg5[%parallel_loop3A_187] {strides = array<i32>} : memref<25600xi32, #tpu.memory_space<vmem>>, vector<16xi32>,
      %parallel_loop3A_189 = vector.broadcast %parallel_loop3A_95 : i32 to vector<16xi32>
      %parallel_loop3A_190 = arith.cmpi slt, %parallel_loop3A_188, %parallel_loop3A_189 : vector<16xi32>
      %parallel_loop3A_191 = arith.extui %parallel_loop3A_190 : vector<16xi1> to vector<16xi32>
      %parallel_loop3A_192 = vector.broadcast %parallel_loop3A_97 : i32 to vector<16xi32>
      %parallel_loop3A_193 = arith.cmpi slt, %parallel_loop3A_188, %parallel_loop3A_192 : vector<16xi32>
      %parallel_loop3A_194 = arith.extui %parallel_loop3A_193 : vector<16xi1> to vector<16xi32>
      %parallel_loop3A_195 = arith.addi %parallel_loop3A_191, %parallel_loop3A_194 : vector<16xi32>
      %parallel_loop3A_196 = vector.broadcast %parallel_loop3A_99 : i32 to vector<16xi32>
      %parallel_loop3A_197 = arith.cmpi slt, %parallel_loop3A_188, %parallel_loop3A_196 : vector<16xi32>
      %parallel_loop3A_198 = arith.extui %parallel_loop3A_197 : vector<16xi1> to vector<16xi32>
      %parallel_loop3A_199 = arith.addi %parallel_loop3A_195, %parallel_loop3A_198 : vector<16xi32>
      %parallel_loop3A_200 = vector.broadcast %parallel_loop3A_101 : i32 to vector<16xi32>
      %parallel_loop3A_201 = arith.cmpi slt, %parallel_loop3A_188, %parallel_loop3A_200 : vector<16xi32>
      %parallel_loop3A_202 = arith.extui %parallel_loop3A_201 : vector<16xi1> to vector<16xi32>
      %parallel_loop3A_203 = arith.addi %parallel_loop3A_199, %parallel_loop3A_202 : vector<16xi32>
      %parallel_loop3A_204 = vector.broadcast %parallel_loop3A_103 : i32 to vector<16xi32>
      %parallel_loop3A_205 = arith.cmpi slt, %parallel_loop3A_188, %parallel_loop3A_204 : vector<16xi32>
      %parallel_loop3A_206 = arith.extui %parallel_loop3A_205 : vector<16xi1> to vector<16xi32>
      %parallel_loop3A_207 = arith.addi %parallel_loop3A_203, %parallel_loop3A_206 : vector<16xi32>
      %parallel_loop3A_208 = vector.broadcast %parallel_loop3A_105 : i32 to vector<16xi32>
      %parallel_loop3A_209 = arith.cmpi slt, %parallel_loop3A_188, %parallel_loop3A_208 : vector<16xi32>
      %parallel_loop3A_210 = arith.extui %parallel_loop3A_209 : vector<16xi1> to vector<16xi32>
      %parallel_loop3A_211 = arith.addi %parallel_loop3A_207, %parallel_loop3A_210 : vector<16xi32>
      %parallel_loop3A_212 = vector.broadcast %parallel_loop3A_107 : i32 to vector<16xi32>
      %parallel_loop3A_213 = arith.cmpi slt, %parallel_loop3A_188, %parallel_loop3A_212 : vector<16xi32>
      %parallel_loop3A_214 = arith.extui %parallel_loop3A_213 : vector<16xi1> to vector<16xi32>
      %parallel_loop3A_215 = arith.addi %parallel_loop3A_211, %parallel_loop3A_214 : vector<16xi32>
      %parallel_loop3A_216 = vector.broadcast %parallel_loop3A_109 : i32 to vector<16xi32>
      %parallel_loop3A_217 = arith.cmpi slt, %parallel_loop3A_188, %parallel_loop3A_216 : vector<16xi32>
      %parallel_loop3A_218 = arith.extui %parallel_loop3A_217 : vector<16xi1> to vector<16xi32>
      %parallel_loop3A_219 = arith.addi %parallel_loop3A_215, %parallel_loop3A_218 : vector<16xi32>
      %parallel_loop3A_220 = vector.broadcast %parallel_loop3A_111 : i32 to vector<16xi32>
      %parallel_loop3A_221 = arith.cmpi slt, %parallel_loop3A_188, %parallel_loop3A_220 : vector<16xi32>
      %parallel_loop3A_222 = arith.extui %parallel_loop3A_221 : vector<16xi1> to vector<16xi32>
      %parallel_loop3A_223 = arith.addi %parallel_loop3A_219, %parallel_loop3A_222 : vector<16xi32>
      %parallel_loop3A_224 = vector.broadcast %parallel_loop3A_113 : i32 to vector<16xi32>
      %parallel_loop3A_225 = arith.cmpi slt, %parallel_loop3A_188, %parallel_loop3A_224 : vector<16xi32>
      %parallel_loop3A_226 = arith.extui %parallel_loop3A_225 : vector<16xi1> to vector<16xi32>
      %parallel_loop3A_227 = arith.addi %parallel_loop3A_223, %parallel_loop3A_226 : vector<16xi32>
      %parallel_loop3A_228 = vector.broadcast %parallel_loop3A_115 : i32 to vector<16xi32>
      %parallel_loop3A_229 = arith.cmpi slt, %parallel_loop3A_188, %parallel_loop3A_228 : vector<16xi32>
      %parallel_loop3A_230 = arith.extui %parallel_loop3A_229 : vector<16xi1> to vector<16xi32>
      %parallel_loop3A_231 = arith.addi %parallel_loop3A_227, %parallel_loop3A_230 : vector<16xi32>
      %parallel_loop3A_232 = vector.broadcast %parallel_loop3A_117 : i32 to vector<16xi32>
      %parallel_loop3A_233 = arith.cmpi slt, %parallel_loop3A_188, %parallel_loop3A_232 : vector<16xi32>
      %parallel_loop3A_234 = arith.extui %parallel_loop3A_233 : vector<16xi1> to vector<16xi32>
      %parallel_loop3A_235 = arith.addi %parallel_loop3A_231, %parallel_loop3A_234 : vector<16xi32>
      %parallel_loop3A_236 = vector.broadcast %parallel_loop3A_119 : i32 to vector<16xi32>
      %parallel_loop3A_237 = arith.cmpi slt, %parallel_loop3A_188, %parallel_loop3A_236 : vector<16xi32>
      %parallel_loop3A_238 = arith.extui %parallel_loop3A_237 : vector<16xi1> to vector<16xi32>
      %parallel_loop3A_239 = arith.addi %parallel_loop3A_235, %parallel_loop3A_238 : vector<16xi32>
      %parallel_loop3A_240 = vector.broadcast %parallel_loop3A_121 : i32 to vector<16xi32>
      %parallel_loop3A_241 = arith.cmpi slt, %parallel_loop3A_188, %parallel_loop3A_240 : vector<16xi32>
      %parallel_loop3A_242 = arith.extui %parallel_loop3A_241 : vector<16xi1> to vector<16xi32>
      %parallel_loop3A_243 = arith.addi %parallel_loop3A_239, %parallel_loop3A_242 : vector<16xi32>
      %parallel_loop3A_244 = arith.constant 16 : i32
      %parallel_loop3A_245 = arith.addi %parallel_loop3A_75, %parallel_loop3A_244 : i32
      %parallel_loop3A_246 = arith.index_cast %parallel_loop3A_245 : i32 to index
      %parallel_loop3A_247 = tpu.vector_load %arg6[%parallel_loop3A_246] {strides = array<i32>} : memref<25600xi32, #tpu.memory_space<vmem>>, vector<16xi32>,
      tpu.vector_store %arg6[%parallel_loop3A_246], %parallel_loop3A_243 {strides = array<i32>} : memref<25600xi32, #tpu.memory_space<vmem>>, vector<16xi32>,
      %parallel_loop3A_248 = arith.constant 32 : i32
      %parallel_loop3A_249 = arith.addi %parallel_loop3A_75, %parallel_loop3A_248 : i32
      %parallel_loop3A_250 = arith.index_cast %parallel_loop3A_249 : i32 to index
      %parallel_loop3A_251 = tpu.vector_load %arg5[%parallel_loop3A_250] {strides = array<i32>} : memref<25600xi32, #tpu.memory_space<vmem>>, vector<16xi32>,
      %parallel_loop3A_252 = vector.broadcast %parallel_loop3A_95 : i32 to vector<16xi32>
      %parallel_loop3A_253 = arith.cmpi slt, %parallel_loop3A_251, %parallel_loop3A_252 : vector<16xi32>
      %parallel_loop3A_254 = arith.extui %parallel_loop3A_253 : vector<16xi1> to vector<16xi32>
      %parallel_loop3A_255 = vector.broadcast %parallel_loop3A_97 : i32 to vector<16xi32>
      %parallel_loop3A_256 = arith.cmpi slt, %parallel_loop3A_251, %parallel_loop3A_255 : vector<16xi32>
      %parallel_loop3A_257 = arith.extui %parallel_loop3A_256 : vector<16xi1> to vector<16xi32>
      %parallel_loop3A_258 = arith.addi %parallel_loop3A_254, %parallel_loop3A_257 : vector<16xi32>
      %parallel_loop3A_259 = vector.broadcast %parallel_loop3A_99 : i32 to vector<16xi32>
      %parallel_loop3A_260 = arith.cmpi slt, %parallel_loop3A_251, %parallel_loop3A_259 : vector<16xi32>
      %parallel_loop3A_261 = arith.extui %parallel_loop3A_260 : vector<16xi1> to vector<16xi32>
      %parallel_loop3A_262 = arith.addi %parallel_loop3A_258, %parallel_loop3A_261 : vector<16xi32>
      %parallel_loop3A_263 = vector.broadcast %parallel_loop3A_101 : i32 to vector<16xi32>
      %parallel_loop3A_264 = arith.cmpi slt, %parallel_loop3A_251, %parallel_loop3A_263 : vector<16xi32>
      %parallel_loop3A_265 = arith.extui %parallel_loop3A_264 : vector<16xi1> to vector<16xi32>
      %parallel_loop3A_266 = arith.addi %parallel_loop3A_262, %parallel_loop3A_265 : vector<16xi32>
      %parallel_loop3A_267 = vector.broadcast %parallel_loop3A_103 : i32 to vector<16xi32>
      %parallel_loop3A_268 = arith.cmpi slt, %parallel_loop3A_251, %parallel_loop3A_267 : vector<16xi32>
      %parallel_loop3A_269 = arith.extui %parallel_loop3A_268 : vector<16xi1> to vector<16xi32>
      %parallel_loop3A_270 = arith.addi %parallel_loop3A_266, %parallel_loop3A_269 : vector<16xi32>
      %parallel_loop3A_271 = vector.broadcast %parallel_loop3A_105 : i32 to vector<16xi32>
      %parallel_loop3A_272 = arith.cmpi slt, %parallel_loop3A_251, %parallel_loop3A_271 : vector<16xi32>
      %parallel_loop3A_273 = arith.extui %parallel_loop3A_272 : vector<16xi1> to vector<16xi32>
      %parallel_loop3A_274 = arith.addi %parallel_loop3A_270, %parallel_loop3A_273 : vector<16xi32>
      %parallel_loop3A_275 = vector.broadcast %parallel_loop3A_107 : i32 to vector<16xi32>
      %parallel_loop3A_276 = arith.cmpi slt, %parallel_loop3A_251, %parallel_loop3A_275 : vector<16xi32>
      %parallel_loop3A_277 = arith.extui %parallel_loop3A_276 : vector<16xi1> to vector<16xi32>
      %parallel_loop3A_278 = arith.addi %parallel_loop3A_274, %parallel_loop3A_277 : vector<16xi32>
      %parallel_loop3A_279 = vector.broadcast %parallel_loop3A_109 : i32 to vector<16xi32>
      %parallel_loop3A_280 = arith.cmpi slt, %parallel_loop3A_251, %parallel_loop3A_279 : vector<16xi32>
      %parallel_loop3A_281 = arith.extui %parallel_loop3A_280 : vector<16xi1> to vector<16xi32>
      %parallel_loop3A_282 = arith.addi %parallel_loop3A_278, %parallel_loop3A_281 : vector<16xi32>
      %parallel_loop3A_283 = vector.broadcast %parallel_loop3A_111 : i32 to vector<16xi32>
      %parallel_loop3A_284 = arith.cmpi slt, %parallel_loop3A_251, %parallel_loop3A_283 : vector<16xi32>
      %parallel_loop3A_285 = arith.extui %parallel_loop3A_284 : vector<16xi1> to vector<16xi32>
      %parallel_loop3A_286 = arith.addi %parallel_loop3A_282, %parallel_loop3A_285 : vector<16xi32>
      %parallel_loop3A_287 = vector.broadcast %parallel_loop3A_113 : i32 to vector<16xi32>
      %parallel_loop3A_288 = arith.cmpi slt, %parallel_loop3A_251, %parallel_loop3A_287 : vector<16xi32>
      %parallel_loop3A_289 = arith.extui %parallel_loop3A_288 : vector<16xi1> to vector<16xi32>
      %parallel_loop3A_290 = arith.addi %parallel_loop3A_286, %parallel_loop3A_289 : vector<16xi32>
      %parallel_loop3A_291 = vector.broadcast %parallel_loop3A_115 : i32 to vector<16xi32>
      %parallel_loop3A_292 = arith.cmpi slt, %parallel_loop3A_251, %parallel_loop3A_291 : vector<16xi32>
      %parallel_loop3A_293 = arith.extui %parallel_loop3A_292 : vector<16xi1> to vector<16xi32>
      %parallel_loop3A_294 = arith.addi %parallel_loop3A_290, %parallel_loop3A_293 : vector<16xi32>
      %parallel_loop3A_295 = vector.broadcast %parallel_loop3A_117 : i32 to vector<16xi32>
      %parallel_loop3A_296 = arith.cmpi slt, %parallel_loop3A_251, %parallel_loop3A_295 : vector<16xi32>
      %parallel_loop3A_297 = arith.extui %parallel_loop3A_296 : vector<16xi1> to vector<16xi32>
      %parallel_loop3A_298 = arith.addi %parallel_loop3A_294, %parallel_loop3A_297 : vector<16xi32>
      %parallel_loop3A_299 = vector.broadcast %parallel_loop3A_119 : i32 to vector<16xi32>
      %parallel_loop3A_300 = arith.cmpi slt, %parallel_loop3A_251, %parallel_loop3A_299 : vector<16xi32>
      %parallel_loop3A_301 = arith.extui %parallel_loop3A_300 : vector<16xi1> to vector<16xi32>
      %parallel_loop3A_302 = arith.addi %parallel_loop3A_298, %parallel_loop3A_301 : vector<16xi32>
      %parallel_loop3A_303 = vector.broadcast %parallel_loop3A_121 : i32 to vector<16xi32>
      %parallel_loop3A_304 = arith.cmpi slt, %parallel_loop3A_251, %parallel_loop3A_303 : vector<16xi32>
      %parallel_loop3A_305 = arith.extui %parallel_loop3A_304 : vector<16xi1> to vector<16xi32>
      %parallel_loop3A_306 = arith.addi %parallel_loop3A_302, %parallel_loop3A_305 : vector<16xi32>
      %parallel_loop3A_307 = arith.constant 32 : i32
      %parallel_loop3A_308 = arith.addi %parallel_loop3A_75, %parallel_loop3A_307 : i32
      %parallel_loop3A_309 = arith.index_cast %parallel_loop3A_308 : i32 to index
      %parallel_loop3A_310 = tpu.vector_load %arg6[%parallel_loop3A_309] {strides = array<i32>} : memref<25600xi32, #tpu.memory_space<vmem>>, vector<16xi32>,
      tpu.vector_store %arg6[%parallel_loop3A_309], %parallel_loop3A_306 {strides = array<i32>} : memref<25600xi32, #tpu.memory_space<vmem>>, vector<16xi32>,
      %parallel_loop3A_311 = arith.constant 48 : i32
      %parallel_loop3A_312 = arith.addi %parallel_loop3A_75, %parallel_loop3A_311 : i32
      %parallel_loop3A_313 = arith.index_cast %parallel_loop3A_312 : i32 to index
      %parallel_loop3A_314 = tpu.vector_load %arg5[%parallel_loop3A_313] {strides = array<i32>} : memref<25600xi32, #tpu.memory_space<vmem>>, vector<16xi32>,
      %parallel_loop3A_315 = vector.broadcast %parallel_loop3A_95 : i32 to vector<16xi32>
      %parallel_loop3A_316 = arith.cmpi slt, %parallel_loop3A_314, %parallel_loop3A_315 : vector<16xi32>
      %parallel_loop3A_317 = arith.extui %parallel_loop3A_316 : vector<16xi1> to vector<16xi32>
      %parallel_loop3A_318 = vector.broadcast %parallel_loop3A_97 : i32 to vector<16xi32>
      %parallel_loop3A_319 = arith.cmpi slt, %parallel_loop3A_314, %parallel_loop3A_318 : vector<16xi32>
      %parallel_loop3A_320 = arith.extui %parallel_loop3A_319 : vector<16xi1> to vector<16xi32>
      %parallel_loop3A_321 = arith.addi %parallel_loop3A_317, %parallel_loop3A_320 : vector<16xi32>
      %parallel_loop3A_322 = vector.broadcast %parallel_loop3A_99 : i32 to vector<16xi32>
      %parallel_loop3A_323 = arith.cmpi slt, %parallel_loop3A_314, %parallel_loop3A_322 : vector<16xi32>
      %parallel_loop3A_324 = arith.extui %parallel_loop3A_323 : vector<16xi1> to vector<16xi32>
      %parallel_loop3A_325 = arith.addi %parallel_loop3A_321, %parallel_loop3A_324 : vector<16xi32>
      %parallel_loop3A_326 = vector.broadcast %parallel_loop3A_101 : i32 to vector<16xi32>
      %parallel_loop3A_327 = arith.cmpi slt, %parallel_loop3A_314, %parallel_loop3A_326 : vector<16xi32>
      %parallel_loop3A_328 = arith.extui %parallel_loop3A_327 : vector<16xi1> to vector<16xi32>
      %parallel_loop3A_329 = arith.addi %parallel_loop3A_325, %parallel_loop3A_328 : vector<16xi32>
      %parallel_loop3A_330 = vector.broadcast %parallel_loop3A_103 : i32 to vector<16xi32>
      %parallel_loop3A_331 = arith.cmpi slt, %parallel_loop3A_314, %parallel_loop3A_330 : vector<16xi32>
      %parallel_loop3A_332 = arith.extui %parallel_loop3A_331 : vector<16xi1> to vector<16xi32>
      %parallel_loop3A_333 = arith.addi %parallel_loop3A_329, %parallel_loop3A_332 : vector<16xi32>
      %parallel_loop3A_334 = vector.broadcast %parallel_loop3A_105 : i32 to vector<16xi32>
      %parallel_loop3A_335 = arith.cmpi slt, %parallel_loop3A_314, %parallel_loop3A_334 : vector<16xi32>
      %parallel_loop3A_336 = arith.extui %parallel_loop3A_335 : vector<16xi1> to vector<16xi32>
      %parallel_loop3A_337 = arith.addi %parallel_loop3A_333, %parallel_loop3A_336 : vector<16xi32>
      %parallel_loop3A_338 = vector.broadcast %parallel_loop3A_107 : i32 to vector<16xi32>
      %parallel_loop3A_339 = arith.cmpi slt, %parallel_loop3A_314, %parallel_loop3A_338 : vector<16xi32>
      %parallel_loop3A_340 = arith.extui %parallel_loop3A_339 : vector<16xi1> to vector<16xi32>
      %parallel_loop3A_341 = arith.addi %parallel_loop3A_337, %parallel_loop3A_340 : vector<16xi32>
      %parallel_loop3A_342 = vector.broadcast %parallel_loop3A_109 : i32 to vector<16xi32>
      %parallel_loop3A_343 = arith.cmpi slt, %parallel_loop3A_314, %parallel_loop3A_342 : vector<16xi32>
      %parallel_loop3A_344 = arith.extui %parallel_loop3A_343 : vector<16xi1> to vector<16xi32>
      %parallel_loop3A_345 = arith.addi %parallel_loop3A_341, %parallel_loop3A_344 : vector<16xi32>
      %parallel_loop3A_346 = vector.broadcast %parallel_loop3A_111 : i32 to vector<16xi32>
      %parallel_loop3A_347 = arith.cmpi slt, %parallel_loop3A_314, %parallel_loop3A_346 : vector<16xi32>
      %parallel_loop3A_348 = arith.extui %parallel_loop3A_347 : vector<16xi1> to vector<16xi32>
      %parallel_loop3A_349 = arith.addi %parallel_loop3A_345, %parallel_loop3A_348 : vector<16xi32>
      %parallel_loop3A_350 = vector.broadcast %parallel_loop3A_113 : i32 to vector<16xi32>
      %parallel_loop3A_351 = arith.cmpi slt, %parallel_loop3A_314, %parallel_loop3A_350 : vector<16xi32>
      %parallel_loop3A_352 = arith.extui %parallel_loop3A_351 : vector<16xi1> to vector<16xi32>
      %parallel_loop3A_353 = arith.addi %parallel_loop3A_349, %parallel_loop3A_352 : vector<16xi32>
      %parallel_loop3A_354 = vector.broadcast %parallel_loop3A_115 : i32 to vector<16xi32>
      %parallel_loop3A_355 = arith.cmpi slt, %parallel_loop3A_314, %parallel_loop3A_354 : vector<16xi32>
      %parallel_loop3A_356 = arith.extui %parallel_loop3A_355 : vector<16xi1> to vector<16xi32>
      %parallel_loop3A_357 = arith.addi %parallel_loop3A_353, %parallel_loop3A_356 : vector<16xi32>
      %parallel_loop3A_358 = vector.broadcast %parallel_loop3A_117 : i32 to vector<16xi32>
      %parallel_loop3A_359 = arith.cmpi slt, %parallel_loop3A_314, %parallel_loop3A_358 : vector<16xi32>
      %parallel_loop3A_360 = arith.extui %parallel_loop3A_359 : vector<16xi1> to vector<16xi32>
      %parallel_loop3A_361 = arith.addi %parallel_loop3A_357, %parallel_loop3A_360 : vector<16xi32>
      %parallel_loop3A_362 = vector.broadcast %parallel_loop3A_119 : i32 to vector<16xi32>
      %parallel_loop3A_363 = arith.cmpi slt, %parallel_loop3A_314, %parallel_loop3A_362 : vector<16xi32>
      %parallel_loop3A_364 = arith.extui %parallel_loop3A_363 : vector<16xi1> to vector<16xi32>
      %parallel_loop3A_365 = arith.addi %parallel_loop3A_361, %parallel_loop3A_364 : vector<16xi32>
      %parallel_loop3A_366 = vector.broadcast %parallel_loop3A_121 : i32 to vector<16xi32>
      %parallel_loop3A_367 = arith.cmpi slt, %parallel_loop3A_314, %parallel_loop3A_366 : vector<16xi32>
      %parallel_loop3A_368 = arith.extui %parallel_loop3A_367 : vector<16xi1> to vector<16xi32>
      %parallel_loop3A_369 = arith.addi %parallel_loop3A_365, %parallel_loop3A_368 : vector<16xi32>
      %parallel_loop3A_370 = arith.constant 48 : i32
      %parallel_loop3A_371 = arith.addi %parallel_loop3A_75, %parallel_loop3A_370 : i32
      %parallel_loop3A_372 = arith.index_cast %parallel_loop3A_371 : i32 to index
      %parallel_loop3A_373 = tpu.vector_load %arg6[%parallel_loop3A_372] {strides = array<i32>} : memref<25600xi32, #tpu.memory_space<vmem>>, vector<16xi32>,
      tpu.vector_store %arg6[%parallel_loop3A_372], %parallel_loop3A_369 {strides = array<i32>} : memref<25600xi32, #tpu.memory_space<vmem>>, vector<16xi32>,
      %parallel_loop3A_374 = arith.constant 64 : i32
      %parallel_loop3A_375 = arith.addi %parallel_loop3A_75, %parallel_loop3A_374 : i32
      %parallel_loop3A_376 = arith.index_cast %parallel_loop3A_375 : i32 to index
      %parallel_loop3A_377 = tpu.vector_load %arg5[%parallel_loop3A_376] {strides = array<i32>} : memref<25600xi32, #tpu.memory_space<vmem>>, vector<16xi32>,
      %parallel_loop3A_378 = vector.broadcast %parallel_loop3A_95 : i32 to vector<16xi32>
      %parallel_loop3A_379 = arith.cmpi slt, %parallel_loop3A_377, %parallel_loop3A_378 : vector<16xi32>
      %parallel_loop3A_380 = arith.extui %parallel_loop3A_379 : vector<16xi1> to vector<16xi32>
      %parallel_loop3A_381 = vector.broadcast %parallel_loop3A_97 : i32 to vector<16xi32>
      %parallel_loop3A_382 = arith.cmpi slt, %parallel_loop3A_377, %parallel_loop3A_381 : vector<16xi32>
      %parallel_loop3A_383 = arith.extui %parallel_loop3A_382 : vector<16xi1> to vector<16xi32>
      %parallel_loop3A_384 = arith.addi %parallel_loop3A_380, %parallel_loop3A_383 : vector<16xi32>
      %parallel_loop3A_385 = vector.broadcast %parallel_loop3A_99 : i32 to vector<16xi32>
      %parallel_loop3A_386 = arith.cmpi slt, %parallel_loop3A_377, %parallel_loop3A_385 : vector<16xi32>
      %parallel_loop3A_387 = arith.extui %parallel_loop3A_386 : vector<16xi1> to vector<16xi32>
      %parallel_loop3A_388 = arith.addi %parallel_loop3A_384, %parallel_loop3A_387 : vector<16xi32>
      %parallel_loop3A_389 = vector.broadcast %parallel_loop3A_101 : i32 to vector<16xi32>
      %parallel_loop3A_390 = arith.cmpi slt, %parallel_loop3A_377, %parallel_loop3A_389 : vector<16xi32>
      %parallel_loop3A_391 = arith.extui %parallel_loop3A_390 : vector<16xi1> to vector<16xi32>
      %parallel_loop3A_392 = arith.addi %parallel_loop3A_388, %parallel_loop3A_391 : vector<16xi32>
      %parallel_loop3A_393 = vector.broadcast %parallel_loop3A_103 : i32 to vector<16xi32>
      %parallel_loop3A_394 = arith.cmpi slt, %parallel_loop3A_377, %parallel_loop3A_393 : vector<16xi32>
      %parallel_loop3A_395 = arith.extui %parallel_loop3A_394 : vector<16xi1> to vector<16xi32>
      %parallel_loop3A_396 = arith.addi %parallel_loop3A_392, %parallel_loop3A_395 : vector<16xi32>
      %parallel_loop3A_397 = vector.broadcast %parallel_loop3A_105 : i32 to vector<16xi32>
      %parallel_loop3A_398 = arith.cmpi slt, %parallel_loop3A_377, %parallel_loop3A_397 : vector<16xi32>
      %parallel_loop3A_399 = arith.extui %parallel_loop3A_398 : vector<16xi1> to vector<16xi32>
      %parallel_loop3A_400 = arith.addi %parallel_loop3A_396, %parallel_loop3A_399 : vector<16xi32>
      %parallel_loop3A_401 = vector.broadcast %parallel_loop3A_107 : i32 to vector<16xi32>
      %parallel_loop3A_402 = arith.cmpi slt, %parallel_loop3A_377, %parallel_loop3A_401 : vector<16xi32>
      %parallel_loop3A_403 = arith.extui %parallel_loop3A_402 : vector<16xi1> to vector<16xi32>
      %parallel_loop3A_404 = arith.addi %parallel_loop3A_400, %parallel_loop3A_403 : vector<16xi32>
      %parallel_loop3A_405 = vector.broadcast %parallel_loop3A_109 : i32 to vector<16xi32>
      %parallel_loop3A_406 = arith.cmpi slt, %parallel_loop3A_377, %parallel_loop3A_405 : vector<16xi32>
      %parallel_loop3A_407 = arith.extui %parallel_loop3A_406 : vector<16xi1> to vector<16xi32>
      %parallel_loop3A_408 = arith.addi %parallel_loop3A_404, %parallel_loop3A_407 : vector<16xi32>
      %parallel_loop3A_409 = vector.broadcast %parallel_loop3A_111 : i32 to vector<16xi32>
      %parallel_loop3A_410 = arith.cmpi slt, %parallel_loop3A_377, %parallel_loop3A_409 : vector<16xi32>
      %parallel_loop3A_411 = arith.extui %parallel_loop3A_410 : vector<16xi1> to vector<16xi32>
      %parallel_loop3A_412 = arith.addi %parallel_loop3A_408, %parallel_loop3A_411 : vector<16xi32>
      %parallel_loop3A_413 = vector.broadcast %parallel_loop3A_113 : i32 to vector<16xi32>
      %parallel_loop3A_414 = arith.cmpi slt, %parallel_loop3A_377, %parallel_loop3A_413 : vector<16xi32>
      %parallel_loop3A_415 = arith.extui %parallel_loop3A_414 : vector<16xi1> to vector<16xi32>
      %parallel_loop3A_416 = arith.addi %parallel_loop3A_412, %parallel_loop3A_415 : vector<16xi32>
      %parallel_loop3A_417 = vector.broadcast %parallel_loop3A_115 : i32 to vector<16xi32>
      %parallel_loop3A_418 = arith.cmpi slt, %parallel_loop3A_377, %parallel_loop3A_417 : vector<16xi32>
      %parallel_loop3A_419 = arith.extui %parallel_loop3A_418 : vector<16xi1> to vector<16xi32>
      %parallel_loop3A_420 = arith.addi %parallel_loop3A_416, %parallel_loop3A_419 : vector<16xi32>
      %parallel_loop3A_421 = vector.broadcast %parallel_loop3A_117 : i32 to vector<16xi32>
      %parallel_loop3A_422 = arith.cmpi slt, %parallel_loop3A_377, %parallel_loop3A_421 : vector<16xi32>
      %parallel_loop3A_423 = arith.extui %parallel_loop3A_422 : vector<16xi1> to vector<16xi32>
      %parallel_loop3A_424 = arith.addi %parallel_loop3A_420, %parallel_loop3A_423 : vector<16xi32>
      %parallel_loop3A_425 = vector.broadcast %parallel_loop3A_119 : i32 to vector<16xi32>
      %parallel_loop3A_426 = arith.cmpi slt, %parallel_loop3A_377, %parallel_loop3A_425 : vector<16xi32>
      %parallel_loop3A_427 = arith.extui %parallel_loop3A_426 : vector<16xi1> to vector<16xi32>
      %parallel_loop3A_428 = arith.addi %parallel_loop3A_424, %parallel_loop3A_427 : vector<16xi32>
      %parallel_loop3A_429 = vector.broadcast %parallel_loop3A_121 : i32 to vector<16xi32>
      %parallel_loop3A_430 = arith.cmpi slt, %parallel_loop3A_377, %parallel_loop3A_429 : vector<16xi32>
      %parallel_loop3A_431 = arith.extui %parallel_loop3A_430 : vector<16xi1> to vector<16xi32>
      %parallel_loop3A_432 = arith.addi %parallel_loop3A_428, %parallel_loop3A_431 : vector<16xi32>
      %parallel_loop3A_433 = arith.constant 64 : i32
      %parallel_loop3A_434 = arith.addi %parallel_loop3A_75, %parallel_loop3A_433 : i32
      %parallel_loop3A_435 = arith.index_cast %parallel_loop3A_434 : i32 to index
      %parallel_loop3A_436 = tpu.vector_load %arg6[%parallel_loop3A_435] {strides = array<i32>} : memref<25600xi32, #tpu.memory_space<vmem>>, vector<16xi32>,
      tpu.vector_store %arg6[%parallel_loop3A_435], %parallel_loop3A_432 {strides = array<i32>} : memref<25600xi32, #tpu.memory_space<vmem>>, vector<16xi32>,
      %parallel_loop3A_437 = arith.constant 80 : i32
      %parallel_loop3A_438 = arith.addi %parallel_loop3A_75, %parallel_loop3A_437 : i32
      %parallel_loop3A_439 = arith.index_cast %parallel_loop3A_438 : i32 to index
      %parallel_loop3A_440 = tpu.vector_load %arg5[%parallel_loop3A_439] {strides = array<i32>} : memref<25600xi32, #tpu.memory_space<vmem>>, vector<16xi32>,
      %parallel_loop3A_441 = vector.broadcast %parallel_loop3A_95 : i32 to vector<16xi32>
      %parallel_loop3A_442 = arith.cmpi slt, %parallel_loop3A_440, %parallel_loop3A_441 : vector<16xi32>
      %parallel_loop3A_443 = arith.extui %parallel_loop3A_442 : vector<16xi1> to vector<16xi32>
      %parallel_loop3A_444 = vector.broadcast %parallel_loop3A_97 : i32 to vector<16xi32>
      %parallel_loop3A_445 = arith.cmpi slt, %parallel_loop3A_440, %parallel_loop3A_444 : vector<16xi32>
      %parallel_loop3A_446 = arith.extui %parallel_loop3A_445 : vector<16xi1> to vector<16xi32>
      %parallel_loop3A_447 = arith.addi %parallel_loop3A_443, %parallel_loop3A_446 : vector<16xi32>
      %parallel_loop3A_448 = vector.broadcast %parallel_loop3A_99 : i32 to vector<16xi32>
      %parallel_loop3A_449 = arith.cmpi slt, %parallel_loop3A_440, %parallel_loop3A_448 : vector<16xi32>
      %parallel_loop3A_450 = arith.extui %parallel_loop3A_449 : vector<16xi1> to vector<16xi32>
      %parallel_loop3A_451 = arith.addi %parallel_loop3A_447, %parallel_loop3A_450 : vector<16xi32>
      %parallel_loop3A_452 = vector.broadcast %parallel_loop3A_101 : i32 to vector<16xi32>
      %parallel_loop3A_453 = arith.cmpi slt, %parallel_loop3A_440, %parallel_loop3A_452 : vector<16xi32>
      %parallel_loop3A_454 = arith.extui %parallel_loop3A_453 : vector<16xi1> to vector<16xi32>
      %parallel_loop3A_455 = arith.addi %parallel_loop3A_451, %parallel_loop3A_454 : vector<16xi32>
      %parallel_loop3A_456 = vector.broadcast %parallel_loop3A_103 : i32 to vector<16xi32>
      %parallel_loop3A_457 = arith.cmpi slt, %parallel_loop3A_440, %parallel_loop3A_456 : vector<16xi32>
      %parallel_loop3A_458 = arith.extui %parallel_loop3A_457 : vector<16xi1> to vector<16xi32>
      %parallel_loop3A_459 = arith.addi %parallel_loop3A_455, %parallel_loop3A_458 : vector<16xi32>
      %parallel_loop3A_460 = vector.broadcast %parallel_loop3A_105 : i32 to vector<16xi32>
      %parallel_loop3A_461 = arith.cmpi slt, %parallel_loop3A_440, %parallel_loop3A_460 : vector<16xi32>
      %parallel_loop3A_462 = arith.extui %parallel_loop3A_461 : vector<16xi1> to vector<16xi32>
      %parallel_loop3A_463 = arith.addi %parallel_loop3A_459, %parallel_loop3A_462 : vector<16xi32>
      %parallel_loop3A_464 = vector.broadcast %parallel_loop3A_107 : i32 to vector<16xi32>
      %parallel_loop3A_465 = arith.cmpi slt, %parallel_loop3A_440, %parallel_loop3A_464 : vector<16xi32>
      %parallel_loop3A_466 = arith.extui %parallel_loop3A_465 : vector<16xi1> to vector<16xi32>
      %parallel_loop3A_467 = arith.addi %parallel_loop3A_463, %parallel_loop3A_466 : vector<16xi32>
      %parallel_loop3A_468 = vector.broadcast %parallel_loop3A_109 : i32 to vector<16xi32>
      %parallel_loop3A_469 = arith.cmpi slt, %parallel_loop3A_440, %parallel_loop3A_468 : vector<16xi32>
      %parallel_loop3A_470 = arith.extui %parallel_loop3A_469 : vector<16xi1> to vector<16xi32>
      %parallel_loop3A_471 = arith.addi %parallel_loop3A_467, %parallel_loop3A_470 : vector<16xi32>
      %parallel_loop3A_472 = vector.broadcast %parallel_loop3A_111 : i32 to vector<16xi32>
      %parallel_loop3A_473 = arith.cmpi slt, %parallel_loop3A_440, %parallel_loop3A_472 : vector<16xi32>
      %parallel_loop3A_474 = arith.extui %parallel_loop3A_473 : vector<16xi1> to vector<16xi32>
      %parallel_loop3A_475 = arith.addi %parallel_loop3A_471, %parallel_loop3A_474 : vector<16xi32>
      %parallel_loop3A_476 = vector.broadcast %parallel_loop3A_113 : i32 to vector<16xi32>
      %parallel_loop3A_477 = arith.cmpi slt, %parallel_loop3A_440, %parallel_loop3A_476 : vector<16xi32>
      %parallel_loop3A_478 = arith.extui %parallel_loop3A_477 : vector<16xi1> to vector<16xi32>
      %parallel_loop3A_479 = arith.addi %parallel_loop3A_475, %parallel_loop3A_478 : vector<16xi32>
      %parallel_loop3A_480 = vector.broadcast %parallel_loop3A_115 : i32 to vector<16xi32>
      %parallel_loop3A_481 = arith.cmpi slt, %parallel_loop3A_440, %parallel_loop3A_480 : vector<16xi32>
      %parallel_loop3A_482 = arith.extui %parallel_loop3A_481 : vector<16xi1> to vector<16xi32>
      %parallel_loop3A_483 = arith.addi %parallel_loop3A_479, %parallel_loop3A_482 : vector<16xi32>
      %parallel_loop3A_484 = vector.broadcast %parallel_loop3A_117 : i32 to vector<16xi32>
      %parallel_loop3A_485 = arith.cmpi slt, %parallel_loop3A_440, %parallel_loop3A_484 : vector<16xi32>
      %parallel_loop3A_486 = arith.extui %parallel_loop3A_485 : vector<16xi1> to vector<16xi32>
      %parallel_loop3A_487 = arith.addi %parallel_loop3A_483, %parallel_loop3A_486 : vector<16xi32>
      %parallel_loop3A_488 = vector.broadcast %parallel_loop3A_119 : i32 to vector<16xi32>
      %parallel_loop3A_489 = arith.cmpi slt, %parallel_loop3A_440, %parallel_loop3A_488 : vector<16xi32>
      %parallel_loop3A_490 = arith.extui %parallel_loop3A_489 : vector<16xi1> to vector<16xi32>
      %parallel_loop3A_491 = arith.addi %parallel_loop3A_487, %parallel_loop3A_490 : vector<16xi32>
      %parallel_loop3A_492 = vector.broadcast %parallel_loop3A_121 : i32 to vector<16xi32>
      %parallel_loop3A_493 = arith.cmpi slt, %parallel_loop3A_440, %parallel_loop3A_492 : vector<16xi32>
      %parallel_loop3A_494 = arith.extui %parallel_loop3A_493 : vector<16xi1> to vector<16xi32>
      %parallel_loop3A_495 = arith.addi %parallel_loop3A_491, %parallel_loop3A_494 : vector<16xi32>
      %parallel_loop3A_496 = arith.constant 80 : i32
      %parallel_loop3A_497 = arith.addi %parallel_loop3A_75, %parallel_loop3A_496 : i32
      %parallel_loop3A_498 = arith.index_cast %parallel_loop3A_497 : i32 to index
      %parallel_loop3A_499 = tpu.vector_load %arg6[%parallel_loop3A_498] {strides = array<i32>} : memref<25600xi32, #tpu.memory_space<vmem>>, vector<16xi32>,
      tpu.vector_store %arg6[%parallel_loop3A_498], %parallel_loop3A_495 {strides = array<i32>} : memref<25600xi32, #tpu.memory_space<vmem>>, vector<16xi32>,
      %parallel_loop3A_500 = arith.constant 96 : i32
      %parallel_loop3A_501 = arith.addi %parallel_loop3A_75, %parallel_loop3A_500 : i32
      %parallel_loop3A_502 = arith.index_cast %parallel_loop3A_501 : i32 to index
      %parallel_loop3A_503 = tpu.vector_load %arg5[%parallel_loop3A_502] {strides = array<i32>} : memref<25600xi32, #tpu.memory_space<vmem>>, vector<16xi32>,
      %parallel_loop3A_504 = vector.broadcast %parallel_loop3A_95 : i32 to vector<16xi32>
      %parallel_loop3A_505 = arith.cmpi slt, %parallel_loop3A_503, %parallel_loop3A_504 : vector<16xi32>
      %parallel_loop3A_506 = arith.extui %parallel_loop3A_505 : vector<16xi1> to vector<16xi32>
      %parallel_loop3A_507 = vector.broadcast %parallel_loop3A_97 : i32 to vector<16xi32>
      %parallel_loop3A_508 = arith.cmpi slt, %parallel_loop3A_503, %parallel_loop3A_507 : vector<16xi32>
      %parallel_loop3A_509 = arith.extui %parallel_loop3A_508 : vector<16xi1> to vector<16xi32>
      %parallel_loop3A_510 = arith.addi %parallel_loop3A_506, %parallel_loop3A_509 : vector<16xi32>
      %parallel_loop3A_511 = vector.broadcast %parallel_loop3A_99 : i32 to vector<16xi32>
      %parallel_loop3A_512 = arith.cmpi slt, %parallel_loop3A_503, %parallel_loop3A_511 : vector<16xi32>
      %parallel_loop3A_513 = arith.extui %parallel_loop3A_512 : vector<16xi1> to vector<16xi32>
      %parallel_loop3A_514 = arith.addi %parallel_loop3A_510, %parallel_loop3A_513 : vector<16xi32>
      %parallel_loop3A_515 = vector.broadcast %parallel_loop3A_101 : i32 to vector<16xi32>
      %parallel_loop3A_516 = arith.cmpi slt, %parallel_loop3A_503, %parallel_loop3A_515 : vector<16xi32>
      %parallel_loop3A_517 = arith.extui %parallel_loop3A_516 : vector<16xi1> to vector<16xi32>
      %parallel_loop3A_518 = arith.addi %parallel_loop3A_514, %parallel_loop3A_517 : vector<16xi32>
      %parallel_loop3A_519 = vector.broadcast %parallel_loop3A_103 : i32 to vector<16xi32>
      %parallel_loop3A_520 = arith.cmpi slt, %parallel_loop3A_503, %parallel_loop3A_519 : vector<16xi32>
      %parallel_loop3A_521 = arith.extui %parallel_loop3A_520 : vector<16xi1> to vector<16xi32>
      %parallel_loop3A_522 = arith.addi %parallel_loop3A_518, %parallel_loop3A_521 : vector<16xi32>
      %parallel_loop3A_523 = vector.broadcast %parallel_loop3A_105 : i32 to vector<16xi32>
      %parallel_loop3A_524 = arith.cmpi slt, %parallel_loop3A_503, %parallel_loop3A_523 : vector<16xi32>
      %parallel_loop3A_525 = arith.extui %parallel_loop3A_524 : vector<16xi1> to vector<16xi32>
      %parallel_loop3A_526 = arith.addi %parallel_loop3A_522, %parallel_loop3A_525 : vector<16xi32>
      %parallel_loop3A_527 = vector.broadcast %parallel_loop3A_107 : i32 to vector<16xi32>
      %parallel_loop3A_528 = arith.cmpi slt, %parallel_loop3A_503, %parallel_loop3A_527 : vector<16xi32>
      %parallel_loop3A_529 = arith.extui %parallel_loop3A_528 : vector<16xi1> to vector<16xi32>
      %parallel_loop3A_530 = arith.addi %parallel_loop3A_526, %parallel_loop3A_529 : vector<16xi32>
      %parallel_loop3A_531 = vector.broadcast %parallel_loop3A_109 : i32 to vector<16xi32>
      %parallel_loop3A_532 = arith.cmpi slt, %parallel_loop3A_503, %parallel_loop3A_531 : vector<16xi32>
      %parallel_loop3A_533 = arith.extui %parallel_loop3A_532 : vector<16xi1> to vector<16xi32>
      %parallel_loop3A_534 = arith.addi %parallel_loop3A_530, %parallel_loop3A_533 : vector<16xi32>
      %parallel_loop3A_535 = vector.broadcast %parallel_loop3A_111 : i32 to vector<16xi32>
      %parallel_loop3A_536 = arith.cmpi slt, %parallel_loop3A_503, %parallel_loop3A_535 : vector<16xi32>
      %parallel_loop3A_537 = arith.extui %parallel_loop3A_536 : vector<16xi1> to vector<16xi32>
      %parallel_loop3A_538 = arith.addi %parallel_loop3A_534, %parallel_loop3A_537 : vector<16xi32>
      %parallel_loop3A_539 = vector.broadcast %parallel_loop3A_113 : i32 to vector<16xi32>
      %parallel_loop3A_540 = arith.cmpi slt, %parallel_loop3A_503, %parallel_loop3A_539 : vector<16xi32>
      %parallel_loop3A_541 = arith.extui %parallel_loop3A_540 : vector<16xi1> to vector<16xi32>
      %parallel_loop3A_542 = arith.addi %parallel_loop3A_538, %parallel_loop3A_541 : vector<16xi32>
      %parallel_loop3A_543 = vector.broadcast %parallel_loop3A_115 : i32 to vector<16xi32>
      %parallel_loop3A_544 = arith.cmpi slt, %parallel_loop3A_503, %parallel_loop3A_543 : vector<16xi32>
      %parallel_loop3A_545 = arith.extui %parallel_loop3A_544 : vector<16xi1> to vector<16xi32>
      %parallel_loop3A_546 = arith.addi %parallel_loop3A_542, %parallel_loop3A_545 : vector<16xi32>
      %parallel_loop3A_547 = vector.broadcast %parallel_loop3A_117 : i32 to vector<16xi32>
      %parallel_loop3A_548 = arith.cmpi slt, %parallel_loop3A_503, %parallel_loop3A_547 : vector<16xi32>
      %parallel_loop3A_549 = arith.extui %parallel_loop3A_548 : vector<16xi1> to vector<16xi32>
      %parallel_loop3A_550 = arith.addi %parallel_loop3A_546, %parallel_loop3A_549 : vector<16xi32>
      %parallel_loop3A_551 = vector.broadcast %parallel_loop3A_119 : i32 to vector<16xi32>
      %parallel_loop3A_552 = arith.cmpi slt, %parallel_loop3A_503, %parallel_loop3A_551 : vector<16xi32>
      %parallel_loop3A_553 = arith.extui %parallel_loop3A_552 : vector<16xi1> to vector<16xi32>
      %parallel_loop3A_554 = arith.addi %parallel_loop3A_550, %parallel_loop3A_553 : vector<16xi32>
      %parallel_loop3A_555 = vector.broadcast %parallel_loop3A_121 : i32 to vector<16xi32>
      %parallel_loop3A_556 = arith.cmpi slt, %parallel_loop3A_503, %parallel_loop3A_555 : vector<16xi32>
      %parallel_loop3A_557 = arith.extui %parallel_loop3A_556 : vector<16xi1> to vector<16xi32>
      %parallel_loop3A_558 = arith.addi %parallel_loop3A_554, %parallel_loop3A_557 : vector<16xi32>
      %parallel_loop3A_559 = arith.constant 96 : i32
      %parallel_loop3A_560 = arith.addi %parallel_loop3A_75, %parallel_loop3A_559 : i32
      %parallel_loop3A_561 = arith.index_cast %parallel_loop3A_560 : i32 to index
      %parallel_loop3A_562 = tpu.vector_load %arg6[%parallel_loop3A_561] {strides = array<i32>} : memref<25600xi32, #tpu.memory_space<vmem>>, vector<16xi32>,
      tpu.vector_store %arg6[%parallel_loop3A_561], %parallel_loop3A_558 {strides = array<i32>} : memref<25600xi32, #tpu.memory_space<vmem>>, vector<16xi32>,
      %parallel_loop3A_563 = arith.constant 112 : i32
      %parallel_loop3A_564 = arith.addi %parallel_loop3A_75, %parallel_loop3A_563 : i32
      %parallel_loop3A_565 = arith.index_cast %parallel_loop3A_564 : i32 to index
      %parallel_loop3A_566 = tpu.vector_load %arg5[%parallel_loop3A_565] {strides = array<i32>} : memref<25600xi32, #tpu.memory_space<vmem>>, vector<16xi32>,
      %parallel_loop3A_567 = vector.broadcast %parallel_loop3A_95 : i32 to vector<16xi32>
      %parallel_loop3A_568 = arith.cmpi slt, %parallel_loop3A_566, %parallel_loop3A_567 : vector<16xi32>
      %parallel_loop3A_569 = arith.extui %parallel_loop3A_568 : vector<16xi1> to vector<16xi32>
      %parallel_loop3A_570 = vector.broadcast %parallel_loop3A_97 : i32 to vector<16xi32>
      %parallel_loop3A_571 = arith.cmpi slt, %parallel_loop3A_566, %parallel_loop3A_570 : vector<16xi32>
      %parallel_loop3A_572 = arith.extui %parallel_loop3A_571 : vector<16xi1> to vector<16xi32>
      %parallel_loop3A_573 = arith.addi %parallel_loop3A_569, %parallel_loop3A_572 : vector<16xi32>
      %parallel_loop3A_574 = vector.broadcast %parallel_loop3A_99 : i32 to vector<16xi32>
      %parallel_loop3A_575 = arith.cmpi slt, %parallel_loop3A_566, %parallel_loop3A_574 : vector<16xi32>
      %parallel_loop3A_576 = arith.extui %parallel_loop3A_575 : vector<16xi1> to vector<16xi32>
      %parallel_loop3A_577 = arith.addi %parallel_loop3A_573, %parallel_loop3A_576 : vector<16xi32>
      %parallel_loop3A_578 = vector.broadcast %parallel_loop3A_101 : i32 to vector<16xi32>
      %parallel_loop3A_579 = arith.cmpi slt, %parallel_loop3A_566, %parallel_loop3A_578 : vector<16xi32>
      %parallel_loop3A_580 = arith.extui %parallel_loop3A_579 : vector<16xi1> to vector<16xi32>
      %parallel_loop3A_581 = arith.addi %parallel_loop3A_577, %parallel_loop3A_580 : vector<16xi32>
      %parallel_loop3A_582 = vector.broadcast %parallel_loop3A_103 : i32 to vector<16xi32>
      %parallel_loop3A_583 = arith.cmpi slt, %parallel_loop3A_566, %parallel_loop3A_582 : vector<16xi32>
      %parallel_loop3A_584 = arith.extui %parallel_loop3A_583 : vector<16xi1> to vector<16xi32>
      %parallel_loop3A_585 = arith.addi %parallel_loop3A_581, %parallel_loop3A_584 : vector<16xi32>
      %parallel_loop3A_586 = vector.broadcast %parallel_loop3A_105 : i32 to vector<16xi32>
      %parallel_loop3A_587 = arith.cmpi slt, %parallel_loop3A_566, %parallel_loop3A_586 : vector<16xi32>
      %parallel_loop3A_588 = arith.extui %parallel_loop3A_587 : vector<16xi1> to vector<16xi32>
      %parallel_loop3A_589 = arith.addi %parallel_loop3A_585, %parallel_loop3A_588 : vector<16xi32>
      %parallel_loop3A_590 = vector.broadcast %parallel_loop3A_107 : i32 to vector<16xi32>
      %parallel_loop3A_591 = arith.cmpi slt, %parallel_loop3A_566, %parallel_loop3A_590 : vector<16xi32>
      %parallel_loop3A_592 = arith.extui %parallel_loop3A_591 : vector<16xi1> to vector<16xi32>
      %parallel_loop3A_593 = arith.addi %parallel_loop3A_589, %parallel_loop3A_592 : vector<16xi32>
      %parallel_loop3A_594 = vector.broadcast %parallel_loop3A_109 : i32 to vector<16xi32>
      %parallel_loop3A_595 = arith.cmpi slt, %parallel_loop3A_566, %parallel_loop3A_594 : vector<16xi32>
      %parallel_loop3A_596 = arith.extui %parallel_loop3A_595 : vector<16xi1> to vector<16xi32>
      %parallel_loop3A_597 = arith.addi %parallel_loop3A_593, %parallel_loop3A_596 : vector<16xi32>
      %parallel_loop3A_598 = vector.broadcast %parallel_loop3A_111 : i32 to vector<16xi32>
      %parallel_loop3A_599 = arith.cmpi slt, %parallel_loop3A_566, %parallel_loop3A_598 : vector<16xi32>
      %parallel_loop3A_600 = arith.extui %parallel_loop3A_599 : vector<16xi1> to vector<16xi32>
      %parallel_loop3A_601 = arith.addi %parallel_loop3A_597, %parallel_loop3A_600 : vector<16xi32>
      %parallel_loop3A_602 = vector.broadcast %parallel_loop3A_113 : i32 to vector<16xi32>
      %parallel_loop3A_603 = arith.cmpi slt, %parallel_loop3A_566, %parallel_loop3A_602 : vector<16xi32>
      %parallel_loop3A_604 = arith.extui %parallel_loop3A_603 : vector<16xi1> to vector<16xi32>
      %parallel_loop3A_605 = arith.addi %parallel_loop3A_601, %parallel_loop3A_604 : vector<16xi32>
      %parallel_loop3A_606 = vector.broadcast %parallel_loop3A_115 : i32 to vector<16xi32>
      %parallel_loop3A_607 = arith.cmpi slt, %parallel_loop3A_566, %parallel_loop3A_606 : vector<16xi32>
      %parallel_loop3A_608 = arith.extui %parallel_loop3A_607 : vector<16xi1> to vector<16xi32>
      %parallel_loop3A_609 = arith.addi %parallel_loop3A_605, %parallel_loop3A_608 : vector<16xi32>
      %parallel_loop3A_610 = vector.broadcast %parallel_loop3A_117 : i32 to vector<16xi32>
      %parallel_loop3A_611 = arith.cmpi slt, %parallel_loop3A_566, %parallel_loop3A_610 : vector<16xi32>
      %parallel_loop3A_612 = arith.extui %parallel_loop3A_611 : vector<16xi1> to vector<16xi32>
      %parallel_loop3A_613 = arith.addi %parallel_loop3A_609, %parallel_loop3A_612 : vector<16xi32>
      %parallel_loop3A_614 = vector.broadcast %parallel_loop3A_119 : i32 to vector<16xi32>
      %parallel_loop3A_615 = arith.cmpi slt, %parallel_loop3A_566, %parallel_loop3A_614 : vector<16xi32>
      %parallel_loop3A_616 = arith.extui %parallel_loop3A_615 : vector<16xi1> to vector<16xi32>
      %parallel_loop3A_617 = arith.addi %parallel_loop3A_613, %parallel_loop3A_616 : vector<16xi32>
      %parallel_loop3A_618 = vector.broadcast %parallel_loop3A_121 : i32 to vector<16xi32>
      %parallel_loop3A_619 = arith.cmpi slt, %parallel_loop3A_566, %parallel_loop3A_618 : vector<16xi32>
      %parallel_loop3A_620 = arith.extui %parallel_loop3A_619 : vector<16xi1> to vector<16xi32>
      %parallel_loop3A_621 = arith.addi %parallel_loop3A_617, %parallel_loop3A_620 : vector<16xi32>
      %parallel_loop3A_622 = arith.constant 112 : i32
      %parallel_loop3A_623 = arith.addi %parallel_loop3A_75, %parallel_loop3A_622 : i32
      %parallel_loop3A_624 = arith.index_cast %parallel_loop3A_623 : i32 to index
      %parallel_loop3A_625 = tpu.vector_load %arg6[%parallel_loop3A_624] {strides = array<i32>} : memref<25600xi32, #tpu.memory_space<vmem>>, vector<16xi32>,
      tpu.vector_store %arg6[%parallel_loop3A_624], %parallel_loop3A_621 {strides = array<i32>} : memref<25600xi32, #tpu.memory_space<vmem>>, vector<16xi32>,
      %parallel_loop3A_626 = arith.constant 128 : i32
      %parallel_loop3A_627 = arith.addi %parallel_loop3A_75, %parallel_loop3A_626 : i32
      %parallel_loop3A_628 = arith.index_cast %parallel_loop3A_627 : i32 to index
      %parallel_loop3A_629 = tpu.vector_load %arg5[%parallel_loop3A_628] {strides = array<i32>} : memref<25600xi32, #tpu.memory_space<vmem>>, vector<16xi32>,
      %parallel_loop3A_630 = vector.broadcast %parallel_loop3A_95 : i32 to vector<16xi32>
      %parallel_loop3A_631 = arith.cmpi slt, %parallel_loop3A_629, %parallel_loop3A_630 : vector<16xi32>
      %parallel_loop3A_632 = arith.extui %parallel_loop3A_631 : vector<16xi1> to vector<16xi32>
      %parallel_loop3A_633 = vector.broadcast %parallel_loop3A_97 : i32 to vector<16xi32>
      %parallel_loop3A_634 = arith.cmpi slt, %parallel_loop3A_629, %parallel_loop3A_633 : vector<16xi32>
      %parallel_loop3A_635 = arith.extui %parallel_loop3A_634 : vector<16xi1> to vector<16xi32>
      %parallel_loop3A_636 = arith.addi %parallel_loop3A_632, %parallel_loop3A_635 : vector<16xi32>
      %parallel_loop3A_637 = vector.broadcast %parallel_loop3A_99 : i32 to vector<16xi32>
      %parallel_loop3A_638 = arith.cmpi slt, %parallel_loop3A_629, %parallel_loop3A_637 : vector<16xi32>
      %parallel_loop3A_639 = arith.extui %parallel_loop3A_638 : vector<16xi1> to vector<16xi32>
      %parallel_loop3A_640 = arith.addi %parallel_loop3A_636, %parallel_loop3A_639 : vector<16xi32>
      %parallel_loop3A_641 = vector.broadcast %parallel_loop3A_101 : i32 to vector<16xi32>
      %parallel_loop3A_642 = arith.cmpi slt, %parallel_loop3A_629, %parallel_loop3A_641 : vector<16xi32>
      %parallel_loop3A_643 = arith.extui %parallel_loop3A_642 : vector<16xi1> to vector<16xi32>
      %parallel_loop3A_644 = arith.addi %parallel_loop3A_640, %parallel_loop3A_643 : vector<16xi32>
      %parallel_loop3A_645 = vector.broadcast %parallel_loop3A_103 : i32 to vector<16xi32>
      %parallel_loop3A_646 = arith.cmpi slt, %parallel_loop3A_629, %parallel_loop3A_645 : vector<16xi32>
      %parallel_loop3A_647 = arith.extui %parallel_loop3A_646 : vector<16xi1> to vector<16xi32>
      %parallel_loop3A_648 = arith.addi %parallel_loop3A_644, %parallel_loop3A_647 : vector<16xi32>
      %parallel_loop3A_649 = vector.broadcast %parallel_loop3A_105 : i32 to vector<16xi32>
      %parallel_loop3A_650 = arith.cmpi slt, %parallel_loop3A_629, %parallel_loop3A_649 : vector<16xi32>
      %parallel_loop3A_651 = arith.extui %parallel_loop3A_650 : vector<16xi1> to vector<16xi32>
      %parallel_loop3A_652 = arith.addi %parallel_loop3A_648, %parallel_loop3A_651 : vector<16xi32>
      %parallel_loop3A_653 = vector.broadcast %parallel_loop3A_107 : i32 to vector<16xi32>
      %parallel_loop3A_654 = arith.cmpi slt, %parallel_loop3A_629, %parallel_loop3A_653 : vector<16xi32>
      %parallel_loop3A_655 = arith.extui %parallel_loop3A_654 : vector<16xi1> to vector<16xi32>
      %parallel_loop3A_656 = arith.addi %parallel_loop3A_652, %parallel_loop3A_655 : vector<16xi32>
      %parallel_loop3A_657 = vector.broadcast %parallel_loop3A_109 : i32 to vector<16xi32>
      %parallel_loop3A_658 = arith.cmpi slt, %parallel_loop3A_629, %parallel_loop3A_657 : vector<16xi32>
      %parallel_loop3A_659 = arith.extui %parallel_loop3A_658 : vector<16xi1> to vector<16xi32>
      %parallel_loop3A_660 = arith.addi %parallel_loop3A_656, %parallel_loop3A_659 : vector<16xi32>
      %parallel_loop3A_661 = vector.broadcast %parallel_loop3A_111 : i32 to vector<16xi32>
      %parallel_loop3A_662 = arith.cmpi slt, %parallel_loop3A_629, %parallel_loop3A_661 : vector<16xi32>
      %parallel_loop3A_663 = arith.extui %parallel_loop3A_662 : vector<16xi1> to vector<16xi32>
      %parallel_loop3A_664 = arith.addi %parallel_loop3A_660, %parallel_loop3A_663 : vector<16xi32>
      %parallel_loop3A_665 = vector.broadcast %parallel_loop3A_113 : i32 to vector<16xi32>
      %parallel_loop3A_666 = arith.cmpi slt, %parallel_loop3A_629, %parallel_loop3A_665 : vector<16xi32>
      %parallel_loop3A_667 = arith.extui %parallel_loop3A_666 : vector<16xi1> to vector<16xi32>
      %parallel_loop3A_668 = arith.addi %parallel_loop3A_664, %parallel_loop3A_667 : vector<16xi32>
      %parallel_loop3A_669 = vector.broadcast %parallel_loop3A_115 : i32 to vector<16xi32>
      %parallel_loop3A_670 = arith.cmpi slt, %parallel_loop3A_629, %parallel_loop3A_669 : vector<16xi32>
      %parallel_loop3A_671 = arith.extui %parallel_loop3A_670 : vector<16xi1> to vector<16xi32>
      %parallel_loop3A_672 = arith.addi %parallel_loop3A_668, %parallel_loop3A_671 : vector<16xi32>
      %parallel_loop3A_673 = vector.broadcast %parallel_loop3A_117 : i32 to vector<16xi32>
      %parallel_loop3A_674 = arith.cmpi slt, %parallel_loop3A_629, %parallel_loop3A_673 : vector<16xi32>
      %parallel_loop3A_675 = arith.extui %parallel_loop3A_674 : vector<16xi1> to vector<16xi32>
      %parallel_loop3A_676 = arith.addi %parallel_loop3A_672, %parallel_loop3A_675 : vector<16xi32>
      %parallel_loop3A_677 = vector.broadcast %parallel_loop3A_119 : i32 to vector<16xi32>
      %parallel_loop3A_678 = arith.cmpi slt, %parallel_loop3A_629, %parallel_loop3A_677 : vector<16xi32>
      %parallel_loop3A_679 = arith.extui %parallel_loop3A_678 : vector<16xi1> to vector<16xi32>
      %parallel_loop3A_680 = arith.addi %parallel_loop3A_676, %parallel_loop3A_679 : vector<16xi32>
      %parallel_loop3A_681 = vector.broadcast %parallel_loop3A_121 : i32 to vector<16xi32>
      %parallel_loop3A_682 = arith.cmpi slt, %parallel_loop3A_629, %parallel_loop3A_681 : vector<16xi32>
      %parallel_loop3A_683 = arith.extui %parallel_loop3A_682 : vector<16xi1> to vector<16xi32>
      %parallel_loop3A_684 = arith.addi %parallel_loop3A_680, %parallel_loop3A_683 : vector<16xi32>
      %parallel_loop3A_685 = arith.constant 128 : i32
      %parallel_loop3A_686 = arith.addi %parallel_loop3A_75, %parallel_loop3A_685 : i32
      %parallel_loop3A_687 = arith.index_cast %parallel_loop3A_686 : i32 to index
      %parallel_loop3A_688 = tpu.vector_load %arg6[%parallel_loop3A_687] {strides = array<i32>} : memref<25600xi32, #tpu.memory_space<vmem>>, vector<16xi32>,
      tpu.vector_store %arg6[%parallel_loop3A_687], %parallel_loop3A_684 {strides = array<i32>} : memref<25600xi32, #tpu.memory_space<vmem>>, vector<16xi32>,
      %parallel_loop3A_689 = arith.constant 144 : i32
      %parallel_loop3A_690 = arith.addi %parallel_loop3A_75, %parallel_loop3A_689 : i32
      %parallel_loop3A_691 = arith.index_cast %parallel_loop3A_690 : i32 to index
      %parallel_loop3A_692 = tpu.vector_load %arg5[%parallel_loop3A_691] {strides = array<i32>} : memref<25600xi32, #tpu.memory_space<vmem>>, vector<16xi32>,
      %parallel_loop3A_693 = vector.broadcast %parallel_loop3A_95 : i32 to vector<16xi32>
      %parallel_loop3A_694 = arith.cmpi slt, %parallel_loop3A_692, %parallel_loop3A_693 : vector<16xi32>
      %parallel_loop3A_695 = arith.extui %parallel_loop3A_694 : vector<16xi1> to vector<16xi32>
      %parallel_loop3A_696 = vector.broadcast %parallel_loop3A_97 : i32 to vector<16xi32>
      %parallel_loop3A_697 = arith.cmpi slt, %parallel_loop3A_692, %parallel_loop3A_696 : vector<16xi32>
      %parallel_loop3A_698 = arith.extui %parallel_loop3A_697 : vector<16xi1> to vector<16xi32>
      %parallel_loop3A_699 = arith.addi %parallel_loop3A_695, %parallel_loop3A_698 : vector<16xi32>
      %parallel_loop3A_700 = vector.broadcast %parallel_loop3A_99 : i32 to vector<16xi32>
      %parallel_loop3A_701 = arith.cmpi slt, %parallel_loop3A_692, %parallel_loop3A_700 : vector<16xi32>
      %parallel_loop3A_702 = arith.extui %parallel_loop3A_701 : vector<16xi1> to vector<16xi32>
      %parallel_loop3A_703 = arith.addi %parallel_loop3A_699, %parallel_loop3A_702 : vector<16xi32>
      %parallel_loop3A_704 = vector.broadcast %parallel_loop3A_101 : i32 to vector<16xi32>
      %parallel_loop3A_705 = arith.cmpi slt, %parallel_loop3A_692, %parallel_loop3A_704 : vector<16xi32>
      %parallel_loop3A_706 = arith.extui %parallel_loop3A_705 : vector<16xi1> to vector<16xi32>
      %parallel_loop3A_707 = arith.addi %parallel_loop3A_703, %parallel_loop3A_706 : vector<16xi32>
      %parallel_loop3A_708 = vector.broadcast %parallel_loop3A_103 : i32 to vector<16xi32>
      %parallel_loop3A_709 = arith.cmpi slt, %parallel_loop3A_692, %parallel_loop3A_708 : vector<16xi32>
      %parallel_loop3A_710 = arith.extui %parallel_loop3A_709 : vector<16xi1> to vector<16xi32>
      %parallel_loop3A_711 = arith.addi %parallel_loop3A_707, %parallel_loop3A_710 : vector<16xi32>
      %parallel_loop3A_712 = vector.broadcast %parallel_loop3A_105 : i32 to vector<16xi32>
      %parallel_loop3A_713 = arith.cmpi slt, %parallel_loop3A_692, %parallel_loop3A_712 : vector<16xi32>
      %parallel_loop3A_714 = arith.extui %parallel_loop3A_713 : vector<16xi1> to vector<16xi32>
      %parallel_loop3A_715 = arith.addi %parallel_loop3A_711, %parallel_loop3A_714 : vector<16xi32>
      %parallel_loop3A_716 = vector.broadcast %parallel_loop3A_107 : i32 to vector<16xi32>
      %parallel_loop3A_717 = arith.cmpi slt, %parallel_loop3A_692, %parallel_loop3A_716 : vector<16xi32>
      %parallel_loop3A_718 = arith.extui %parallel_loop3A_717 : vector<16xi1> to vector<16xi32>
      %parallel_loop3A_719 = arith.addi %parallel_loop3A_715, %parallel_loop3A_718 : vector<16xi32>
      %parallel_loop3A_720 = vector.broadcast %parallel_loop3A_109 : i32 to vector<16xi32>
      %parallel_loop3A_721 = arith.cmpi slt, %parallel_loop3A_692, %parallel_loop3A_720 : vector<16xi32>
      %parallel_loop3A_722 = arith.extui %parallel_loop3A_721 : vector<16xi1> to vector<16xi32>
      %parallel_loop3A_723 = arith.addi %parallel_loop3A_719, %parallel_loop3A_722 : vector<16xi32>
      %parallel_loop3A_724 = vector.broadcast %parallel_loop3A_111 : i32 to vector<16xi32>
      %parallel_loop3A_725 = arith.cmpi slt, %parallel_loop3A_692, %parallel_loop3A_724 : vector<16xi32>
      %parallel_loop3A_726 = arith.extui %parallel_loop3A_725 : vector<16xi1> to vector<16xi32>
      %parallel_loop3A_727 = arith.addi %parallel_loop3A_723, %parallel_loop3A_726 : vector<16xi32>
      %parallel_loop3A_728 = vector.broadcast %parallel_loop3A_113 : i32 to vector<16xi32>
      %parallel_loop3A_729 = arith.cmpi slt, %parallel_loop3A_692, %parallel_loop3A_728 : vector<16xi32>
      %parallel_loop3A_730 = arith.extui %parallel_loop3A_729 : vector<16xi1> to vector<16xi32>
      %parallel_loop3A_731 = arith.addi %parallel_loop3A_727, %parallel_loop3A_730 : vector<16xi32>
      %parallel_loop3A_732 = vector.broadcast %parallel_loop3A_115 : i32 to vector<16xi32>
      %parallel_loop3A_733 = arith.cmpi slt, %parallel_loop3A_692, %parallel_loop3A_732 : vector<16xi32>
      %parallel_loop3A_734 = arith.extui %parallel_loop3A_733 : vector<16xi1> to vector<16xi32>
      %parallel_loop3A_735 = arith.addi %parallel_loop3A_731, %parallel_loop3A_734 : vector<16xi32>
      %parallel_loop3A_736 = vector.broadcast %parallel_loop3A_117 : i32 to vector<16xi32>
      %parallel_loop3A_737 = arith.cmpi slt, %parallel_loop3A_692, %parallel_loop3A_736 : vector<16xi32>
      %parallel_loop3A_738 = arith.extui %parallel_loop3A_737 : vector<16xi1> to vector<16xi32>
      %parallel_loop3A_739 = arith.addi %parallel_loop3A_735, %parallel_loop3A_738 : vector<16xi32>
      %parallel_loop3A_740 = vector.broadcast %parallel_loop3A_119 : i32 to vector<16xi32>
      %parallel_loop3A_741 = arith.cmpi slt, %parallel_loop3A_692, %parallel_loop3A_740 : vector<16xi32>
      %parallel_loop3A_742 = arith.extui %parallel_loop3A_741 : vector<16xi1> to vector<16xi32>
      %parallel_loop3A_743 = arith.addi %parallel_loop3A_739, %parallel_loop3A_742 : vector<16xi32>
      %parallel_loop3A_744 = vector.broadcast %parallel_loop3A_121 : i32 to vector<16xi32>
      %parallel_loop3A_745 = arith.cmpi slt, %parallel_loop3A_692, %parallel_loop3A_744 : vector<16xi32>
      %parallel_loop3A_746 = arith.extui %parallel_loop3A_745 : vector<16xi1> to vector<16xi32>
      %parallel_loop3A_747 = arith.addi %parallel_loop3A_743, %parallel_loop3A_746 : vector<16xi32>
      %parallel_loop3A_748 = arith.constant 144 : i32
      %parallel_loop3A_749 = arith.addi %parallel_loop3A_75, %parallel_loop3A_748 : i32
      %parallel_loop3A_750 = arith.index_cast %parallel_loop3A_749 : i32 to index
      %parallel_loop3A_751 = tpu.vector_load %arg6[%parallel_loop3A_750] {strides = array<i32>} : memref<25600xi32, #tpu.memory_space<vmem>>, vector<16xi32>,
      tpu.vector_store %arg6[%parallel_loop3A_750], %parallel_loop3A_747 {strides = array<i32>} : memref<25600xi32, #tpu.memory_space<vmem>>, vector<16xi32>,
      %parallel_loop3A_752 = arith.constant 160 : i32
      %parallel_loop3A_753 = arith.addi %parallel_loop3A_75, %parallel_loop3A_752 : i32
      %parallel_loop3A_754 = arith.index_cast %parallel_loop3A_753 : i32 to index
      %parallel_loop3A_755 = tpu.vector_load %arg5[%parallel_loop3A_754] {strides = array<i32>} : memref<25600xi32, #tpu.memory_space<vmem>>, vector<16xi32>,
      %parallel_loop3A_756 = vector.broadcast %parallel_loop3A_95 : i32 to vector<16xi32>
      %parallel_loop3A_757 = arith.cmpi slt, %parallel_loop3A_755, %parallel_loop3A_756 : vector<16xi32>
      %parallel_loop3A_758 = arith.extui %parallel_loop3A_757 : vector<16xi1> to vector<16xi32>
      %parallel_loop3A_759 = vector.broadcast %parallel_loop3A_97 : i32 to vector<16xi32>
      %parallel_loop3A_760 = arith.cmpi slt, %parallel_loop3A_755, %parallel_loop3A_759 : vector<16xi32>
      %parallel_loop3A_761 = arith.extui %parallel_loop3A_760 : vector<16xi1> to vector<16xi32>
      %parallel_loop3A_762 = arith.addi %parallel_loop3A_758, %parallel_loop3A_761 : vector<16xi32>
      %parallel_loop3A_763 = vector.broadcast %parallel_loop3A_99 : i32 to vector<16xi32>
      %parallel_loop3A_764 = arith.cmpi slt, %parallel_loop3A_755, %parallel_loop3A_763 : vector<16xi32>
      %parallel_loop3A_765 = arith.extui %parallel_loop3A_764 : vector<16xi1> to vector<16xi32>
      %parallel_loop3A_766 = arith.addi %parallel_loop3A_762, %parallel_loop3A_765 : vector<16xi32>
      %parallel_loop3A_767 = vector.broadcast %parallel_loop3A_101 : i32 to vector<16xi32>
      %parallel_loop3A_768 = arith.cmpi slt, %parallel_loop3A_755, %parallel_loop3A_767 : vector<16xi32>
      %parallel_loop3A_769 = arith.extui %parallel_loop3A_768 : vector<16xi1> to vector<16xi32>
      %parallel_loop3A_770 = arith.addi %parallel_loop3A_766, %parallel_loop3A_769 : vector<16xi32>
      %parallel_loop3A_771 = vector.broadcast %parallel_loop3A_103 : i32 to vector<16xi32>
      %parallel_loop3A_772 = arith.cmpi slt, %parallel_loop3A_755, %parallel_loop3A_771 : vector<16xi32>
      %parallel_loop3A_773 = arith.extui %parallel_loop3A_772 : vector<16xi1> to vector<16xi32>
      %parallel_loop3A_774 = arith.addi %parallel_loop3A_770, %parallel_loop3A_773 : vector<16xi32>
      %parallel_loop3A_775 = vector.broadcast %parallel_loop3A_105 : i32 to vector<16xi32>
      %parallel_loop3A_776 = arith.cmpi slt, %parallel_loop3A_755, %parallel_loop3A_775 : vector<16xi32>
      %parallel_loop3A_777 = arith.extui %parallel_loop3A_776 : vector<16xi1> to vector<16xi32>
      %parallel_loop3A_778 = arith.addi %parallel_loop3A_774, %parallel_loop3A_777 : vector<16xi32>
      %parallel_loop3A_779 = vector.broadcast %parallel_loop3A_107 : i32 to vector<16xi32>
      %parallel_loop3A_780 = arith.cmpi slt, %parallel_loop3A_755, %parallel_loop3A_779 : vector<16xi32>
      %parallel_loop3A_781 = arith.extui %parallel_loop3A_780 : vector<16xi1> to vector<16xi32>
      %parallel_loop3A_782 = arith.addi %parallel_loop3A_778, %parallel_loop3A_781 : vector<16xi32>
      %parallel_loop3A_783 = vector.broadcast %parallel_loop3A_109 : i32 to vector<16xi32>
      %parallel_loop3A_784 = arith.cmpi slt, %parallel_loop3A_755, %parallel_loop3A_783 : vector<16xi32>
      %parallel_loop3A_785 = arith.extui %parallel_loop3A_784 : vector<16xi1> to vector<16xi32>
      %parallel_loop3A_786 = arith.addi %parallel_loop3A_782, %parallel_loop3A_785 : vector<16xi32>
      %parallel_loop3A_787 = vector.broadcast %parallel_loop3A_111 : i32 to vector<16xi32>
      %parallel_loop3A_788 = arith.cmpi slt, %parallel_loop3A_755, %parallel_loop3A_787 : vector<16xi32>
      %parallel_loop3A_789 = arith.extui %parallel_loop3A_788 : vector<16xi1> to vector<16xi32>
      %parallel_loop3A_790 = arith.addi %parallel_loop3A_786, %parallel_loop3A_789 : vector<16xi32>
      %parallel_loop3A_791 = vector.broadcast %parallel_loop3A_113 : i32 to vector<16xi32>
      %parallel_loop3A_792 = arith.cmpi slt, %parallel_loop3A_755, %parallel_loop3A_791 : vector<16xi32>
      %parallel_loop3A_793 = arith.extui %parallel_loop3A_792 : vector<16xi1> to vector<16xi32>
      %parallel_loop3A_794 = arith.addi %parallel_loop3A_790, %parallel_loop3A_793 : vector<16xi32>
      %parallel_loop3A_795 = vector.broadcast %parallel_loop3A_115 : i32 to vector<16xi32>
      %parallel_loop3A_796 = arith.cmpi slt, %parallel_loop3A_755, %parallel_loop3A_795 : vector<16xi32>
      %parallel_loop3A_797 = arith.extui %parallel_loop3A_796 : vector<16xi1> to vector<16xi32>
      %parallel_loop3A_798 = arith.addi %parallel_loop3A_794, %parallel_loop3A_797 : vector<16xi32>
      %parallel_loop3A_799 = vector.broadcast %parallel_loop3A_117 : i32 to vector<16xi32>
      %parallel_loop3A_800 = arith.cmpi slt, %parallel_loop3A_755, %parallel_loop3A_799 : vector<16xi32>
      %parallel_loop3A_801 = arith.extui %parallel_loop3A_800 : vector<16xi1> to vector<16xi32>
      %parallel_loop3A_802 = arith.addi %parallel_loop3A_798, %parallel_loop3A_801 : vector<16xi32>
      %parallel_loop3A_803 = vector.broadcast %parallel_loop3A_119 : i32 to vector<16xi32>
      %parallel_loop3A_804 = arith.cmpi slt, %parallel_loop3A_755, %parallel_loop3A_803 : vector<16xi32>
      %parallel_loop3A_805 = arith.extui %parallel_loop3A_804 : vector<16xi1> to vector<16xi32>
      %parallel_loop3A_806 = arith.addi %parallel_loop3A_802, %parallel_loop3A_805 : vector<16xi32>
      %parallel_loop3A_807 = vector.broadcast %parallel_loop3A_121 : i32 to vector<16xi32>
      %parallel_loop3A_808 = arith.cmpi slt, %parallel_loop3A_755, %parallel_loop3A_807 : vector<16xi32>
      %parallel_loop3A_809 = arith.extui %parallel_loop3A_808 : vector<16xi1> to vector<16xi32>
      %parallel_loop3A_810 = arith.addi %parallel_loop3A_806, %parallel_loop3A_809 : vector<16xi32>
      %parallel_loop3A_811 = arith.constant 160 : i32
      %parallel_loop3A_812 = arith.addi %parallel_loop3A_75, %parallel_loop3A_811 : i32
      %parallel_loop3A_813 = arith.index_cast %parallel_loop3A_812 : i32 to index
      %parallel_loop3A_814 = tpu.vector_load %arg6[%parallel_loop3A_813] {strides = array<i32>} : memref<25600xi32, #tpu.memory_space<vmem>>, vector<16xi32>,
      tpu.vector_store %arg6[%parallel_loop3A_813], %parallel_loop3A_810 {strides = array<i32>} : memref<25600xi32, #tpu.memory_space<vmem>>, vector<16xi32>,
      %parallel_loop3A_815 = arith.constant 176 : i32
      %parallel_loop3A_816 = arith.addi %parallel_loop3A_75, %parallel_loop3A_815 : i32
      %parallel_loop3A_817 = arith.index_cast %parallel_loop3A_816 : i32 to index
      %parallel_loop3A_818 = tpu.vector_load %arg5[%parallel_loop3A_817] {strides = array<i32>} : memref<25600xi32, #tpu.memory_space<vmem>>, vector<16xi32>,
      %parallel_loop3A_819 = vector.broadcast %parallel_loop3A_95 : i32 to vector<16xi32>
      %parallel_loop3A_820 = arith.cmpi slt, %parallel_loop3A_818, %parallel_loop3A_819 : vector<16xi32>
      %parallel_loop3A_821 = arith.extui %parallel_loop3A_820 : vector<16xi1> to vector<16xi32>
      %parallel_loop3A_822 = vector.broadcast %parallel_loop3A_97 : i32 to vector<16xi32>
      %parallel_loop3A_823 = arith.cmpi slt, %parallel_loop3A_818, %parallel_loop3A_822 : vector<16xi32>
      %parallel_loop3A_824 = arith.extui %parallel_loop3A_823 : vector<16xi1> to vector<16xi32>
      %parallel_loop3A_825 = arith.addi %parallel_loop3A_821, %parallel_loop3A_824 : vector<16xi32>
      %parallel_loop3A_826 = vector.broadcast %parallel_loop3A_99 : i32 to vector<16xi32>
      %parallel_loop3A_827 = arith.cmpi slt, %parallel_loop3A_818, %parallel_loop3A_826 : vector<16xi32>
      %parallel_loop3A_828 = arith.extui %parallel_loop3A_827 : vector<16xi1> to vector<16xi32>
      %parallel_loop3A_829 = arith.addi %parallel_loop3A_825, %parallel_loop3A_828 : vector<16xi32>
      %parallel_loop3A_830 = vector.broadcast %parallel_loop3A_101 : i32 to vector<16xi32>
      %parallel_loop3A_831 = arith.cmpi slt, %parallel_loop3A_818, %parallel_loop3A_830 : vector<16xi32>
      %parallel_loop3A_832 = arith.extui %parallel_loop3A_831 : vector<16xi1> to vector<16xi32>
      %parallel_loop3A_833 = arith.addi %parallel_loop3A_829, %parallel_loop3A_832 : vector<16xi32>
      %parallel_loop3A_834 = vector.broadcast %parallel_loop3A_103 : i32 to vector<16xi32>
      %parallel_loop3A_835 = arith.cmpi slt, %parallel_loop3A_818, %parallel_loop3A_834 : vector<16xi32>
      %parallel_loop3A_836 = arith.extui %parallel_loop3A_835 : vector<16xi1> to vector<16xi32>
      %parallel_loop3A_837 = arith.addi %parallel_loop3A_833, %parallel_loop3A_836 : vector<16xi32>
      %parallel_loop3A_838 = vector.broadcast %parallel_loop3A_105 : i32 to vector<16xi32>
      %parallel_loop3A_839 = arith.cmpi slt, %parallel_loop3A_818, %parallel_loop3A_838 : vector<16xi32>
      %parallel_loop3A_840 = arith.extui %parallel_loop3A_839 : vector<16xi1> to vector<16xi32>
      %parallel_loop3A_841 = arith.addi %parallel_loop3A_837, %parallel_loop3A_840 : vector<16xi32>
      %parallel_loop3A_842 = vector.broadcast %parallel_loop3A_107 : i32 to vector<16xi32>
      %parallel_loop3A_843 = arith.cmpi slt, %parallel_loop3A_818, %parallel_loop3A_842 : vector<16xi32>
      %parallel_loop3A_844 = arith.extui %parallel_loop3A_843 : vector<16xi1> to vector<16xi32>
      %parallel_loop3A_845 = arith.addi %parallel_loop3A_841, %parallel_loop3A_844 : vector<16xi32>
      %parallel_loop3A_846 = vector.broadcast %parallel_loop3A_109 : i32 to vector<16xi32>
      %parallel_loop3A_847 = arith.cmpi slt, %parallel_loop3A_818, %parallel_loop3A_846 : vector<16xi32>
      %parallel_loop3A_848 = arith.extui %parallel_loop3A_847 : vector<16xi1> to vector<16xi32>
      %parallel_loop3A_849 = arith.addi %parallel_loop3A_845, %parallel_loop3A_848 : vector<16xi32>
      %parallel_loop3A_850 = vector.broadcast %parallel_loop3A_111 : i32 to vector<16xi32>
      %parallel_loop3A_851 = arith.cmpi slt, %parallel_loop3A_818, %parallel_loop3A_850 : vector<16xi32>
      %parallel_loop3A_852 = arith.extui %parallel_loop3A_851 : vector<16xi1> to vector<16xi32>
      %parallel_loop3A_853 = arith.addi %parallel_loop3A_849, %parallel_loop3A_852 : vector<16xi32>
      %parallel_loop3A_854 = vector.broadcast %parallel_loop3A_113 : i32 to vector<16xi32>
      %parallel_loop3A_855 = arith.cmpi slt, %parallel_loop3A_818, %parallel_loop3A_854 : vector<16xi32>
      %parallel_loop3A_856 = arith.extui %parallel_loop3A_855 : vector<16xi1> to vector<16xi32>
      %parallel_loop3A_857 = arith.addi %parallel_loop3A_853, %parallel_loop3A_856 : vector<16xi32>
      %parallel_loop3A_858 = vector.broadcast %parallel_loop3A_115 : i32 to vector<16xi32>
      %parallel_loop3A_859 = arith.cmpi slt, %parallel_loop3A_818, %parallel_loop3A_858 : vector<16xi32>
      %parallel_loop3A_860 = arith.extui %parallel_loop3A_859 : vector<16xi1> to vector<16xi32>
      %parallel_loop3A_861 = arith.addi %parallel_loop3A_857, %parallel_loop3A_860 : vector<16xi32>
      %parallel_loop3A_862 = vector.broadcast %parallel_loop3A_117 : i32 to vector<16xi32>
      %parallel_loop3A_863 = arith.cmpi slt, %parallel_loop3A_818, %parallel_loop3A_862 : vector<16xi32>
      %parallel_loop3A_864 = arith.extui %parallel_loop3A_863 : vector<16xi1> to vector<16xi32>
      %parallel_loop3A_865 = arith.addi %parallel_loop3A_861, %parallel_loop3A_864 : vector<16xi32>
      %parallel_loop3A_866 = vector.broadcast %parallel_loop3A_119 : i32 to vector<16xi32>
      %parallel_loop3A_867 = arith.cmpi slt, %parallel_loop3A_818, %parallel_loop3A_866 : vector<16xi32>
      %parallel_loop3A_868 = arith.extui %parallel_loop3A_867 : vector<16xi1> to vector<16xi32>
      %parallel_loop3A_869 = arith.addi %parallel_loop3A_865, %parallel_loop3A_868 : vector<16xi32>
      %parallel_loop3A_870 = vector.broadcast %parallel_loop3A_121 : i32 to vector<16xi32>
      %parallel_loop3A_871 = arith.cmpi slt, %parallel_loop3A_818, %parallel_loop3A_870 : vector<16xi32>
      %parallel_loop3A_872 = arith.extui %parallel_loop3A_871 : vector<16xi1> to vector<16xi32>
      %parallel_loop3A_873 = arith.addi %parallel_loop3A_869, %parallel_loop3A_872 : vector<16xi32>
      %parallel_loop3A_874 = arith.constant 176 : i32
      %parallel_loop3A_875 = arith.addi %parallel_loop3A_75, %parallel_loop3A_874 : i32
      %parallel_loop3A_876 = arith.index_cast %parallel_loop3A_875 : i32 to index
      %parallel_loop3A_877 = tpu.vector_load %arg6[%parallel_loop3A_876] {strides = array<i32>} : memref<25600xi32, #tpu.memory_space<vmem>>, vector<16xi32>,
      tpu.vector_store %arg6[%parallel_loop3A_876], %parallel_loop3A_873 {strides = array<i32>} : memref<25600xi32, #tpu.memory_space<vmem>>, vector<16xi32>,
      %parallel_loop3A_878 = arith.constant 184 : i32
      %parallel_loop3A_879 = arith.addi %parallel_loop3A_75, %parallel_loop3A_878 : i32
      %parallel_loop3A_880 = arith.index_cast %parallel_loop3A_879 : i32 to index
      %parallel_loop3A_881 = tpu.vector_load %arg5[%parallel_loop3A_880] {strides = array<i32>} : memref<25600xi32, #tpu.memory_space<vmem>>, vector<16xi32>,
      %parallel_loop3A_882 = vector.broadcast %parallel_loop3A_95 : i32 to vector<16xi32>
      %parallel_loop3A_883 = arith.cmpi slt, %parallel_loop3A_881, %parallel_loop3A_882 : vector<16xi32>
      %parallel_loop3A_884 = arith.extui %parallel_loop3A_883 : vector<16xi1> to vector<16xi32>
      %parallel_loop3A_885 = vector.broadcast %parallel_loop3A_97 : i32 to vector<16xi32>
      %parallel_loop3A_886 = arith.cmpi slt, %parallel_loop3A_881, %parallel_loop3A_885 : vector<16xi32>
      %parallel_loop3A_887 = arith.extui %parallel_loop3A_886 : vector<16xi1> to vector<16xi32>
      %parallel_loop3A_888 = arith.addi %parallel_loop3A_884, %parallel_loop3A_887 : vector<16xi32>
      %parallel_loop3A_889 = vector.broadcast %parallel_loop3A_99 : i32 to vector<16xi32>
      %parallel_loop3A_890 = arith.cmpi slt, %parallel_loop3A_881, %parallel_loop3A_889 : vector<16xi32>
      %parallel_loop3A_891 = arith.extui %parallel_loop3A_890 : vector<16xi1> to vector<16xi32>
      %parallel_loop3A_892 = arith.addi %parallel_loop3A_888, %parallel_loop3A_891 : vector<16xi32>
      %parallel_loop3A_893 = vector.broadcast %parallel_loop3A_101 : i32 to vector<16xi32>
      %parallel_loop3A_894 = arith.cmpi slt, %parallel_loop3A_881, %parallel_loop3A_893 : vector<16xi32>
      %parallel_loop3A_895 = arith.extui %parallel_loop3A_894 : vector<16xi1> to vector<16xi32>
      %parallel_loop3A_896 = arith.addi %parallel_loop3A_892, %parallel_loop3A_895 : vector<16xi32>
      %parallel_loop3A_897 = vector.broadcast %parallel_loop3A_103 : i32 to vector<16xi32>
      %parallel_loop3A_898 = arith.cmpi slt, %parallel_loop3A_881, %parallel_loop3A_897 : vector<16xi32>
      %parallel_loop3A_899 = arith.extui %parallel_loop3A_898 : vector<16xi1> to vector<16xi32>
      %parallel_loop3A_900 = arith.addi %parallel_loop3A_896, %parallel_loop3A_899 : vector<16xi32>
      %parallel_loop3A_901 = vector.broadcast %parallel_loop3A_105 : i32 to vector<16xi32>
      %parallel_loop3A_902 = arith.cmpi slt, %parallel_loop3A_881, %parallel_loop3A_901 : vector<16xi32>
      %parallel_loop3A_903 = arith.extui %parallel_loop3A_902 : vector<16xi1> to vector<16xi32>
      %parallel_loop3A_904 = arith.addi %parallel_loop3A_900, %parallel_loop3A_903 : vector<16xi32>
      %parallel_loop3A_905 = vector.broadcast %parallel_loop3A_107 : i32 to vector<16xi32>
      %parallel_loop3A_906 = arith.cmpi slt, %parallel_loop3A_881, %parallel_loop3A_905 : vector<16xi32>
      %parallel_loop3A_907 = arith.extui %parallel_loop3A_906 : vector<16xi1> to vector<16xi32>
      %parallel_loop3A_908 = arith.addi %parallel_loop3A_904, %parallel_loop3A_907 : vector<16xi32>
      %parallel_loop3A_909 = vector.broadcast %parallel_loop3A_109 : i32 to vector<16xi32>
      %parallel_loop3A_910 = arith.cmpi slt, %parallel_loop3A_881, %parallel_loop3A_909 : vector<16xi32>
      %parallel_loop3A_911 = arith.extui %parallel_loop3A_910 : vector<16xi1> to vector<16xi32>
      %parallel_loop3A_912 = arith.addi %parallel_loop3A_908, %parallel_loop3A_911 : vector<16xi32>
      %parallel_loop3A_913 = vector.broadcast %parallel_loop3A_111 : i32 to vector<16xi32>
      %parallel_loop3A_914 = arith.cmpi slt, %parallel_loop3A_881, %parallel_loop3A_913 : vector<16xi32>
      %parallel_loop3A_915 = arith.extui %parallel_loop3A_914 : vector<16xi1> to vector<16xi32>
      %parallel_loop3A_916 = arith.addi %parallel_loop3A_912, %parallel_loop3A_915 : vector<16xi32>
      %parallel_loop3A_917 = vector.broadcast %parallel_loop3A_113 : i32 to vector<16xi32>
      %parallel_loop3A_918 = arith.cmpi slt, %parallel_loop3A_881, %parallel_loop3A_917 : vector<16xi32>
      %parallel_loop3A_919 = arith.extui %parallel_loop3A_918 : vector<16xi1> to vector<16xi32>
      %parallel_loop3A_920 = arith.addi %parallel_loop3A_916, %parallel_loop3A_919 : vector<16xi32>
      %parallel_loop3A_921 = vector.broadcast %parallel_loop3A_115 : i32 to vector<16xi32>
      %parallel_loop3A_922 = arith.cmpi slt, %parallel_loop3A_881, %parallel_loop3A_921 : vector<16xi32>
      %parallel_loop3A_923 = arith.extui %parallel_loop3A_922 : vector<16xi1> to vector<16xi32>
      %parallel_loop3A_924 = arith.addi %parallel_loop3A_920, %parallel_loop3A_923 : vector<16xi32>
      %parallel_loop3A_925 = vector.broadcast %parallel_loop3A_117 : i32 to vector<16xi32>
      %parallel_loop3A_926 = arith.cmpi slt, %parallel_loop3A_881, %parallel_loop3A_925 : vector<16xi32>
      %parallel_loop3A_927 = arith.extui %parallel_loop3A_926 : vector<16xi1> to vector<16xi32>
      %parallel_loop3A_928 = arith.addi %parallel_loop3A_924, %parallel_loop3A_927 : vector<16xi32>
      %parallel_loop3A_929 = vector.broadcast %parallel_loop3A_119 : i32 to vector<16xi32>
      %parallel_loop3A_930 = arith.cmpi slt, %parallel_loop3A_881, %parallel_loop3A_929 : vector<16xi32>
      %parallel_loop3A_931 = arith.extui %parallel_loop3A_930 : vector<16xi1> to vector<16xi32>
      %parallel_loop3A_932 = arith.addi %parallel_loop3A_928, %parallel_loop3A_931 : vector<16xi32>
      %parallel_loop3A_933 = vector.broadcast %parallel_loop3A_121 : i32 to vector<16xi32>
      %parallel_loop3A_934 = arith.cmpi slt, %parallel_loop3A_881, %parallel_loop3A_933 : vector<16xi32>
      %parallel_loop3A_935 = arith.extui %parallel_loop3A_934 : vector<16xi1> to vector<16xi32>
      %parallel_loop3A_936 = arith.addi %parallel_loop3A_932, %parallel_loop3A_935 : vector<16xi32>
      %parallel_loop3A_937 = arith.constant 184 : i32
      %parallel_loop3A_938 = arith.addi %parallel_loop3A_75, %parallel_loop3A_937 : i32
      %parallel_loop3A_939 = arith.index_cast %parallel_loop3A_938 : i32 to index
      %parallel_loop3A_940 = tpu.vector_load %arg6[%parallel_loop3A_939] {strides = array<i32>} : memref<25600xi32, #tpu.memory_space<vmem>>, vector<16xi32>,
      tpu.vector_store %arg6[%parallel_loop3A_939], %parallel_loop3A_936 {strides = array<i32>} : memref<25600xi32, #tpu.memory_space<vmem>>, vector<16xi32>,
    } {sc.loop_unroll_factor = 1 : i64, sc.parallel_access}
    %mul3A_12 = arith.constant 200 : i32
    %mul3A_13 = vector.broadcast %mul3A_12 : i32 to vector<16xi32>
    %mul3A_14 = arith.muli %iota3A, %mul3A_13 : vector<16xi32>
    %add3A_15 = arith.constant 0 : i32
    %add3A_16 = vector.broadcast %add3A_15 : i32 to vector<16xi32>
    %add3A_17 = arith.addi %mul3A_14, %add3A_16 : vector<16xi32>
    %mul3A_18 = arith.constant 200 : i32
    %mul3A_19 = vector.broadcast %mul3A_18 : i32 to vector<16xi32>
    %mul3A_20 = arith.muli %iota3A, %mul3A_19 : vector<16xi32>
    %add3A_21 = arith.constant 3200 : i32
    %add3A_22 = vector.broadcast %add3A_21 : i32 to vector<16xi32>
    %add3A_23 = arith.addi %mul3A_20, %add3A_22 : vector<16xi32>
    %mul3A_24 = arith.constant 200 : i32
    %mul3A_25 = vector.broadcast %mul3A_24 : i32 to vector<16xi32>
    %mul3A_26 = arith.muli %iota3A, %mul3A_25 : vector<16xi32>
    %add3A_27 = arith.constant 6400 : i32
    %add3A_28 = vector.broadcast %add3A_27 : i32 to vector<16xi32>
    %add3A_29 = arith.addi %mul3A_26, %add3A_28 : vector<16xi32>
    %mul3A_30 = arith.constant 200 : i32
    %mul3A_31 = vector.broadcast %mul3A_30 : i32 to vector<16xi32>
    %mul3A_32 = arith.muli %iota3A, %mul3A_31 : vector<16xi32>
    %add3A_33 = arith.constant 9600 : i32
    %add3A_34 = vector.broadcast %add3A_33 : i32 to vector<16xi32>
    %add3A_35 = arith.addi %mul3A_32, %add3A_34 : vector<16xi32>
    %mul3A_36 = arith.constant 200 : i32
    %mul3A_37 = vector.broadcast %mul3A_36 : i32 to vector<16xi32>
    %mul3A_38 = arith.muli %iota3A, %mul3A_37 : vector<16xi32>
    %add3A_39 = arith.constant 12800 : i32
    %add3A_40 = vector.broadcast %add3A_39 : i32 to vector<16xi32>
    %add3A_41 = arith.addi %mul3A_38, %add3A_40 : vector<16xi32>
    %mul3A_42 = arith.constant 200 : i32
    %mul3A_43 = vector.broadcast %mul3A_42 : i32 to vector<16xi32>
    %mul3A_44 = arith.muli %iota3A, %mul3A_43 : vector<16xi32>
    %add3A_45 = arith.constant 16000 : i32
    %add3A_46 = vector.broadcast %add3A_45 : i32 to vector<16xi32>
    %add3A_47 = arith.addi %mul3A_44, %add3A_46 : vector<16xi32>
    %mul3A_48 = arith.constant 200 : i32
    %mul3A_49 = vector.broadcast %mul3A_48 : i32 to vector<16xi32>
    %mul3A_50 = arith.muli %iota3A, %mul3A_49 : vector<16xi32>
    %add3A_51 = arith.constant 19200 : i32
    %add3A_52 = vector.broadcast %add3A_51 : i32 to vector<16xi32>
    %add3A_53 = arith.addi %mul3A_50, %add3A_52 : vector<16xi32>
    %mul3A_54 = arith.constant 200 : i32
    %mul3A_55 = vector.broadcast %mul3A_54 : i32 to vector<16xi32>
    %mul3A_56 = arith.muli %iota3A, %mul3A_55 : vector<16xi32>
    %add3A_57 = arith.constant 22400 : i32
    %add3A_58 = vector.broadcast %add3A_57 : i32 to vector<16xi32>
    %add3A_59 = arith.addi %mul3A_56, %add3A_58 : vector<16xi32>
    %scan3A_60 = arith.constant 0 : i32
    %scan3A_61 = arith.constant 0 : i32
    %scan3A_62 = arith.constant 50 : i32
    %scan3A_63 = arith.addi %scan3A_61, %scan3A_62 : i32
    %scan3A_64 = arith.constant 1 : i32
    scf.for %scan3A_73 = %scan3A_61 to %scan3A_63 step %scan3A_64  : i32 {
      %mul3A_74 = arith.constant 2 : i32
      %mul3A_75 = arith.muli %scan3A_73, %mul3A_74 : i32
      %add3A_76 = arith.constant 0 : i32
      %add3A_77 = arith.addi %mul3A_75, %add3A_76 : i32
      %gt3A = arith.constant 0 : i32
      %gt3A_78 = arith.cmpi sgt, %scan3A_73, %gt3A : i32
      %convert_element_type3A = arith.extui %gt3A_78 : i1 to i32
      %cond3A = arith.constant 0 : i32
      %cond3A_79 = arith.cmpi ne, %convert_element_type3A, %cond3A : i32
      scf.if %cond3A_79 {
        %sub3A = arith.constant 2 : i32
        %sub3A_319 = arith.subi %add3A_77, %sub3A : i32
        %mul3A_320 = arith.constant 2 : i32
        %mul3A_321 = arith.muli %sub3A_319, %mul3A_320 : i32
        %mul3A_322 = arith.constant 64 : i32
        %mul3A_323 = arith.muli %mul3A_321, %mul3A_322 : i32
        %dma_wait3A_324 = tpu.memref_slice %arg4[%mul3A_323, %mul3A_4] : memref<12800x4096xf32, #tpu.memory_space<hbm>> -> memref<128x128xf32, #tpu.memory_space<hbm>>
        %dma_wait3A_325 = tpu.memref_slice %arg4[%mul3A_323, %mul3A_4] : memref<12800x4096xf32, #tpu.memory_space<hbm>> -> memref<128x128xf32, #tpu.memory_space<hbm>>
        tpu.wait_dma2 semaphore(%arg11 : memref<!tpu.dma_semaphore, #tpu.memory_space<semaphore_mem>>) src(%arg9 : memref<128x128xf32, #tpu.memory_space<vmem>>) dst(%dma_wait3A_325 : memref<128x128xf32, #tpu.memory_space<hbm>>)
      } else {
      }
      %mul3A_80 = arith.constant 2 : i32
      %mul3A_81 = arith.muli %add3A_77, %mul3A_80 : i32
      %add3A_82 = arith.constant 0 : i32
      %add3A_83 = arith.addi %mul3A_81, %add3A_82 : i32
      %add3A_84 = vector.broadcast %add3A_83 : i32 to vector<16xi32>
      %add3A_85 = arith.addi %add3A_17, %add3A_84 : vector<16xi32>
      %gather3A = tpu.vector_load_idx %arg6[%add3A_85] : memref<25600xi32, #tpu.memory_space<vmem>>[vector<16xi32>], vector<16xi32>,
      %mul3A_86 = arith.constant 65 : i32
      %mul3A_87 = vector.broadcast %mul3A_86 : i32 to vector<16xi32>
      %mul3A_88 = arith.muli %gather3A, %mul3A_87 : vector<16xi32>
      %add3A_89 = vector.broadcast %add3A_83 : i32 to vector<16xi32>
      %add3A_90 = arith.addi %add3A_23, %add3A_89 : vector<16xi32>
      %gather3A_91 = tpu.vector_load_idx %arg6[%add3A_90] : memref<25600xi32, #tpu.memory_space<vmem>>[vector<16xi32>], vector<16xi32>,
      %mul3A_92 = arith.constant 65 : i32
      %mul3A_93 = vector.broadcast %mul3A_92 : i32 to vector<16xi32>
      %mul3A_94 = arith.muli %gather3A_91, %mul3A_93 : vector<16xi32>
      %add3A_95 = vector.broadcast %add3A_83 : i32 to vector<16xi32>
      %add3A_96 = arith.addi %add3A_29, %add3A_95 : vector<16xi32>
      %gather3A_97 = tpu.vector_load_idx %arg6[%add3A_96] : memref<25600xi32, #tpu.memory_space<vmem>>[vector<16xi32>], vector<16xi32>,
      %mul3A_98 = arith.constant 65 : i32
      %mul3A_99 = vector.broadcast %mul3A_98 : i32 to vector<16xi32>
      %mul3A_100 = arith.muli %gather3A_97, %mul3A_99 : vector<16xi32>
      %add3A_101 = vector.broadcast %add3A_83 : i32 to vector<16xi32>
      %add3A_102 = arith.addi %add3A_35, %add3A_101 : vector<16xi32>
      %gather3A_103 = tpu.vector_load_idx %arg6[%add3A_102] : memref<25600xi32, #tpu.memory_space<vmem>>[vector<16xi32>], vector<16xi32>,
      %mul3A_104 = arith.constant 65 : i32
      %mul3A_105 = vector.broadcast %mul3A_104 : i32 to vector<16xi32>
      %mul3A_106 = arith.muli %gather3A_103, %mul3A_105 : vector<16xi32>
      %add3A_107 = vector.broadcast %add3A_83 : i32 to vector<16xi32>
      %add3A_108 = arith.addi %add3A_41, %add3A_107 : vector<16xi32>
      %gather3A_109 = tpu.vector_load_idx %arg6[%add3A_108] : memref<25600xi32, #tpu.memory_space<vmem>>[vector<16xi32>], vector<16xi32>,
      %mul3A_110 = arith.constant 65 : i32
      %mul3A_111 = vector.broadcast %mul3A_110 : i32 to vector<16xi32>
      %mul3A_112 = arith.muli %gather3A_109, %mul3A_111 : vector<16xi32>
      %add3A_113 = vector.broadcast %add3A_83 : i32 to vector<16xi32>
      %add3A_114 = arith.addi %add3A_47, %add3A_113 : vector<16xi32>
      %gather3A_115 = tpu.vector_load_idx %arg6[%add3A_114] : memref<25600xi32, #tpu.memory_space<vmem>>[vector<16xi32>], vector<16xi32>,
      %mul3A_116 = arith.constant 65 : i32
      %mul3A_117 = vector.broadcast %mul3A_116 : i32 to vector<16xi32>
      %mul3A_118 = arith.muli %gather3A_115, %mul3A_117 : vector<16xi32>
      %add3A_119 = vector.broadcast %add3A_83 : i32 to vector<16xi32>
      %add3A_120 = arith.addi %add3A_53, %add3A_119 : vector<16xi32>
      %gather3A_121 = tpu.vector_load_idx %arg6[%add3A_120] : memref<25600xi32, #tpu.memory_space<vmem>>[vector<16xi32>], vector<16xi32>,
      %mul3A_122 = arith.constant 65 : i32
      %mul3A_123 = vector.broadcast %mul3A_122 : i32 to vector<16xi32>
      %mul3A_124 = arith.muli %gather3A_121, %mul3A_123 : vector<16xi32>
      %add3A_125 = vector.broadcast %add3A_83 : i32 to vector<16xi32>
      %add3A_126 = arith.addi %add3A_59, %add3A_125 : vector<16xi32>
      %gather3A_127 = tpu.vector_load_idx %arg6[%add3A_126] : memref<25600xi32, #tpu.memory_space<vmem>>[vector<16xi32>], vector<16xi32>,
      %mul3A_128 = arith.constant 65 : i32
      %mul3A_129 = vector.broadcast %mul3A_128 : i32 to vector<16xi32>
      %mul3A_130 = arith.muli %gather3A_127, %mul3A_129 : vector<16xi32>
      %parallel_loop3A_131 = arith.constant 0 : i32
      %parallel_loop3A_132 = arith.constant 64 : i32
      %parallel_loop3A_133 = arith.constant 1 : i32
      scf.for %parallel_loop3A_319 = %parallel_loop3A_131 to %parallel_loop3A_132 step %parallel_loop3A_133  : i32 {
        %parallel_loop3A_320 = arith.constant 0 : i32
        %parallel_loop3A_321 = arith.addi %parallel_loop3A_320, %parallel_loop3A_319 : i32
        %parallel_loop3A_322 = vector.broadcast %parallel_loop3A_319 : i32 to vector<16xi32>
        %parallel_loop3A_323 = arith.addi %mul3A_88, %parallel_loop3A_322 : vector<16xi32>
        %parallel_loop3A_324 = tpu.vector_load_idx %arg8[%parallel_loop3A_323] : memref<4160xf32, #tpu.memory_space<vmem>>[vector<16xi32>], vector<16xf32>,
        %parallel_loop3A_325 = arith.index_cast %parallel_loop3A_321 : i32 to index
        %parallel_loop3A_326 = arith.constant 0 : index
        %parallel_loop3A_327 = tpu.vector_load %arg9[%parallel_loop3A_325, %parallel_loop3A_326] {strides = array<i32>} : memref<128x128xf32, #tpu.memory_space<vmem>>, vector<16xf32>,
        tpu.vector_store %arg9[%parallel_loop3A_325, %parallel_loop3A_326], %parallel_loop3A_324 {strides = array<i32>} : memref<128x128xf32, #tpu.memory_space<vmem>>, vector<16xf32>,
        %parallel_loop3A_328 = vector.broadcast %parallel_loop3A_319 : i32 to vector<16xi32>
        %parallel_loop3A_329 = arith.addi %mul3A_94, %parallel_loop3A_328 : vector<16xi32>
        %parallel_loop3A_330 = tpu.vector_load_idx %arg8[%parallel_loop3A_329] : memref<4160xf32, #tpu.memory_space<vmem>>[vector<16xi32>], vector<16xf32>,
        %parallel_loop3A_331 = arith.index_cast %parallel_loop3A_321 : i32 to index
        %parallel_loop3A_332 = arith.constant 16 : index
        %parallel_loop3A_333 = tpu.vector_load %arg9[%parallel_loop3A_331, %parallel_loop3A_332] {strides = array<i32>} : memref<128x128xf32, #tpu.memory_space<vmem>>, vector<16xf32>,
        tpu.vector_store %arg9[%parallel_loop3A_331, %parallel_loop3A_332], %parallel_loop3A_330 {strides = array<i32>} : memref<128x128xf32, #tpu.memory_space<vmem>>, vector<16xf32>,
        %parallel_loop3A_334 = vector.broadcast %parallel_loop3A_319 : i32 to vector<16xi32>
        %parallel_loop3A_335 = arith.addi %mul3A_100, %parallel_loop3A_334 : vector<16xi32>
        %parallel_loop3A_336 = tpu.vector_load_idx %arg8[%parallel_loop3A_335] : memref<4160xf32, #tpu.memory_space<vmem>>[vector<16xi32>], vector<16xf32>,
        %parallel_loop3A_337 = arith.index_cast %parallel_loop3A_321 : i32 to index
        %parallel_loop3A_338 = arith.constant 32 : index
        %parallel_loop3A_339 = tpu.vector_load %arg9[%parallel_loop3A_337, %parallel_loop3A_338] {strides = array<i32>} : memref<128x128xf32, #tpu.memory_space<vmem>>, vector<16xf32>,
        tpu.vector_store %arg9[%parallel_loop3A_337, %parallel_loop3A_338], %parallel_loop3A_336 {strides = array<i32>} : memref<128x128xf32, #tpu.memory_space<vmem>>, vector<16xf32>,
        %parallel_loop3A_340 = vector.broadcast %parallel_loop3A_319 : i32 to vector<16xi32>
        %parallel_loop3A_341 = arith.addi %mul3A_106, %parallel_loop3A_340 : vector<16xi32>
        %parallel_loop3A_342 = tpu.vector_load_idx %arg8[%parallel_loop3A_341] : memref<4160xf32, #tpu.memory_space<vmem>>[vector<16xi32>], vector<16xf32>,
        %parallel_loop3A_343 = arith.index_cast %parallel_loop3A_321 : i32 to index
        %parallel_loop3A_344 = arith.constant 48 : index
        %parallel_loop3A_345 = tpu.vector_load %arg9[%parallel_loop3A_343, %parallel_loop3A_344] {strides = array<i32>} : memref<128x128xf32, #tpu.memory_space<vmem>>, vector<16xf32>,
        tpu.vector_store %arg9[%parallel_loop3A_343, %parallel_loop3A_344], %parallel_loop3A_342 {strides = array<i32>} : memref<128x128xf32, #tpu.memory_space<vmem>>, vector<16xf32>,
        %parallel_loop3A_346 = vector.broadcast %parallel_loop3A_319 : i32 to vector<16xi32>
        %parallel_loop3A_347 = arith.addi %mul3A_112, %parallel_loop3A_346 : vector<16xi32>
        %parallel_loop3A_348 = tpu.vector_load_idx %arg8[%parallel_loop3A_347] : memref<4160xf32, #tpu.memory_space<vmem>>[vector<16xi32>], vector<16xf32>,
        %parallel_loop3A_349 = arith.index_cast %parallel_loop3A_321 : i32 to index
        %parallel_loop3A_350 = arith.constant 64 : index
        %parallel_loop3A_351 = tpu.vector_load %arg9[%parallel_loop3A_349, %parallel_loop3A_350] {strides = array<i32>} : memref<128x128xf32, #tpu.memory_space<vmem>>, vector<16xf32>,
        tpu.vector_store %arg9[%parallel_loop3A_349, %parallel_loop3A_350], %parallel_loop3A_348 {strides = array<i32>} : memref<128x128xf32, #tpu.memory_space<vmem>>, vector<16xf32>,
        %parallel_loop3A_352 = vector.broadcast %parallel_loop3A_319 : i32 to vector<16xi32>
        %parallel_loop3A_353 = arith.addi %mul3A_118, %parallel_loop3A_352 : vector<16xi32>
        %parallel_loop3A_354 = tpu.vector_load_idx %arg8[%parallel_loop3A_353] : memref<4160xf32, #tpu.memory_space<vmem>>[vector<16xi32>], vector<16xf32>,
        %parallel_loop3A_355 = arith.index_cast %parallel_loop3A_321 : i32 to index
        %parallel_loop3A_356 = arith.constant 80 : index
        %parallel_loop3A_357 = tpu.vector_load %arg9[%parallel_loop3A_355, %parallel_loop3A_356] {strides = array<i32>} : memref<128x128xf32, #tpu.memory_space<vmem>>, vector<16xf32>,
        tpu.vector_store %arg9[%parallel_loop3A_355, %parallel_loop3A_356], %parallel_loop3A_354 {strides = array<i32>} : memref<128x128xf32, #tpu.memory_space<vmem>>, vector<16xf32>,
        %parallel_loop3A_358 = vector.broadcast %parallel_loop3A_319 : i32 to vector<16xi32>
        %parallel_loop3A_359 = arith.addi %mul3A_124, %parallel_loop3A_358 : vector<16xi32>
        %parallel_loop3A_360 = tpu.vector_load_idx %arg8[%parallel_loop3A_359] : memref<4160xf32, #tpu.memory_space<vmem>>[vector<16xi32>], vector<16xf32>,
        %parallel_loop3A_361 = arith.index_cast %parallel_loop3A_321 : i32 to index
        %parallel_loop3A_362 = arith.constant 96 : index
        %parallel_loop3A_363 = tpu.vector_load %arg9[%parallel_loop3A_361, %parallel_loop3A_362] {strides = array<i32>} : memref<128x128xf32, #tpu.memory_space<vmem>>, vector<16xf32>,
        tpu.vector_store %arg9[%parallel_loop3A_361, %parallel_loop3A_362], %parallel_loop3A_360 {strides = array<i32>} : memref<128x128xf32, #tpu.memory_space<vmem>>, vector<16xf32>,
        %parallel_loop3A_364 = vector.broadcast %parallel_loop3A_319 : i32 to vector<16xi32>
        %parallel_loop3A_365 = arith.addi %mul3A_130, %parallel_loop3A_364 : vector<16xi32>
        %parallel_loop3A_366 = tpu.vector_load_idx %arg8[%parallel_loop3A_365] : memref<4160xf32, #tpu.memory_space<vmem>>[vector<16xi32>], vector<16xf32>,
        %parallel_loop3A_367 = arith.index_cast %parallel_loop3A_321 : i32 to index
        %parallel_loop3A_368 = arith.constant 112 : index
        %parallel_loop3A_369 = tpu.vector_load %arg9[%parallel_loop3A_367, %parallel_loop3A_368] {strides = array<i32>} : memref<128x128xf32, #tpu.memory_space<vmem>>, vector<16xf32>,
        tpu.vector_store %arg9[%parallel_loop3A_367, %parallel_loop3A_368], %parallel_loop3A_366 {strides = array<i32>} : memref<128x128xf32, #tpu.memory_space<vmem>>, vector<16xf32>,
      } {sc.loop_unroll_factor = 8 : i64, sc.parallel_access}
      %mul3A_134 = arith.constant 2 : i32
      %mul3A_135 = arith.muli %add3A_77, %mul3A_134 : i32
      %add3A_136 = arith.constant 1 : i32
      %add3A_137 = arith.addi %mul3A_135, %add3A_136 : i32
      %add3A_138 = vector.broadcast %add3A_137 : i32 to vector<16xi32>
      %add3A_139 = arith.addi %add3A_17, %add3A_138 : vector<16xi32>
      %gather3A_140 = tpu.vector_load_idx %arg6[%add3A_139] : memref<25600xi32, #tpu.memory_space<vmem>>[vector<16xi32>], vector<16xi32>,
      %mul3A_141 = arith.constant 65 : i32
      %mul3A_142 = vector.broadcast %mul3A_141 : i32 to vector<16xi32>
      %mul3A_143 = arith.muli %gather3A_140, %mul3A_142 : vector<16xi32>
      %add3A_144 = vector.broadcast %add3A_137 : i32 to vector<16xi32>
      %add3A_145 = arith.addi %add3A_23, %add3A_144 : vector<16xi32>
      %gather3A_146 = tpu.vector_load_idx %arg6[%add3A_145] : memref<25600xi32, #tpu.memory_space<vmem>>[vector<16xi32>], vector<16xi32>,
      %mul3A_147 = arith.constant 65 : i32
      %mul3A_148 = vector.broadcast %mul3A_147 : i32 to vector<16xi32>
      %mul3A_149 = arith.muli %gather3A_146, %mul3A_148 : vector<16xi32>
      %add3A_150 = vector.broadcast %add3A_137 : i32 to vector<16xi32>
      %add3A_151 = arith.addi %add3A_29, %add3A_150 : vector<16xi32>
      %gather3A_152 = tpu.vector_load_idx %arg6[%add3A_151] : memref<25600xi32, #tpu.memory_space<vmem>>[vector<16xi32>], vector<16xi32>,
      %mul3A_153 = arith.constant 65 : i32
      %mul3A_154 = vector.broadcast %mul3A_153 : i32 to vector<16xi32>
      %mul3A_155 = arith.muli %gather3A_152, %mul3A_154 : vector<16xi32>
      %add3A_156 = vector.broadcast %add3A_137 : i32 to vector<16xi32>
      %add3A_157 = arith.addi %add3A_35, %add3A_156 : vector<16xi32>
      %gather3A_158 = tpu.vector_load_idx %arg6[%add3A_157] : memref<25600xi32, #tpu.memory_space<vmem>>[vector<16xi32>], vector<16xi32>,
      %mul3A_159 = arith.constant 65 : i32
      %mul3A_160 = vector.broadcast %mul3A_159 : i32 to vector<16xi32>
      %mul3A_161 = arith.muli %gather3A_158, %mul3A_160 : vector<16xi32>
      %add3A_162 = vector.broadcast %add3A_137 : i32 to vector<16xi32>
      %add3A_163 = arith.addi %add3A_41, %add3A_162 : vector<16xi32>
      %gather3A_164 = tpu.vector_load_idx %arg6[%add3A_163] : memref<25600xi32, #tpu.memory_space<vmem>>[vector<16xi32>], vector<16xi32>,
      %mul3A_165 = arith.constant 65 : i32
      %mul3A_166 = vector.broadcast %mul3A_165 : i32 to vector<16xi32>
      %mul3A_167 = arith.muli %gather3A_164, %mul3A_166 : vector<16xi32>
      %add3A_168 = vector.broadcast %add3A_137 : i32 to vector<16xi32>
      %add3A_169 = arith.addi %add3A_47, %add3A_168 : vector<16xi32>
      %gather3A_170 = tpu.vector_load_idx %arg6[%add3A_169] : memref<25600xi32, #tpu.memory_space<vmem>>[vector<16xi32>], vector<16xi32>,
      %mul3A_171 = arith.constant 65 : i32
      %mul3A_172 = vector.broadcast %mul3A_171 : i32 to vector<16xi32>
      %mul3A_173 = arith.muli %gather3A_170, %mul3A_172 : vector<16xi32>
      %add3A_174 = vector.broadcast %add3A_137 : i32 to vector<16xi32>
      %add3A_175 = arith.addi %add3A_53, %add3A_174 : vector<16xi32>
      %gather3A_176 = tpu.vector_load_idx %arg6[%add3A_175] : memref<25600xi32, #tpu.memory_space<vmem>>[vector<16xi32>], vector<16xi32>,
      %mul3A_177 = arith.constant 65 : i32
      %mul3A_178 = vector.broadcast %mul3A_177 : i32 to vector<16xi32>
      %mul3A_179 = arith.muli %gather3A_176, %mul3A_178 : vector<16xi32>
      %add3A_180 = vector.broadcast %add3A_137 : i32 to vector<16xi32>
      %add3A_181 = arith.addi %add3A_59, %add3A_180 : vector<16xi32>
      %gather3A_182 = tpu.vector_load_idx %arg6[%add3A_181] : memref<25600xi32, #tpu.memory_space<vmem>>[vector<16xi32>], vector<16xi32>,
      %mul3A_183 = arith.constant 65 : i32
      %mul3A_184 = vector.broadcast %mul3A_183 : i32 to vector<16xi32>
      %mul3A_185 = arith.muli %gather3A_182, %mul3A_184 : vector<16xi32>
      %parallel_loop3A_186 = arith.constant 0 : i32
      %parallel_loop3A_187 = arith.constant 64 : i32
      %parallel_loop3A_188 = arith.constant 1 : i32
      scf.for %parallel_loop3A_319 = %parallel_loop3A_186 to %parallel_loop3A_187 step %parallel_loop3A_188  : i32 {
        %parallel_loop3A_320 = arith.constant 64 : i32
        %parallel_loop3A_321 = arith.addi %parallel_loop3A_320, %parallel_loop3A_319 : i32
        %parallel_loop3A_322 = vector.broadcast %parallel_loop3A_319 : i32 to vector<16xi32>
        %parallel_loop3A_323 = arith.addi %mul3A_143, %parallel_loop3A_322 : vector<16xi32>
        %parallel_loop3A_324 = tpu.vector_load_idx %arg8[%parallel_loop3A_323] : memref<4160xf32, #tpu.memory_space<vmem>>[vector<16xi32>], vector<16xf32>,
        %parallel_loop3A_325 = arith.index_cast %parallel_loop3A_321 : i32 to index
        %parallel_loop3A_326 = arith.constant 0 : index
        %parallel_loop3A_327 = tpu.vector_load %arg9[%parallel_loop3A_325, %parallel_loop3A_326] {strides = array<i32>} : memref<128x128xf32, #tpu.memory_space<vmem>>, vector<16xf32>,
        tpu.vector_store %arg9[%parallel_loop3A_325, %parallel_loop3A_326], %parallel_loop3A_324 {strides = array<i32>} : memref<128x128xf32, #tpu.memory_space<vmem>>, vector<16xf32>,
        %parallel_loop3A_328 = vector.broadcast %parallel_loop3A_319 : i32 to vector<16xi32>
        %parallel_loop3A_329 = arith.addi %mul3A_149, %parallel_loop3A_328 : vector<16xi32>
        %parallel_loop3A_330 = tpu.vector_load_idx %arg8[%parallel_loop3A_329] : memref<4160xf32, #tpu.memory_space<vmem>>[vector<16xi32>], vector<16xf32>,
        %parallel_loop3A_331 = arith.index_cast %parallel_loop3A_321 : i32 to index
        %parallel_loop3A_332 = arith.constant 16 : index
        %parallel_loop3A_333 = tpu.vector_load %arg9[%parallel_loop3A_331, %parallel_loop3A_332] {strides = array<i32>} : memref<128x128xf32, #tpu.memory_space<vmem>>, vector<16xf32>,
        tpu.vector_store %arg9[%parallel_loop3A_331, %parallel_loop3A_332], %parallel_loop3A_330 {strides = array<i32>} : memref<128x128xf32, #tpu.memory_space<vmem>>, vector<16xf32>,
        %parallel_loop3A_334 = vector.broadcast %parallel_loop3A_319 : i32 to vector<16xi32>
        %parallel_loop3A_335 = arith.addi %mul3A_155, %parallel_loop3A_334 : vector<16xi32>
        %parallel_loop3A_336 = tpu.vector_load_idx %arg8[%parallel_loop3A_335] : memref<4160xf32, #tpu.memory_space<vmem>>[vector<16xi32>], vector<16xf32>,
        %parallel_loop3A_337 = arith.index_cast %parallel_loop3A_321 : i32 to index
        %parallel_loop3A_338 = arith.constant 32 : index
        %parallel_loop3A_339 = tpu.vector_load %arg9[%parallel_loop3A_337, %parallel_loop3A_338] {strides = array<i32>} : memref<128x128xf32, #tpu.memory_space<vmem>>, vector<16xf32>,
        tpu.vector_store %arg9[%parallel_loop3A_337, %parallel_loop3A_338], %parallel_loop3A_336 {strides = array<i32>} : memref<128x128xf32, #tpu.memory_space<vmem>>, vector<16xf32>,
        %parallel_loop3A_340 = vector.broadcast %parallel_loop3A_319 : i32 to vector<16xi32>
        %parallel_loop3A_341 = arith.addi %mul3A_161, %parallel_loop3A_340 : vector<16xi32>
        %parallel_loop3A_342 = tpu.vector_load_idx %arg8[%parallel_loop3A_341] : memref<4160xf32, #tpu.memory_space<vmem>>[vector<16xi32>], vector<16xf32>,
        %parallel_loop3A_343 = arith.index_cast %parallel_loop3A_321 : i32 to index
        %parallel_loop3A_344 = arith.constant 48 : index
        %parallel_loop3A_345 = tpu.vector_load %arg9[%parallel_loop3A_343, %parallel_loop3A_344] {strides = array<i32>} : memref<128x128xf32, #tpu.memory_space<vmem>>, vector<16xf32>,
        tpu.vector_store %arg9[%parallel_loop3A_343, %parallel_loop3A_344], %parallel_loop3A_342 {strides = array<i32>} : memref<128x128xf32, #tpu.memory_space<vmem>>, vector<16xf32>,
        %parallel_loop3A_346 = vector.broadcast %parallel_loop3A_319 : i32 to vector<16xi32>
        %parallel_loop3A_347 = arith.addi %mul3A_167, %parallel_loop3A_346 : vector<16xi32>
        %parallel_loop3A_348 = tpu.vector_load_idx %arg8[%parallel_loop3A_347] : memref<4160xf32, #tpu.memory_space<vmem>>[vector<16xi32>], vector<16xf32>,
        %parallel_loop3A_349 = arith.index_cast %parallel_loop3A_321 : i32 to index
        %parallel_loop3A_350 = arith.constant 64 : index
        %parallel_loop3A_351 = tpu.vector_load %arg9[%parallel_loop3A_349, %parallel_loop3A_350] {strides = array<i32>} : memref<128x128xf32, #tpu.memory_space<vmem>>, vector<16xf32>,
        tpu.vector_store %arg9[%parallel_loop3A_349, %parallel_loop3A_350], %parallel_loop3A_348 {strides = array<i32>} : memref<128x128xf32, #tpu.memory_space<vmem>>, vector<16xf32>,
        %parallel_loop3A_352 = vector.broadcast %parallel_loop3A_319 : i32 to vector<16xi32>
        %parallel_loop3A_353 = arith.addi %mul3A_173, %parallel_loop3A_352 : vector<16xi32>
        %parallel_loop3A_354 = tpu.vector_load_idx %arg8[%parallel_loop3A_353] : memref<4160xf32, #tpu.memory_space<vmem>>[vector<16xi32>], vector<16xf32>,
        %parallel_loop3A_355 = arith.index_cast %parallel_loop3A_321 : i32 to index
        %parallel_loop3A_356 = arith.constant 80 : index
        %parallel_loop3A_357 = tpu.vector_load %arg9[%parallel_loop3A_355, %parallel_loop3A_356] {strides = array<i32>} : memref<128x128xf32, #tpu.memory_space<vmem>>, vector<16xf32>,
        tpu.vector_store %arg9[%parallel_loop3A_355, %parallel_loop3A_356], %parallel_loop3A_354 {strides = array<i32>} : memref<128x128xf32, #tpu.memory_space<vmem>>, vector<16xf32>,
        %parallel_loop3A_358 = vector.broadcast %parallel_loop3A_319 : i32 to vector<16xi32>
        %parallel_loop3A_359 = arith.addi %mul3A_179, %parallel_loop3A_358 : vector<16xi32>
        %parallel_loop3A_360 = tpu.vector_load_idx %arg8[%parallel_loop3A_359] : memref<4160xf32, #tpu.memory_space<vmem>>[vector<16xi32>], vector<16xf32>,
        %parallel_loop3A_361 = arith.index_cast %parallel_loop3A_321 : i32 to index
        %parallel_loop3A_362 = arith.constant 96 : index
        %parallel_loop3A_363 = tpu.vector_load %arg9[%parallel_loop3A_361, %parallel_loop3A_362] {strides = array<i32>} : memref<128x128xf32, #tpu.memory_space<vmem>>, vector<16xf32>,
        tpu.vector_store %arg9[%parallel_loop3A_361, %parallel_loop3A_362], %parallel_loop3A_360 {strides = array<i32>} : memref<128x128xf32, #tpu.memory_space<vmem>>, vector<16xf32>,
        %parallel_loop3A_364 = vector.broadcast %parallel_loop3A_319 : i32 to vector<16xi32>
        %parallel_loop3A_365 = arith.addi %mul3A_185, %parallel_loop3A_364 : vector<16xi32>
        %parallel_loop3A_366 = tpu.vector_load_idx %arg8[%parallel_loop3A_365] : memref<4160xf32, #tpu.memory_space<vmem>>[vector<16xi32>], vector<16xf32>,
        %parallel_loop3A_367 = arith.index_cast %parallel_loop3A_321 : i32 to index
        %parallel_loop3A_368 = arith.constant 112 : index
        %parallel_loop3A_369 = tpu.vector_load %arg9[%parallel_loop3A_367, %parallel_loop3A_368] {strides = array<i32>} : memref<128x128xf32, #tpu.memory_space<vmem>>, vector<16xf32>,
        tpu.vector_store %arg9[%parallel_loop3A_367, %parallel_loop3A_368], %parallel_loop3A_366 {strides = array<i32>} : memref<128x128xf32, #tpu.memory_space<vmem>>, vector<16xf32>,
      } {sc.loop_unroll_factor = 8 : i64, sc.parallel_access}
      %mul3A_189 = arith.constant 2 : i32
      %mul3A_190 = arith.muli %add3A_77, %mul3A_189 : i32
      %mul3A_191 = arith.constant 64 : i32
      %mul3A_192 = arith.muli %mul3A_190, %mul3A_191 : i32
      %dma_start3A = tpu.memref_slice %arg4[%mul3A_192, %mul3A_4] : memref<12800x4096xf32, #tpu.memory_space<hbm>> -> memref<128x128xf32, #tpu.memory_space<hbm>>
      %dma_start3A_193 = tpu.memref_slice %arg4[%mul3A_192, %mul3A_4] : memref<12800x4096xf32, #tpu.memory_space<hbm>> -> memref<128x128xf32, #tpu.memory_space<hbm>>
      tpu.enqueue_dma source(%arg9 : memref<128x128xf32, #tpu.memory_space<vmem>>) target(%dma_start3A_193 : memref<128x128xf32, #tpu.memory_space<hbm>>) target_semaphore(%arg11 : memref<!tpu.dma_semaphore, #tpu.memory_space<semaphore_mem>>)
      %mul3A_194 = arith.constant 2 : i32
      %mul3A_195 = arith.muli %scan3A_73, %mul3A_194 : i32
      %add3A_196 = arith.constant 1 : i32
      %add3A_197 = arith.addi %mul3A_195, %add3A_196 : i32
      %gt3A_198 = arith.constant 0 : i32
      %gt3A_199 = arith.cmpi sgt, %scan3A_73, %gt3A_198 : i32
      %convert_element_type3A_200 = arith.extui %gt3A_199 : i1 to i32
      %cond3A_201 = arith.constant 0 : i32
      %cond3A_202 = arith.cmpi ne, %convert_element_type3A_200, %cond3A_201 : i32
      scf.if %cond3A_202 {
        %sub3A = arith.constant 2 : i32
        %sub3A_319 = arith.subi %add3A_197, %sub3A : i32
        %mul3A_320 = arith.constant 2 : i32
        %mul3A_321 = arith.muli %sub3A_319, %mul3A_320 : i32
        %mul3A_322 = arith.constant 64 : i32
        %mul3A_323 = arith.muli %mul3A_321, %mul3A_322 : i32
        %dma_wait3A_324 = tpu.memref_slice %arg4[%mul3A_323, %mul3A_4] : memref<12800x4096xf32, #tpu.memory_space<hbm>> -> memref<128x128xf32, #tpu.memory_space<hbm>>
        %dma_wait3A_325 = tpu.memref_slice %arg4[%mul3A_323, %mul3A_4] : memref<12800x4096xf32, #tpu.memory_space<hbm>> -> memref<128x128xf32, #tpu.memory_space<hbm>>
        tpu.wait_dma2 semaphore(%arg12 : memref<!tpu.dma_semaphore, #tpu.memory_space<semaphore_mem>>) src(%arg10 : memref<128x128xf32, #tpu.memory_space<vmem>>) dst(%dma_wait3A_325 : memref<128x128xf32, #tpu.memory_space<hbm>>)
      } else {
      }
      %mul3A_203 = arith.constant 2 : i32
      %mul3A_204 = arith.muli %add3A_197, %mul3A_203 : i32
      %add3A_205 = arith.constant 0 : i32
      %add3A_206 = arith.addi %mul3A_204, %add3A_205 : i32
      %add3A_207 = vector.broadcast %add3A_206 : i32 to vector<16xi32>
      %add3A_208 = arith.addi %add3A_17, %add3A_207 : vector<16xi32>
      %gather3A_209 = tpu.vector_load_idx %arg6[%add3A_208] : memref<25600xi32, #tpu.memory_space<vmem>>[vector<16xi32>], vector<16xi32>,
      %mul3A_210 = arith.constant 65 : i32
      %mul3A_211 = vector.broadcast %mul3A_210 : i32 to vector<16xi32>
      %mul3A_212 = arith.muli %gather3A_209, %mul3A_211 : vector<16xi32>
      %add3A_213 = vector.broadcast %add3A_206 : i32 to vector<16xi32>
      %add3A_214 = arith.addi %add3A_23, %add3A_213 : vector<16xi32>
      %gather3A_215 = tpu.vector_load_idx %arg6[%add3A_214] : memref<25600xi32, #tpu.memory_space<vmem>>[vector<16xi32>], vector<16xi32>,
      %mul3A_216 = arith.constant 65 : i32
      %mul3A_217 = vector.broadcast %mul3A_216 : i32 to vector<16xi32>
      %mul3A_218 = arith.muli %gather3A_215, %mul3A_217 : vector<16xi32>
      %add3A_219 = vector.broadcast %add3A_206 : i32 to vector<16xi32>
      %add3A_220 = arith.addi %add3A_29, %add3A_219 : vector<16xi32>
      %gather3A_221 = tpu.vector_load_idx %arg6[%add3A_220] : memref<25600xi32, #tpu.memory_space<vmem>>[vector<16xi32>], vector<16xi32>,
      %mul3A_222 = arith.constant 65 : i32
      %mul3A_223 = vector.broadcast %mul3A_222 : i32 to vector<16xi32>
      %mul3A_224 = arith.muli %gather3A_221, %mul3A_223 : vector<16xi32>
      %add3A_225 = vector.broadcast %add3A_206 : i32 to vector<16xi32>
      %add3A_226 = arith.addi %add3A_35, %add3A_225 : vector<16xi32>
      %gather3A_227 = tpu.vector_load_idx %arg6[%add3A_226] : memref<25600xi32, #tpu.memory_space<vmem>>[vector<16xi32>], vector<16xi32>,
      %mul3A_228 = arith.constant 65 : i32
      %mul3A_229 = vector.broadcast %mul3A_228 : i32 to vector<16xi32>
      %mul3A_230 = arith.muli %gather3A_227, %mul3A_229 : vector<16xi32>
      %add3A_231 = vector.broadcast %add3A_206 : i32 to vector<16xi32>
      %add3A_232 = arith.addi %add3A_41, %add3A_231 : vector<16xi32>
      %gather3A_233 = tpu.vector_load_idx %arg6[%add3A_232] : memref<25600xi32, #tpu.memory_space<vmem>>[vector<16xi32>], vector<16xi32>,
      %mul3A_234 = arith.constant 65 : i32
      %mul3A_235 = vector.broadcast %mul3A_234 : i32 to vector<16xi32>
      %mul3A_236 = arith.muli %gather3A_233, %mul3A_235 : vector<16xi32>
      %add3A_237 = vector.broadcast %add3A_206 : i32 to vector<16xi32>
      %add3A_238 = arith.addi %add3A_47, %add3A_237 : vector<16xi32>
      %gather3A_239 = tpu.vector_load_idx %arg6[%add3A_238] : memref<25600xi32, #tpu.memory_space<vmem>>[vector<16xi32>], vector<16xi32>,
      %mul3A_240 = arith.constant 65 : i32
      %mul3A_241 = vector.broadcast %mul3A_240 : i32 to vector<16xi32>
      %mul3A_242 = arith.muli %gather3A_239, %mul3A_241 : vector<16xi32>
      %add3A_243 = vector.broadcast %add3A_206 : i32 to vector<16xi32>
      %add3A_244 = arith.addi %add3A_53, %add3A_243 : vector<16xi32>
      %gather3A_245 = tpu.vector_load_idx %arg6[%add3A_244] : memref<25600xi32, #tpu.memory_space<vmem>>[vector<16xi32>], vector<16xi32>,
      %mul3A_246 = arith.constant 65 : i32
      %mul3A_247 = vector.broadcast %mul3A_246 : i32 to vector<16xi32>
      %mul3A_248 = arith.muli %gather3A_245, %mul3A_247 : vector<16xi32>
      %add3A_249 = vector.broadcast %add3A_206 : i32 to vector<16xi32>
      %add3A_250 = arith.addi %add3A_59, %add3A_249 : vector<16xi32>
      %gather3A_251 = tpu.vector_load_idx %arg6[%add3A_250] : memref<25600xi32, #tpu.memory_space<vmem>>[vector<16xi32>], vector<16xi32>,
      %mul3A_252 = arith.constant 65 : i32
      %mul3A_253 = vector.broadcast %mul3A_252 : i32 to vector<16xi32>
      %mul3A_254 = arith.muli %gather3A_251, %mul3A_253 : vector<16xi32>
      %parallel_loop3A_255 = arith.constant 0 : i32
      %parallel_loop3A_256 = arith.constant 64 : i32
      %parallel_loop3A_257 = arith.constant 1 : i32
      scf.for %parallel_loop3A_319 = %parallel_loop3A_255 to %parallel_loop3A_256 step %parallel_loop3A_257  : i32 {
        %parallel_loop3A_320 = arith.constant 0 : i32
        %parallel_loop3A_321 = arith.addi %parallel_loop3A_320, %parallel_loop3A_319 : i32
        %parallel_loop3A_322 = vector.broadcast %parallel_loop3A_319 : i32 to vector<16xi32>
        %parallel_loop3A_323 = arith.addi %mul3A_212, %parallel_loop3A_322 : vector<16xi32>
        %parallel_loop3A_324 = tpu.vector_load_idx %arg8[%parallel_loop3A_323] : memref<4160xf32, #tpu.memory_space<vmem>>[vector<16xi32>], vector<16xf32>,
        %parallel_loop3A_325 = arith.index_cast %parallel_loop3A_321 : i32 to index
        %parallel_loop3A_326 = arith.constant 0 : index
        %parallel_loop3A_327 = tpu.vector_load %arg10[%parallel_loop3A_325, %parallel_loop3A_326] {strides = array<i32>} : memref<128x128xf32, #tpu.memory_space<vmem>>, vector<16xf32>,
        tpu.vector_store %arg10[%parallel_loop3A_325, %parallel_loop3A_326], %parallel_loop3A_324 {strides = array<i32>} : memref<128x128xf32, #tpu.memory_space<vmem>>, vector<16xf32>,
        %parallel_loop3A_328 = vector.broadcast %parallel_loop3A_319 : i32 to vector<16xi32>
        %parallel_loop3A_329 = arith.addi %mul3A_218, %parallel_loop3A_328 : vector<16xi32>
        %parallel_loop3A_330 = tpu.vector_load_idx %arg8[%parallel_loop3A_329] : memref<4160xf32, #tpu.memory_space<vmem>>[vector<16xi32>], vector<16xf32>,
        %parallel_loop3A_331 = arith.index_cast %parallel_loop3A_321 : i32 to index
        %parallel_loop3A_332 = arith.constant 16 : index
        %parallel_loop3A_333 = tpu.vector_load %arg10[%parallel_loop3A_331, %parallel_loop3A_332] {strides = array<i32>} : memref<128x128xf32, #tpu.memory_space<vmem>>, vector<16xf32>,
        tpu.vector_store %arg10[%parallel_loop3A_331, %parallel_loop3A_332], %parallel_loop3A_330 {strides = array<i32>} : memref<128x128xf32, #tpu.memory_space<vmem>>, vector<16xf32>,
        %parallel_loop3A_334 = vector.broadcast %parallel_loop3A_319 : i32 to vector<16xi32>
        %parallel_loop3A_335 = arith.addi %mul3A_224, %parallel_loop3A_334 : vector<16xi32>
        %parallel_loop3A_336 = tpu.vector_load_idx %arg8[%parallel_loop3A_335] : memref<4160xf32, #tpu.memory_space<vmem>>[vector<16xi32>], vector<16xf32>,
        %parallel_loop3A_337 = arith.index_cast %parallel_loop3A_321 : i32 to index
        %parallel_loop3A_338 = arith.constant 32 : index
        %parallel_loop3A_339 = tpu.vector_load %arg10[%parallel_loop3A_337, %parallel_loop3A_338] {strides = array<i32>} : memref<128x128xf32, #tpu.memory_space<vmem>>, vector<16xf32>,
        tpu.vector_store %arg10[%parallel_loop3A_337, %parallel_loop3A_338], %parallel_loop3A_336 {strides = array<i32>} : memref<128x128xf32, #tpu.memory_space<vmem>>, vector<16xf32>,
        %parallel_loop3A_340 = vector.broadcast %parallel_loop3A_319 : i32 to vector<16xi32>
        %parallel_loop3A_341 = arith.addi %mul3A_230, %parallel_loop3A_340 : vector<16xi32>
        %parallel_loop3A_342 = tpu.vector_load_idx %arg8[%parallel_loop3A_341] : memref<4160xf32, #tpu.memory_space<vmem>>[vector<16xi32>], vector<16xf32>,
        %parallel_loop3A_343 = arith.index_cast %parallel_loop3A_321 : i32 to index
        %parallel_loop3A_344 = arith.constant 48 : index
        %parallel_loop3A_345 = tpu.vector_load %arg10[%parallel_loop3A_343, %parallel_loop3A_344] {strides = array<i32>} : memref<128x128xf32, #tpu.memory_space<vmem>>, vector<16xf32>,
        tpu.vector_store %arg10[%parallel_loop3A_343, %parallel_loop3A_344], %parallel_loop3A_342 {strides = array<i32>} : memref<128x128xf32, #tpu.memory_space<vmem>>, vector<16xf32>,
        %parallel_loop3A_346 = vector.broadcast %parallel_loop3A_319 : i32 to vector<16xi32>
        %parallel_loop3A_347 = arith.addi %mul3A_236, %parallel_loop3A_346 : vector<16xi32>
        %parallel_loop3A_348 = tpu.vector_load_idx %arg8[%parallel_loop3A_347] : memref<4160xf32, #tpu.memory_space<vmem>>[vector<16xi32>], vector<16xf32>,
        %parallel_loop3A_349 = arith.index_cast %parallel_loop3A_321 : i32 to index
        %parallel_loop3A_350 = arith.constant 64 : index
        %parallel_loop3A_351 = tpu.vector_load %arg10[%parallel_loop3A_349, %parallel_loop3A_350] {strides = array<i32>} : memref<128x128xf32, #tpu.memory_space<vmem>>, vector<16xf32>,
        tpu.vector_store %arg10[%parallel_loop3A_349, %parallel_loop3A_350], %parallel_loop3A_348 {strides = array<i32>} : memref<128x128xf32, #tpu.memory_space<vmem>>, vector<16xf32>,
        %parallel_loop3A_352 = vector.broadcast %parallel_loop3A_319 : i32 to vector<16xi32>
        %parallel_loop3A_353 = arith.addi %mul3A_242, %parallel_loop3A_352 : vector<16xi32>
        %parallel_loop3A_354 = tpu.vector_load_idx %arg8[%parallel_loop3A_353] : memref<4160xf32, #tpu.memory_space<vmem>>[vector<16xi32>], vector<16xf32>,
        %parallel_loop3A_355 = arith.index_cast %parallel_loop3A_321 : i32 to index
        %parallel_loop3A_356 = arith.constant 80 : index
        %parallel_loop3A_357 = tpu.vector_load %arg10[%parallel_loop3A_355, %parallel_loop3A_356] {strides = array<i32>} : memref<128x128xf32, #tpu.memory_space<vmem>>, vector<16xf32>,
        tpu.vector_store %arg10[%parallel_loop3A_355, %parallel_loop3A_356], %parallel_loop3A_354 {strides = array<i32>} : memref<128x128xf32, #tpu.memory_space<vmem>>, vector<16xf32>,
        %parallel_loop3A_358 = vector.broadcast %parallel_loop3A_319 : i32 to vector<16xi32>
        %parallel_loop3A_359 = arith.addi %mul3A_248, %parallel_loop3A_358 : vector<16xi32>
        %parallel_loop3A_360 = tpu.vector_load_idx %arg8[%parallel_loop3A_359] : memref<4160xf32, #tpu.memory_space<vmem>>[vector<16xi32>], vector<16xf32>,
        %parallel_loop3A_361 = arith.index_cast %parallel_loop3A_321 : i32 to index
        %parallel_loop3A_362 = arith.constant 96 : index
        %parallel_loop3A_363 = tpu.vector_load %arg10[%parallel_loop3A_361, %parallel_loop3A_362] {strides = array<i32>} : memref<128x128xf32, #tpu.memory_space<vmem>>, vector<16xf32>,
        tpu.vector_store %arg10[%parallel_loop3A_361, %parallel_loop3A_362], %parallel_loop3A_360 {strides = array<i32>} : memref<128x128xf32, #tpu.memory_space<vmem>>, vector<16xf32>,
        %parallel_loop3A_364 = vector.broadcast %parallel_loop3A_319 : i32 to vector<16xi32>
        %parallel_loop3A_365 = arith.addi %mul3A_254, %parallel_loop3A_364 : vector<16xi32>
        %parallel_loop3A_366 = tpu.vector_load_idx %arg8[%parallel_loop3A_365] : memref<4160xf32, #tpu.memory_space<vmem>>[vector<16xi32>], vector<16xf32>,
        %parallel_loop3A_367 = arith.index_cast %parallel_loop3A_321 : i32 to index
        %parallel_loop3A_368 = arith.constant 112 : index
        %parallel_loop3A_369 = tpu.vector_load %arg10[%parallel_loop3A_367, %parallel_loop3A_368] {strides = array<i32>} : memref<128x128xf32, #tpu.memory_space<vmem>>, vector<16xf32>,
        tpu.vector_store %arg10[%parallel_loop3A_367, %parallel_loop3A_368], %parallel_loop3A_366 {strides = array<i32>} : memref<128x128xf32, #tpu.memory_space<vmem>>, vector<16xf32>,
      } {sc.loop_unroll_factor = 8 : i64, sc.parallel_access}
      %mul3A_258 = arith.constant 2 : i32
      %mul3A_259 = arith.muli %add3A_197, %mul3A_258 : i32
      %add3A_260 = arith.constant 1 : i32
      %add3A_261 = arith.addi %mul3A_259, %add3A_260 : i32
      %add3A_262 = vector.broadcast %add3A_261 : i32 to vector<16xi32>
      %add3A_263 = arith.addi %add3A_17, %add3A_262 : vector<16xi32>
      %gather3A_264 = tpu.vector_load_idx %arg6[%add3A_263] : memref<25600xi32, #tpu.memory_space<vmem>>[vector<16xi32>], vector<16xi32>,
      %mul3A_265 = arith.constant 65 : i32
      %mul3A_266 = vector.broadcast %mul3A_265 : i32 to vector<16xi32>
      %mul3A_267 = arith.muli %gather3A_264, %mul3A_266 : vector<16xi32>
      %add3A_268 = vector.broadcast %add3A_261 : i32 to vector<16xi32>
      %add3A_269 = arith.addi %add3A_23, %add3A_268 : vector<16xi32>
      %gather3A_270 = tpu.vector_load_idx %arg6[%add3A_269] : memref<25600xi32, #tpu.memory_space<vmem>>[vector<16xi32>], vector<16xi32>,
      %mul3A_271 = arith.constant 65 : i32
      %mul3A_272 = vector.broadcast %mul3A_271 : i32 to vector<16xi32>
      %mul3A_273 = arith.muli %gather3A_270, %mul3A_272 : vector<16xi32>
      %add3A_274 = vector.broadcast %add3A_261 : i32 to vector<16xi32>
      %add3A_275 = arith.addi %add3A_29, %add3A_274 : vector<16xi32>
      %gather3A_276 = tpu.vector_load_idx %arg6[%add3A_275] : memref<25600xi32, #tpu.memory_space<vmem>>[vector<16xi32>], vector<16xi32>,
      %mul3A_277 = arith.constant 65 : i32
      %mul3A_278 = vector.broadcast %mul3A_277 : i32 to vector<16xi32>
      %mul3A_279 = arith.muli %gather3A_276, %mul3A_278 : vector<16xi32>
      %add3A_280 = vector.broadcast %add3A_261 : i32 to vector<16xi32>
      %add3A_281 = arith.addi %add3A_35, %add3A_280 : vector<16xi32>
      %gather3A_282 = tpu.vector_load_idx %arg6[%add3A_281] : memref<25600xi32, #tpu.memory_space<vmem>>[vector<16xi32>], vector<16xi32>,
      %mul3A_283 = arith.constant 65 : i32
      %mul3A_284 = vector.broadcast %mul3A_283 : i32 to vector<16xi32>
      %mul3A_285 = arith.muli %gather3A_282, %mul3A_284 : vector<16xi32>
      %add3A_286 = vector.broadcast %add3A_261 : i32 to vector<16xi32>
      %add3A_287 = arith.addi %add3A_41, %add3A_286 : vector<16xi32>
      %gather3A_288 = tpu.vector_load_idx %arg6[%add3A_287] : memref<25600xi32, #tpu.memory_space<vmem>>[vector<16xi32>], vector<16xi32>,
      %mul3A_289 = arith.constant 65 : i32
      %mul3A_290 = vector.broadcast %mul3A_289 : i32 to vector<16xi32>
      %mul3A_291 = arith.muli %gather3A_288, %mul3A_290 : vector<16xi32>
      %add3A_292 = vector.broadcast %add3A_261 : i32 to vector<16xi32>
      %add3A_293 = arith.addi %add3A_47, %add3A_292 : vector<16xi32>
      %gather3A_294 = tpu.vector_load_idx %arg6[%add3A_293] : memref<25600xi32, #tpu.memory_space<vmem>>[vector<16xi32>], vector<16xi32>,
      %mul3A_295 = arith.constant 65 : i32
      %mul3A_296 = vector.broadcast %mul3A_295 : i32 to vector<16xi32>
      %mul3A_297 = arith.muli %gather3A_294, %mul3A_296 : vector<16xi32>
      %add3A_298 = vector.broadcast %add3A_261 : i32 to vector<16xi32>
      %add3A_299 = arith.addi %add3A_53, %add3A_298 : vector<16xi32>
      %gather3A_300 = tpu.vector_load_idx %arg6[%add3A_299] : memref<25600xi32, #tpu.memory_space<vmem>>[vector<16xi32>], vector<16xi32>,
      %mul3A_301 = arith.constant 65 : i32
      %mul3A_302 = vector.broadcast %mul3A_301 : i32 to vector<16xi32>
      %mul3A_303 = arith.muli %gather3A_300, %mul3A_302 : vector<16xi32>
      %add3A_304 = vector.broadcast %add3A_261 : i32 to vector<16xi32>
      %add3A_305 = arith.addi %add3A_59, %add3A_304 : vector<16xi32>
      %gather3A_306 = tpu.vector_load_idx %arg6[%add3A_305] : memref<25600xi32, #tpu.memory_space<vmem>>[vector<16xi32>], vector<16xi32>,
      %mul3A_307 = arith.constant 65 : i32
      %mul3A_308 = vector.broadcast %mul3A_307 : i32 to vector<16xi32>
      %mul3A_309 = arith.muli %gather3A_306, %mul3A_308 : vector<16xi32>
      %parallel_loop3A_310 = arith.constant 0 : i32
      %parallel_loop3A_311 = arith.constant 64 : i32
      %parallel_loop3A_312 = arith.constant 1 : i32
      scf.for %parallel_loop3A_319 = %parallel_loop3A_310 to %parallel_loop3A_311 step %parallel_loop3A_312  : i32 {
        %parallel_loop3A_320 = arith.constant 64 : i32
        %parallel_loop3A_321 = arith.addi %parallel_loop3A_320, %parallel_loop3A_319 : i32
        %parallel_loop3A_322 = vector.broadcast %parallel_loop3A_319 : i32 to vector<16xi32>
        %parallel_loop3A_323 = arith.addi %mul3A_267, %parallel_loop3A_322 : vector<16xi32>
        %parallel_loop3A_324 = tpu.vector_load_idx %arg8[%parallel_loop3A_323] : memref<4160xf32, #tpu.memory_space<vmem>>[vector<16xi32>], vector<16xf32>,
        %parallel_loop3A_325 = arith.index_cast %parallel_loop3A_321 : i32 to index
        %parallel_loop3A_326 = arith.constant 0 : index
        %parallel_loop3A_327 = tpu.vector_load %arg10[%parallel_loop3A_325, %parallel_loop3A_326] {strides = array<i32>} : memref<128x128xf32, #tpu.memory_space<vmem>>, vector<16xf32>,
        tpu.vector_store %arg10[%parallel_loop3A_325, %parallel_loop3A_326], %parallel_loop3A_324 {strides = array<i32>} : memref<128x128xf32, #tpu.memory_space<vmem>>, vector<16xf32>,
        %parallel_loop3A_328 = vector.broadcast %parallel_loop3A_319 : i32 to vector<16xi32>
        %parallel_loop3A_329 = arith.addi %mul3A_273, %parallel_loop3A_328 : vector<16xi32>
        %parallel_loop3A_330 = tpu.vector_load_idx %arg8[%parallel_loop3A_329] : memref<4160xf32, #tpu.memory_space<vmem>>[vector<16xi32>], vector<16xf32>,
        %parallel_loop3A_331 = arith.index_cast %parallel_loop3A_321 : i32 to index
        %parallel_loop3A_332 = arith.constant 16 : index
        %parallel_loop3A_333 = tpu.vector_load %arg10[%parallel_loop3A_331, %parallel_loop3A_332] {strides = array<i32>} : memref<128x128xf32, #tpu.memory_space<vmem>>, vector<16xf32>,
        tpu.vector_store %arg10[%parallel_loop3A_331, %parallel_loop3A_332], %parallel_loop3A_330 {strides = array<i32>} : memref<128x128xf32, #tpu.memory_space<vmem>>, vector<16xf32>,
        %parallel_loop3A_334 = vector.broadcast %parallel_loop3A_319 : i32 to vector<16xi32>
        %parallel_loop3A_335 = arith.addi %mul3A_279, %parallel_loop3A_334 : vector<16xi32>
        %parallel_loop3A_336 = tpu.vector_load_idx %arg8[%parallel_loop3A_335] : memref<4160xf32, #tpu.memory_space<vmem>>[vector<16xi32>], vector<16xf32>,
        %parallel_loop3A_337 = arith.index_cast %parallel_loop3A_321 : i32 to index
        %parallel_loop3A_338 = arith.constant 32 : index
        %parallel_loop3A_339 = tpu.vector_load %arg10[%parallel_loop3A_337, %parallel_loop3A_338] {strides = array<i32>} : memref<128x128xf32, #tpu.memory_space<vmem>>, vector<16xf32>,
        tpu.vector_store %arg10[%parallel_loop3A_337, %parallel_loop3A_338], %parallel_loop3A_336 {strides = array<i32>} : memref<128x128xf32, #tpu.memory_space<vmem>>, vector<16xf32>,
        %parallel_loop3A_340 = vector.broadcast %parallel_loop3A_319 : i32 to vector<16xi32>
        %parallel_loop3A_341 = arith.addi %mul3A_285, %parallel_loop3A_340 : vector<16xi32>
        %parallel_loop3A_342 = tpu.vector_load_idx %arg8[%parallel_loop3A_341] : memref<4160xf32, #tpu.memory_space<vmem>>[vector<16xi32>], vector<16xf32>,
        %parallel_loop3A_343 = arith.index_cast %parallel_loop3A_321 : i32 to index
        %parallel_loop3A_344 = arith.constant 48 : index
        %parallel_loop3A_345 = tpu.vector_load %arg10[%parallel_loop3A_343, %parallel_loop3A_344] {strides = array<i32>} : memref<128x128xf32, #tpu.memory_space<vmem>>, vector<16xf32>,
        tpu.vector_store %arg10[%parallel_loop3A_343, %parallel_loop3A_344], %parallel_loop3A_342 {strides = array<i32>} : memref<128x128xf32, #tpu.memory_space<vmem>>, vector<16xf32>,
        %parallel_loop3A_346 = vector.broadcast %parallel_loop3A_319 : i32 to vector<16xi32>
        %parallel_loop3A_347 = arith.addi %mul3A_291, %parallel_loop3A_346 : vector<16xi32>
        %parallel_loop3A_348 = tpu.vector_load_idx %arg8[%parallel_loop3A_347] : memref<4160xf32, #tpu.memory_space<vmem>>[vector<16xi32>], vector<16xf32>,
        %parallel_loop3A_349 = arith.index_cast %parallel_loop3A_321 : i32 to index
        %parallel_loop3A_350 = arith.constant 64 : index
        %parallel_loop3A_351 = tpu.vector_load %arg10[%parallel_loop3A_349, %parallel_loop3A_350] {strides = array<i32>} : memref<128x128xf32, #tpu.memory_space<vmem>>, vector<16xf32>,
        tpu.vector_store %arg10[%parallel_loop3A_349, %parallel_loop3A_350], %parallel_loop3A_348 {strides = array<i32>} : memref<128x128xf32, #tpu.memory_space<vmem>>, vector<16xf32>,
        %parallel_loop3A_352 = vector.broadcast %parallel_loop3A_319 : i32 to vector<16xi32>
        %parallel_loop3A_353 = arith.addi %mul3A_297, %parallel_loop3A_352 : vector<16xi32>
        %parallel_loop3A_354 = tpu.vector_load_idx %arg8[%parallel_loop3A_353] : memref<4160xf32, #tpu.memory_space<vmem>>[vector<16xi32>], vector<16xf32>,
        %parallel_loop3A_355 = arith.index_cast %parallel_loop3A_321 : i32 to index
        %parallel_loop3A_356 = arith.constant 80 : index
        %parallel_loop3A_357 = tpu.vector_load %arg10[%parallel_loop3A_355, %parallel_loop3A_356] {strides = array<i32>} : memref<128x128xf32, #tpu.memory_space<vmem>>, vector<16xf32>,
        tpu.vector_store %arg10[%parallel_loop3A_355, %parallel_loop3A_356], %parallel_loop3A_354 {strides = array<i32>} : memref<128x128xf32, #tpu.memory_space<vmem>>, vector<16xf32>,
        %parallel_loop3A_358 = vector.broadcast %parallel_loop3A_319 : i32 to vector<16xi32>
        %parallel_loop3A_359 = arith.addi %mul3A_303, %parallel_loop3A_358 : vector<16xi32>
        %parallel_loop3A_360 = tpu.vector_load_idx %arg8[%parallel_loop3A_359] : memref<4160xf32, #tpu.memory_space<vmem>>[vector<16xi32>], vector<16xf32>,
        %parallel_loop3A_361 = arith.index_cast %parallel_loop3A_321 : i32 to index
        %parallel_loop3A_362 = arith.constant 96 : index
        %parallel_loop3A_363 = tpu.vector_load %arg10[%parallel_loop3A_361, %parallel_loop3A_362] {strides = array<i32>} : memref<128x128xf32, #tpu.memory_space<vmem>>, vector<16xf32>,
        tpu.vector_store %arg10[%parallel_loop3A_361, %parallel_loop3A_362], %parallel_loop3A_360 {strides = array<i32>} : memref<128x128xf32, #tpu.memory_space<vmem>>, vector<16xf32>,
        %parallel_loop3A_364 = vector.broadcast %parallel_loop3A_319 : i32 to vector<16xi32>
        %parallel_loop3A_365 = arith.addi %mul3A_309, %parallel_loop3A_364 : vector<16xi32>
        %parallel_loop3A_366 = tpu.vector_load_idx %arg8[%parallel_loop3A_365] : memref<4160xf32, #tpu.memory_space<vmem>>[vector<16xi32>], vector<16xf32>,
        %parallel_loop3A_367 = arith.index_cast %parallel_loop3A_321 : i32 to index
        %parallel_loop3A_368 = arith.constant 112 : index
        %parallel_loop3A_369 = tpu.vector_load %arg10[%parallel_loop3A_367, %parallel_loop3A_368] {strides = array<i32>} : memref<128x128xf32, #tpu.memory_space<vmem>>, vector<16xf32>,
        tpu.vector_store %arg10[%parallel_loop3A_367, %parallel_loop3A_368], %parallel_loop3A_366 {strides = array<i32>} : memref<128x128xf32, #tpu.memory_space<vmem>>, vector<16xf32>,
      } {sc.loop_unroll_factor = 8 : i64, sc.parallel_access}
      %mul3A_313 = arith.constant 2 : i32
      %mul3A_314 = arith.muli %add3A_197, %mul3A_313 : i32
      %mul3A_315 = arith.constant 64 : i32
      %mul3A_316 = arith.muli %mul3A_314, %mul3A_315 : i32
      %dma_start3A_317 = tpu.memref_slice %arg4[%mul3A_316, %mul3A_4] : memref<12800x4096xf32, #tpu.memory_space<hbm>> -> memref<128x128xf32, #tpu.memory_space<hbm>>
      %dma_start3A_318 = tpu.memref_slice %arg4[%mul3A_316, %mul3A_4] : memref<12800x4096xf32, #tpu.memory_space<hbm>> -> memref<128x128xf32, #tpu.memory_space<hbm>>
      tpu.enqueue_dma source(%arg10 : memref<128x128xf32, #tpu.memory_space<vmem>>) target(%dma_start3A_318 : memref<128x128xf32, #tpu.memory_space<hbm>>) target_semaphore(%arg12 : memref<!tpu.dma_semaphore, #tpu.memory_space<semaphore_mem>>)
    }
    %scan3A_65 = arith.constant 50 : i32
    %dma_wait3A = arith.constant 12544 : i32
    %dma_wait3A_66 = tpu.memref_slice %arg4[%dma_wait3A, %mul3A_4] : memref<12800x4096xf32, #tpu.memory_space<hbm>> -> memref<128x128xf32, #tpu.memory_space<hbm>>
    %dma_wait3A_67 = arith.constant 12544 : i32
    %dma_wait3A_68 = tpu.memref_slice %arg4[%dma_wait3A_67, %mul3A_4] : memref<12800x4096xf32, #tpu.memory_space<hbm>> -> memref<128x128xf32, #tpu.memory_space<hbm>>
    tpu.wait_dma2 semaphore(%arg11 : memref<!tpu.dma_semaphore, #tpu.memory_space<semaphore_mem>>) src(%arg9 : memref<128x128xf32, #tpu.memory_space<vmem>>) dst(%dma_wait3A_68 : memref<128x128xf32, #tpu.memory_space<hbm>>)
    %dma_wait3A_69 = arith.constant 12672 : i32
    %dma_wait3A_70 = tpu.memref_slice %arg4[%dma_wait3A_69, %mul3A_4] : memref<12800x4096xf32, #tpu.memory_space<hbm>> -> memref<128x128xf32, #tpu.memory_space<hbm>>
    %dma_wait3A_71 = arith.constant 12672 : i32
    %dma_wait3A_72 = tpu.memref_slice %arg4[%dma_wait3A_71, %mul3A_4] : memref<12800x4096xf32, #tpu.memory_space<hbm>> -> memref<128x128xf32, #tpu.memory_space<hbm>>
    tpu.wait_dma2 semaphore(%arg12 : memref<!tpu.dma_semaphore, #tpu.memory_space<semaphore_mem>>) src(%arg10 : memref<128x128xf32, #tpu.memory_space<vmem>>) dst(%dma_wait3A_72 : memref<128x128xf32, #tpu.memory_space<hbm>>)
    return
  }
}

</mosaic_0001>

<sc_bundles>
// kernel: _time_embedding.3.cloned.1.call-start
scs
__scs_entry_jumppad:
0x0: {  	(pc) =	sbr.rel $0x88, $3  }
0x1: {  	(tag) =	ssettag $0x0;
	lr =	simm.s32 $0x1  }
0x2: {  	[smem:$0x3F9F] =	sst lr;
	_ =	strace $0xD0000000  }
0x3: {  	_ = 	snop  }
0x4: {  	_ = 	snop  }
0x5: {  	_ = 	snop  }
0x6: {  	_ = 	snop  }
0x7: {  	_ = 	snop  }
__scs_overlays_trampoline_lowered:
0x8: {  	[smem:$0x3FAE] =	sst s0  }
0x9: {  	[smem:$0x3FAF] =	sst s1  }
0xa: {  	[smem:$0x3FB0] =	sst s2  }
0xb: {  	[smem:$0x3FB1] =	sst s3  }
0xc: {  	[smem:$0x3FB2] =	sst s4  }
0xd: {  	[smem:$0x3FB3] =	sst s5  }
0xe: {  	[smem:$0x3FB4] =	sst s6  }
0xf: {  	[smem:$0x3FB5] =	sst s7  }
0x10: {  	[smem:$0x3FB6] =	sst s8  }
0x11: {  	[smem:$0x3FB7] =	sst s9;
	s0 =	simm.s32 @!p0 $0x0  }
0x12: {  	s1 =	sld [smem:$0x3F9D];
	s0 =	simm.s32 @p0 $0x1  }
0x13: {  	[smem:$0x3FB8] =	sst s0;
	s0 =	simm.s32 @!p1 $0x0  }
0x14: {  	s2 =	sld [smem:$0x3F9C];
	s0 =	simm.s32 @p1 $0x1  }
0x15: {  	[smem:$0x3FB9] =	sst s0;
	s0 =	simm.s32 @!p2 $0x0  }
0x16: {  	s3 =	sld [smem:$0x3FDB];
	s0 =	simm.s32 @p2 $0x1  }
0x17: {  	s4 =	simm.s32 $0x1BF5;
	[smem:$0x3FBB] =	sst s0  }
0x18: {  	s0 =	sld [smem:$0x3F9E];
	_ =	swait.ge [sflag:s4], $0x0  }
0x19: {  	s7 =	sld [smem:$0x3F9F]  }
0x1a: {  	s8 =	sadd.s32 $0xFFFFE003, lr  }
0x1b: {  	s9 =	sadd.s32 $0xFFFFFEF7, lr;
	s5 =	simm.s32 $0xFFFFFFFF;
	p2 =	slt.u32 s8, $0xFFFFF086  }
0x1c: {  	p1 =	slt.u32 s9, $0xF7A;
	s5 =	simm.s32 @!p2 $0x0  }
0x1d: {  	s5 =	simm.s32 @p1 $0x1;
	p0 =	seq.s32 s7, s2  }
0x1e: {  	s7 =	smul.u32 @!p0 $0xF7A, s2;
	p2 =	seq.s32 @!p0 s5, $0x0  }
0x1f: {  	s9 =	smul.u32 $0xF7A, s1;
	s8 =	simm.s32 @!p0 $0x1BF5;
	p2 =	por !p2, p0  }
0x20: {  	[sflag:s8] =	ssyncset.s32 @!p0 $0xFFFFF086;
	s6 =	sadd.s32 @!p0 s3, s7;
	s7 =	simm.s32 @!p0 $0x108  }
0x21: {  	s3 =	sadd.s32 s3, s9;
	s6 =	sadd.s32 @!p0 $0x88, s6;
	s7 =	simm.s32 @p2 $0x1082  }
0x22: {  	[simem:s7], [sflag:s8] =	dma.local @!p0 [hbm:s6], $0xF7A  }
0x23: {  	s9 =	sor.u32 $0xD0000000, s2;
	s6 =	simm.s32 $0x108;
	_ =	swait.ge @!p0 [sflag:s8], $0x0  }
0x24: {  	s3 =	sadd.s32 $0x88, s3;
	s6 =	simm.s32 @!p1 $0x1082;
	[sflag:s4] =	ssyncset.s32 $0xFFFFF086  }
0x25: {  	[simem:s6], [sflag:s4] =	dma.local [hbm:s3], $0xF7A  }
0x26: {  	[smem:$0x3F9F] =	sst s1;
	(tag) =	ssettag s2;
	_ =	strace s9  }
0x27: {  	s1 =	sld [smem:$0x3FAF]  }
0x28: {  	s2 =	sld [smem:$0x3FB0]  }
0x29: {  	s4 =	sld [smem:$0x3FB2]  }
0x2a: {  	p0 =	seq.s32 s5, $0x0;
	s5 =	sld [smem:$0x3FB3]  }
0x2b: {  	s6 =	sld [smem:$0x3FB4]  }
0x2c: {  	s7 =	sld [smem:$0x3FB5]  }
0x2d: {  	s3 =	simm.s32 $0x108;
	s8 =	sld [smem:$0x3FB6]  }
0x2e: {  	s3 =	simm.s32 @!p0 $0x1082;
	s9 =	sld [smem:$0x3FB7]  }
0x2f: {  	lr =	sadd.s32 s0, s3;
	s0 =	sld [smem:$0x3FAE]  }
0x30: {  	s3 =	sld [smem:$0x3FB1]  }
0x31: {  	[smem:$0x3FBA] =	sst s10  }
0x32: {  	s10 =	sld [smem:$0x3FB8];
	_ =	sdelay $0x3  }
0x33: {  	p0 =	seq.s32 s10, $0x1;
	s10 =	sld [smem:$0x3FBA];
	_ =	sdelay $0x3  }
0x34: {  	[smem:$0x3FBA] =	sst s10  }
0x35: {  	s10 =	sld [smem:$0x3FB9];
	_ =	sdelay $0x3  }
0x36: {  	p1 =	seq.s32 s10, $0x1;
	s10 =	sld [smem:$0x3FBA];
	_ =	sdelay $0x3  }
0x37: {  	[smem:$0x3FBA] =	sst s10  }
0x38: {  	s10 =	sld [smem:$0x3FBB]  }
0x39: {  	_ = 	snop;
	(pc) =	sbr.ind lr, $3  }
0x3a: {  	_ = 	snop  }
0x3b: {  	_ = 	snop  }
0x3c: {  	p2 =	seq.s32 s10, $0x1;
	s10 =	sld [smem:$0x3FBA]  }
0x3d: {  	_ =	shalt  }
0x3e: {  	_ =	shalt  }
0x3f: {  	_ =	shalt  }
0x40: {  	_ =	shalt  }
0x41: {  	_ =	shalt  }
0x42: {  	_ =	shalt  }
0x43: {  	_ =	shalt  }
0x44: {  	_ =	shalt  }
0x45: {  	_ =	shalt  }
0x46: {  	_ =	shalt  }
0x47: {  	_ =	shalt  }
0x48: {  	_ =	shalt  }
0x49: {  	_ =	shalt  }
0x4a: {  	_ =	shalt  }
0x4b: {  	_ =	shalt  }
0x4c: {  	_ =	shalt  }
0x4d: {  	_ =	shalt  }
0x4e: {  	_ =	shalt  }
0x4f: {  	_ =	shalt  }
0x50: {  	_ =	shalt  }
0x51: {  	_ =	shalt  }
0x52: {  	_ =	shalt  }
0x53: {  	_ =	shalt  }
0x54: {  	_ =	shalt  }
0x55: {  	_ =	shalt  }
0x56: {  	_ =	shalt  }
0x57: {  	_ =	shalt  }
0x58: {  	_ =	shalt  }
0x59: {  	_ =	shalt  }
0x5a: {  	_ =	shalt  }
0x5b: {  	_ =	shalt  }
0x5c: {  	_ =	shalt  }
0x5d: {  	_ =	shalt  }
0x5e: {  	_ =	shalt  }
0x5f: {  	_ =	shalt  }
0x60: {  	_ =	shalt  }
0x61: {  	_ =	shalt  }
0x62: {  	_ =	shalt  }
0x63: {  	_ =	shalt  }
0x64: {  	_ =	shalt  }
0x65: {  	_ =	shalt  }
0x66: {  	_ =	shalt  }
0x67: {  	_ =	shalt  }
0x68: {  	_ =	shalt  }
0x69: {  	_ =	shalt  }
0x6a: {  	_ =	shalt  }
0x6b: {  	_ =	shalt  }
0x6c: {  	_ =	shalt  }
0x6d: {  	_ =	shalt  }
0x6e: {  	_ =	shalt  }
0x6f: {  	_ =	shalt  }
0x70: {  	_ =	shalt  }
0x71: {  	_ =	shalt  }
0x72: {  	_ =	shalt  }
0x73: {  	_ =	shalt  }
0x74: {  	_ =	shalt  }
0x75: {  	_ =	shalt  }
0x76: {  	_ =	shalt  }
0x77: {  	_ =	shalt  }
0x78: {  	_ =	shalt  }
0x79: {  	_ =	shalt  }
0x7a: {  	_ =	shalt  }
0x7b: {  	_ =	shalt  }
0x7c: {  	_ =	shalt  }
0x7d: {  	_ =	shalt  }
0x7e: {  	_ =	shalt  }
0x7f: {  	_ =	shalt  }
0x80: {  	_ =	shalt  }
0x81: {  	_ =	shalt  }
0x82: {  	_ =	shalt  }
0x83: {  	_ =	shalt  }
0x84: {  	_ =	shalt  }
0x85: {  	_ =	shalt  }
0x86: {  	_ =	shalt  }
0x87: {  	_ =	shalt  }
.Lfunc_end0:
.L_simem_size_0:
called_computation_lowered:
.L_overlay_start_0:
0x88: {  	s2 =	sld [smem:$0x3FD9]  }
0x89: {  	s3 =	sld [smem:$0x3FFE];
	_ =	sdelay $0x1  }
0x8a: {  	s1 =	srdreg.scid  }
0x8b: {  	s0 =	sand.u32 $0x1, s1  }
0x8c: {  	s17 =	sshll.u32 s0, $0xA;
	s2 =	sadd.s32 s3, s2  }
0x8d: {  	s2 =	sadd.s32 s2, s17  }
0x8e: {  	[smem:$0x3FC6] =	sst s2  }
0x8f: {  	_ = 	snop  }
0x90: {  	s2 =	sld [smem:$0x3FD0];
	(tm) =	ssettm $0x1  }
0x91: {  	s18 =	sld [smem:$0x3FFB];
	_ =	sdelay $0x3  }
0x92: {  	_ =	strace s18  }
0x93: {  	s3 =	sld [smem:$0x3FFC];
	_ =	sdelay $0x3  }
0x94: {  	_ =	strace s3  }
0x95: {  	s3 =	sld [smem:$0x3FFD];
	_ =	sdelay $0x3  }
0x96: {  	_ =	strace s3  }
0x97: {  	_ =	strace $0x8FFFFFFF  }
0x98: {  	s19 =	sld [smem:$0x3FDB];
	_ =	sdelay $0x1  }
0x99: {  	s4 =	simm.s32 $_scs_section_size  }
0x9a: {  	s5 =	simm.s32 $_size__tile_overlayer_lowered;
	s6 =	simm.s32 $_tile_overlayer_lowered  }
0x9b: {  	s22 =	simm.s32 $0x1BFF;
	s21 =	sshll.u32 s6, $0x1;
	s3 =	sadd.s32 s4, s19  }
0x9c: {  	s7 =	simm.s32 $0x0;
	s20 =	sshll.u32 s5, $0x1;
	s5 =	sadd.s32 s21, s3  }
0x9d: {  	[timem:s7], [sflag:s22] =	dma.local [hbm:s5], s20  }
0x9e: {  	_ =	swait.ge [sflag:s22], s20  }
0x9f: {  	s4 =	ssub.s32 $0x0, s20;
	[sflag:s22] =	ssyncset.done $0x0  }
0xa0: {  	[sflag:s22] =	ssyncadd.s32 s4;
	_ =	sdelay $0x1  }
0xa1: {  	s23 =	simm.s32 $0x1B8B  }
0xa2: {  	_ =	swait.ge [sflag:s23], $0x1  }
0xa3: {  	[sflag:s23] =	ssyncset.done $0x0  }
0xa4: {  	s25 =	simm.s32 $0x1B8E;
	s24 =	sld [smem:$0x3FFE];
	[sflag:s23] =	ssyncadd.s32 $0xFFFFFFFF  }
0xa5: {  	s26 =	simm.s32 $execute0_lowered;
	[smem:$0x3FD2] =	sst s25  }
0xa6: {  	s5 =	sshll.u32 s26, $0x1;
	_ =	strace $0x80000046;
	[dreg:$0x1] =	wrdreg $0xFFFFFFFF  }
0xa7: {  	s28 =	simm.s32 $_size_execute0_lowered;
	s3 =	sadd.s32 s3, s5;
	[dreg:$0x0] =	wrdreg $0x0  }
0xa8: {  	s5 =	sshll.u32 s28, $0x1;
	[dreg:$0x2] =	wrdreg s3  }
0xa9: {  	[dreg:$0x3] =	wrdreg s5  }
0xaa: {  	[dreg:$0x4] =	wrdreg $0xC0  }
0xab: {  	_ =	task [dreg:s7], $0x5FFFF  }
0xac: {  	[dreg:$0x1] =	wrdreg $0xFFFFFFFF  }
0xad: {  	[dreg:$0x0] =	wrdreg $0x60  }
0xae: {  	[dreg:$0x2] =	wrdreg s24  }
0xaf: {  	[dreg:$0x3] =	wrdreg s2  }
0xb0: {  	[dreg:$0x4] =	wrdreg $0x9  }
0xb1: {  	_ =	task.clear_ibuf [dreg:s7], $0x5FFFF;
	_ =	strace $0x90000046  }
0xb2: {  	s29 =	simm.s32 $0x9;
	_ =	strace $0x80000048  }
0xb3: {  	_ =	swait.ge [sflag:s29], $0x1  }
0xb4: {  	[sflag:s29] =	ssyncadd.s32 $0xFFFFFFFF  }
0xb5: {  	_ =	strace $0x90000048  }
0xb6: {  	_ =	sfence  }
0xb7: {  	s30 =	sld [smem:$0x0];
	_ =	sdelay $0x2  }
0xb8: {  	s31 =	sshll.u32 s1, $0xD;
	s1 =	sshrl.u32 s1, $0x2  }
0xb9: {  	s3 =	sand.u32 $0x4000, s31;
	s1 =	sadd.s32 s1, s30  }
0xba: {  	s0 =	sor.u32 s3, s0;
	s1 =	sshll.u32 s1, $0x11  }
0xbb: {  	s0 =	sor.u32 s1, s0  }
0xbc: {  	s0 =	sadd.s32 $0x8F2B, s0  }
0xbd: {  	[sflag:s0] =	ssyncadd.remote.s32 $0x1  }
0xbe: {  	_ =	sfence.sel $0xFFFF  }
0xbf: {  	[dreg:$0x0] =	wrdreg $0xFFFFFFFF;
	(pc) =	sbr.abs _section_cstart, $3  }
0xc0: {  	[dreg:$0x1] =	wrdreg $0xFFFFFFFF  }
0xc1: {  	_ =	task.clear_ibuf [dreg:s7], $0x2FFFF;
	_ =	strace $0x9FFFFFFF  }
0xc2: {  	(tm) =	ssettm $0x7FFFFFFF  }
0xc3: {  	_ =	shalt  }
tec
execute0_lowered:
.L_overlay_start_1:
0x0: {  	(tag) =	ssettag $0x1  }
0x1: {  	s1 =	srdreg.scid;
	s2 =	stileid.u32  }
0x2: {  	s1 =	sand.u32 $0x1, s1;
	s2 =	sshll.u32 s2, $0x1  }
0x3: {  	s0 =	rddreg [dreg:$0x0];
	s3 =	simm.s32 $0x0;
	s2 =	sor.u32 s1, s2  }
0x4: {  	v0 =	vlaneseq.u32;
	[smem:$0x7FF] =	sst s3;
	s1 =	ssub.s32 $0x2, s1;
	s29 =	smul.u32 $0xC80, s2  }
0x5: {  	v1 =	vmul.u32 $0xC8, v0;
	_ =	strace $0x80000047;
	s30 =	sshrl.u32 s1, $0x1;
	s14 =	sshll.u32 s2, $0xA  }
0x6: {  	[dreg:$0x1f] =	wrdreg s14;
	s3 =	sadd.s32 s29, s0;
	s0 =	sadd.s32 $0x400, s0  }
0x7: {  	v2 =	vimm.s32 $0x0;
	v3 =	vadd.s32 $0xC80, v1;
	[dreg:$0x1d] =	wrdreg s0;
	s0 =	ssub.s32 s1, s30;
	s31 =	sadd.s32 $0x600, s3  }
0x8: {  	v4 =	vadd.s32 $0x1900, v1;
	v5 =	vadd.s32 $0x2580, v1;
	v6 =	vadd.s32 $0x3200, v1;
	[dreg:$0x1e] =	wrdreg s31;
	s0 =	smax.u32 s0, $0x1  }
0x9: {  	s10 =	simm.s32 $0xD800;
	v7 =	vadd.s32 $0x3E80, v1;
	v8 =	vadd.s32 $0x4B00, v1;
	v9 =	vadd.s32 $0x5780, v1;
	s2 =	simm.s32 $0x0;
	[smem:$0x7FD] =	sst s0  }
.LBB2_1:
0xa: {  	[smem:$0x7FC] =	sst s2  }
0xb: {  	s0 =	simm.s32 $0x0;
	s1 =	rddreg [dreg:$0x1e];
	s30 =	simm.s32 $0x3  }
0xc: {  	[tilespmem:s0], [sflag:$0x3] =	stream.linear.gather [hbm4b:s1+s0], $0x6400, $0x38;
	[tilespmem:$0x16880] =	vst v63  }
0xd: {  	_ =	swait.ge [sflag:s30], $0x6400  }
0xe: {  	[sflag:s30] =	ssyncset.done $0x0  }
0xf: {  	s3 =	simm.s32 $0xC800;
	s31 =	rddreg [dreg:$0x1d];
	[sflag:s30] =	ssyncadd.s32 $0xFFFF9C00  }
0x10: {  	[tilespmem:s3], [sflag:$0x3] =	stream.linear.gather [hbm4b:s31+s0], $0x1000, $0x38;
	[tilespmem:$0x16880] =	vst v63  }
0x11: {  	_ =	swait.ge [sflag:s30], $0x1000  }
0x12: {  	s2 =	simm.s32 $0x71;
	s1 =	simm.s32 $0xC820;
	[sflag:s30] =	ssyncset.done $0x0  }
0x13: {  	s0 =	simm.s32 $0x30;
	s3 =	simm.s32 $0x0;
	[sflag:s30] =	ssyncadd.s32 $0xFFFFF000  }
.LBB2_2:
0x14: {  	p0 =	sne.s32 s2, $0x102F;
	v10 =	vld [tilespmem:s1+$0xFFFFFFE0];
	v11 =	vadd.s32 s3, v0;
	_ =	sdelay $0x4  }
0x15: {  	s3 =	sadd.s32 $0xFFFFFFE0, s0;
	[tilespmem:v11+s10+$0x0] =	vst.idx.msk $0xffff, v10  }
0x16: {  	v11 =	vadd.s32 s3, v0;
	v10 =	vld [tilespmem:s1+$0xFFFFFFF0];
	_ =	sdelay $0x4  }
0x17: {  	s3 =	sadd.s32 $0xFFFFFFF0, s0;
	[tilespmem:v11+s10+$0x0] =	vst.idx.msk $0xffff, v10  }
0x18: {  	v11 =	vadd.s32 s3, v0;
	v10 =	vld [tilespmem:s1+$0x0];
	_ =	sdelay $0x4  }
0x19: {  	[tilespmem:v11+s10+$0x0] =	vst.idx.msk $0xffff, v10  }
0x1a: {  	v11 =	vadd.s32 s0, v0;
	s0 =	smov.u32 s2;
	v10 =	vld [tilespmem:s1+$0x10]  }
.Ltmp0:
0x1b: {  	(pc) =	sbr.rel @p0 .LBB2_2-.Ltmp0, $2  }
0x1c: {  	_ =	sdelay $0x2  }
0x1d: {  	s2 =	sadd.s32 $0x41, s2;
	s3 =	sadd.s32 $0xFFFFFFD0, s0;
	s1 =	sadd.s32 $0x40, s1;
	[tilespmem:v11+s10+$0x0] =	vst.idx.msk $0xffff, v10  }
0x1e: {  	v10 =	vld [tilespmem:s1+$0xFFFFFFE0];
	v11 =	vadd.s32 s3, v0;
	_ =	sdelay $0x4  }
0x1f: {  	s2 =	sadd.s32 $0xFFFFFFE0, s0;
	[tilespmem:v11+s10+$0x0] =	vst.idx.msk $0xffff, v10  }
0x20: {  	v11 =	vadd.s32 s2, v0;
	v10 =	vld [tilespmem:s1+$0xFFFFFFF0];
	_ =	sdelay $0x4  }
0x21: {  	s20 =	sadd.s32 $0xFFFFFFF0, s0;
	[tilespmem:v11+s10+$0x0] =	vst.idx.msk $0xffff, v10  }
0x22: {  	v11 =	vadd.s32 s20, v0;
	v10 =	vld [tilespmem:s1+$0x0];
	_ =	sdelay $0x4  }
0x23: {  	[tilespmem:v11+s10+$0x0] =	vst.idx.msk $0xffff, v10  }
0x24: {  	v11 =	vadd.s32 s0, v0;
	v10 =	vld [tilespmem:s1+$0x10];
	_ =	sdelay $0x4  }
0x25: {  	s4 =	simm.s32 $0xB8;
	[tilespmem:v11+s10+$0x0] =	vst.idx.msk $0xffff, v10  }
0x26: {  	v10 =	vld [tilespmem:s4+$0x0];
	_ =	sdelay $0x4  }
0x27: {  	v10 =	vxor.u32 $0x80000000, v10  }
0x28: {  	(xrf0) =	vmax.scan.msk.u32 $0xffff, v10;
	_ =	sdelay $0x5  }
0x29: {  	v10, _, _ =	vpop (xrf0)  }
0x2a: {  	(v2sf) =	vpush v10, $0xF;
	_ =	sdelay $0xe  }
0x2b: {  	s21 =	spop (v2sf)  }
0x2c: {  	s0 =	sxor.u32 $0x80000000, s21  }
0x2d: {  	s22 =	smulhi.u32 $0x91A2B3C5, s0;
	s23 =	sshra.s32 s0, $0x1F  }
0x2e: {  	s2 =	smul.u32 $0x91A2B3C5, s23  }
0x2f: {  	s1 =	ssub.s32 s22, s0  }
0x30: {  	s1 =	sadd.s32 s2, s1  }
0x31: {  	s0 =	sadd.s32 s0, s1  }
0x32: {  	v10 =	vld [tilespmem:s4+$0xFFFFFF48];
	s1 =	sshrl.u32 s0, $0x1F;
	s0 =	sshra.s32 s0, $0xB  }
0x33: {  	s0 =	sadd.s32 s1, s0  }
0x34: {  	s7 =	smul.u32 $0xE10, s0;
	_ =	sdelay $0x1  }
0x35: {  	s12 =	sadd.s32 $0xFFFFF1F0, s7  }
0x36: {  	vm0 =	vlt.s32 v10, s7;
	s28 =	sadd.s32 $0xFFFFABA0, s7;
	vm1 =	vlt.s32 v10, s12  }
0x37: {  	s0 =	sadd.s32 $0xFFFEF4D0, s7;
	v11 =	vsel vm0, $0x1, v2;
	vm0 =	vlt.s32 v10, s28;
	v12 =	vsel vm1, $0x1, v2  }
0x38: {  	s19 =	sadd.s32 $0xFFFD16B0, s7;
	v11 =	vadd.s32 v11, v12;
	v12 =	vsel vm0, $0x1, v2;
	vm0 =	vlt.s32 v10, s0  }
0x39: {  	s22 =	sadd.s32 $0xFFF7ECD0, s7;
	v11 =	vadd.s32 v12, v11;
	v12 =	vsel vm0, $0x1, v2;
	vm0 =	vlt.s32 v10, s19  }
0x3a: {  	s11 =	sadd.s32 $0xFFE9EAE0, s7;
	vm1 =	vlt.s32 v10, s22;
	v11 =	vadd.s32 v12, v11;
	v12 =	vsel vm0, $0x1, v2  }
0x3b: {  	s8 =	sadd.s32 $0xFFC3D990, s7;
	vm0 =	vlt.s32 v10, s11;
	v11 =	vadd.s32 v12, v11;
	v12 =	vsel vm1, $0x1, v2  }
0x3c: {  	s31 =	sadd.s32 $0xFF5C5BD0, s7;
	vm1 =	vlt.s32 v10, s8;
	v13 =	vsel vm0, $0x1, v2;
	v11 =	vadd.s32 v12, v11  }
0x3d: {  	s13 =	sadd.s32 $0xFE42F1A0, s7;
	vm0 =	vlt.s32 v10, s31;
	v12 =	vsel vm1, $0x1, v2;
	v11 =	vadd.s32 v13, v11  }
0x3e: {  	s29 =	sadd.s32 $0xFB462170, s7;
	v11 =	vadd.s32 v12, v11;
	v12 =	vsel vm0, $0x1, v2;
	vm0 =	vlt.s32 v10, s13  }
0x3f: {  	s9 =	sadd.s32 $0xF32713F0, s7;
	v11 =	vadd.s32 v12, v11;
	v12 =	vsel vm0, $0x1, v2;
	vm0 =	vlt.s32 v10, s29  }
0x40: {  	s30 =	sadd.s32 $0xDD13B5F0, s7;
	v11 =	vadd.s32 v12, v11;
	v12 =	vsel vm0, $0x1, v2;
	vm0 =	vlt.s32 v10, s9  }
0x41: {  	s16 =	sadd.s32 $0xA1119540, s7;
	v11 =	vadd.s32 v12, v11;
	v12 =	vsel vm0, $0x1, v2;
	vm0 =	vlt.s32 v10, s30  }
0x42: {  	v11 =	vadd.s32 v12, v11;
	v12 =	vsel vm0, $0x1, v2;
	vm0 =	vlt.s32 v10, s16  }
0x43: {  	v10 =	vadd.s32 v12, v11;
	v11 =	vsel vm0, $0x1, v2  }
0x44: {  	s14 =	simm.s32 $0x6460;
	v10 =	vadd.s32 v11, v10  }
0x45: {  	[tilespmem:s14+$0xFFFFFFA0] =	vst v10  }
0x46: {  	v10 =	vld [tilespmem:s4+$0xFFFFFF58];
	_ =	sdelay $0x4  }
0x47: {  	vm0 =	vlt.s32 v10, s7;
	vm1 =	vlt.s32 v10, s12  }
0x48: {  	v11 =	vsel vm0, $0x1, v2;
	v12 =	vsel vm1, $0x1, v2;
	vm0 =	vlt.s32 v10, s28  }
0x49: {  	v11 =	vadd.s32 v11, v12;
	v12 =	vsel vm0, $0x1, v2;
	vm0 =	vlt.s32 v10, s0  }
0x4a: {  	vm1 =	vlt.s32 v10, s19;
	v11 =	vadd.s32 v12, v11;
	v12 =	vsel vm0, $0x1, v2  }
0x4b: {  	vm0 =	vlt.s32 v10, s22;
	v11 =	vadd.s32 v12, v11;
	v12 =	vsel vm1, $0x1, v2  }
0x4c: {  	vm1 =	vlt.s32 v10, s11;
	v13 =	vsel vm0, $0x1, v2;
	v11 =	vadd.s32 v12, v11  }
0x4d: {  	vm0 =	vlt.s32 v10, s8;
	v12 =	vsel vm1, $0x1, v2;
	v11 =	vadd.s32 v13, v11  }
0x4e: {  	s15 =	simm.s32 $0x180;
	vm1 =	vlt.s32 v10, s31;
	v11 =	vadd.s32 v12, v11;
	v12 =	vsel vm0, $0x1, v2  }
0x4f: {  	v13 =	vld [tilespmem:s15+$0x0];
	vm0 =	vlt.s32 v10, s13;
	v11 =	vadd.s32 v12, v11;
	v12 =	vsel vm1, $0x1, v2  }
0x50: {  	v11 =	vadd.s32 v12, v11;
	v12 =	vsel vm0, $0x1, v2;
	vm0 =	vlt.s32 v10, s29  }
0x51: {  	v11 =	vadd.s32 v12, v11;
	v12 =	vsel vm0, $0x1, v2;
	vm0 =	vlt.s32 v10, s9  }
0x52: {  	v11 =	vadd.s32 v12, v11;
	v12 =	vsel vm0, $0x1, v2;
	vm0 =	vlt.s32 v10, s30  }
0x53: {  	v11 =	vadd.s32 v12, v11;
	v12 =	vsel vm0, $0x1, v2;
	vm0 =	vlt.s32 v10, s16  }
0x54: {  	v10 =	vxor.u32 $0x80000000, v13;
	v11 =	vadd.s32 v12, v11;
	v12 =	vsel vm0, $0x1, v2  }
0x55: {  	(xrf0) =	vmax.scan.msk.u32 $0xffff, v10;
	v11 =	vadd.s32 v12, v11  }
0x56: {  	[tilespmem:s14+$0xFFFFFFB0] =	vst v11  }
0x57: {  	v10 =	vld [tilespmem:s4+$0xFFFFFF68];
	_ =	sdelay $0x3  }
0x58: {  	v11, _, _ =	vpop (xrf0)  }
0x59: {  	(v2sf) =	vpush v11, $0xF;
	vm0 =	vlt.s32 v10, s7;
	vm1 =	vlt.s32 v10, s12  }
0x5a: {  	v11 =	vsel vm0, $0x1, v2;
	v12 =	vsel vm1, $0x1, v2;
	vm0 =	vlt.s32 v10, s28  }
0x5b: {  	v11 =	vadd.s32 v11, v12;
	v12 =	vsel vm0, $0x1, v2;
	vm0 =	vlt.s32 v10, s0  }
0x5c: {  	vm1 =	vlt.s32 v10, s19;
	v11 =	vadd.s32 v12, v11;
	v12 =	vsel vm0, $0x1, v2  }
0x5d: {  	vm0 =	vlt.s32 v10, s22;
	v11 =	vadd.s32 v12, v11;
	v12 =	vsel vm1, $0x1, v2  }
0x5e: {  	vm1 =	vlt.s32 v10, s11;
	v13 =	vsel vm0, $0x1, v2;
	v11 =	vadd.s32 v12, v11  }
0x5f: {  	vm0 =	vlt.s32 v10, s8;
	v12 =	vsel vm1, $0x1, v2;
	v11 =	vadd.s32 v13, v11  }
0x60: {  	vm1 =	vlt.s32 v10, s31;
	v11 =	vadd.s32 v12, v11;
	v12 =	vsel vm0, $0x1, v2  }
0x61: {  	vm0 =	vlt.s32 v10, s13;
	v11 =	vadd.s32 v12, v11;
	v12 =	vsel vm1, $0x1, v2  }
0x62: {  	v11 =	vadd.s32 v12, v11;
	v12 =	vsel vm0, $0x1, v2;
	vm0 =	vlt.s32 v10, s29  }
0x63: {  	v11 =	vadd.s32 v12, v11;
	v12 =	vsel vm0, $0x1, v2;
	vm0 =	vlt.s32 v10, s9  }
0x64: {  	v11 =	vadd.s32 v12, v11;
	v12 =	vsel vm0, $0x1, v2;
	vm0 =	vlt.s32 v10, s30  }
0x65: {  	v11 =	vadd.s32 v12, v11;
	v12 =	vsel vm0, $0x1, v2;
	vm0 =	vlt.s32 v10, s16  }
0x66: {  	v10 =	vadd.s32 v12, v11;
	v11 =	vsel vm0, $0x1, v2  }
0x67: {  	v10 =	vadd.s32 v11, v10  }
0x68: {  	[tilespmem:s14+$0xFFFFFFC0] =	vst v10  }
0x69: {  	v10 =	vld [tilespmem:s4+$0xFFFFFF78];
	_ =	sdelay $0x4  }
0x6a: {  	vm0 =	vlt.s32 v10, s7;
	vm1 =	vlt.s32 v10, s12  }
0x6b: {  	v11 =	vsel vm0, $0x1, v2;
	v12 =	vsel vm1, $0x1, v2;
	vm0 =	vlt.s32 v10, s28  }
0x6c: {  	v11 =	vadd.s32 v11, v12;
	v12 =	vsel vm0, $0x1, v2;
	vm0 =	vlt.s32 v10, s0  }
0x6d: {  	s24 =	spop (v2sf);
	vm1 =	vlt.s32 v10, s19;
	v11 =	vadd.s32 v12, v11;
	v12 =	vsel vm0, $0x1, v2  }
0x6e: {  	s2 =	sxor.u32 $0x80000000, s24;
	vm0 =	vlt.s32 v10, s22;
	v11 =	vadd.s32 v12, v11;
	v12 =	vsel vm1, $0x1, v2  }
0x6f: {  	s5 =	smulhi.u32 $0x91A2B3C5, s2;
	s25 =	sshra.s32 s2, $0x1F;
	vm1 =	vlt.s32 v10, s11;
	v13 =	vsel vm0, $0x1, v2;
	v11 =	vadd.s32 v12, v11  }
0x70: {  	s3 =	smul.u32 $0x91A2B3C5, s25;
	vm0 =	vlt.s32 v10, s8;
	v12 =	vsel vm1, $0x1, v2;
	v11 =	vadd.s32 v13, v11  }
0x71: {  	s5 =	ssub.s32 s5, s2;
	vm1 =	vlt.s32 v10, s31;
	v11 =	vadd.s32 v12, v11;
	v12 =	vsel vm0, $0x1, v2  }
0x72: {  	s5 =	sadd.s32 s3, s5;
	vm0 =	vlt.s32 v10, s13;
	v11 =	vadd.s32 v12, v11;
	v12 =	vsel vm1, $0x1, v2  }
0x73: {  	s2 =	sadd.s32 s2, s5;
	v11 =	vadd.s32 v12, v11;
	v12 =	vsel vm0, $0x1, v2;
	vm0 =	vlt.s32 v10, s29  }
0x74: {  	s5 =	sshrl.u32 s2, $0x1F;
	s2 =	sshra.s32 s2, $0xB;
	v13 =	vld [tilespmem:s15+$0xFFFFFF48];
	v11 =	vadd.s32 v12, v11;
	v12 =	vsel vm0, $0x1, v2;
	vm0 =	vlt.s32 v10, s9  }
0x75: {  	s2 =	sadd.s32 s5, s2;
	v11 =	vadd.s32 v12, v11;
	v12 =	vsel vm0, $0x1, v2;
	vm0 =	vlt.s32 v10, s30  }
0x76: {  	s1 =	smul.u32 $0xE10, s2;
	v11 =	vadd.s32 v12, v11;
	v12 =	vsel vm0, $0x1, v2;
	vm0 =	vlt.s32 v10, s16  }
0x77: {  	v10 =	vadd.s32 v12, v11;
	v11 =	vsel vm0, $0x1, v2  }
0x78: {  	s6 =	sadd.s32 $0xFFFFF1F0, s1;
	v10 =	vadd.s32 v11, v10  }
0x79: {  	s5 =	sadd.s32 $0xFFFFABA0, s1;
	vm2 =	vlt.s32 v13, s1;
	vm3 =	vlt.s32 v13, s6;
	[tilespmem:s14+$0xFFFFFFD0] =	vst v10  }
0x7a: {  	s3 =	sadd.s32 $0xFFFEF4D0, s1;
	v12 =	vsel vm3, $0x1, v2;
	v11 =	vsel vm2, $0x1, v2;
	vm2 =	vlt.s32 v13, s5;
	v10 =	vld [tilespmem:s4+$0xFFFFFF88]  }
0x7b: {  	s23 =	sadd.s32 $0xFFFD16B0, s1;
	v11 =	vadd.s32 v11, v12;
	v12 =	vsel vm2, $0x1, v2;
	vm2 =	vlt.s32 v13, s3  }
0x7c: {  	s21 =	sadd.s32 $0xFFE9EAE0, s1;
	v11 =	vadd.s32 v12, v11;
	v12 =	vsel vm2, $0x1, v2;
	vm2 =	vlt.s32 v13, s23  }
0x7d: {  	s25 =	sadd.s32 $0xFFF7ECD0, s1;
	vm3 =	vlt.s32 v13, s21;
	v11 =	vadd.s32 v12, v11;
	v12 =	vsel vm2, $0x1, v2  }
0x7e: {  	v14 =	vsel vm3, $0x1, v2;
	vm2 =	vlt.s32 v13, s25;
	v11 =	vadd.s32 v12, v11  }
0x7f: {  	v12 =	vsel vm2, $0x1, v2;
	vm2 =	vlt.s32 v10, s7;
	vm3 =	vlt.s32 v10, s12  }
0x80: {  	vm4 =	vlt.s32 v10, s28;
	v15 =	vsel vm2, $0x1, v2;
	v16 =	vsel vm3, $0x1, v2  }
0x81: {  	vm2 =	vlt.s32 v10, s0;
	v41 =	vsel vm4, $0x1, v2;
	v15 =	vadd.s32 v15, v16  }
0x82: {  	v42 =	vsel vm2, $0x1, v2;
	vm2 =	vlt.s32 v10, s19;
	v15 =	vadd.s32 v41, v15  }
0x83: {  	v43 =	vsel vm2, $0x1, v2;
	vm2 =	vlt.s32 v10, s22;
	v15 =	vadd.s32 v42, v15  }
0x84: {  	v44 =	vsel vm2, $0x1, v2;
	vm2 =	vlt.s32 v10, s11;
	v15 =	vadd.s32 v43, v15  }
0x85: {  	v45 =	vsel vm2, $0x1, v2;
	vm2 =	vlt.s32 v10, s8;
	v15 =	vadd.s32 v44, v15  }
0x86: {  	v46 =	vsel vm2, $0x1, v2;
	vm2 =	vlt.s32 v10, s31;
	v15 =	vadd.s32 v45, v15  }
0x87: {  	v47 =	vsel vm2, $0x1, v2;
	vm2 =	vlt.s32 v10, s13;
	v15 =	vadd.s32 v46, v15  }
0x88: {  	v48 =	vsel vm2, $0x1, v2;
	vm2 =	vlt.s32 v10, s29;
	v15 =	vadd.s32 v47, v15  }
0x89: {  	v49 =	vsel vm2, $0x1, v2;
	vm2 =	vlt.s32 v10, s9;
	v15 =	vadd.s32 v48, v15  }
0x8a: {  	v50 =	vsel vm2, $0x1, v2;
	vm2 =	vlt.s32 v10, s30;
	v15 =	vadd.s32 v49, v15  }
0x8b: {  	v51 =	vsel vm2, $0x1, v2;
	vm2 =	vlt.s32 v10, s16;
	v15 =	vadd.s32 v50, v15  }
0x8c: {  	s17 =	sadd.s32 $0xFFC3D990, s1;
	s2 =	sadd.s32 $0xFE42F1A0, s1;
	v10 =	vadd.s32 v12, v11;
	v12 =	vsel vm2, $0x1, v2;
	v11 =	vadd.s32 v51, v15  }
0x8d: {  	s18 =	sadd.s32 $0xFF5C5BD0, s1;
	vm1 =	vlt.s32 v13, s17;
	[dreg:$0x9] =	wrdreg s2;
	v11 =	vadd.s32 v12, v11  }
0x8e: {  	s26 =	sadd.s32 $0xFB462170, s1;
	vm0 =	vlt.s32 v13, s18;
	v10 =	vadd.s32 v14, v10;
	v14 =	vsel vm1, $0x1, v2;
	[tilespmem:s14+$0xFFFFFFE0] =	vst v11  }
0x8f: {  	v10 =	vadd.s32 v14, v10;
	v12 =	vsel vm0, $0x1, v2;
	vm0 =	vlt.s32 v13, s2;
	[dreg:$0x4] =	wrdreg s26  }
0x90: {  	s20 =	sadd.s32 $0xF32713F0, s1;
	v10 =	vadd.s32 v12, v10;
	v11 =	vsel vm0, $0x1, v2;
	vm0 =	vlt.s32 v13, s26;
	v12 =	vld [tilespmem:s4+$0xFFFFFF98]  }
0x91: {  	s24 =	sadd.s32 $0xDD13B5F0, s1;
	v10 =	vadd.s32 v11, v10;
	v11 =	vsel vm0, $0x1, v2;
	vm0 =	vlt.s32 v13, s20  }
0x92: {  	s26 =	sadd.s32 $0xA1119540, s1;
	v10 =	vadd.s32 v11, v10;
	v11 =	vsel vm0, $0x1, v2;
	vm0 =	vlt.s32 v13, s24  }
0x93: {  	v10 =	vadd.s32 v11, v10;
	v11 =	vsel vm0, $0x1, v2;
	vm0 =	vlt.s32 v13, s26  }
0x94: {  	v10 =	vadd.s32 v11, v10;
	v11 =	vsel vm0, $0x1, v2  }
0x95: {  	v10 =	vadd.s32 v11, v10;
	vm0 =	vlt.s32 v12, s7;
	vm1 =	vlt.s32 v12, s12  }
0x96: {  	v11 =	vsel vm0, $0x1, v2;
	v13 =	vsel vm1, $0x1, v2;
	vm0 =	vlt.s32 v12, s28  }
0x97: {  	v11 =	vadd.s32 v13, v11;
	v13 =	vsel vm0, $0x1, v2;
	vm0 =	vlt.s32 v12, s0  }
0x98: {  	v11 =	vadd.s32 v13, v11;
	v13 =	vsel vm0, $0x1, v2;
	vm0 =	vlt.s32 v12, s19  }
0x99: {  	v11 =	vadd.s32 v13, v11;
	v13 =	vsel vm0, $0x1, v2;
	vm0 =	vlt.s32 v12, s22  }
0x9a: {  	v11 =	vadd.s32 v13, v11;
	v13 =	vsel vm0, $0x1, v2;
	vm0 =	vlt.s32 v12, s11  }
0x9b: {  	[dreg:$0xb] =	wrdreg s20;
	v11 =	vadd.s32 v13, v11;
	v13 =	vsel vm0, $0x1, v2;
	vm0 =	vlt.s32 v12, s8  }
0x9c: {  	[dreg:$0xc] =	wrdreg s24;
	v11 =	vadd.s32 v13, v11;
	v13 =	vsel vm0, $0x1, v2;
	vm0 =	vlt.s32 v12, s31  }
0x9d: {  	[dreg:$0xd] =	wrdreg s26;
	s20 =	simm.s32 $0x6528;
	v11 =	vadd.s32 v13, v11;
	v13 =	vsel vm0, $0x1, v2;
	vm0 =	vlt.s32 v12, s13  }
0x9e: {  	s26 =	simm.s32 $0x180;
	[tilespmem:s20+$0xFFFFFFA0] =	vst v10;
	v11 =	vadd.s32 v13, v11;
	v13 =	vsel vm0, $0x1, v2;
	vm0 =	vlt.s32 v12, s29  }
0x9f: {  	[dreg:$0x3] =	wrdreg s26;
	v11 =	vadd.s32 v13, v11;
	v13 =	vsel vm0, $0x1, v2;
	vm0 =	vlt.s32 v12, s9  }
0xa0: {  	v10 =	vld [tilespmem:s15+$0xFFFFFF58];
	v11 =	vadd.s32 v13, v11;
	v13 =	vsel vm0, $0x1, v2;
	vm0 =	vlt.s32 v12, s30  }
0xa1: {  	[dreg:$0x5] =	wrdreg s18;
	v11 =	vadd.s32 v13, v11;
	v13 =	vsel vm0, $0x1, v2;
	vm0 =	vlt.s32 v12, s16  }
0xa2: {  	[dreg:$0x7] =	wrdreg s21;
	v11 =	vadd.s32 v13, v11;
	v12 =	vsel vm0, $0x1, v2  }
0xa3: {  	[dreg:$0x6] =	wrdreg s17;
	v11 =	vadd.s32 v12, v11  }
0xa4: {  	[tilespmem:s14+$0xFFFFFFF0] =	vst v11  }
0xa5: {  	vm2 =	vlt.s32 v10, s25;
	[dreg:$0xa] =	wrdreg s6  }
0xa6: {  	vm3 =	vlt.s32 v10, s21;
	vm1 =	vlt.s32 v10, s17;
	vm13 =	vlt.s32 v10, s1;
	[dreg:$0x8] =	wrdreg s23  }
0xa7: {  	vm5 =	vlt.s32 v10, s6;
	vm6 =	vlt.s32 v10, s23;
	vm14 =	vlt.s32 v10, s5;
	v11 =	vld [tilespmem:s4+$0xFFFFFFA8]  }
0xa8: {  	vm15 =	vlt.s32 v10, s3;
	v13 =	vsel vm5, $0x1, v2;
	v12 =	vsel vm13, $0x1, v2  }
0xa9: {  	v14 =	vsel vm3, $0x1, v2;
	v12 =	vadd.s32 v12, v13;
	v13 =	vsel vm14, $0x1, v2  }
0xaa: {  	v15 =	vsel vm2, $0x1, v2;
	v12 =	vadd.s32 v13, v12;
	v13 =	vsel vm15, $0x1, v2  }
0xab: {  	vm0 =	vlt.s32 v10, s18;
	v12 =	vadd.s32 v13, v12;
	v13 =	vsel vm6, $0x1, v2  }
0xac: {  	v12 =	vadd.s32 v13, v12;
	vm2 =	vlt.s32 v11, s7;
	vm3 =	vlt.s32 v11, s12  }
0xad: {  	v13 =	vsel vm2, $0x1, v2;
	v52 =	vsel vm3, $0x1, v2;
	vm2 =	vlt.s32 v11, s28  }
0xae: {  	v13 =	vadd.s32 v52, v13;
	v53 =	vsel vm2, $0x1, v2;
	vm2 =	vlt.s32 v11, s0  }
0xaf: {  	v13 =	vadd.s32 v53, v13;
	v54 =	vsel vm2, $0x1, v2;
	vm2 =	vlt.s32 v11, s19  }
0xb0: {  	v13 =	vadd.s32 v54, v13;
	v55 =	vsel vm2, $0x1, v2;
	vm2 =	vlt.s32 v11, s22  }
0xb1: {  	v13 =	vadd.s32 v55, v13;
	v56 =	vsel vm2, $0x1, v2;
	vm2 =	vlt.s32 v11, s11  }
0xb2: {  	s2 =	simm.s32 $0x248;
	s24 =	simm.s32 $0x6528;
	s20 =	smov.u32 s25;
	v13 =	vadd.s32 v56, v13;
	v57 =	vsel vm2, $0x1, v2;
	vm2 =	vlt.s32 v11, s8  }
0xb3: {  	s26 =	smov.u32 s7;
	s15 =	smov.u32 s8;
	s21 =	simm.s32 $0x6460;
	v13 =	vadd.s32 v57, v13;
	v58 =	vsel vm2, $0x1, v2;
	vm2 =	vlt.s32 v11, s31  }
0xb4: {  	s25 =	smov.u32 s12;
	s18 =	smov.u32 s1;
	s14 =	smov.u32 s9;
	v13 =	vadd.s32 v58, v13;
	v59 =	vsel vm2, $0x1, v2;
	vm2 =	vlt.s32 v11, s13  }
0xb5: {  	s23 =	simm.s32 $0xB8;
	s6 =	smov.u32 s28;
	s4 =	smov.u32 s5;
	v13 =	vadd.s32 v59, v13;
	v60 =	vsel vm2, $0x1, v2;
	vm2 =	vlt.s32 v11, s29  }
0xb6: {  	[dreg:$0x14] =	wrdreg s3;
	s5 =	smov.u32 s16;
	s7 =	smov.u32 s0;
	v13 =	vadd.s32 v60, v13;
	v61 =	vsel vm2, $0x1, v2;
	vm2 =	vlt.s32 v11, s9  }
0xb7: {  	s12 =	smov.u32 s22;
	s0 =	smov.u32 s11;
	s11 =	smov.u32 s31;
	v13 =	vadd.s32 v61, v13;
	v62 =	vsel vm2, $0x1, v2;
	vm2 =	vlt.s32 v11, s30  }
0xb8: {  	s8 =	smov.u32 s13;
	s13 =	smov.u32 s29;
	s29 =	simm.s32 $0xC8;
	v13 =	vadd.s32 v62, v13;
	v63 =	vsel vm2, $0x1, v2;
	vm2 =	vlt.s32 v11, s16  }
0xb9: {  	s31 =	smov.u32 s30;
	[dreg:$0xe] =	wrdreg s29;
	s30 =	simm.s32 $0x0;
	v11 =	vadd.s32 v15, v12;
	v12 =	vadd.s32 v63, v13;
	v15 =	vsel vm2, $0x1, v2  }
0xba: {  	s28 =	smov.u32 s19;
	s9 =	simm.s32 $0x190;
	[dreg:$0xf] =	wrdreg s30;
	v11 =	vadd.s32 v14, v11;
	v13 =	vsel vm1, $0x1, v2;
	v12 =	vadd.s32 v15, v12  }
.LBB2_4:
0xbb: {  	s1 =	rddreg [dreg:$0x9]  }
0xbc: {  	v14 =	vld [tilespmem:s2+$0x0];
	v11 =	vadd.s32 v13, v11;
	v13 =	vsel vm0, $0x1, v2;
	[tilespmem:s21+$0x0] =	vst v12;
	s17 =	rddreg [dreg:$0x4];
	vm0 =	vlt.s32 v10, s1  }
0xbd: {  	s22 =	rddreg [dreg:$0xb];
	v11 =	vadd.s32 v13, v11;
	v13 =	vld [tilespmem:s23+$0xFFFFFFB8];
	v12 =	vsel vm0, $0x1, v2;
	vm0 =	vlt.s32 v10, s17  }
0xbe: {  	s29 =	rddreg [dreg:$0xc];
	v11 =	vadd.s32 v12, v11;
	v12 =	vsel vm0, $0x1, v2;
	vm0 =	vlt.s32 v10, s22  }
0xbf: {  	s30 =	rddreg [dreg:$0xd];
	v11 =	vadd.s32 v12, v11;
	v12 =	vsel vm0, $0x1, v2;
	vm0 =	vlt.s32 v10, s29  }
0xc0: {  	v11 =	vadd.s32 v12, v11;
	v12 =	vsel vm0, $0x1, v2;
	vm0 =	vlt.s32 v10, s30  }
0xc1: {  	v10 =	vxor.u32 $0x80000000, v14;
	v11 =	vadd.s32 v12, v11;
	v12 =	vsel vm0, $0x1, v2  }
0xc2: {  	[dreg:$0x11] =	wrdreg s9;
	vm0 =	vlt.s32 v13, s26;
	vm1 =	vlt.s32 v13, s25;
	v11 =	vadd.s32 v12, v11  }
0xc3: {  	[dreg:$0x10] =	wrdreg s2;
	v12 =	vsel vm0, $0x1, v2;
	v14 =	vsel vm1, $0x1, v2;
	vm0 =	vlt.s32 v13, s6  }
0xc4: {  	[dreg:$0x17] =	wrdreg s24;
	v12 =	vadd.s32 v14, v12;
	v14 =	vsel vm0, $0x1, v2;
	vm0 =	vlt.s32 v13, s7  }
0xc5: {  	s3 =	rddreg [dreg:$0x3];
	v12 =	vadd.s32 v14, v12;
	v14 =	vsel vm0, $0x1, v2;
	vm0 =	vlt.s32 v13, s28  }
0xc6: {  	[dreg:$0x13] =	wrdreg s20;
	v12 =	vadd.s32 v14, v12;
	v14 =	vsel vm0, $0x1, v2;
	vm0 =	vlt.s32 v13, s12  }
0xc7: {  	[dreg:$0xb] =	wrdreg s22;
	v12 =	vadd.s32 v14, v12;
	v14 =	vsel vm0, $0x1, v2;
	vm0 =	vlt.s32 v13, s0  }
0xc8: {  	[dreg:$0xc] =	wrdreg s29;
	v12 =	vadd.s32 v14, v12;
	v14 =	vsel vm0, $0x1, v2;
	vm0 =	vlt.s32 v13, s15  }
0xc9: {  	[dreg:$0x3] =	wrdreg s3;
	(xrf0) =	vmax.scan.msk.u32 $0xffff, v10;
	v10 =	vadd.s32 v14, v12;
	v12 =	vsel vm0, $0x1, v2;
	vm0 =	vlt.s32 v13, s11  }
0xca: {  	s29 =	rddreg [dreg:$0x11];
	[tilespmem:s24+$0xFFFFFFB0] =	vst v11;
	v11 =	vadd.s32 v12, v10;
	v12 =	vsel vm0, $0x1, v2;
	vm0 =	vlt.s32 v13, s8  }
0xcb: {  	s2 =	smov.u32 s29;
	s29 =	rddreg [dreg:$0x8];
	v10 =	vld [tilespmem:s3+$0xFFFFFF68];
	v11 =	vadd.s32 v12, v11;
	v12 =	vsel vm0, $0x1, v2;
	vm0 =	vlt.s32 v13, s13  }
0xcc: {  	p0 =	sne.s32 s9, $0x6338;
	s9 =	smov.u32 s7;
	s7 =	rddreg [dreg:$0x5];
	v11 =	vadd.s32 v12, v11;
	v12 =	vsel vm0, $0x1, v2;
	vm0 =	vlt.s32 v13, s14  }
0xcd: {  	s16 =	smov.u32 s25;
	s25 =	smov.u32 s12;
	s12 =	rddreg [dreg:$0xe];
	v11 =	vadd.s32 v12, v11;
	v12 =	vsel vm0, $0x1, v2;
	vm0 =	vlt.s32 v13, s31  }
0xce: {  	s19 =	smov.u32 s8;
	s22 =	smov.u32 s28;
	s8 =	rddreg [dreg:$0xf];
	v11 =	vadd.s32 v12, v11;
	v12 =	vsel vm0, $0x1, v2;
	vm0 =	vlt.s32 v13, s5  }
0xcf: {  	s28 =	smov.u32 s11;
	s11 =	smov.u32 s13;
	s13 =	rddreg [dreg:$0x6];
	v13, _, _ =	vpop (xrf0);
	v11 =	vadd.s32 v12, v11;
	v12 =	vsel vm0, $0x1, v2  }
0xd0: {  	s24 =	smov.u32 s14;
	s14 =	rddreg [dreg:$0x7];
	(v2sf) =	vpush v13, $0xF;
	vm0 =	vlt.s32 v10, s7;
	v11 =	vadd.s32 v12, v11  }
0xd1: {  	s3 =	rddreg [dreg:$0xa];
	s8 =	sand.u32 $0x7FF8, s8;
	vm2 =	vlt.s32 v10, s20;
	vm3 =	vlt.s32 v10, s14;
	vm1 =	vlt.s32 v10, s13;
	s20 =	smov.u32 s12;
	[tilespmem:s21+$0x10] =	vst v11  }
0xd2: {  	vm4 =	vlt.s32 v10, s18;
	vm5 =	vlt.s32 v10, s3;
	vm6 =	vlt.s32 v10, s29;
	[dreg:$0xf] =	wrdreg s20;
	v11 =	vld [tilespmem:s8+$0x80]  }
0xd3: {  	vm11 =	vlt.s32 v10, s4;
	v12 =	vsel vm4, $0x1, v2;
	v13 =	vsel vm5, $0x1, v2;
	s20 =	smov.u32 s4;
	s4 =	rddreg [dreg:$0x14]  }
0xd4: {  	v12 =	vadd.s32 v12, v13;
	v13 =	vsel vm11, $0x1, v2;
	vm12 =	vlt.s32 v10, s4  }
0xd5: {  	v14 =	vsel vm3, $0x1, v2;
	v12 =	vadd.s32 v13, v12;
	v13 =	vsel vm12, $0x1, v2  }
0xd6: {  	v15 =	vsel vm2, $0x1, v2;
	v12 =	vadd.s32 v13, v12;
	v13 =	vsel vm6, $0x1, v2  }
0xd7: {  	v12 =	vadd.s32 v13, v12;
	vm2 =	vlt.s32 v11, s26;
	vm3 =	vlt.s32 v11, s16  }
0xd8: {  	v13 =	vsel vm2, $0x1, v2;
	v16 =	vsel vm3, $0x1, v2;
	vm2 =	vlt.s32 v11, s6  }
0xd9: {  	v13 =	vadd.s32 v16, v13;
	v48 =	vsel vm2, $0x1, v2;
	vm2 =	vlt.s32 v11, s9  }
0xda: {  	v13 =	vadd.s32 v48, v13;
	v49 =	vsel vm2, $0x1, v2;
	vm2 =	vlt.s32 v11, s22  }
0xdb: {  	v13 =	vadd.s32 v49, v13;
	v50 =	vsel vm2, $0x1, v2;
	vm2 =	vlt.s32 v11, s25  }
0xdc: {  	v13 =	vadd.s32 v50, v13;
	v51 =	vsel vm2, $0x1, v2;
	vm2 =	vlt.s32 v11, s0  }
0xdd: {  	v13 =	vadd.s32 v51, v13;
	v52 =	vsel vm2, $0x1, v2;
	vm2 =	vlt.s32 v11, s15  }
0xde: {  	v13 =	vadd.s32 v52, v13;
	v53 =	vsel vm2, $0x1, v2;
	vm2 =	vlt.s32 v11, s28  }
0xdf: {  	v13 =	vadd.s32 v53, v13;
	v54 =	vsel vm2, $0x1, v2;
	vm2 =	vlt.s32 v11, s19  }
0xe0: {  	v13 =	vadd.s32 v54, v13;
	v55 =	vsel vm2, $0x1, v2;
	vm2 =	vlt.s32 v11, s11  }
0xe1: {  	v13 =	vadd.s32 v55, v13;
	v56 =	vsel vm2, $0x1, v2;
	vm2 =	vlt.s32 v11, s24  }
0xe2: {  	v13 =	vadd.s32 v56, v13;
	v57 =	vsel vm2, $0x1, v2;
	vm2 =	vlt.s32 v11, s31  }
0xe3: {  	[dreg:$0x16] =	wrdreg s18;
	v13 =	vadd.s32 v57, v13;
	v58 =	vsel vm2, $0x1, v2;
	vm2 =	vlt.s32 v11, s5  }
0xe4: {  	[dreg:$0xd] =	wrdreg s30;
	v11 =	vadd.s32 v15, v12;
	v12 =	vadd.s32 v58, v13;
	v13 =	vsel vm2, $0x1, v2  }
0xe5: {  	[dreg:$0xa] =	wrdreg s3;
	v11 =	vadd.s32 v14, v11;
	v14 =	vsel vm1, $0x1, v2;
	v12 =	vadd.s32 v13, v12  }
0xe6: {  	s18 =	rddreg [dreg:$0xb];
	v11 =	vadd.s32 v14, v11;
	v13 =	vsel vm0, $0x1, v2;
	vm0 =	vlt.s32 v10, s1;
	[tilespmem:s8+$0x6480] =	vst v12  }
0xe7: {  	[dreg:$0x14] =	wrdreg s4;
	v11 =	vadd.s32 v13, v11;
	v12 =	vsel vm0, $0x1, v2;
	vm0 =	vlt.s32 v10, s17;
	v13 =	vld [tilespmem:s23+$0xFFFFFFD8]  }
0xe8: {  	s4 =	rddreg [dreg:$0xc];
	v11 =	vadd.s32 v12, v11;
	v12 =	vsel vm0, $0x1, v2;
	vm0 =	vlt.s32 v10, s18  }
0xe9: {  	s3 =	rddreg [dreg:$0xd];
	v11 =	vadd.s32 v12, v11;
	v12 =	vsel vm0, $0x1, v2;
	vm0 =	vlt.s32 v10, s4  }
0xea: {  	v11 =	vadd.s32 v12, v11;
	v12 =	vsel vm0, $0x1, v2;
	vm0 =	vlt.s32 v10, s3  }
0xeb: {  	v10 =	vadd.s32 v12, v11;
	v11 =	vsel vm0, $0x1, v2  }
0xec: {  	v11 =	vadd.s32 v11, v10;
	vm0 =	vlt.s32 v13, s26;
	vm1 =	vlt.s32 v13, s16  }
0xed: {  	[dreg:$0x5] =	wrdreg s7;
	s7 =	spop (v2sf);
	v10 =	vsel vm0, $0x1, v2;
	v12 =	vsel vm1, $0x1, v2;
	vm0 =	vlt.s32 v13, s6  }
0xee: {  	s30 =	smov.u32 s31;
	s8 =	sxor.u32 $0x80000000, s7;
	v10 =	vadd.s32 v12, v10;
	v12 =	vsel vm0, $0x1, v2;
	vm0 =	vlt.s32 v13, s9  }
0xef: {  	s31 =	smov.u32 s1;
	s12 =	smulhi.u32 $0x91A2B3C5, s8;
	s1 =	sshra.s32 s8, $0x1F;
	v10 =	vadd.s32 v12, v10;
	v12 =	vsel vm0, $0x1, v2;
	vm0 =	vlt.s32 v13, s22  }
0xf0: {  	[dreg:$0xe] =	wrdreg s2;
	s2 =	smov.u32 s14;
	s14 =	smul.u32 $0x91A2B3C5, s1;
	v10 =	vadd.s32 v12, v10;
	v12 =	vsel vm0, $0x1, v2;
	vm0 =	vlt.s32 v13, s25  }
0xf1: {  	s12 =	ssub.s32 s12, s8;
	v10 =	vadd.s32 v12, v10;
	v12 =	vsel vm0, $0x1, v2;
	vm0 =	vlt.s32 v13, s0  }
0xf2: {  	s12 =	sadd.s32 s14, s12;
	s14 =	rddreg [dreg:$0x17];
	v10 =	vadd.s32 v12, v10;
	v12 =	vsel vm0, $0x1, v2;
	vm0 =	vlt.s32 v13, s15  }
0xf3: {  	s8 =	sadd.s32 s8, s12;
	s12 =	rddreg [dreg:$0x10];
	v12 =	vadd.s32 v12, v10;
	v14 =	vsel vm0, $0x1, v2;
	vm0 =	vlt.s32 v13, s28  }
0xf4: {  	s1 =	rddreg [dreg:$0x3];
	v10 =	vld [tilespmem:s12+$0xFFFFFF48];
	[tilespmem:s14+$0xFFFFFFC0] =	vst v11;
	v12 =	vadd.s32 v14, v12;
	v14 =	vsel vm0, $0x1, v2;
	vm0 =	vlt.s32 v13, s19  }
0xf5: {  	s12 =	sshrl.u32 s8, $0x1F;
	s8 =	sshra.s32 s8, $0xB;
	v11 =	vld [tilespmem:s1+$0xFFFFFF78];
	v12 =	vadd.s32 v14, v12;
	v14 =	vsel vm0, $0x1, v2;
	vm0 =	vlt.s32 v13, s11  }
0xf6: {  	s8 =	sadd.s32 s12, s8;
	v12 =	vadd.s32 v14, v12;
	v14 =	vsel vm0, $0x1, v2;
	vm0 =	vlt.s32 v13, s24  }
0xf7: {  	[dreg:$0x6] =	wrdreg s13;
	s1 =	smul.u32 $0xE10, s8;
	v12 =	vadd.s32 v14, v12;
	v14 =	vsel vm0, $0x1, v2;
	vm0 =	vlt.s32 v13, s30  }
0xf8: {  	s14 =	rddreg [dreg:$0x5];
	v12 =	vadd.s32 v14, v12;
	v14 =	vsel vm0, $0x1, v2;
	vm0 =	vlt.s32 v13, s5  }
0xf9: {  	s12 =	rddreg [dreg:$0x13];
	s8 =	sadd.s32 $0xFF5C5BD0, s1;
	vm2 =	vlt.s32 v10, s1;
	v12 =	vadd.s32 v14, v12;
	v13 =	vsel vm0, $0x1, v2  }
0xfa: {  	vm0 =	vlt.s32 v10, s8;
	vm13 =	vlt.s32 v11, s12;
	s12 =	rddreg [dreg:$0x16];
	v12 =	vadd.s32 v13, v12  }
0xfb: {  	vm1 =	vlt.s32 v11, s14;
	vm14 =	vlt.s32 v11, s2;
	vm3 =	vlt.s32 v11, s13;
	s13 =	rddreg [dreg:$0xa];
	[tilespmem:s21+$0x30] =	vst v12  }
0xfc: {  	[dreg:$0x18] =	wrdreg s20;
	vm8 =	vlt.s32 v11, s29;
	vm15 =	vlt.s32 v11, s12;
	vm7 =	vlt.s32 v11, s13;
	v12 =	vld [tilespmem:s23+$0xFFFFFFE8]  }
0xfd: {  	vm9 =	vlt.s32 v11, s20;
	s20 =	rddreg [dreg:$0x14];
	v13 =	vsel vm15, $0x1, v2;
	v14 =	vsel vm7, $0x1, v2  }
0xfe: {  	vm10 =	vlt.s32 v11, s20;
	v13 =	vadd.s32 v13, v14;
	v14 =	vsel vm9, $0x1, v2  }
0xff: {  	v15 =	vsel vm14, $0x1, v2;
	v13 =	vadd.s32 v14, v13;
	v14 =	vsel vm10, $0x1, v2  }
0x100: {  	v59 =	vsel vm13, $0x1, v2;
	v13 =	vadd.s32 v14, v13;
	v14 =	vsel vm8, $0x1, v2  }
0x101: {  	v13 =	vadd.s32 v14, v13;
	vm11 =	vlt.s32 v12, s26;
	vm12 =	vlt.s32 v12, s16  }
0x102: {  	vm13 =	vlt.s32 v12, s6;
	v14 =	vsel vm11, $0x1, v2;
	v17 =	vsel vm12, $0x1, v2  }
0x103: {  	vm14 =	vlt.s32 v12, s9;
	v60 =	vsel vm13, $0x1, v2;
	v14 =	vadd.s32 v17, v14  }
0x104: {  	vm15 =	vlt.s32 v12, s22;
	v61 =	vsel vm14, $0x1, v2;
	v14 =	vadd.s32 v60, v14  }
0x105: {  	s7 =	smov.u32 s0;
	vm8 =	vlt.s32 v12, s25;
	v62 =	vsel vm15, $0x1, v2;
	v14 =	vadd.s32 v61, v14  }
0x106: {  	vm9 =	vlt.s32 v12, s7;
	v63 =	vsel vm8, $0x1, v2;
	v14 =	vadd.s32 v62, v14  }
0x107: {  	vm10 =	vlt.s32 v12, s15;
	v20 =	vsel vm9, $0x1, v2;
	v14 =	vadd.s32 v63, v14  }
0x108: {  	v21 =	vsel vm10, $0x1, v2;
	vm11 =	vlt.s32 v12, s28;
	v14 =	vadd.s32 v20, v14  }
0x109: {  	vm12 =	vlt.s32 v12, s19;
	v22 =	vsel vm11, $0x1, v2;
	v14 =	vadd.s32 v21, v14  }
0x10a: {  	vm13 =	vlt.s32 v12, s11;
	v23 =	vsel vm12, $0x1, v2;
	v14 =	vadd.s32 v22, v14  }
0x10b: {  	vm14 =	vlt.s32 v12, s24;
	v24 =	vsel vm13, $0x1, v2;
	v14 =	vadd.s32 v23, v14  }
0x10c: {  	vm15 =	vlt.s32 v12, s30;
	v25 =	vsel vm14, $0x1, v2;
	v14 =	vadd.s32 v24, v14  }
0x10d: {  	vm8 =	vlt.s32 v12, s5;
	v26 =	vsel vm15, $0x1, v2;
	v14 =	vadd.s32 v25, v14  }
0x10e: {  	v12 =	vadd.s32 v59, v13;
	v13 =	vadd.s32 v26, v14;
	v14 =	vsel vm8, $0x1, v2  }
0x10f: {  	v12 =	vadd.s32 v15, v12;
	v15 =	vsel vm3, $0x1, v2;
	v13 =	vadd.s32 v14, v13  }
0x110: {  	v12 =	vadd.s32 v15, v12;
	v14 =	vsel vm1, $0x1, v2;
	vm1 =	vlt.s32 v11, s31;
	[tilespmem:s21+$0x40] =	vst v13  }
0x111: {  	v12 =	vadd.s32 v14, v12;
	v13 =	vsel vm1, $0x1, v2;
	vm1 =	vlt.s32 v11, s17;
	v14 =	vld [tilespmem:s23+$0xFFFFFFF8]  }
0x112: {  	v12 =	vadd.s32 v13, v12;
	v13 =	vsel vm1, $0x1, v2;
	vm1 =	vlt.s32 v11, s18  }
0x113: {  	v12 =	vadd.s32 v13, v12;
	v13 =	vsel vm1, $0x1, v2;
	vm1 =	vlt.s32 v11, s4  }
0x114: {  	vm3 =	vlt.s32 v11, s3;
	s18 =	sadd.s32 $0xFFE9EAE0, s1;
	v12 =	vadd.s32 v13, v12;
	v13 =	vsel vm1, $0x1, v2  }
0x115: {  	s0 =	smov.u32 s16;
	vm10 =	vlt.s32 v10, s18;
	v11 =	vadd.s32 v13, v12;
	v12 =	vsel vm3, $0x1, v2  }
0x116: {  	v11 =	vadd.s32 v12, v11;
	vm3 =	vlt.s32 v14, s26;
	vm9 =	vlt.s32 v14, s0  }
0x117: {  	v12 =	vsel vm3, $0x1, v2;
	v13 =	vsel vm9, $0x1, v2;
	vm3 =	vlt.s32 v14, s6  }
0x118: {  	v12 =	vadd.s32 v13, v12;
	v13 =	vsel vm3, $0x1, v2;
	vm3 =	vlt.s32 v14, s9  }
0x119: {  	[dreg:$0x7] =	wrdreg s2;
	s2 =	smov.u32 s25;
	v12 =	vadd.s32 v13, v12;
	v13 =	vsel vm3, $0x1, v2;
	vm3 =	vlt.s32 v14, s22  }
0x11a: {  	v12 =	vadd.s32 v13, v12;
	v13 =	vsel vm3, $0x1, v2;
	vm3 =	vlt.s32 v14, s2  }
0x11b: {  	v12 =	vadd.s32 v13, v12;
	v13 =	vsel vm3, $0x1, v2;
	vm3 =	vlt.s32 v14, s7  }
0x11c: {  	[dreg:$0x1a] =	wrdreg s2;
	s25 =	smov.u32 s26;
	v12 =	vadd.s32 v13, v12;
	v13 =	vsel vm3, $0x1, v2;
	vm3 =	vlt.s32 v14, s15  }
0x11d: {  	s3 =	rddreg [dreg:$0x17];
	s26 =	smov.u32 s9;
	s2 =	smov.u32 s28;
	v12 =	vadd.s32 v13, v12;
	v13 =	vsel vm3, $0x1, v2;
	vm3 =	vlt.s32 v14, s28  }
0x11e: {  	[tilespmem:s3+$0xFFFFFFD0] =	vst v11;
	s28 =	smov.u32 s22;
	s22 =	smov.u32 s26;
	s26 =	rddreg [dreg:$0x3];
	v12 =	vadd.s32 v13, v12;
	v13 =	vsel vm3, $0x1, v2;
	vm3 =	vlt.s32 v14, s19  }
0x11f: {  	[dreg:$0x1c] =	wrdreg s6;
	v11 =	vld [tilespmem:s26+$0xFFFFFF88];
	v12 =	vadd.s32 v13, v12;
	v13 =	vsel vm3, $0x1, v2;
	vm3 =	vlt.s32 v14, s11  }
0x120: {  	[dreg:$0x9] =	wrdreg s31;
	v12 =	vadd.s32 v13, v12;
	v13 =	vsel vm3, $0x1, v2;
	vm3 =	vlt.s32 v14, s24  }
0x121: {  	[dreg:$0x12] =	wrdreg s8;
	s8 =	sadd.s32 $0xFFC3D990, s1;
	v12 =	vadd.s32 v13, v12;
	v13 =	vsel vm3, $0x1, v2;
	vm3 =	vlt.s32 v14, s30  }
0x122: {  	s16 =	smov.u32 s17;
	vm1 =	vlt.s32 v10, s8;
	s9 =	smov.u32 s14;
	s14 =	sadd.s32 $0xFFF7ECD0, s1;
	v12 =	vadd.s32 v13, v12;
	v13 =	vsel vm3, $0x1, v2  }
0x123: {  	s17 =	smov.u32 s13;
	s13 =	smov.u32 s12;
	s6 =	sadd.s32 $0xFFFFF1F0, s1;
	vm11 =	vlt.s32 v10, s14;
	vm3 =	vlt.s32 v14, s5;
	v12 =	vadd.s32 v13, v12  }
0x124: {  	[dreg:$0x1b] =	wrdreg s7;
	s31 =	smov.u32 s15;
	s4 =	smov.u32 s19;
	v13 =	vsel vm3, $0x1, v2;
	vm3 =	vlt.s32 v10, s6;
	vm12 =	vlt.s32 v11, s13  }
0x125: {  	s7 =	smov.u32 s29;
	s15 =	rddreg [dreg:$0x18];
	s19 =	sadd.s32 $0xFFFFABA0, s1;
	vm4 =	vlt.s32 v11, s17;
	v12 =	vadd.s32 v13, v12;
	v13 =	vsel vm2, $0x1, v2  }
0x126: {  	s29 =	smov.u32 s16;
	s16 =	smov.u32 s11;
	s11 =	sadd.s32 $0xFFFEF4D0, s1;
	v14 =	vsel vm3, $0x1, v2;
	vm2 =	vlt.s32 v10, s19;
	vm3 =	vlt.s32 v11, s15;
	[tilespmem:s21+$0x50] =	vst v12  }
0x127: {  	v12 =	vadd.s32 v13, v14;
	v13 =	vsel vm2, $0x1, v2;
	vm2 =	vlt.s32 v10, s11;
	v15 =	vld [tilespmem:s23+$0x0]  }
0x128: {  	[dreg:$0x15] =	wrdreg s5;
	s5 =	sadd.s32 $0xFFFD16B0, s1;
	v27 =	vsel vm12, $0x1, v2;
	v12 =	vadd.s32 v13, v12;
	v13 =	vsel vm2, $0x1, v2  }
0x129: {  	v41 =	vsel vm3, $0x1, v2;
	vm2 =	vlt.s32 v10, s5;
	v13 =	vadd.s32 v13, v12  }
0x12a: {  	s23 =	smov.u32 s26;
	s26 =	rddreg [dreg:$0x10];
	v14 =	vsel vm2, $0x1, v2;
	v12 =	vsel vm10, $0x1, v2;
	vm2 =	vlt.s32 v11, s20  }
0x12b: {  	s12 =	smov.u32 s26;
	v13 =	vadd.s32 v14, v13;
	v14 =	vsel vm11, $0x1, v2;
	v42 =	vsel vm2, $0x1, v2  }
0x12c: {  	s26 =	smov.u32 s13;
	s13 =	smov.u32 s1;
	s1 =	rddreg [dreg:$0x1a];
	vm13 =	vlt.s32 v15, s25;
	vm14 =	vlt.s32 v15, s0;
	vm8 =	vlt.s32 v15, s22  }
0x12d: {  	s25 =	rddreg [dreg:$0x1c];
	vm9 =	vlt.s32 v15, s28;
	vm10 =	vlt.s32 v15, s1;
	vm12 =	vlt.s32 v15, s31  }
0x12e: {  	[dreg:$0x3] =	wrdreg s12;
	s12 =	smov.u32 s17;
	v28 =	vsel vm13, $0x1, v2;
	v18 =	vsel vm14, $0x1, v2;
	vm15 =	vlt.s32 v15, s25  }
0x12f: {  	[dreg:$0x19] =	wrdreg s12;
	v30 =	vsel vm8, $0x1, v2;
	v31 =	vsel vm9, $0x1, v2;
	v32 =	vsel vm10, $0x1, v2  }
0x130: {  	s22 =	smov.u32 s20;
	s20 =	smov.u32 s11;
	s11 =	smov.u32 s7;
	v34 =	vsel vm12, $0x1, v2;
	vm13 =	vlt.s32 v15, s2;
	vm14 =	vlt.s32 v15, s4  }
0x131: {  	s25 =	rddreg [dreg:$0x1b];
	vm8 =	vlt.s32 v15, s24;
	vm9 =	vlt.s32 v15, s30;
	vm2 =	vlt.s32 v11, s11  }
0x132: {  	s7 =	smov.u32 s5;
	s5 =	rddreg [dreg:$0x13];
	v17 =	vadd.s32 v18, v28;
	v29 =	vsel vm15, $0x1, v2;
	vm11 =	vlt.s32 v15, s25  }
0x133: {  	s28 =	smov.u32 s20;
	s20 =	rddreg [dreg:$0x15];
	v35 =	vsel vm13, $0x1, v2;
	v36 =	vsel vm14, $0x1, v2;
	vm15 =	vlt.s32 v15, s16  }
0x134: {  	s12 =	smov.u32 s15;
	s15 =	smov.u32 s19;
	s19 =	smov.u32 s5;
	v38 =	vsel vm8, $0x1, v2;
	v39 =	vsel vm9, $0x1, v2;
	vm10 =	vlt.s32 v15, s20  }
0x135: {  	v15 =	vsel vm4, $0x1, v2;
	v43 =	vsel vm2, $0x1, v2;
	vm2 =	vlt.s32 v11, s19  }
0x136: {  	s17 =	smov.u32 s6;
	s0 =	smov.u32 s26;
	s26 =	rddreg [dreg:$0x7];
	v17 =	vadd.s32 v29, v17;
	v33 =	vsel vm11, $0x1, v2;
	v37 =	vsel vm15, $0x1, v2  }
0x137: {  	s6 =	smov.u32 s14;
	s1 =	rddreg [dreg:$0x6];
	s14 =	smov.u32 s26;
	v40 =	vsel vm10, $0x1, v2;
	v15 =	vadd.s32 v27, v15;
	v44 =	vsel vm2, $0x1, v2  }
0x138: {  	s5 =	smov.u32 s1;
	vm2 =	vlt.s32 v11, s14;
	v17 =	vadd.s32 v30, v17;
	v15 =	vadd.s32 v41, v15  }
0x139: {  	[dreg:$0x13] =	wrdreg s6;
	s6 =	smov.u32 s8;
	s8 =	smov.u32 s9;
	v45 =	vsel vm2, $0x1, v2;
	vm2 =	vlt.s32 v11, s5;
	v17 =	vadd.s32 v31, v17  }
0x13a: {  	s9 =	rddreg [dreg:$0x9];
	v15 =	vadd.s32 v42, v15;
	v46 =	vsel vm2, $0x1, v2;
	vm2 =	vlt.s32 v11, s8  }
0x13b: {  	s31 =	smov.u32 s9;
	v17 =	vadd.s32 v32, v17;
	v15 =	vadd.s32 v43, v15;
	v47 =	vsel vm2, $0x1, v2  }
0x13c: {  	s26 =	smov.u32 s17;
	s9 =	smov.u32 s29;
	s17 =	rddreg [dreg:$0xb];
	vm2 =	vlt.s32 v11, s31;
	v17 =	vadd.s32 v33, v17;
	v15 =	vadd.s32 v44, v15  }
0x13d: {  	s29 =	smov.u32 s17;
	v48 =	vsel vm2, $0x1, v2;
	vm2 =	vlt.s32 v11, s9;
	v17 =	vadd.s32 v34, v17  }
0x13e: {  	s25 =	smov.u32 s18;
	s18 =	rddreg [dreg:$0xc];
	v15 =	vadd.s32 v45, v15;
	v49 =	vsel vm2, $0x1, v2;
	vm2 =	vlt.s32 v11, s29  }
0x13f: {  	s2 =	rddreg [dreg:$0x12];
	s30 =	smov.u32 s18;
	v17 =	vadd.s32 v35, v17;
	v15 =	vadd.s32 v46, v15;
	v50 =	vsel vm2, $0x1, v2  }
0x140: {  	s24 =	rddreg [dreg:$0xd];
	vm2 =	vlt.s32 v11, s30;
	v17 =	vadd.s32 v36, v17;
	v15 =	vadd.s32 v47, v15  }
0x141: {  	s1 =	smov.u32 s2;
	s2 =	smov.u32 s24;
	v51 =	vsel vm2, $0x1, v2;
	v17 =	vadd.s32 v37, v17;
	v15 =	vadd.s32 v48, v15  }
0x142: {  	vm2 =	vlt.s32 v11, s2;
	v17 =	vadd.s32 v38, v17;
	v15 =	vadd.s32 v49, v15  }
0x143: {  	v11 =	vadd.s32 v14, v13;
	v17 =	vadd.s32 v39, v17;
	v15 =	vadd.s32 v50, v15  }
0x144: {  	v14 =	vsel vm2, $0x1, v2;
	v17 =	vadd.s32 v40, v17;
	v13 =	vadd.s32 v51, v15  }
0x145: {  	s16 =	sadd.s32 $0xFE42F1A0, s13;
	v11 =	vadd.s32 v12, v11;
	v12 =	vsel vm1, $0x1, v2;
	[tilespmem:s21+$0x58] =	vst v17;
	v13 =	vadd.s32 v14, v13  }
0x146: {  	s17 =	sadd.s32 $0xFB462170, s13;
	v11 =	vadd.s32 v12, v11;
	v12 =	vsel vm0, $0x1, v2;
	vm0 =	vlt.s32 v10, s16;
	[tilespmem:s3+$0xFFFFFFE0] =	vst v13  }
0x147: {  	s24 =	sadd.s32 $0xF32713F0, s13;
	v11 =	vadd.s32 v12, v11;
	v12 =	vsel vm0, $0x1, v2;
	vm0 =	vlt.s32 v10, s17;
	v13 =	vld [tilespmem:s23+$0xFFFFFF98]  }
0x148: {  	s4 =	sadd.s32 $0xDD13B5F0, s13;
	v11 =	vadd.s32 v12, v11;
	v12 =	vsel vm0, $0x1, v2;
	vm0 =	vlt.s32 v10, s24  }
0x149: {  	[dreg:$0x9] =	wrdreg s16;
	s16 =	sadd.s32 $0xA1119540, s13;
	v11 =	vadd.s32 v12, v11;
	v12 =	vsel vm0, $0x1, v2;
	vm0 =	vlt.s32 v10, s4  }
0x14a: {  	[dreg:$0x4] =	wrdreg s17;
	v11 =	vadd.s32 v12, v11;
	v12 =	vsel vm0, $0x1, v2;
	vm0 =	vlt.s32 v10, s16  }
0x14b: {  	s17 =	rddreg [dreg:$0x19];
	v10 =	vadd.s32 v12, v11;
	v11 =	vsel vm0, $0x1, v2  }
0x14c: {  	v10 =	vadd.s32 v11, v10;
	vm0 =	vlt.s32 v13, s0;
	vm1 =	vlt.s32 v13, s17  }
0x14d: {  	v11 =	vsel vm0, $0x1, v2;
	v12 =	vsel vm1, $0x1, v2;
	vm0 =	vlt.s32 v13, s12  }
0x14e: {  	v11 =	vadd.s32 v12, v11;
	v12 =	vsel vm0, $0x1, v2;
	vm0 =	vlt.s32 v13, s22  }
0x14f: {  	v11 =	vadd.s32 v12, v11;
	v12 =	vsel vm0, $0x1, v2;
	vm0 =	vlt.s32 v13, s11  }
0x150: {  	v11 =	vadd.s32 v12, v11;
	v12 =	vsel vm0, $0x1, v2;
	vm0 =	vlt.s32 v13, s19  }
0x151: {  	v11 =	vadd.s32 v12, v11;
	v12 =	vsel vm0, $0x1, v2;
	vm0 =	vlt.s32 v13, s14  }
0x152: {  	v11 =	vadd.s32 v12, v11;
	v12 =	vsel vm0, $0x1, v2;
	vm0 =	vlt.s32 v13, s5  }
0x153: {  	s18 =	smov.u32 s3;
	s3 =	sadd.s32 $0xC8, s3;
	v11 =	vadd.s32 v12, v11;
	v12 =	vsel vm0, $0x1, v2;
	vm0 =	vlt.s32 v13, s8  }
0x154: {  	s20 =	rddreg [dreg:$0x10];
	[tilespmem:s3+$0xFFFFFFA0] =	vst v10;
	v11 =	vadd.s32 v12, v11;
	v12 =	vsel vm0, $0x1, v2;
	vm0 =	vlt.s32 v13, s31  }
0x155: {  	v10 =	vld [tilespmem:s20+$0xFFFFFF58];
	v11 =	vadd.s32 v12, v11;
	v12 =	vsel vm0, $0x1, v2;
	vm0 =	vlt.s32 v13, s9  }
0x156: {  	v11 =	vadd.s32 v12, v11;
	v12 =	vsel vm0, $0x1, v2;
	vm0 =	vlt.s32 v13, s29  }
0x157: {  	v11 =	vadd.s32 v12, v11;
	v12 =	vsel vm0, $0x1, v2;
	vm0 =	vlt.s32 v13, s30  }
0x158: {  	v11 =	vadd.s32 v12, v11;
	v12 =	vsel vm0, $0x1, v2;
	vm0 =	vlt.s32 v13, s2  }
0x159: {  	s21 =	rddreg [dreg:$0x13];
	v11 =	vadd.s32 v12, v11;
	v12 =	vsel vm0, $0x1, v2  }
0x15a: {  	vm2 =	vlt.s32 v10, s21;
	v11 =	vadd.s32 v12, v11  }
0x15b: {  	vm3 =	vlt.s32 v10, s25;
	vm1 =	vlt.s32 v10, s6;
	vm11 =	vlt.s32 v10, s13;
	[tilespmem:s18+$0xFFFFFFF0] =	vst v11  }
0x15c: {  	vm12 =	vlt.s32 v10, s26;
	vm13 =	vlt.s32 v10, s7;
	vm14 =	vlt.s32 v10, s15;
	v11 =	vld [tilespmem:s23+$0xFFFFFFA8]  }
0x15d: {  	vm15 =	vlt.s32 v10, s28;
	v13 =	vsel vm12, $0x1, v2;
	v12 =	vsel vm11, $0x1, v2  }
0x15e: {  	v14 =	vsel vm3, $0x1, v2;
	v12 =	vadd.s32 v12, v13;
	v13 =	vsel vm14, $0x1, v2  }
0x15f: {  	[dreg:$0x6] =	wrdreg s6;
	v15 =	vsel vm2, $0x1, v2;
	v12 =	vadd.s32 v13, v12;
	v13 =	vsel vm15, $0x1, v2  }
0x160: {  	[dreg:$0x8] =	wrdreg s7;
	vm0 =	vlt.s32 v10, s1;
	v12 =	vadd.s32 v13, v12;
	v13 =	vsel vm13, $0x1, v2  }
0x161: {  	[dreg:$0xc] =	wrdreg s4;
	v12 =	vadd.s32 v13, v12;
	vm2 =	vlt.s32 v11, s0;
	vm3 =	vlt.s32 v11, s17  }
0x162: {  	[dreg:$0xa] =	wrdreg s26;
	v13 =	vsel vm2, $0x1, v2;
	v52 =	vsel vm3, $0x1, v2;
	vm2 =	vlt.s32 v11, s12  }
0x163: {  	[dreg:$0x14] =	wrdreg s28;
	v13 =	vadd.s32 v52, v13;
	v53 =	vsel vm2, $0x1, v2;
	vm2 =	vlt.s32 v11, s22  }
0x164: {  	[dreg:$0xb] =	wrdreg s24;
	v13 =	vadd.s32 v53, v13;
	v54 =	vsel vm2, $0x1, v2;
	vm2 =	vlt.s32 v11, s11  }
0x165: {  	[dreg:$0x5] =	wrdreg s1;
	v13 =	vadd.s32 v54, v13;
	v55 =	vsel vm2, $0x1, v2;
	vm2 =	vlt.s32 v11, s19  }
0x166: {  	[dreg:$0x7] =	wrdreg s25;
	v13 =	vadd.s32 v55, v13;
	v56 =	vsel vm2, $0x1, v2;
	vm2 =	vlt.s32 v11, s14  }
0x167: {  	[dreg:$0xd] =	wrdreg s16;
	v13 =	vadd.s32 v56, v13;
	v57 =	vsel vm2, $0x1, v2;
	vm2 =	vlt.s32 v11, s5  }
0x168: {  	s4 =	smov.u32 s15;
	s24 =	smov.u32 s3;
	s20 =	smov.u32 s21;
	v13 =	vadd.s32 v57, v13;
	v58 =	vsel vm2, $0x1, v2;
	vm2 =	vlt.s32 v11, s8  }
0x169: {  	s21 =	smov.u32 s18;
	s26 =	smov.u32 s0;
	s25 =	smov.u32 s17;
	v13 =	vadd.s32 v58, v13;
	v59 =	vsel vm2, $0x1, v2;
	vm2 =	vlt.s32 v11, s31  }
0x16a: {  	s6 =	smov.u32 s12;
	s7 =	smov.u32 s22;
	s28 =	smov.u32 s11;
	v13 =	vadd.s32 v59, v13;
	v60 =	vsel vm2, $0x1, v2;
	vm2 =	vlt.s32 v11, s9  }
.Ltmp1:
0x16b: {  	s15 =	smov.u32 s5;
	s18 =	smov.u32 s13;
	v13 =	vadd.s32 v60, v13;
	v61 =	vsel vm2, $0x1, v2;
	vm2 =	vlt.s32 v11, s29;
	(pc) =	sbr.rel @p0 .LBB2_4-.Ltmp1, $4  }
0x16c: {  	s13 =	smov.u32 s9;
	s0 =	smov.u32 s14;
	s12 =	smov.u32 s19;
	v13 =	vadd.s32 v61, v13;
	v62 =	vsel vm2, $0x1, v2;
	vm2 =	vlt.s32 v11, s30  }
0x16d: {  	s22 =	rddreg [dreg:$0x11];
	s11 =	smov.u32 s8;
	s14 =	smov.u32 s29;
	v13 =	vadd.s32 v62, v13;
	v63 =	vsel vm2, $0x1, v2;
	vm2 =	vlt.s32 v11, s2  }
0x16e: {  	s8 =	smov.u32 s31;
	s31 =	smov.u32 s30;
	s30 =	rddreg [dreg:$0x10];
	v11 =	vadd.s32 v15, v12;
	v12 =	vadd.s32 v63, v13;
	v15 =	vsel vm2, $0x1, v2  }
0x16f: {  	s5 =	smov.u32 s2;
	s9 =	sadd.s32 $0xC8, s22;
	s2 =	sadd.s32 $0xC8, s30;
	v11 =	vadd.s32 v14, v11;
	v13 =	vsel vm1, $0x1, v2;
	v12 =	vadd.s32 v15, v12  }
0x170: {  	s17 =	rddreg [dreg:$0x9];
	[tilespmem:s21+$0x0] =	vst v12  }
0x171: {  	[smem:$0x7F3] =	sst s21  }
0x172: {  	s3 =	rddreg [dreg:$0x4]  }
0x173: {  	v11 =	vadd.s32 v13, v11;
	v46 =	vsel vm0, $0x1, v2;
	vm11 =	vlt.s32 v10, s17;
	[smem:$0x7FA] =	sst s23  }
0x174: {  	v11 =	vadd.s32 v46, v11;
	s19 =	rddreg [dreg:$0xb];
	v47 =	vsel vm11, $0x1, v2;
	vm12 =	vlt.s32 v10, s3  }
0x175: {  	v48 =	vld [tilespmem:s23+$0xFFFFFFB8];
	vm13 =	vlt.s32 v10, s19;
	s23 =	rddreg [dreg:$0xc];
	v11 =	vadd.s32 v47, v11;
	v49 =	vsel vm12, $0x1, v2  }
0x176: {  	s29 =	rddreg [dreg:$0xd];
	v50 =	vsel vm13, $0x1, v2;
	vm14 =	vlt.s32 v10, s23;
	v11 =	vadd.s32 v49, v11  }
0x177: {  	vm15 =	vlt.s32 v10, s29;
	v51 =	vsel vm14, $0x1, v2;
	v11 =	vadd.s32 v50, v11  }
0x178: {  	s22 =	smov.u32 s6;
	[smem:$0x7FB] =	sst s26;
	v10 =	vadd.s32 v51, v11;
	v11 =	vsel vm15, $0x1, v2  }
0x179: {  	[dreg:$0x1c] =	wrdreg s22;
	v10 =	vadd.s32 v11, v10  }
0x17a: {  	[tilespmem:s24+$0xFFFFFFB0] =	vst v10  }
0x17b: {  	vm4 =	vlt.s32 v48, s26;
	vm1 =	vlt.s32 v48, s25;
	[smem:$0x7F4] =	sst s7  }
0x17c: {  	vm5 =	vlt.s32 v48, s6;
	v11 =	vsel vm4, $0x1, v2;
	v52 =	vsel vm1, $0x1, v2;
	s6 =	rddreg [dreg:$0x3]  }
0x17d: {  	vm6 =	vlt.s32 v48, s7;
	v10 =	vadd.s32 v52, v11;
	v11 =	vsel vm5, $0x1, v2;
	v53 =	vld [tilespmem:s6+$0xFFFFFF68]  }
0x17e: {  	vm7 =	vlt.s32 v48, s28;
	v10 =	vadd.s32 v11, v10;
	v11 =	vsel vm6, $0x1, v2  }
0x17f: {  	vm8 =	vlt.s32 v48, s12;
	v10 =	vadd.s32 v11, v10;
	v11 =	vsel vm7, $0x1, v2  }
0x180: {  	v10 =	vadd.s32 v11, v10;
	v11 =	vsel vm8, $0x1, v2  }
0x181: {  	vm9 =	vlt.s32 v48, s0;
	vm0 =	vlt.s32 v48, s15;
	s16 =	rddreg [dreg:$0xa];
	v10 =	vadd.s32 v11, v10  }
0x182: {  	v11 =	vsel vm9, $0x1, v2;
	vm10 =	vlt.s32 v53, s18;
	vm2 =	vlt.s32 v53, s16  }
0x183: {  	s2 =	smov.u32 s21;
	s21 =	smov.u32 s25;
	s25 =	rddreg [dreg:$0x14];
	vm11 =	vlt.s32 v53, s4;
	v14 =	vsel vm10, $0x1, v2;
	v15 =	vsel vm2, $0x1, v2  }
0x184: {  	s1 =	rddreg [dreg:$0x8];
	vm12 =	vlt.s32 v53, s25;
	v54 =	vsel vm11, $0x1, v2;
	v14 =	vadd.s32 v14, v15  }
0x185: {  	s7 =	smov.u32 s20;
	[smem:$0x7F5] =	sst s28;
	vm13 =	vlt.s32 v53, s1;
	v55 =	vsel vm12, $0x1, v2;
	v14 =	vadd.s32 v54, v14  }
0x186: {  	s28 =	smov.u32 s1;
	vm14 =	vlt.s32 v53, s7;
	s1 =	rddreg [dreg:$0x7];
	v56 =	vsel vm13, $0x1, v2;
	v14 =	vadd.s32 v55, v14  }
0x187: {  	s26 =	rddreg [dreg:$0x6];
	vm15 =	vlt.s32 v53, s1;
	v16 =	vsel vm14, $0x1, v2;
	v14 =	vadd.s32 v56, v14  }
0x188: {  	s30 =	rddreg [dreg:$0x5];
	vm4 =	vlt.s32 v53, s26;
	v57 =	vsel vm15, $0x1, v2;
	v14 =	vadd.s32 v16, v14  }
0x189: {  	vm5 =	vlt.s32 v53, s30;
	v58 =	vsel vm4, $0x1, v2;
	v14 =	vadd.s32 v57, v14  }
0x18a: {  	vm6 =	vlt.s32 v53, s17;
	v59 =	vsel vm5, $0x1, v2;
	v14 =	vadd.s32 v58, v14  }
0x18b: {  	vm7 =	vlt.s32 v53, s3;
	v60 =	vsel vm6, $0x1, v2;
	v14 =	vadd.s32 v59, v14  }
0x18c: {  	vm8 =	vlt.s32 v53, s19;
	v61 =	vsel vm7, $0x1, v2;
	v14 =	vadd.s32 v60, v14  }
0x18d: {  	[dreg:$0x1a] =	wrdreg s12;
	vm9 =	vlt.s32 v53, s23;
	v62 =	vsel vm8, $0x1, v2;
	v14 =	vadd.s32 v61, v14  }
0x18e: {  	[dreg:$0x1b] =	wrdreg s0;
	v63 =	vsel vm9, $0x1, v2;
	vm10 =	vlt.s32 v53, s29;
	v14 =	vadd.s32 v62, v14  }
0x18f: {  	[smem:$0x7F7] =	sst s15;
	v10 =	vadd.s32 v11, v10;
	v12 =	vsel vm10, $0x1, v2;
	v11 =	vadd.s32 v63, v14  }
0x190: {  	v18 =	vsel vm0, $0x1, v2;
	[smem:$0x7F8] =	sst s11;
	vm11 =	vlt.s32 v48, s11;
	v11 =	vadd.s32 v12, v11  }
0x191: {  	v10 =	vadd.s32 v18, v10;
	vm12 =	vlt.s32 v48, s8;
	v19 =	vsel vm11, $0x1, v2;
	[tilespmem:s24+$0xFFFFFFC0] =	vst v11  }
0x192: {  	vm13 =	vlt.s32 v48, s13;
	v10 =	vadd.s32 v19, v10;
	v11 =	vsel vm12, $0x1, v2;
	v20 =	vld [tilespmem:s6+$0xFFFFFF78]  }
0x193: {  	vm14 =	vlt.s32 v48, s14;
	v10 =	vadd.s32 v11, v10;
	v11 =	vsel vm13, $0x1, v2  }
0x194: {  	vm15 =	vlt.s32 v48, s31;
	v10 =	vadd.s32 v11, v10;
	v11 =	vsel vm14, $0x1, v2  }
0x195: {  	vm4 =	vlt.s32 v48, s5;
	v10 =	vadd.s32 v11, v10;
	v11 =	vsel vm15, $0x1, v2  }
0x196: {  	s9 =	smov.u32 s18;
	v10 =	vadd.s32 v11, v10;
	v11 =	vsel vm4, $0x1, v2  }
0x197: {  	s18 =	smov.u32 s4;
	v10 =	vadd.s32 v11, v10;
	vm5 =	vlt.s32 v20, s9;
	vm6 =	vlt.s32 v20, s16  }
0x198: {  	vm7 =	vlt.s32 v20, s18;
	v11 =	vsel vm5, $0x1, v2;
	v21 =	vsel vm6, $0x1, v2  }
0x199: {  	vm8 =	vlt.s32 v20, s25;
	v22 =	vsel vm7, $0x1, v2;
	v11 =	vadd.s32 v11, v21  }
0x19a: {  	vm9 =	vlt.s32 v20, s28;
	v23 =	vsel vm8, $0x1, v2;
	v11 =	vadd.s32 v22, v11  }
0x19b: {  	vm10 =	vlt.s32 v20, s7;
	v24 =	vsel vm9, $0x1, v2;
	v11 =	vadd.s32 v23, v11  }
0x19c: {  	vm11 =	vlt.s32 v20, s1;
	v25 =	vsel vm10, $0x1, v2;
	v11 =	vadd.s32 v24, v11  }
0x19d: {  	[smem:$0x7F2] =	sst s31;
	vm12 =	vlt.s32 v20, s26;
	v26 =	vsel vm11, $0x1, v2;
	v11 =	vadd.s32 v25, v11  }
0x19e: {  	[dreg:$0x15] =	wrdreg s5;
	vm13 =	vlt.s32 v20, s30;
	v27 =	vsel vm12, $0x1, v2;
	v11 =	vadd.s32 v26, v11  }
0x19f: {  	[tilespmem:s2+$0x10] =	vst v10;
	vm14 =	vlt.s32 v20, s17;
	v10 =	vadd.s32 v27, v11;
	v11 =	vsel vm13, $0x1, v2  }
0x1a0: {  	vm15 =	vlt.s32 v20, s3;
	s2 =	rddreg [dreg:$0xf];
	v10 =	vadd.s32 v11, v10;
	v11 =	vsel vm14, $0x1, v2  }
0x1a1: {  	vm4 =	vlt.s32 v20, s19;
	s31 =	sand.u32 $0x7FF8, s2;
	v10 =	vadd.s32 v11, v10;
	v11 =	vsel vm15, $0x1, v2  }
0x1a2: {  	vm5 =	vlt.s32 v20, s23;
	v28 =	vld [tilespmem:s31+$0x80];
	v10 =	vadd.s32 v11, v10;
	v11 =	vsel vm4, $0x1, v2  }
0x1a3: {  	vm6 =	vlt.s32 v20, s29;
	v10 =	vadd.s32 v11, v10;
	v11 =	vsel vm5, $0x1, v2  }
0x1a4: {  	s0 =	smov.u32 s28;
	s28 =	sld [smem:$0x7FB];
	v10 =	vadd.s32 v11, v10;
	v11 =	vsel vm6, $0x1, v2  }
0x1a5: {  	v10 =	vadd.s32 v11, v10  }
0x1a6: {  	[tilespmem:s24+$0xFFFFFFD0] =	vst v10  }
0x1a7: {  	vm7 =	vlt.s32 v28, s28;
	vm8 =	vlt.s32 v28, s21;
	vm9 =	vlt.s32 v28, s22;
	s22 =	sld [smem:$0x7F4]  }
0x1a8: {  	s12 =	smov.u32 s9;
	s9 =	smov.u32 s7;
	v29 =	vsel vm8, $0x1, v2;
	v11 =	vsel vm7, $0x1, v2;
	v30 =	vld [tilespmem:s6+$0xFFFFFF88];
	s7 =	sld [smem:$0x7F5]  }
0x1a9: {  	v10 =	vadd.s32 v29, v11;
	v11 =	vsel vm9, $0x1, v2  }
0x1aa: {  	v10 =	vadd.s32 v11, v10;
	s5 =	rddreg [dreg:$0x1a];
	vm10 =	vlt.s32 v28, s22  }
0x1ab: {  	s4 =	smov.u32 s11;
	s11 =	rddreg [dreg:$0x1b];
	vm12 =	vlt.s32 v28, s5;
	vm11 =	vlt.s32 v28, s7;
	v11 =	vsel vm10, $0x1, v2  }
0x1ac: {  	s16 =	smov.u32 s16;
	vm13 =	vlt.s32 v28, s11;
	v10 =	vadd.s32 v11, v10;
	v11 =	vsel vm11, $0x1, v2  }
0x1ad: {  	vm14 =	vlt.s32 v30, s12;
	vm15 =	vlt.s32 v30, s16;
	vm3 =	vlt.s32 v30, s18  }
0x1ae: {  	vm5 =	vlt.s32 v30, s25;
	vm6 =	vlt.s32 v30, s0;
	vm7 =	vlt.s32 v30, s9  }
0x1af: {  	vm8 =	vlt.s32 v30, s1;
	v31 =	vsel vm14, $0x1, v2;
	v32 =	vsel vm15, $0x1, v2  }
0x1b0: {  	vm9 =	vlt.s32 v30, s26;
	v33 =	vsel vm3, $0x1, v2;
	v14 =	vadd.s32 v31, v32  }
0x1b1: {  	s20 =	smov.u32 s15;
	s15 =	smov.u32 s17;
	vm10 =	vlt.s32 v30, s30;
	v34 =	vsel vm5, $0x1, v2;
	v14 =	vadd.s32 v33, v14  }
0x1b2: {  	vm11 =	vlt.s32 v30, s15;
	v35 =	vsel vm6, $0x1, v2;
	v14 =	vadd.s32 v34, v14  }
0x1b3: {  	v10 =	vadd.s32 v11, v10;
	v36 =	vsel vm7, $0x1, v2;
	v14 =	vadd.s32 v35, v14  }
0x1b4: {  	v11 =	vsel vm12, $0x1, v2;
	v37 =	vsel vm8, $0x1, v2;
	v14 =	vadd.s32 v36, v14  }
0x1b5: {  	s2 =	smov.u32 s3;
	v38 =	vsel vm9, $0x1, v2;
	v39 =	vsel vm10, $0x1, v2;
	v14 =	vadd.s32 v37, v14  }
0x1b6: {  	v40 =	vsel vm11, $0x1, v2;
	vm12 =	vlt.s32 v30, s2;
	v14 =	vadd.s32 v38, v14  }
0x1b7: {  	v10 =	vadd.s32 v11, v10;
	v11 =	vsel vm13, $0x1, v2;
	v14 =	vadd.s32 v39, v14  }
0x1b8: {  	v41 =	vsel vm12, $0x1, v2;
	vm13 =	vlt.s32 v30, s19;
	v14 =	vadd.s32 v40, v14  }
0x1b9: {  	vm14 =	vlt.s32 v30, s23;
	v42 =	vsel vm13, $0x1, v2;
	v14 =	vadd.s32 v41, v14  }
0x1ba: {  	vm15 =	vlt.s32 v30, s29;
	v43 =	vsel vm14, $0x1, v2;
	v14 =	vadd.s32 v42, v14  }
0x1bb: {  	v12 =	vsel vm15, $0x1, v2;
	v10 =	vadd.s32 v11, v10;
	v11 =	vadd.s32 v43, v14  }
0x1bc: {  	vm0 =	vlt.s32 v28, s20;
	[smem:$0x7F6] =	sst s8;
	v11 =	vadd.s32 v12, v11  }
0x1bd: {  	v44 =	vsel vm0, $0x1, v2;
	vm4 =	vlt.s32 v28, s4;
	[tilespmem:s24+$0xFFFFFFE0] =	vst v11  }
0x1be: {  	v45 =	vsel vm4, $0x1, v2;
	vm5 =	vlt.s32 v28, s8;
	v10 =	vadd.s32 v44, v10;
	s4 =	sld [smem:$0x7F2]  }
0x1bf: {  	vm6 =	vlt.s32 v28, s13;
	v10 =	vadd.s32 v45, v10;
	v11 =	vsel vm5, $0x1, v2;
	v46 =	vld [tilespmem:s6+$0xFFFFFF98]  }
0x1c0: {  	s3 =	smov.u32 s1;
	vm7 =	vlt.s32 v28, s14;
	v10 =	vadd.s32 v11, v10;
	v11 =	vsel vm6, $0x1, v2  }
0x1c1: {  	s1 =	smov.u32 s26;
	s26 =	smov.u32 s2;
	s2 =	rddreg [dreg:$0x15];
	v10 =	vadd.s32 v11, v10;
	v11 =	vsel vm7, $0x1, v2;
	vm8 =	vlt.s32 v28, s4  }
0x1c2: {  	vm9 =	vlt.s32 v28, s2;
	v10 =	vadd.s32 v11, v10;
	v11 =	vsel vm8, $0x1, v2  }
0x1c3: {  	s21 =	smov.u32 s16;
	v10 =	vadd.s32 v11, v10;
	v11 =	vsel vm9, $0x1, v2  }
0x1c4: {  	vm10 =	vlt.s32 v46, s12;
	vm11 =	vlt.s32 v46, s21;
	vm12 =	vlt.s32 v46, s18  }
0x1c5: {  	v10 =	vadd.s32 v11, v10;
	v11 =	vsel vm10, $0x1, v2;
	v47 =	vsel vm11, $0x1, v2  }
0x1c6: {  	vm13 =	vlt.s32 v46, s25;
	v48 =	vsel vm12, $0x1, v2;
	v11 =	vadd.s32 v47, v11  }
0x1c7: {  	vm14 =	vlt.s32 v46, s0;
	v49 =	vsel vm13, $0x1, v2;
	v11 =	vadd.s32 v48, v11  }
0x1c8: {  	vm15 =	vlt.s32 v46, s9;
	v50 =	vsel vm14, $0x1, v2;
	v11 =	vadd.s32 v49, v11  }
0x1c9: {  	vm4 =	vlt.s32 v46, s3;
	v51 =	vsel vm15, $0x1, v2;
	[tilespmem:s31+$0x6480] =	vst v10;
	v11 =	vadd.s32 v50, v11  }
0x1ca: {  	vm5 =	vlt.s32 v46, s1;
	v52 =	vsel vm4, $0x1, v2;
	s31 =	sld [smem:$0x7FA];
	v11 =	vadd.s32 v51, v11  }
0x1cb: {  	vm6 =	vlt.s32 v46, s30;
	v53 =	vsel vm5, $0x1, v2;
	v11 =	vadd.s32 v52, v11  }
0x1cc: {  	vm7 =	vlt.s32 v46, s15;
	v10 =	vadd.s32 v53, v11;
	v11 =	vsel vm6, $0x1, v2  }
0x1cd: {  	vm8 =	vlt.s32 v46, s26;
	v54 =	vld [tilespmem:s31+$0xFFFFFFD8];
	v10 =	vadd.s32 v11, v10;
	v11 =	vsel vm7, $0x1, v2  }
0x1ce: {  	vm9 =	vlt.s32 v46, s19;
	v10 =	vadd.s32 v11, v10;
	v11 =	vsel vm8, $0x1, v2  }
0x1cf: {  	vm10 =	vlt.s32 v46, s23;
	v10 =	vadd.s32 v11, v10;
	v11 =	vsel vm9, $0x1, v2  }
0x1d0: {  	vm11 =	vlt.s32 v46, s29;
	v10 =	vadd.s32 v11, v10;
	v11 =	vsel vm10, $0x1, v2  }
0x1d1: {  	s2 =	smov.u32 s25;
	s25 =	rddreg [dreg:$0x19];
	v10 =	vadd.s32 v11, v10;
	v11 =	vsel vm11, $0x1, v2  }
0x1d2: {  	s17 =	smov.u32 s19;
	s19 =	rddreg [dreg:$0x1c];
	vm12 =	vlt.s32 v54, s28;
	vm13 =	vlt.s32 v54, s25;
	v10 =	vadd.s32 v11, v10  }
0x1d3: {  	vm14 =	vlt.s32 v54, s19;
	v55 =	vsel vm13, $0x1, v2;
	v11 =	vsel vm12, $0x1, v2;
	[tilespmem:s24+$0xFFFFFFF0] =	vst v10  }
0x1d4: {  	vm15 =	vlt.s32 v54, s22;
	v10 =	vadd.s32 v55, v11;
	v11 =	vsel vm14, $0x1, v2;
	v56 =	vld [tilespmem:s6+$0xFFFFFFA8]  }
0x1d5: {  	vm4 =	vlt.s32 v54, s7;
	v10 =	vadd.s32 v11, v10;
	v11 =	vsel vm15, $0x1, v2  }
0x1d6: {  	vm5 =	vlt.s32 v54, s5;
	v10 =	vadd.s32 v11, v10;
	v11 =	vsel vm4, $0x1, v2  }
0x1d7: {  	v10 =	vadd.s32 v11, v10;
	v11 =	vsel vm5, $0x1, v2  }
0x1d8: {  	vm6 =	vlt.s32 v54, s11;
	v10 =	vadd.s32 v11, v10  }
0x1d9: {  	s20 =	smov.u32 s18;
	v11 =	vsel vm6, $0x1, v2;
	vm7 =	vlt.s32 v56, s12;
	vm8 =	vlt.s32 v56, s21  }
0x1da: {  	vm9 =	vlt.s32 v56, s20;
	v57 =	vsel vm7, $0x1, v2;
	v58 =	vsel vm8, $0x1, v2  }
0x1db: {  	s18 =	smov.u32 s0;
	vm10 =	vlt.s32 v56, s2;
	v59 =	vsel vm9, $0x1, v2;
	v14 =	vadd.s32 v58, v57  }
0x1dc: {  	vm11 =	vlt.s32 v56, s18;
	v60 =	vsel vm10, $0x1, v2;
	v14 =	vadd.s32 v59, v14  }
0x1dd: {  	vm12 =	vlt.s32 v56, s9;
	v61 =	vsel vm11, $0x1, v2;
	v14 =	vadd.s32 v60, v14  }
0x1de: {  	vm13 =	vlt.s32 v56, s3;
	v62 =	vsel vm12, $0x1, v2;
	v14 =	vadd.s32 v61, v14  }
0x1df: {  	vm14 =	vlt.s32 v56, s1;
	v63 =	vsel vm13, $0x1, v2;
	v14 =	vadd.s32 v62, v14  }
0x1e0: {  	vm15 =	vlt.s32 v56, s30;
	v18 =	vsel vm14, $0x1, v2;
	v14 =	vadd.s32 v63, v14  }
0x1e1: {  	s16 =	smov.u32 s26;
	vm4 =	vlt.s32 v56, s15;
	v19 =	vsel vm15, $0x1, v2;
	v14 =	vadd.s32 v18, v14  }
0x1e2: {  	vm5 =	vlt.s32 v56, s16;
	v20 =	vsel vm4, $0x1, v2;
	v14 =	vadd.s32 v19, v14  }
0x1e3: {  	vm6 =	vlt.s32 v56, s17;
	v21 =	vsel vm5, $0x1, v2;
	v14 =	vadd.s32 v20, v14  }
0x1e4: {  	v22 =	vsel vm6, $0x1, v2;
	vm7 =	vlt.s32 v56, s23;
	v14 =	vadd.s32 v21, v14  }
0x1e5: {  	s26 =	smov.u32 s28;
	s28 =	sld [smem:$0x7F7];
	vm8 =	vlt.s32 v56, s29;
	v23 =	vsel vm7, $0x1, v2;
	v14 =	vadd.s32 v22, v14  }
0x1e6: {  	s11 =	sld [smem:$0x7F8];
	v10 =	vadd.s32 v11, v10;
	v12 =	vsel vm8, $0x1, v2;
	v11 =	vadd.s32 v23, v14  }
0x1e7: {  	v11 =	vadd.s32 v12, v11  }
0x1e8: {  	vm0 =	vlt.s32 v54, s28;
	vm10 =	vlt.s32 v54, s8;
	s8 =	smov.u32 s24;
	[tilespmem:s24+$0x0] =	vst v11  }
0x1e9: {  	v24 =	vsel vm0, $0x1, v2;
	vm9 =	vlt.s32 v54, s11;
	[dreg:$0x17] =	wrdreg s8  }
0x1ea: {  	v10 =	vadd.s32 v24, v10;
	v25 =	vsel vm9, $0x1, v2;
	[smem:$0x7F9] =	sst s13  }
0x1eb: {  	vm11 =	vlt.s32 v54, s13;
	v10 =	vadd.s32 v25, v10;
	v11 =	vsel vm10, $0x1, v2;
	v26 =	vld [tilespmem:s6+$0xFFFFFFB8]  }
0x1ec: {  	vm12 =	vlt.s32 v54, s14;
	v10 =	vadd.s32 v11, v10;
	v11 =	vsel vm11, $0x1, v2  }
0x1ed: {  	vm13 =	vlt.s32 v54, s4;
	s5 =	rddreg [dreg:$0x15];
	v10 =	vadd.s32 v11, v10;
	v11 =	vsel vm12, $0x1, v2  }
0x1ee: {  	vm14 =	vlt.s32 v54, s5;
	v10 =	vadd.s32 v11, v10;
	v11 =	vsel vm13, $0x1, v2  }
0x1ef: {  	s0 =	smov.u32 s12;
	v10 =	vadd.s32 v11, v10;
	v11 =	vsel vm14, $0x1, v2  }
0x1f0: {  	v10 =	vadd.s32 v11, v10;
	vm15 =	vlt.s32 v26, s0;
	vm4 =	vlt.s32 v26, s21  }
0x1f1: {  	s22 =	smov.u32 s2;
	vm5 =	vlt.s32 v26, s20;
	v11 =	vsel vm15, $0x1, v2;
	v27 =	vsel vm4, $0x1, v2  }
0x1f2: {  	vm6 =	vlt.s32 v26, s22;
	v28 =	vsel vm5, $0x1, v2;
	v11 =	vadd.s32 v27, v11  }
0x1f3: {  	s7 =	smov.u32 s9;
	vm7 =	vlt.s32 v26, s18;
	v29 =	vsel vm6, $0x1, v2;
	v11 =	vadd.s32 v28, v11  }
0x1f4: {  	s3 =	smov.u32 s3;
	vm8 =	vlt.s32 v26, s7;
	v30 =	vsel vm7, $0x1, v2;
	v11 =	vadd.s32 v29, v11  }
0x1f5: {  	s6 =	sld [smem:$0x7F3];
	vm9 =	vlt.s32 v26, s3;
	v31 =	vsel vm8, $0x1, v2;
	v11 =	vadd.s32 v30, v11  }
0x1f6: {  	vm10 =	vlt.s32 v26, s1;
	v32 =	vsel vm9, $0x1, v2;
	v11 =	vadd.s32 v31, v11  }
0x1f7: {  	vm11 =	vlt.s32 v26, s30;
	v33 =	vsel vm10, $0x1, v2;
	v11 =	vadd.s32 v32, v11  }
0x1f8: {  	[tilespmem:s6+$0x30] =	vst v10;
	vm12 =	vlt.s32 v26, s15;
	v10 =	vadd.s32 v33, v11;
	v11 =	vsel vm11, $0x1, v2  }
0x1f9: {  	vm13 =	vlt.s32 v26, s16;
	v10 =	vadd.s32 v11, v10;
	v11 =	vsel vm12, $0x1, v2  }
0x1fa: {  	vm14 =	vlt.s32 v26, s17;
	v10 =	vadd.s32 v11, v10;
	v11 =	vsel vm13, $0x1, v2  }
0x1fb: {  	vm15 =	vlt.s32 v26, s23;
	v10 =	vadd.s32 v11, v10;
	v11 =	vsel vm14, $0x1, v2  }
0x1fc: {  	v34 =	vld [tilespmem:s31+$0xFFFFFFE8];
	vm4 =	vlt.s32 v26, s29;
	v10 =	vadd.s32 v11, v10;
	v11 =	vsel vm15, $0x1, v2  }
0x1fd: {  	v10 =	vadd.s32 v11, v10;
	v11 =	vsel vm4, $0x1, v2  }
0x1fe: {  	v10 =	vadd.s32 v11, v10  }
0x1ff: {  	[tilespmem:s8+$0x10] =	vst v10  }
0x200: {  	s8 =	rddreg [dreg:$0xe]  }
0x201: {  	vm5 =	vlt.s32 v34, s26;
	vm6 =	vlt.s32 v34, s25;
	s2 =	sand.u32 $0x7FF8, s8;
	s8 =	sld [smem:$0x7F4]  }
0x202: {  	s12 =	smov.u32 s14;
	s14 =	smov.u32 s4;
	vm7 =	vlt.s32 v34, s19;
	v35 =	vsel vm6, $0x1, v2;
	v11 =	vsel vm5, $0x1, v2;
	s4 =	sld [smem:$0x7F5];
	v36 =	vld [tilespmem:s2+$0x80]  }
0x203: {  	v10 =	vadd.s32 v35, v11;
	v11 =	vsel vm7, $0x1, v2  }
0x204: {  	s9 =	smov.u32 s21;
	s21 =	smov.u32 s1;
	v10 =	vadd.s32 v11, v10;
	s1 =	rddreg [dreg:$0x1a];
	vm8 =	vlt.s32 v34, s8  }
0x205: {  	s24 =	smov.u32 s22;
	s22 =	smov.u32 s3;
	s3 =	rddreg [dreg:$0x1b];
	vm10 =	vlt.s32 v34, s1;
	vm9 =	vlt.s32 v34, s4;
	v11 =	vsel vm8, $0x1, v2  }
0x206: {  	vm11 =	vlt.s32 v34, s3;
	v10 =	vadd.s32 v11, v10;
	v11 =	vsel vm9, $0x1, v2  }
0x207: {  	v10 =	vadd.s32 v11, v10;
	v11 =	vsel vm10, $0x1, v2;
	vm12 =	vlt.s32 v36, s0  }
0x208: {  	vm13 =	vlt.s32 v36, s9;
	vm14 =	vlt.s32 v36, s20;
	vm15 =	vlt.s32 v36, s24  }
0x209: {  	vm4 =	vlt.s32 v36, s18;
	v37 =	vsel vm12, $0x1, v2;
	v38 =	vsel vm13, $0x1, v2  }
0x20a: {  	vm5 =	vlt.s32 v36, s7;
	v39 =	vsel vm14, $0x1, v2;
	v14 =	vadd.s32 v38, v37  }
0x20b: {  	vm6 =	vlt.s32 v36, s22;
	v40 =	vsel vm15, $0x1, v2;
	v14 =	vadd.s32 v39, v14  }
0x20c: {  	vm7 =	vlt.s32 v36, s21;
	v41 =	vsel vm4, $0x1, v2;
	v14 =	vadd.s32 v40, v14  }
0x20d: {  	vm8 =	vlt.s32 v36, s30;
	v42 =	vsel vm5, $0x1, v2;
	v14 =	vadd.s32 v41, v14  }
0x20e: {  	vm9 =	vlt.s32 v36, s15;
	v43 =	vsel vm6, $0x1, v2;
	v14 =	vadd.s32 v42, v14  }
0x20f: {  	vm10 =	vlt.s32 v36, s16;
	v44 =	vsel vm7, $0x1, v2;
	v14 =	vadd.s32 v43, v14  }
0x210: {  	v10 =	vadd.s32 v11, v10;
	v45 =	vsel vm8, $0x1, v2;
	v14 =	vadd.s32 v44, v14  }
0x211: {  	v11 =	vsel vm11, $0x1, v2;
	v46 =	vsel vm9, $0x1, v2;
	v14 =	vadd.s32 v45, v14  }
0x212: {  	v47 =	vsel vm10, $0x1, v2;
	vm11 =	vlt.s32 v36, s17;
	v14 =	vadd.s32 v46, v14  }
0x213: {  	vm12 =	vlt.s32 v36, s23;
	v48 =	vsel vm11, $0x1, v2;
	v14 =	vadd.s32 v47, v14  }
0x214: {  	vm13 =	vlt.s32 v36, s29;
	v49 =	vsel vm12, $0x1, v2;
	v14 =	vadd.s32 v48, v14  }
0x215: {  	v10 =	vadd.s32 v11, v10;
	v12 =	vsel vm13, $0x1, v2;
	v11 =	vadd.s32 v49, v14  }
0x216: {  	v11 =	vadd.s32 v12, v11  }
0x217: {  	[tilespmem:s2+$0x6480] =	vst v11  }
0x218: {  	vm14 =	vlt.s32 v34, s11;
	s11 =	sld [smem:$0x7F6]  }
0x219: {  	vm0 =	vlt.s32 v34, s28;
	s28 =	smov.u32 s0;
	s0 =	rddreg [dreg:$0x3]  }
0x21a: {  	v51 =	vld [tilespmem:s0+$0xFFFFFFD8]  }
0x21b: {  	v50 =	vsel vm0, $0x1, v2;
	vm4 =	vlt.s32 v34, s13;
	vm5 =	vlt.s32 v34, s12  }
0x21c: {  	v10 =	vadd.s32 v50, v10;
	v11 =	vsel vm14, $0x1, v2;
	vm15 =	vlt.s32 v34, s11  }
0x21d: {  	vm6 =	vlt.s32 v34, s14;
	v10 =	vadd.s32 v11, v10;
	v11 =	vsel vm15, $0x1, v2  }
0x21e: {  	vm7 =	vlt.s32 v34, s5;
	v10 =	vadd.s32 v11, v10;
	v11 =	vsel vm4, $0x1, v2  }
0x21f: {  	v10 =	vadd.s32 v11, v10;
	v11 =	vsel vm5, $0x1, v2;
	vm8 =	vlt.s32 v51, s28  }
0x220: {  	vm9 =	vlt.s32 v51, s9;
	v10 =	vadd.s32 v11, v10;
	v11 =	vsel vm6, $0x1, v2  }
0x221: {  	vm10 =	vlt.s32 v51, s20;
	v10 =	vadd.s32 v11, v10;
	v11 =	vsel vm7, $0x1, v2  }
0x222: {  	v52 =	vsel vm9, $0x1, v2;
	v10 =	vadd.s32 v11, v10;
	v11 =	vsel vm8, $0x1, v2  }
0x223: {  	vm11 =	vlt.s32 v51, s24;
	v53 =	vsel vm10, $0x1, v2;
	v11 =	vadd.s32 v52, v11  }
0x224: {  	vm12 =	vlt.s32 v51, s18;
	v54 =	vsel vm11, $0x1, v2;
	v11 =	vadd.s32 v53, v11  }
0x225: {  	vm13 =	vlt.s32 v51, s7;
	v55 =	vsel vm12, $0x1, v2;
	v11 =	vadd.s32 v54, v11  }
0x226: {  	vm14 =	vlt.s32 v51, s22;
	v56 =	vsel vm13, $0x1, v2;
	v11 =	vadd.s32 v55, v11  }
0x227: {  	vm15 =	vlt.s32 v51, s21;
	v57 =	vsel vm14, $0x1, v2;
	v11 =	vadd.s32 v56, v11  }
0x228: {  	vm4 =	vlt.s32 v51, s30;
	v58 =	vsel vm15, $0x1, v2;
	v11 =	vadd.s32 v57, v11  }
0x229: {  	vm5 =	vlt.s32 v51, s15;
	[tilespmem:s6+$0x40] =	vst v10;
	v10 =	vadd.s32 v58, v11;
	v11 =	vsel vm4, $0x1, v2  }
0x22a: {  	vm6 =	vlt.s32 v51, s16;
	v59 =	vld [tilespmem:s31+$0xFFFFFFF8];
	v10 =	vadd.s32 v11, v10;
	v11 =	vsel vm5, $0x1, v2  }
0x22b: {  	vm7 =	vlt.s32 v51, s17;
	v10 =	vadd.s32 v11, v10;
	v11 =	vsel vm6, $0x1, v2  }
0x22c: {  	vm8 =	vlt.s32 v51, s23;
	v10 =	vadd.s32 v11, v10;
	v11 =	vsel vm7, $0x1, v2  }
0x22d: {  	vm9 =	vlt.s32 v51, s29;
	v10 =	vadd.s32 v11, v10;
	v11 =	vsel vm8, $0x1, v2  }
0x22e: {  	v10 =	vadd.s32 v11, v10;
	v11 =	vsel vm9, $0x1, v2  }
0x22f: {  	s13 =	smov.u32 s12;
	s12 =	rddreg [dreg:$0x17];
	vm10 =	vlt.s32 v59, s26;
	vm11 =	vlt.s32 v59, s25;
	v10 =	vadd.s32 v11, v10  }
0x230: {  	vm12 =	vlt.s32 v59, s19;
	v60 =	vsel vm11, $0x1, v2;
	v11 =	vsel vm10, $0x1, v2;
	[tilespmem:s12+$0x30] =	vst v10  }
0x231: {  	vm13 =	vlt.s32 v59, s8;
	v10 =	vadd.s32 v60, v11;
	v11 =	vsel vm12, $0x1, v2;
	v61 =	vld [tilespmem:s0+$0xFFFFFFE8]  }
0x232: {  	vm14 =	vlt.s32 v59, s4;
	v10 =	vadd.s32 v11, v10;
	v11 =	vsel vm13, $0x1, v2  }
0x233: {  	vm15 =	vlt.s32 v59, s1;
	v10 =	vadd.s32 v11, v10;
	v11 =	vsel vm14, $0x1, v2  }
0x234: {  	v10 =	vadd.s32 v11, v10;
	v11 =	vsel vm15, $0x1, v2  }
0x235: {  	vm4 =	vlt.s32 v59, s3;
	v10 =	vadd.s32 v11, v10  }
0x236: {  	v11 =	vsel vm4, $0x1, v2;
	vm5 =	vlt.s32 v61, s28;
	vm6 =	vlt.s32 v61, s9  }
0x237: {  	vm7 =	vlt.s32 v61, s20;
	v62 =	vsel vm5, $0x1, v2;
	v63 =	vsel vm6, $0x1, v2  }
0x238: {  	vm8 =	vlt.s32 v61, s24;
	v18 =	vsel vm7, $0x1, v2;
	v14 =	vadd.s32 v63, v62  }
0x239: {  	vm9 =	vlt.s32 v61, s18;
	v19 =	vsel vm8, $0x1, v2;
	v14 =	vadd.s32 v18, v14  }
0x23a: {  	vm10 =	vlt.s32 v61, s7;
	v20 =	vsel vm9, $0x1, v2;
	v14 =	vadd.s32 v19, v14  }
0x23b: {  	vm11 =	vlt.s32 v61, s22;
	v21 =	vsel vm10, $0x1, v2;
	v14 =	vadd.s32 v20, v14  }
0x23c: {  	vm12 =	vlt.s32 v61, s21;
	v22 =	vsel vm11, $0x1, v2;
	v14 =	vadd.s32 v21, v14  }
0x23d: {  	vm13 =	vlt.s32 v61, s30;
	v23 =	vsel vm12, $0x1, v2;
	v14 =	vadd.s32 v22, v14  }
0x23e: {  	vm14 =	vlt.s32 v61, s15;
	v24 =	vsel vm13, $0x1, v2;
	v14 =	vadd.s32 v23, v14  }
0x23f: {  	vm15 =	vlt.s32 v61, s16;
	v25 =	vsel vm14, $0x1, v2;
	v14 =	vadd.s32 v24, v14  }
0x240: {  	vm4 =	vlt.s32 v61, s17;
	v26 =	vsel vm15, $0x1, v2;
	v14 =	vadd.s32 v25, v14  }
0x241: {  	v27 =	vsel vm4, $0x1, v2;
	vm5 =	vlt.s32 v61, s23;
	v14 =	vadd.s32 v26, v14  }
0x242: {  	s25 =	smov.u32 s8;
	s8 =	smov.u32 s1;
	s1 =	sld [smem:$0x7F7];
	vm6 =	vlt.s32 v61, s29;
	v28 =	vsel vm5, $0x1, v2;
	v14 =	vadd.s32 v27, v14  }
0x243: {  	v10 =	vadd.s32 v11, v10;
	v12 =	vsel vm6, $0x1, v2;
	v11 =	vadd.s32 v28, v14  }
0x244: {  	s26 =	smov.u32 s19;
	s19 =	smov.u32 s4;
	s4 =	sld [smem:$0x7F8];
	v11 =	vadd.s32 v12, v11  }
0x245: {  	s2 =	smov.u32 s6;
	s6 =	smov.u32 s0;
	vm0 =	vlt.s32 v59, s1;
	[tilespmem:s12+$0x40] =	vst v11  }
0x246: {  	v29 =	vsel vm0, $0x1, v2;
	s0 =	sld [smem:$0x7F9];
	v31 =	vld [tilespmem:s6+$0xFFFFFFF8]  }
0x247: {  	v10 =	vadd.s32 v29, v10;
	vm7 =	vlt.s32 v59, s4;
	vm8 =	vlt.s32 v59, s11  }
0x248: {  	vm10 =	vlt.s32 v59, s13;
	vm11 =	vlt.s32 v59, s14;
	v30 =	vsel vm7, $0x1, v2  }
0x249: {  	v10 =	vadd.s32 v30, v10;
	v11 =	vsel vm8, $0x1, v2;
	vm9 =	vlt.s32 v59, s0  }
0x24a: {  	vm12 =	vlt.s32 v59, s5;
	v10 =	vadd.s32 v11, v10;
	v11 =	vsel vm9, $0x1, v2  }
0x24b: {  	v10 =	vadd.s32 v11, v10;
	v11 =	vsel vm10, $0x1, v2;
	vm13 =	vlt.s32 v31, s28  }
0x24c: {  	vm14 =	vlt.s32 v31, s9;
	v10 =	vadd.s32 v11, v10;
	v11 =	vsel vm11, $0x1, v2  }
0x24d: {  	vm15 =	vlt.s32 v31, s20;
	v10 =	vadd.s32 v11, v10;
	v11 =	vsel vm12, $0x1, v2  }
0x24e: {  	v32 =	vsel vm14, $0x1, v2;
	v10 =	vadd.s32 v11, v10;
	v11 =	vsel vm13, $0x1, v2  }
0x24f: {  	vm4 =	vlt.s32 v31, s24;
	v33 =	vsel vm15, $0x1, v2;
	v11 =	vadd.s32 v32, v11  }
0x250: {  	vm5 =	vlt.s32 v31, s18;
	v34 =	vsel vm4, $0x1, v2;
	[tilespmem:s2+$0x50] =	vst v10;
	v11 =	vadd.s32 v33, v11  }
0x251: {  	vm6 =	vlt.s32 v31, s7;
	v35 =	vsel vm5, $0x1, v2;
	s31 =	sld [smem:$0x7FA];
	v11 =	vadd.s32 v34, v11  }
0x252: {  	vm7 =	vlt.s32 v31, s22;
	v36 =	vsel vm6, $0x1, v2;
	v11 =	vadd.s32 v35, v11  }
0x253: {  	vm8 =	vlt.s32 v31, s21;
	v37 =	vsel vm7, $0x1, v2;
	v11 =	vadd.s32 v36, v11  }
0x254: {  	vm9 =	vlt.s32 v31, s30;
	v38 =	vsel vm8, $0x1, v2;
	v42 =	vld [tilespmem:s31+$0x0];
	v11 =	vadd.s32 v37, v11  }
0x255: {  	vm10 =	vlt.s32 v31, s15;
	v39 =	vsel vm9, $0x1, v2;
	v11 =	vadd.s32 v38, v11  }
0x256: {  	v40 =	vsel vm10, $0x1, v2;
	vm11 =	vlt.s32 v31, s16;
	v11 =	vadd.s32 v39, v11  }
0x257: {  	vm14 =	vlt.s32 v31, s29;
	v41 =	vsel vm11, $0x1, v2;
	v11 =	vadd.s32 v40, v11  }
0x258: {  	vm12 =	vlt.s32 v31, s17;
	vm13 =	vlt.s32 v31, s23;
	v10 =	vadd.s32 v41, v11  }
0x259: {  	v11 =	vsel vm12, $0x1, v2;
	vm4 =	vlt.s32 v42, s26;
	vm5 =	vlt.s32 v42, s25  }
0x25a: {  	vm6 =	vlt.s32 v42, s19;
	vm7 =	vlt.s32 v42, s8;
	vm9 =	vlt.s32 v42, s3  }
0x25b: {  	vm10 =	vlt.s32 v42, s1;
	v10 =	vadd.s32 v11, v10;
	v11 =	vsel vm13, $0x1, v2  }
0x25c: {  	vm11 =	vlt.s32 v42, s4;
	v10 =	vadd.s32 v11, v10;
	v11 =	vsel vm14, $0x1, v2  }
0x25d: {  	vm12 =	vlt.s32 v42, s11;
	vm15 =	vlt.s32 v42, s14;
	v10 =	vadd.s32 v11, v10  }
0x25e: {  	vm8 =	vlt.s32 v42, s5;
	vm13 =	vlt.s32 v42, s0;
	v44 =	vsel vm4, $0x1, v2;
	[tilespmem:s12+$0x50] =	vst v10  }
0x25f: {  	v45 =	vsel vm5, $0x1, v2;
	v46 =	vsel vm6, $0x1, v2;
	v47 =	vsel vm7, $0x1, v2;
	v10 =	vld [tilespmem:s6+$0x0]  }
0x260: {  	v17 =	vsel vm9, $0x1, v2;
	v18 =	vsel vm10, $0x1, v2;
	v11 =	vimm.s32 $0x0;
	s31 =	sld [smem:$0x7FB]  }
0x261: {  	v19 =	vsel vm11, $0x1, v2;
	v20 =	vsel vm12, $0x1, v2;
	v11 =	vsel vm15, $0xFFFFFFFF, v11  }
0x262: {  	vm14 =	vlt.s32 v42, s13;
	v21 =	vsel vm13, $0x1, v2;
	[tilespmem:$0x1FFE0] =	vst v11;
	v11 =	vimm.s32 $0x0  }
0x263: {  	v48 =	vsel vm14, $0x1, v2;
	v11 =	vsel vm8, $0xFFFFFFFF, v11;
	vm2 =	vlt.s32 v42, s31;
	s31 =	rddreg [dreg:$0x19]  }
0x264: {  	[tilespmem:$0x1FFF0] =	vst v11;
	vm3 =	vlt.s32 v42, s31;
	v11 =	vsel vm2, $0x1, v2;
	vm15 =	vlt.s32 v10, s28  }
0x265: {  	vm0 =	vlt.s32 v10, s9;
	vm1 =	vlt.s32 v10, s20;
	v43 =	vsel vm3, $0x1, v2  }
0x266: {  	vm2 =	vlt.s32 v10, s24;
	vm3 =	vlt.s32 v10, s18;
	vm4 =	vlt.s32 v10, s7  }
0x267: {  	vm5 =	vlt.s32 v10, s22;
	vm8 =	vlt.s32 v10, s21;
	vm7 =	vlt.s32 v10, s30  }
0x268: {  	vm6 =	vlt.s32 v10, s15;
	vm9 =	vlt.s32 v10, s16;
	vm11 =	vlt.s32 v10, s17  }
0x269: {  	vm12 =	vlt.s32 v10, s23;
	vm13 =	vlt.s32 v10, s29;
	v11 =	vadd.s32 v43, v11  }
0x26a: {  	v49 =	vsel vm0, $0x1, v2;
	v50 =	vsel vm1, $0x1, v2;
	v51 =	vsel vm2, $0x1, v2  }
0x26b: {  	v58 =	vld [tilespmem:$0x1FFE0];
	v52 =	vsel vm3, $0x1, v2;
	v10 =	vadd.s32 v44, v11;
	v11 =	vsel vm15, $0x1, v2  }
0x26c: {  	v53 =	vsel vm4, $0x1, v2;
	v54 =	vsel vm5, $0x1, v2;
	v11 =	vadd.s32 v49, v11  }
0x26d: {  	v55 =	vsel vm8, $0x1, v2;
	v10 =	vadd.s32 v45, v10;
	v11 =	vadd.s32 v50, v11  }
0x26e: {  	v56 =	vsel vm7, $0x1, v2;
	v10 =	vadd.s32 v46, v10;
	v11 =	vadd.s32 v51, v11  }
0x26f: {  	v57 =	vsel vm6, $0x1, v2;
	v10 =	vadd.s32 v47, v10;
	v11 =	vadd.s32 v52, v11  }
0x270: {  	v61 =	vld [tilespmem:$0x1FFF0];
	vm14 =	vnez.u8 v58;
	v10 =	vadd.s32 v17, v10;
	v11 =	vadd.s32 v53, v11  }
0x271: {  	v59 =	vsel vm9, $0x1, v2;
	v10 =	vadd.s32 v18, v10;
	v11 =	vadd.s32 v54, v11  }
0x272: {  	v60 =	vsel vm11, $0x1, v2;
	v10 =	vadd.s32 v19, v10;
	v11 =	vadd.s32 v55, v11  }
0x273: {  	v62 =	vsel vm12, $0x1, v2;
	v10 =	vadd.s32 v20, v10;
	v11 =	vadd.s32 v56, v11  }
0x274: {  	v13 =	vsel vm14, $0x1, v2;
	v10 =	vadd.s32 v21, v10;
	v11 =	vadd.s32 v57, v11  }
0x275: {  	vm15 =	vnez.u8 v61;
	v10 =	vadd.s32 v48, v10;
	v11 =	vadd.s32 v59, v11  }
0x276: {  	v10 =	vadd.s32 v13, v10;
	v13 =	vsel vm15, $0x1, v2;
	v11 =	vadd.s32 v60, v11  }
0x277: {  	v63 =	vsel vm13, $0x1, v2;
	v10 =	vadd.s32 v13, v10;
	v11 =	vadd.s32 v62, v11  }
0x278: {  	s19 =	simm.s32 $0x12880;
	s13 =	rddreg [dreg:$0x1];
	[tilespmem:s2+$0x58] =	vst v10;
	v10 =	vadd.s32 v63, v11  }
0x279: {  	s15 =	simm.s32 $0x6400;
	s16 =	simm.s32 $0x400;
	s17 =	simm.s32 $0x8000;
	[tilespmem:s12+$0x58] =	vst v10  }
0x27a: {  	s18 =	simm.s32 $0xE880;
	s20 =	simm.s32 $0x0;
	s14 =	rddreg [dreg:$0x1f]  }
.LBB2_6:
0x27b: {  	s1 =	sshll.u32 s20, $0x2  }
0x27c: {  	p0 =	seq.s32 s20, $0x0;
	v10 =	vadd.s32 s1, v1  }
0x27d: {  	s0 =	simm.s32 @!p0 $0x1  }
0x27e: {  	_ =	swait.ge @!p0 [sflag:s0], $0x4000  }
0x27f: {  	[sflag:s0] =	ssyncset.done @!p0 $0x0  }
0x280: {  	[sflag:s0] =	ssyncadd.s32 @!p0 $0xFFFFC000  }
0x281: {  	v12 =	vadd.s32 s1, v4;
	v10 =	vld.idx.msk [tilespmem:v10+s15+$0x0], $0xffff  }
0x282: {  	v11 =	vadd.s32 s1, v3  }
0x283: {  	v13 =	vadd.s32 s1, v5  }
0x284: {  	v14 =	vadd.s32 s1, v6  }
0x285: {  	v15 =	vadd.s32 s1, v7  }
0x286: {  	v18 =	vld.idx.msk [tilespmem:v12+s15+$0x0], $0xffff;
	v12 =	vadd.s32 s1, v9;
	v17 =	vmul.u32 $0x41, v10  }
0x287: {  	s6 =	simm.s32 $0x0;
	v10 =	vld.idx.msk [tilespmem:v11+s15+$0x0], $0xffff;
	v11 =	vadd.s32 s1, v8  }
0x288: {  	s2 =	simm.s32 $0x7;
	v13 =	vld.idx.msk [tilespmem:v13+s15+$0x0], $0xffff;
	v16 =	vadd.s32 s6, v17  }
0x289: {  	s8 =	simm.s32 $0x1;
	v19 =	vld.idx.msk [tilespmem:v14+s15+$0x0], $0xffff;
	v14 =	vadd.s32 s2, v17  }
0x28a: {  	s31 =	simm.s32 $0x3;
	v20 =	vld.idx.msk [tilespmem:v15+s15+$0x0], $0xffff;
	v15 =	vadd.s32 s8, v17  }
0x28b: {  	s9 =	simm.s32 $0x2;
	v12 =	vld.idx.msk [tilespmem:v12+s15+$0x0], $0xffff;
	v22 =	vadd.s32 s31, v17  }
0x28c: {  	s4 =	simm.s32 $0x4;
	v21 =	vld.idx.msk [tilespmem:v11+s15+$0x0], $0xffff;
	v11 =	vadd.s32 s9, v17  }
0x28d: {  	s7 =	simm.s32 $0x5;
	v24 =	vadd.s32 s4, v17;
	v23 =	vld.idx.msk [tilespmem:v16+s10+$0x0], $0xffff  }
0x28e: {  	s5 =	simm.s32 $0x6;
	v16 =	vmul.u32 $0x41, v10;
	v10 =	vadd.s32 s7, v17;
	v14 =	vld.idx.msk [tilespmem:v14+s10+$0x0], $0xffff  }
0x28f: {  	v25 =	vld.idx.msk [tilespmem:v15+s10+$0x0], $0xffff;
	v15 =	vadd.s32 s5, v17  }
0x290: {  	v22 =	vld.idx.msk [tilespmem:v22+s10+$0x0], $0xffff;
	v26 =	vadd.s32 s2, v16  }
0x291: {  	v27 =	vadd.s32 s8, v16;
	v11 =	vld.idx.msk [tilespmem:v11+s10+$0x0], $0xffff  }
0x292: {  	s3 =	simm.s32 $0xEA80;
	v24 =	vld.idx.msk [tilespmem:v24+s10+$0x0], $0xffff;
	v28 =	vadd.s32 s9, v16  }
0x293: {  	v29 =	vadd.s32 s31, v16;
	v10 =	vld.idx.msk [tilespmem:v10+s10+$0x0], $0xffff;
	[tilespmem:s3+$0x180] =	vst v14  }
0x294: {  	v30 =	vadd.s32 s4, v16;
	v31 =	vld.idx.msk [tilespmem:v15+s10+$0x0], $0xffff;
	[tilespmem:s3+$0xFFFFFE80] =	vst v25  }
0x295: {  	v15 =	vmul.u32 $0x41, v18;
	v14 =	vadd.s32 s7, v16;
	[tilespmem:s3+$0xFFFFFF80] =	vst v22;
	v18 =	vld.idx.msk [tilespmem:v26+s10+$0x0], $0xffff  }
0x296: {  	v25 =	vld.idx.msk [tilespmem:v27+s10+$0x0], $0xffff;
	[tilespmem:s3+$0xFFFFFF00] =	vst v11;
	v11 =	vadd.s32 s5, v16  }
0x297: {  	[tilespmem:s3+$0x0] =	vst v24;
	v22 =	vadd.s32 s2, v15;
	v26 =	vld.idx.msk [tilespmem:v28+s10+$0x0], $0xffff  }
0x298: {  	[tilespmem:s3+$0xFFFFFE00] =	vst v23;
	v27 =	vadd.s32 s6, v16;
	v28 =	vld.idx.msk [tilespmem:v29+s10+$0x0], $0xffff  }
0x299: {  	v24 =	vadd.s32 s8, v15;
	v29 =	vld.idx.msk [tilespmem:v30+s10+$0x0], $0xffff;
	[tilespmem:s3+$0x80] =	vst v10  }
0x29a: {  	v10 =	vadd.s32 s9, v15;
	[tilespmem:s3+$0x100] =	vst v31;
	v30 =	vld.idx.msk [tilespmem:v14+s10+$0x0], $0xffff  }
0x29b: {  	v31 =	vadd.s32 s31, v15;
	[tilespmem:s3+$0x190] =	vst v18;
	v11 =	vld.idx.msk [tilespmem:v11+s10+$0x0], $0xffff  }
0x29c: {  	v14 =	vmul.u32 $0x41, v13;
	v13 =	vadd.s32 s4, v15;
	[tilespmem:s3+$0xFFFFFE90] =	vst v25;
	v18 =	vld.idx.msk [tilespmem:v22+s10+$0x0], $0xffff  }
0x29d: {  	v23 =	vadd.s32 s7, v15;
	v22 =	vld.idx.msk [tilespmem:v27+s10+$0x0], $0xffff;
	[tilespmem:s3+$0xFFFFFF10] =	vst v26  }
0x29e: {  	v24 =	vld.idx.msk [tilespmem:v24+s10+$0x0], $0xffff;
	v25 =	vadd.s32 s2, v14;
	[tilespmem:s3+$0xFFFFFF90] =	vst v28  }
0x29f: {  	v26 =	vadd.s32 s5, v15;
	[tilespmem:s3+$0x10] =	vst v29;
	v10 =	vld.idx.msk [tilespmem:v10+s10+$0x0], $0xffff  }
0x2a0: {  	v27 =	vadd.s32 s6, v15;
	v28 =	vld.idx.msk [tilespmem:v31+s10+$0x0], $0xffff;
	[tilespmem:s3+$0x90] =	vst v30  }
0x2a1: {  	v29 =	vadd.s32 s8, v14;
	v31 =	vld.idx.msk [tilespmem:v13+s10+$0x0], $0xffff;
	[tilespmem:s3+$0x1A0] =	vst v18  }
0x2a2: {  	v30 =	vadd.s32 s9, v14;
	v23 =	vld.idx.msk [tilespmem:v23+s10+$0x0], $0xffff;
	[tilespmem:s3+$0x110] =	vst v11  }
0x2a3: {  	v13 =	vmul.u32 $0x41, v19;
	v19 =	vadd.s32 s4, v14;
	[tilespmem:s3+$0xFFFFFE10] =	vst v22;
	v11 =	vld.idx.msk [tilespmem:v25+s10+$0x0], $0xffff  }
0x2a4: {  	v18 =	vadd.s32 s31, v14;
	[tilespmem:s3+$0xFFFFFEA0] =	vst v24;
	v22 =	vld.idx.msk [tilespmem:v26+s10+$0x0], $0xffff  }
0x2a5: {  	v24 =	vadd.s32 s2, v13;
	v25 =	vld.idx.msk [tilespmem:v27+s10+$0x0], $0xffff;
	[tilespmem:s3+$0xFFFFFF20] =	vst v10  }
0x2a6: {  	v26 =	vld.idx.msk [tilespmem:v29+s10+$0x0], $0xffff;
	v10 =	vadd.s32 s7, v14;
	[tilespmem:s3+$0xFFFFFFA0] =	vst v28  }
0x2a7: {  	v28 =	vadd.s32 s5, v14;
	v27 =	vld.idx.msk [tilespmem:v30+s10+$0x0], $0xffff;
	[tilespmem:s3+$0x20] =	vst v31  }
0x2a8: {  	v29 =	vadd.s32 s6, v14;
	v19 =	vld.idx.msk [tilespmem:v19+s10+$0x0], $0xffff;
	[tilespmem:s3+$0xA0] =	vst v23  }
0x2a9: {  	v30 =	vadd.s32 s8, v13;
	v18 =	vld.idx.msk [tilespmem:v18+s10+$0x0], $0xffff;
	[tilespmem:s3+$0x1B0] =	vst v11  }
0x2aa: {  	v11 =	vmul.u32 $0x41, v20;
	v20 =	vadd.s32 s9, v13;
	[tilespmem:s3+$0x120] =	vst v22;
	v23 =	vld.idx.msk [tilespmem:v24+s10+$0x0], $0xffff  }
0x2ab: {  	[tilespmem:s3+$0xFFFFFE20] =	vst v25;
	v24 =	vadd.s32 s31, v13;
	v31 =	vld.idx.msk [tilespmem:v10+s10+$0x0], $0xffff  }
0x2ac: {  	[tilespmem:s3+$0xFFFFFEB0] =	vst v26;
	v22 =	vld.idx.msk [tilespmem:v28+s10+$0x0], $0xffff;
	v25 =	vadd.s32 s2, v11  }
0x2ad: {  	v26 =	vadd.s32 s4, v13;
	v28 =	vld.idx.msk [tilespmem:v29+s10+$0x0], $0xffff;
	[tilespmem:s3+$0xFFFFFF30] =	vst v27  }
0x2ae: {  	v29 =	vld.idx.msk [tilespmem:v30+s10+$0x0], $0xffff;
	v27 =	vadd.s32 s7, v13;
	[tilespmem:s3+$0x30] =	vst v19  }
0x2af: {  	v30 =	vadd.s32 s6, v13;
	[tilespmem:s3+$0xFFFFFFB0] =	vst v18;
	v20 =	vld.idx.msk [tilespmem:v20+s10+$0x0], $0xffff  }
0x2b0: {  	v10 =	vmul.u32 $0x41, v21;
	v21 =	vadd.s32 s8, v11;
	v24 =	vld.idx.msk [tilespmem:v24+s10+$0x0], $0xffff;
	[tilespmem:s3+$0x1C0] =	vst v23  }
0x2b1: {  	v18 =	vadd.s32 s5, v13;
	[tilespmem:s3+$0xB0] =	vst v31;
	v19 =	vld.idx.msk [tilespmem:v25+s10+$0x0], $0xffff  }
0x2b2: {  	v23 =	vadd.s32 s9, v11;
	[tilespmem:s3+$0x130] =	vst v22;
	v25 =	vld.idx.msk [tilespmem:v26+s10+$0x0], $0xffff  }
0x2b3: {  	[tilespmem:s3+$0xFFFFFE30] =	vst v28;
	v26 =	vld.idx.msk [tilespmem:v27+s10+$0x0], $0xffff;
	v27 =	vadd.s32 s31, v11  }
0x2b4: {  	v22 =	vadd.s32 s2, v10;
	v28 =	vld.idx.msk [tilespmem:v30+s10+$0x0], $0xffff;
	[tilespmem:s3+$0xFFFFFEC0] =	vst v29  }
0x2b5: {  	v29 =	vadd.s32 s4, v11;
	v21 =	vld.idx.msk [tilespmem:v21+s10+$0x0], $0xffff;
	[tilespmem:s3+$0xFFFFFF40] =	vst v20  }
0x2b6: {  	v18 =	vld.idx.msk [tilespmem:v18+s10+$0x0], $0xffff;
	v20 =	vadd.s32 s7, v11;
	[tilespmem:s3+$0xFFFFFFC0] =	vst v24  }
0x2b7: {  	v30 =	vadd.s32 s5, v11;
	v23 =	vld.idx.msk [tilespmem:v23+s10+$0x0], $0xffff;
	[tilespmem:s3+$0x1D0] =	vst v19  }
0x2b8: {  	v24 =	vadd.s32 s8, v10;
	v27 =	vld.idx.msk [tilespmem:v27+s10+$0x0], $0xffff;
	[tilespmem:s3+$0x40] =	vst v25  }
0x2b9: {  	v12 =	vmul.u32 $0x41, v12;
	v19 =	vadd.s32 s6, v11;
	[tilespmem:s3+$0xC0] =	vst v26;
	v22 =	vld.idx.msk [tilespmem:v22+s10+$0x0], $0xffff  }
0x2ba: {  	[tilespmem:s3+$0xFFFFFE40] =	vst v28;
	v25 =	vld.idx.msk [tilespmem:v29+s10+$0x0], $0xffff;
	v29 =	vadd.s32 s9, v10  }
0x2bb: {  	v26 =	vadd.s32 s2, v12;
	[tilespmem:s3+$0x140] =	vst v18;
	v20 =	vld.idx.msk [tilespmem:v20+s10+$0x0], $0xffff  }
0x2bc: {  	[tilespmem:s3+$0xFFFFFED0] =	vst v21;
	v18 =	vadd.s32 s31, v10;
	v28 =	vld.idx.msk [tilespmem:v30+s10+$0x0], $0xffff  }
0x2bd: {  	v21 =	vadd.s32 s4, v10;
	v24 =	vld.idx.msk [tilespmem:v24+s10+$0x0], $0xffff  }
0x2be: {  	v30 =	vadd.s32 s7, v10;
	[tilespmem:s3+$0xFFFFFF50] =	vst v23;
	v19 =	vld.idx.msk [tilespmem:v19+s10+$0x0], $0xffff  }
0x2bf: {  	v31 =	vadd.s32 s5, v10;
	s2 =	simm.s32 $0x8;
	[tilespmem:s3+$0x1E0] =	vst v22;
	v33 =	vld.idx.msk [tilespmem:v29+s10+$0x0], $0xffff  }
0x2c0: {  	[tilespmem:s3+$0xFFFFFFD0] =	vst v27;
	v27 =	vadd.s32 s2, v17;
	v26 =	vld.idx.msk [tilespmem:v26+s10+$0x0], $0xffff  }
0x2c1: {  	v32 =	vadd.s32 s6, v10;
	[tilespmem:s3+$0x50] =	vst v25;
	v34 =	vld.idx.msk [tilespmem:v18+s10+$0x0], $0xffff  }
0x2c2: {  	v25 =	vadd.s32 s8, v12;
	v23 =	vld.idx.msk [tilespmem:v21+s10+$0x0], $0xffff;
	[tilespmem:s3+$0xD0] =	vst v20  }
0x2c3: {  	v35 =	vadd.s32 s9, v12;
	[tilespmem:s3+$0x150] =	vst v28;
	v22 =	vld.idx.msk [tilespmem:v30+s10+$0x0], $0xffff  }
0x2c4: {  	v29 =	vadd.s32 s31, v12;
	v20 =	vld.idx.msk [tilespmem:v31+s10+$0x0], $0xffff;
	[tilespmem:s3+$0xFFFFFEE0] =	vst v24  }
0x2c5: {  	v28 =	vadd.s32 s4, v12;
	[tilespmem:s3+$0xFFFFFE50] =	vst v19;
	v18 =	vld.idx.msk [tilespmem:v27+s10+$0x0], $0xffff  }
0x2c6: {  	v27 =	vadd.s32 s7, v12;
	v19 =	vld.idx.msk [tilespmem:v32+s10+$0x0], $0xffff;
	[tilespmem:s3+$0xFFFFFF60] =	vst v33  }
0x2c7: {  	v21 =	vld.idx.msk [tilespmem:v25+s10+$0x0], $0xffff;
	[tilespmem:s3+$0x1F0] =	vst v26;
	v26 =	vadd.s32 s5, v12  }
0x2c8: {  	s0 =	sshll.u32 s20, $0x1;
	s4 =	simm.s32 $0xF;
	v25 =	vadd.s32 s6, v12;
	s5 =	simm.s32 $0x10;
	v24 =	vld.idx.msk [tilespmem:v35+s10+$0x0], $0xffff;
	[tilespmem:s3+$0xFFFFFFE0] =	vst v34  }
.LBB2_7:
0x2c9: {  	p1 =	slt.u32 s5, $0x38;
	s6 =	sadd.s32 $0x1, s2;
	v30 =	vadd.s32 s4, v17;
	v29 =	vld.idx.msk [tilespmem:v29+s10+$0x0], $0xffff;
	[tilespmem:s3+$0x60] =	vst v23  }
0x2ca: {  	s7 =	sadd.s32 $0x2, s2;
	v23 =	vadd.s32 s6, v17;
	v28 =	vld.idx.msk [tilespmem:v28+s10+$0x0], $0xffff;
	[tilespmem:s3+$0xE0] =	vst v22  }
0x2cb: {  	s8 =	sadd.s32 $0x3, s2;
	v22 =	vadd.s32 s7, v17;
	v27 =	vld.idx.msk [tilespmem:v27+s10+$0x0], $0xffff;
	[tilespmem:s3+$0x160] =	vst v20  }
0x2cc: {  	s9 =	sadd.s32 $0x4, s2;
	v20 =	vadd.s32 s8, v17;
	[tilespmem:s3+$0xFFFFFE60] =	vst v19;
	v19 =	vld.idx.msk [tilespmem:v26+s10+$0x0], $0xffff  }
0x2cd: {  	s11 =	sadd.s32 $0x5, s2;
	v26 =	vadd.s32 s9, v17;
	v25 =	vld.idx.msk [tilespmem:v25+s10+$0x0], $0xffff;
	[tilespmem:s3+$0xFFFFFEF0] =	vst v21  }
0x2ce: {  	s12 =	sadd.s32 $0x6, s2;
	v21 =	vadd.s32 s11, v17;
	v30 =	vld.idx.msk [tilespmem:v30+s10+$0x0], $0xffff;
	[tilespmem:s3+$0xFFFFFF70] =	vst v24  }
0x2cf: {  	v24 =	vadd.s32 s12, v17;
	v23 =	vld.idx.msk [tilespmem:v23+s10+$0x0], $0xffff;
	[tilespmem:s3+$0xFFFFFFF0] =	vst v29  }
0x2d0: {  	v29 =	vadd.s32 s4, v16;
	v22 =	vld.idx.msk [tilespmem:v22+s10+$0x0], $0xffff;
	[tilespmem:s3+$0x70] =	vst v28  }
0x2d1: {  	v28 =	vadd.s32 s6, v16;
	v20 =	vld.idx.msk [tilespmem:v20+s10+$0x0], $0xffff;
	[tilespmem:s3+$0xF0] =	vst v27  }
0x2d2: {  	v27 =	vadd.s32 s7, v16;
	v26 =	vld.idx.msk [tilespmem:v26+s10+$0x0], $0xffff;
	[tilespmem:s3+$0x170] =	vst v19  }
0x2d3: {  	v19 =	vadd.s32 s8, v16;
	v21 =	vld.idx.msk [tilespmem:v21+s10+$0x0], $0xffff;
	[tilespmem:s3+$0xFFFFFE70] =	vst v25;
	s3 =	sadd.s32 $0x400, s3  }
0x2d4: {  	v25 =	vadd.s32 s9, v16;
	v24 =	vld.idx.msk [tilespmem:v24+s10+$0x0], $0xffff;
	[tilespmem:s3+$0x180] =	vst v30  }
0x2d5: {  	[tilespmem:s3+$0xFFFFFE80] =	vst v23;
	v23 =	vadd.s32 s11, v16;
	v29 =	vld.idx.msk [tilespmem:v29+s10+$0x0], $0xffff  }
0x2d6: {  	v28 =	vld.idx.msk [tilespmem:v28+s10+$0x0], $0xffff;
	[tilespmem:s3+$0xFFFFFF00] =	vst v22;
	v22 =	vadd.s32 s12, v16  }
0x2d7: {  	v27 =	vld.idx.msk [tilespmem:v27+s10+$0x0], $0xffff;
	[tilespmem:s3+$0xFFFFFF80] =	vst v20;
	v20 =	vadd.s32 s4, v15  }
0x2d8: {  	v30 =	vadd.s32 s2, v16;
	v19 =	vld.idx.msk [tilespmem:v19+s10+$0x0], $0xffff;
	[tilespmem:s3+$0x0] =	vst v26  }
0x2d9: {  	v26 =	vadd.s32 s6, v15;
	v25 =	vld.idx.msk [tilespmem:v25+s10+$0x0], $0xffff;
	[tilespmem:s3+$0x80] =	vst v21  }
0x2da: {  	v21 =	vadd.s32 s7, v15;
	v23 =	vld.idx.msk [tilespmem:v23+s10+$0x0], $0xffff;
	[tilespmem:s3+$0x100] =	vst v24  }
0x2db: {  	v24 =	vadd.s32 s8, v15;
	v22 =	vld.idx.msk [tilespmem:v22+s10+$0x0], $0xffff;
	[tilespmem:s3+$0x190] =	vst v29  }
0x2dc: {  	[tilespmem:s3+$0xFFFFFE00] =	vst v18;
	v18 =	vadd.s32 s9, v15;
	v20 =	vld.idx.msk [tilespmem:v20+s10+$0x0], $0xffff  }
0x2dd: {  	v29 =	vld.idx.msk [tilespmem:v30+s10+$0x0], $0xffff;
	[tilespmem:s3+$0xFFFFFE90] =	vst v28;
	v28 =	vadd.s32 s11, v15  }
0x2de: {  	v26 =	vld.idx.msk [tilespmem:v26+s10+$0x0], $0xffff;
	[tilespmem:s3+$0xFFFFFF10] =	vst v27;
	v27 =	vadd.s32 s4, v14  }
0x2df: {  	v21 =	vld.idx.msk [tilespmem:v21+s10+$0x0], $0xffff;
	[tilespmem:s3+$0xFFFFFF90] =	vst v19;
	v19 =	vadd.s32 s12, v15  }
0x2e0: {  	v30 =	vadd.s32 s2, v15;
	v24 =	vld.idx.msk [tilespmem:v24+s10+$0x0], $0xffff;
	[tilespmem:s3+$0x10] =	vst v25  }
0x2e1: {  	v25 =	vadd.s32 s6, v14;
	v18 =	vld.idx.msk [tilespmem:v18+s10+$0x0], $0xffff;
	[tilespmem:s3+$0x90] =	vst v23  }
0x2e2: {  	v23 =	vadd.s32 s7, v14;
	v28 =	vld.idx.msk [tilespmem:v28+s10+$0x0], $0xffff;
	[tilespmem:s3+$0x1A0] =	vst v20  }
0x2e3: {  	v20 =	vadd.s32 s8, v14;
	[tilespmem:s3+$0x110] =	vst v22;
	v22 =	vld.idx.msk [tilespmem:v27+s10+$0x0], $0xffff  }
0x2e4: {  	v27 =	vadd.s32 s9, v14;
	[tilespmem:s3+$0xFFFFFE10] =	vst v29;
	v19 =	vld.idx.msk [tilespmem:v19+s10+$0x0], $0xffff  }
0x2e5: {  	v29 =	vld.idx.msk [tilespmem:v30+s10+$0x0], $0xffff;
	[tilespmem:s3+$0xFFFFFEA0] =	vst v26;
	v26 =	vadd.s32 s4, v13  }
0x2e6: {  	v25 =	vld.idx.msk [tilespmem:v25+s10+$0x0], $0xffff;
	[tilespmem:s3+$0xFFFFFF20] =	vst v21;
	v21 =	vadd.s32 s11, v14  }
0x2e7: {  	v23 =	vld.idx.msk [tilespmem:v23+s10+$0x0], $0xffff;
	[tilespmem:s3+$0xFFFFFFA0] =	vst v24;
	v24 =	vadd.s32 s12, v14  }
0x2e8: {  	v30 =	vadd.s32 s2, v14;
	v20 =	vld.idx.msk [tilespmem:v20+s10+$0x0], $0xffff;
	[tilespmem:s3+$0x20] =	vst v18  }
0x2e9: {  	v18 =	vadd.s32 s6, v13;
	v27 =	vld.idx.msk [tilespmem:v27+s10+$0x0], $0xffff;
	[tilespmem:s3+$0x1B0] =	vst v22  }
0x2ea: {  	v22 =	vadd.s32 s7, v13;
	[tilespmem:s3+$0xA0] =	vst v28;
	v26 =	vld.idx.msk [tilespmem:v26+s10+$0x0], $0xffff  }
0x2eb: {  	v28 =	vadd.s32 s8, v13;
	v21 =	vld.idx.msk [tilespmem:v21+s10+$0x0], $0xffff;
	[tilespmem:s3+$0x120] =	vst v19  }
0x2ec: {  	[tilespmem:s3+$0xFFFFFE20] =	vst v29;
	v19 =	vld.idx.msk [tilespmem:v24+s10+$0x0], $0xffff;
	v24 =	vadd.s32 s4, v11  }
0x2ed: {  	v29 =	vld.idx.msk [tilespmem:v30+s10+$0x0], $0xffff;
	[tilespmem:s3+$0xFFFFFEB0] =	vst v25;
	v25 =	vadd.s32 s9, v13  }
0x2ee: {  	v18 =	vld.idx.msk [tilespmem:v18+s10+$0x0], $0xffff;
	[tilespmem:s3+$0xFFFFFF30] =	vst v23;
	v23 =	vadd.s32 s11, v13  }
0x2ef: {  	v22 =	vld.idx.msk [tilespmem:v22+s10+$0x0], $0xffff;
	[tilespmem:s3+$0xFFFFFFB0] =	vst v20;
	v20 =	vadd.s32 s12, v13  }
0x2f0: {  	v30 =	vadd.s32 s2, v13;
	v28 =	vld.idx.msk [tilespmem:v28+s10+$0x0], $0xffff;
	[tilespmem:s3+$0x1C0] =	vst v26  }
0x2f1: {  	v26 =	vadd.s32 s6, v11;
	[tilespmem:s3+$0x30] =	vst v27;
	v24 =	vld.idx.msk [tilespmem:v24+s10+$0x0], $0xffff  }
0x2f2: {  	v27 =	vadd.s32 s7, v11;
	v25 =	vld.idx.msk [tilespmem:v25+s10+$0x0], $0xffff;
	[tilespmem:s3+$0xB0] =	vst v21  }
0x2f3: {  	v21 =	vld.idx.msk [tilespmem:v23+s10+$0x0], $0xffff;
	[tilespmem:s3+$0x130] =	vst v19;
	v19 =	vadd.s32 s4, v10  }
0x2f4: {  	v23 =	vadd.s32 s8, v11;
	[tilespmem:s3+$0xFFFFFE30] =	vst v29;
	v20 =	vld.idx.msk [tilespmem:v20+s10+$0x0], $0xffff  }
0x2f5: {  	v29 =	vld.idx.msk [tilespmem:v30+s10+$0x0], $0xffff;
	[tilespmem:s3+$0xFFFFFEC0] =	vst v18;
	v18 =	vadd.s32 s9, v11  }
0x2f6: {  	v26 =	vld.idx.msk [tilespmem:v26+s10+$0x0], $0xffff;
	[tilespmem:s3+$0xFFFFFF40] =	vst v22;
	v22 =	vadd.s32 s11, v11  }
0x2f7: {  	v30 =	vadd.s32 s12, v11;
	v27 =	vld.idx.msk [tilespmem:v27+s10+$0x0], $0xffff;
	[tilespmem:s3+$0x1D0] =	vst v24  }
0x2f8: {  	v24 =	vadd.s32 s2, v11;
	[tilespmem:s3+$0xFFFFFFC0] =	vst v28;
	v19 =	vld.idx.msk [tilespmem:v19+s10+$0x0], $0xffff  }
0x2f9: {  	v28 =	vadd.s32 s6, v10;
	v23 =	vld.idx.msk [tilespmem:v23+s10+$0x0], $0xffff;
	[tilespmem:s3+$0x40] =	vst v25  }
0x2fa: {  	v18 =	vld.idx.msk [tilespmem:v18+s10+$0x0], $0xffff;
	[tilespmem:s3+$0xC0] =	vst v21;
	v21 =	vadd.s32 s4, v12  }
0x2fb: {  	v25 =	vadd.s32 s7, v10;
	v22 =	vld.idx.msk [tilespmem:v22+s10+$0x0], $0xffff;
	[tilespmem:s3+$0x140] =	vst v20  }
0x2fc: {  	v20 =	vadd.s32 s8, v10;
	[tilespmem:s3+$0xFFFFFE40] =	vst v29;
	v29 =	vld.idx.msk [tilespmem:v30+s10+$0x0], $0xffff  }
0x2fd: {  	v24 =	vld.idx.msk [tilespmem:v24+s10+$0x0], $0xffff;
	[tilespmem:s3+$0xFFFFFED0] =	vst v26;
	v26 =	vadd.s32 s9, v10  }
0x2fe: {  	v30 =	vld.idx.msk [tilespmem:v28+s10+$0x0], $0xffff;
	v28 =	vadd.s32 s11, v10;
	[tilespmem:s3+$0x1E0] =	vst v19  }
0x2ff: {  	v19 =	vadd.s32 s12, v10;
	[tilespmem:s3+$0xFFFFFF50] =	vst v27;
	v21 =	vld.idx.msk [tilespmem:v21+s10+$0x0], $0xffff  }
0x300: {  	v27 =	vadd.s32 s2, v10;
	v25 =	vld.idx.msk [tilespmem:v25+s10+$0x0], $0xffff;
	[tilespmem:s3+$0xFFFFFFD0] =	vst v23  }
0x301: {  	v31 =	vadd.s32 s5, v17;
	v32 =	vld.idx.msk [tilespmem:v20+s10+$0x0], $0xffff;
	[tilespmem:s3+$0x50] =	vst v18  }
0x302: {  	v33 =	vadd.s32 s6, v12;
	v23 =	vld.idx.msk [tilespmem:v26+s10+$0x0], $0xffff;
	[tilespmem:s3+$0xD0] =	vst v22  }
0x303: {  	v34 =	vadd.s32 s7, v12;
	v22 =	vld.idx.msk [tilespmem:v28+s10+$0x0], $0xffff;
	[tilespmem:s3+$0x150] =	vst v29  }
.Ltmp2:
0x304: {  	v29 =	vadd.s32 s8, v12;
	[tilespmem:s3+$0xFFFFFE50] =	vst v24;
	v20 =	vld.idx.msk [tilespmem:v19+s10+$0x0], $0xffff;
	(pc) =	sbr.rel @p1 .LBB2_7-.Ltmp2, $4  }
0x305: {  	v28 =	vadd.s32 s9, v12;
	v19 =	vld.idx.msk [tilespmem:v27+s10+$0x0], $0xffff;
	[tilespmem:s3+$0x1F0] =	vst v21  }
0x306: {  	v27 =	vadd.s32 s11, v12;
	v18 =	vld.idx.msk [tilespmem:v31+s10+$0x0], $0xffff;
	[tilespmem:s3+$0xFFFFFEE0] =	vst v30  }
0x307: {  	v26 =	vadd.s32 s12, v12;
	v21 =	vld.idx.msk [tilespmem:v33+s10+$0x0], $0xffff;
	[tilespmem:s3+$0xFFFFFF60] =	vst v25  }
0x308: {  	s4 =	sadd.s32 $0x7, s5;
	v25 =	vadd.s32 s2, v12;
	s2 =	smov.u32 s5;
	s5 =	sadd.s32 $0x8, s5;
	v24 =	vld.idx.msk [tilespmem:v34+s10+$0x0], $0xffff;
	[tilespmem:s3+$0xFFFFFFE0] =	vst v32  }
0x309: {  	_ =	sdelay $0x1  }
0x30a: {  	[tilespmem:s3+$0x60] =	vst v23  }
0x30b: {  	[tilespmem:s3+$0xE0] =	vst v22  }
0x30c: {  	s5 =	sadd.s32 $0x1, s2;
	v23 =	vadd.s32 s4, v17;
	v29 =	vld.idx.msk [tilespmem:v29+s10+$0x0], $0xffff;
	[tilespmem:s3+$0x160] =	vst v20  }
0x30d: {  	s6 =	sadd.s32 $0x2, s2;
	s22 =	sadd.s32 $0x400, s3;
	v22 =	vadd.s32 s5, v17;
	v28 =	vld.idx.msk [tilespmem:v28+s10+$0x0], $0xffff;
	[tilespmem:s3+$0xFFFFFE60] =	vst v19  }
0x30e: {  	s7 =	sadd.s32 $0x3, s2;
	v20 =	vadd.s32 s6, v17;
	v27 =	vld.idx.msk [tilespmem:v27+s10+$0x0], $0xffff;
	[tilespmem:s22+$0xFFFFFE00] =	vst v18  }
0x30f: {  	s8 =	sadd.s32 $0x4, s2;
	v19 =	vadd.s32 s7, v17;
	v26 =	vld.idx.msk [tilespmem:v26+s10+$0x0], $0xffff;
	[tilespmem:s3+$0xFFFFFEF0] =	vst v21  }
0x310: {  	s9 =	sadd.s32 $0x5, s2;
	v25 =	vld.idx.msk [tilespmem:v25+s10+$0x0], $0xffff;
	v21 =	vadd.s32 s8, v17;
	[tilespmem:s3+$0xFFFFFF70] =	vst v24  }
0x311: {  	s11 =	sadd.s32 $0x6, s2;
	v24 =	vadd.s32 s9, v17;
	v23 =	vld.idx.msk [tilespmem:v23+s10+$0x0], $0xffff;
	[tilespmem:s3+$0xFFFFFFF0] =	vst v29  }
0x312: {  	v17 =	vadd.s32 s11, v17;
	v22 =	vld.idx.msk [tilespmem:v22+s10+$0x0], $0xffff;
	[tilespmem:s3+$0x70] =	vst v28  }
0x313: {  	v20 =	vld.idx.msk [tilespmem:v20+s10+$0x0], $0xffff;
	v28 =	vadd.s32 s4, v16;
	[tilespmem:s3+$0xF0] =	vst v27  }
0x314: {  	v19 =	vld.idx.msk [tilespmem:v19+s10+$0x0], $0xffff;
	[tilespmem:s3+$0x170] =	vst v26;
	v26 =	vadd.s32 s5, v16  }
0x315: {  	[tilespmem:s3+$0xFFFFFE70] =	vst v25;
	v25 =	vadd.s32 s6, v16;
	v21 =	vld.idx.msk [tilespmem:v21+s10+$0x0], $0xffff  }
0x316: {  	v24 =	vld.idx.msk [tilespmem:v24+s10+$0x0], $0xffff;
	[tilespmem:s22+$0x180] =	vst v23;
	v23 =	vadd.s32 s7, v16  }
0x317: {  	v17 =	vld.idx.msk [tilespmem:v17+s10+$0x0], $0xffff;
	[tilespmem:s22+$0xFFFFFE80] =	vst v22;
	v22 =	vadd.s32 s8, v16  }
0x318: {  	v27 =	vld.idx.msk [tilespmem:v28+s10+$0x0], $0xffff;
	[tilespmem:s22+$0xFFFFFF00] =	vst v20;
	v20 =	vadd.s32 s9, v16  }
0x319: {  	[tilespmem:s22+$0xFFFFFF80] =	vst v19;
	v19 =	vld.idx.msk [tilespmem:v26+s10+$0x0], $0xffff;
	v26 =	vadd.s32 s4, v15  }
0x31a: {  	v25 =	vld.idx.msk [tilespmem:v25+s10+$0x0], $0xffff;
	[tilespmem:s22+$0x0] =	vst v21;
	v21 =	vadd.s32 s11, v16  }
0x31b: {  	v16 =	vadd.s32 s2, v16;
	[tilespmem:s22+$0x80] =	vst v24;
	v23 =	vld.idx.msk [tilespmem:v23+s10+$0x0], $0xffff  }
0x31c: {  	[tilespmem:s22+$0x100] =	vst v17;
	v17 =	vadd.s32 s5, v15;
	v22 =	vld.idx.msk [tilespmem:v22+s10+$0x0], $0xffff  }
0x31d: {  	v24 =	vadd.s32 s6, v15;
	[tilespmem:s22+$0x190] =	vst v27;
	v20 =	vld.idx.msk [tilespmem:v20+s10+$0x0], $0xffff  }
0x31e: {  	v18 =	vadd.s32 s7, v15;
	v26 =	vld.idx.msk [tilespmem:v26+s10+$0x0], $0xffff;
	[tilespmem:s22+$0xFFFFFE90] =	vst v19  }
0x31f: {  	[tilespmem:s22+$0xFFFFFF10] =	vst v25;
	v19 =	vld.idx.msk [tilespmem:v21+s10+$0x0], $0xffff;
	v21 =	vadd.s32 s8, v15  }
0x320: {  	v25 =	vadd.s32 s4, v14;
	v16 =	vld.idx.msk [tilespmem:v16+s10+$0x0], $0xffff;
	[tilespmem:s22+$0xFFFFFF90] =	vst v23  }
0x321: {  	v17 =	vld.idx.msk [tilespmem:v17+s10+$0x0], $0xffff;
	v23 =	vadd.s32 s9, v15;
	[tilespmem:s22+$0x10] =	vst v22  }
0x322: {  	v22 =	vld.idx.msk [tilespmem:v24+s10+$0x0], $0xffff;
	v24 =	vadd.s32 s11, v15;
	[tilespmem:s22+$0x90] =	vst v20  }
0x323: {  	v15 =	vadd.s32 s2, v15;
	v18 =	vld.idx.msk [tilespmem:v18+s10+$0x0], $0xffff;
	[tilespmem:s22+$0x1A0] =	vst v26  }
0x324: {  	v20 =	vadd.s32 s5, v14;
	v21 =	vld.idx.msk [tilespmem:v21+s10+$0x0], $0xffff;
	[tilespmem:s22+$0x110] =	vst v19  }
0x325: {  	v19 =	vadd.s32 s6, v14;
	v25 =	vld.idx.msk [tilespmem:v25+s10+$0x0], $0xffff;
	[tilespmem:s22+$0xFFFFFE10] =	vst v16  }
0x326: {  	[tilespmem:s22+$0xFFFFFEA0] =	vst v17;
	v16 =	vld.idx.msk [tilespmem:v23+s10+$0x0], $0xffff;
	v23 =	vadd.s32 s7, v14  }
0x327: {  	v17 =	vld.idx.msk [tilespmem:v24+s10+$0x0], $0xffff;
	v24 =	vadd.s32 s4, v13;
	[tilespmem:s22+$0xFFFFFF20] =	vst v22  }
0x328: {  	v22 =	vadd.s32 s8, v14;
	v15 =	vld.idx.msk [tilespmem:v15+s10+$0x0], $0xffff;
	[tilespmem:s22+$0xFFFFFFA0] =	vst v18  }
0x329: {  	v18 =	vld.idx.msk [tilespmem:v20+s10+$0x0], $0xffff;
	v20 =	vadd.s32 s9, v14;
	[tilespmem:s22+$0x20] =	vst v21  }
0x32a: {  	v19 =	vld.idx.msk [tilespmem:v19+s10+$0x0], $0xffff;
	v21 =	vadd.s32 s11, v14;
	[tilespmem:s22+$0x1B0] =	vst v25  }
0x32b: {  	v14 =	vadd.s32 s2, v14;
	v23 =	vld.idx.msk [tilespmem:v23+s10+$0x0], $0xffff;
	[tilespmem:s22+$0xA0] =	vst v16  }
0x32c: {  	v16 =	vadd.s32 s5, v13;
	v24 =	vld.idx.msk [tilespmem:v24+s10+$0x0], $0xffff;
	[tilespmem:s22+$0x120] =	vst v17  }
0x32d: {  	v17 =	vld.idx.msk [tilespmem:v22+s10+$0x0], $0xffff;
	v22 =	vadd.s32 s6, v13;
	[tilespmem:s22+$0xFFFFFE20] =	vst v15  }
0x32e: {  	v15 =	vld.idx.msk [tilespmem:v20+s10+$0x0], $0xffff;
	[tilespmem:s22+$0xFFFFFEB0] =	vst v18;
	v18 =	vadd.s32 s7, v13  }
0x32f: {  	v20 =	vadd.s32 s4, v11;
	v21 =	vld.idx.msk [tilespmem:v21+s10+$0x0], $0xffff;
	[tilespmem:s22+$0xFFFFFF30] =	vst v19  }
0x330: {  	v14 =	vld.idx.msk [tilespmem:v14+s10+$0x0], $0xffff;
	v19 =	vadd.s32 s8, v13;
	[tilespmem:s22+$0xFFFFFFB0] =	vst v23  }
0x331: {  	v16 =	vld.idx.msk [tilespmem:v16+s10+$0x0], $0xffff;
	v23 =	vadd.s32 s9, v13;
	[tilespmem:s22+$0x1C0] =	vst v24  }
0x332: {  	v22 =	vld.idx.msk [tilespmem:v22+s10+$0x0], $0xffff;
	v24 =	vadd.s32 s11, v13;
	[tilespmem:s22+$0x30] =	vst v17  }
0x333: {  	v13 =	vadd.s32 s2, v13;
	[tilespmem:s22+$0xB0] =	vst v15;
	v15 =	vld.idx.msk [tilespmem:v18+s10+$0x0], $0xffff  }
0x334: {  	v18 =	vadd.s32 s5, v11;
	v17 =	vld.idx.msk [tilespmem:v20+s10+$0x0], $0xffff;
	[tilespmem:s22+$0x130] =	vst v21  }
0x335: {  	v20 =	vadd.s32 s4, v10;
	v19 =	vld.idx.msk [tilespmem:v19+s10+$0x0], $0xffff;
	[tilespmem:s22+$0xFFFFFE30] =	vst v14  }
0x336: {  	v14 =	vadd.s32 s6, v11;
	v21 =	vld.idx.msk [tilespmem:v23+s10+$0x0], $0xffff;
	[tilespmem:s22+$0xFFFFFEC0] =	vst v16  }
0x337: {  	v16 =	vadd.s32 s7, v11;
	v23 =	vld.idx.msk [tilespmem:v24+s10+$0x0], $0xffff;
	[tilespmem:s22+$0xFFFFFF40] =	vst v22  }
0x338: {  	v13 =	vld.idx.msk [tilespmem:v13+s10+$0x0], $0xffff;
	v22 =	vadd.s32 s8, v11;
	[tilespmem:s22+$0xFFFFFFC0] =	vst v15  }
0x339: {  	[tilespmem:s22+$0x1D0] =	vst v17;
	v17 =	vld.idx.msk [tilespmem:v18+s10+$0x0], $0xffff;
	v18 =	vadd.s32 s9, v11  }
0x33a: {  	v15 =	vadd.s32 s11, v11;
	v20 =	vld.idx.msk [tilespmem:v20+s10+$0x0], $0xffff;
	[tilespmem:s22+$0x40] =	vst v19  }
0x33b: {  	v11 =	vadd.s32 s2, v11;
	v14 =	vld.idx.msk [tilespmem:v14+s10+$0x0], $0xffff;
	[tilespmem:s22+$0xC0] =	vst v21  }
0x33c: {  	v19 =	vadd.s32 s4, v12;
	v16 =	vld.idx.msk [tilespmem:v16+s10+$0x0], $0xffff;
	[tilespmem:s22+$0x140] =	vst v23  }
0x33d: {  	v21 =	vadd.s32 s5, v10;
	v22 =	vld.idx.msk [tilespmem:v22+s10+$0x0], $0xffff;
	[tilespmem:s22+$0xFFFFFE40] =	vst v13  }
0x33e: {  	v13 =	vadd.s32 s6, v10;
	v18 =	vld.idx.msk [tilespmem:v18+s10+$0x0], $0xffff;
	[tilespmem:s22+$0xFFFFFED0] =	vst v17  }
0x33f: {  	v17 =	vadd.s32 s7, v10;
	v15 =	vld.idx.msk [tilespmem:v15+s10+$0x0], $0xffff;
	[tilespmem:s22+$0x1E0] =	vst v20  }
0x340: {  	v11 =	vld.idx.msk [tilespmem:v11+s10+$0x0], $0xffff;
	v20 =	vadd.s32 s8, v10;
	[tilespmem:s22+$0xFFFFFF50] =	vst v14  }
0x341: {  	v14 =	vadd.s32 s9, v10;
	v19 =	vld.idx.msk [tilespmem:v19+s10+$0x0], $0xffff;
	[tilespmem:s22+$0xFFFFFFD0] =	vst v16  }
0x342: {  	v16 =	vld.idx.msk [tilespmem:v21+s10+$0x0], $0xffff;
	v21 =	vadd.s32 s11, v10;
	[tilespmem:s22+$0x50] =	vst v22  }
0x343: {  	v10 =	vadd.s32 s2, v10;
	v13 =	vld.idx.msk [tilespmem:v13+s10+$0x0], $0xffff;
	[tilespmem:s22+$0xD0] =	vst v18  }
0x344: {  	v17 =	vld.idx.msk [tilespmem:v17+s10+$0x0], $0xffff;
	v18 =	vadd.s32 s5, v12;
	[tilespmem:s22+$0x150] =	vst v15  }
0x345: {  	[tilespmem:s22+$0xFFFFFE50] =	vst v11;
	v15 =	vld.idx.msk [tilespmem:v20+s10+$0x0], $0xffff;
	v20 =	vadd.s32 s6, v12  }
0x346: {  	v11 =	vld.idx.msk [tilespmem:v14+s10+$0x0], $0xffff;
	v14 =	vadd.s32 s7, v12;
	[tilespmem:s22+$0x1F0] =	vst v19  }
0x347: {  	v19 =	vld.idx.msk [tilespmem:v21+s10+$0x0], $0xffff;
	v21 =	vadd.s32 s8, v12;
	[tilespmem:s22+$0xFFFFFEE0] =	vst v16  }
0x348: {  	v10 =	vld.idx.msk [tilespmem:v10+s10+$0x0], $0xffff;
	v16 =	vadd.s32 s9, v12;
	[tilespmem:s22+$0xFFFFFF60] =	vst v13  }
0x349: {  	v13 =	vld.idx.msk [tilespmem:v18+s10+$0x0], $0xffff;
	v18 =	vadd.s32 s11, v12;
	[tilespmem:s22+$0xFFFFFFE0] =	vst v17  }
0x34a: {  	v12 =	vadd.s32 s2, v12;
	v17 =	vld.idx.msk [tilespmem:v20+s10+$0x0], $0xffff;
	[tilespmem:s22+$0x60] =	vst v15  }
0x34b: {  	v14 =	vld.idx.msk [tilespmem:v14+s10+$0x0], $0xffff;
	[tilespmem:s22+$0xE0] =	vst v11  }
0x34c: {  	v11 =	vld.idx.msk [tilespmem:v21+s10+$0x0], $0xffff;
	[tilespmem:s22+$0x160] =	vst v19  }
0x34d: {  	v15 =	vld.idx.msk [tilespmem:v16+s10+$0x0], $0xffff;
	[tilespmem:s22+$0xFFFFFE60] =	vst v10  }
0x34e: {  	v10 =	vld.idx.msk [tilespmem:v18+s10+$0x0], $0xffff;
	[tilespmem:s22+$0xFFFFFEF0] =	vst v13  }
0x34f: {  	s1 =	sor.u32 $0x1, s1;
	v12 =	vld.idx.msk [tilespmem:v12+s10+$0x0], $0xffff;
	[tilespmem:s22+$0xFFFFFF70] =	vst v17  }
0x350: {  	v13 =	vadd.s32 s1, v1;
	[tilespmem:s22+$0xFFFFFFF0] =	vst v14  }
0x351: {  	[tilespmem:s22+$0x70] =	vst v11  }
0x352: {  	[tilespmem:s22+$0xF0] =	vst v15  }
0x353: {  	[tilespmem:s22+$0x170] =	vst v10  }
0x354: {  	[tilespmem:s22+$0xFFFFFE70] =	vst v12  }
0x355: {  	v12 =	vadd.s32 s1, v4;
	v10 =	vld.idx.msk [tilespmem:v13+s15+$0x0], $0xffff  }
0x356: {  	v11 =	vadd.s32 s1, v3  }
0x357: {  	v14 =	vadd.s32 s1, v6  }
0x358: {  	v15 =	vadd.s32 s1, v7  }
0x359: {  	v13 =	vadd.s32 s1, v5  }
0x35a: {  	v18 =	vld.idx.msk [tilespmem:v12+s15+$0x0], $0xffff;
	v12 =	vadd.s32 s1, v9;
	v17 =	vmul.u32 $0x41, v10  }
0x35b: {  	s23 =	simm.s32 $0x0;
	v10 =	vld.idx.msk [tilespmem:v11+s15+$0x0], $0xffff;
	v11 =	vadd.s32 s1, v8  }
0x35c: {  	s24 =	simm.s32 $0x7;
	v19 =	vld.idx.msk [tilespmem:v14+s15+$0x0], $0xffff;
	v16 =	vadd.s32 s23, v17  }
0x35d: {  	s25 =	simm.s32 $0x1;
	v20 =	vld.idx.msk [tilespmem:v15+s15+$0x0], $0xffff;
	v14 =	vadd.s32 s24, v17  }
0x35e: {  	s28 =	simm.s32 $0x3;
	v13 =	vld.idx.msk [tilespmem:v13+s15+$0x0], $0xffff;
	v15 =	vadd.s32 s25, v17  }
0x35f: {  	s26 =	simm.s32 $0x2;
	v22 =	vadd.s32 s28, v17;
	v12 =	vld.idx.msk [tilespmem:v12+s15+$0x0], $0xffff  }
0x360: {  	s29 =	simm.s32 $0x4;
	v21 =	vld.idx.msk [tilespmem:v11+s15+$0x0], $0xffff;
	v11 =	vadd.s32 s26, v17  }
0x361: {  	s30 =	simm.s32 $0x5;
	v24 =	vadd.s32 s29, v17;
	v23 =	vld.idx.msk [tilespmem:v16+s10+$0x0], $0xffff  }
0x362: {  	s31 =	simm.s32 $0x6;
	v16 =	vmul.u32 $0x41, v10;
	v10 =	vadd.s32 s30, v17;
	v14 =	vld.idx.msk [tilespmem:v14+s10+$0x0], $0xffff  }
0x363: {  	v25 =	vld.idx.msk [tilespmem:v15+s10+$0x0], $0xffff;
	v15 =	vadd.s32 s31, v17  }
0x364: {  	v22 =	vld.idx.msk [tilespmem:v22+s10+$0x0], $0xffff;
	v26 =	vadd.s32 s24, v16  }
0x365: {  	v27 =	vadd.s32 s25, v16;
	v11 =	vld.idx.msk [tilespmem:v11+s10+$0x0], $0xffff  }
0x366: {  	s2 =	simm.s32 $0x10C70;
	v24 =	vld.idx.msk [tilespmem:v24+s10+$0x0], $0xffff;
	v28 =	vadd.s32 s26, v16  }
0x367: {  	v29 =	vadd.s32 s28, v16;
	v10 =	vld.idx.msk [tilespmem:v10+s10+$0x0], $0xffff;
	[tilespmem:s2+$0xFFFFFF90] =	vst v14  }
0x368: {  	v30 =	vadd.s32 s29, v16;
	v31 =	vld.idx.msk [tilespmem:v15+s10+$0x0], $0xffff;
	[tilespmem:s2+$0xFFFFFC90] =	vst v25  }
0x369: {  	v15 =	vmul.u32 $0x41, v18;
	v14 =	vadd.s32 s30, v16;
	[tilespmem:s2+$0xFFFFFD90] =	vst v22;
	v18 =	vld.idx.msk [tilespmem:v26+s10+$0x0], $0xffff  }
0x36a: {  	v25 =	vld.idx.msk [tilespmem:v27+s10+$0x0], $0xffff;
	[tilespmem:s2+$0xFFFFFD10] =	vst v11;
	v11 =	vadd.s32 s31, v16  }
0x36b: {  	[tilespmem:s2+$0xFFFFFE10] =	vst v24;
	v22 =	vadd.s32 s24, v15;
	v26 =	vld.idx.msk [tilespmem:v28+s10+$0x0], $0xffff  }
0x36c: {  	[tilespmem:s2+$0xFFFFFC10] =	vst v23;
	v27 =	vadd.s32 s23, v16;
	v28 =	vld.idx.msk [tilespmem:v29+s10+$0x0], $0xffff  }
0x36d: {  	v24 =	vadd.s32 s25, v15;
	v29 =	vld.idx.msk [tilespmem:v30+s10+$0x0], $0xffff;
	[tilespmem:s2+$0xFFFFFE90] =	vst v10  }
0x36e: {  	v10 =	vadd.s32 s26, v15;
	[tilespmem:s2+$0xFFFFFF10] =	vst v31;
	v30 =	vld.idx.msk [tilespmem:v14+s10+$0x0], $0xffff  }
0x36f: {  	v31 =	vadd.s32 s28, v15;
	[tilespmem:s2+$0xFFFFFFA0] =	vst v18;
	v11 =	vld.idx.msk [tilespmem:v11+s10+$0x0], $0xffff  }
0x370: {  	v14 =	vmul.u32 $0x41, v13;
	v13 =	vadd.s32 s29, v15;
	[tilespmem:s2+$0xFFFFFCA0] =	vst v25;
	v18 =	vld.idx.msk [tilespmem:v22+s10+$0x0], $0xffff  }
0x371: {  	v23 =	vadd.s32 s30, v15;
	v22 =	vld.idx.msk [tilespmem:v27+s10+$0x0], $0xffff;
	[tilespmem:s2+$0xFFFFFD20] =	vst v26  }
0x372: {  	v24 =	vld.idx.msk [tilespmem:v24+s10+$0x0], $0xffff;
	v25 =	vadd.s32 s24, v14;
	[tilespmem:s2+$0xFFFFFDA0] =	vst v28  }
0x373: {  	v26 =	vadd.s32 s31, v15;
	[tilespmem:s2+$0xFFFFFE20] =	vst v29;
	v10 =	vld.idx.msk [tilespmem:v10+s10+$0x0], $0xffff  }
0x374: {  	v27 =	vadd.s32 s23, v15;
	v28 =	vld.idx.msk [tilespmem:v31+s10+$0x0], $0xffff;
	[tilespmem:s2+$0xFFFFFEA0] =	vst v30  }
0x375: {  	v29 =	vadd.s32 s25, v14;
	v31 =	vld.idx.msk [tilespmem:v13+s10+$0x0], $0xffff;
	[tilespmem:s2+$0xFFFFFFB0] =	vst v18  }
0x376: {  	v30 =	vadd.s32 s26, v14;
	v23 =	vld.idx.msk [tilespmem:v23+s10+$0x0], $0xffff;
	[tilespmem:s2+$0xFFFFFF20] =	vst v11  }
0x377: {  	v13 =	vmul.u32 $0x41, v19;
	v19 =	vadd.s32 s29, v14;
	[tilespmem:s2+$0xFFFFFC20] =	vst v22;
	v11 =	vld.idx.msk [tilespmem:v25+s10+$0x0], $0xffff  }
0x378: {  	v18 =	vadd.s32 s28, v14;
	[tilespmem:s2+$0xFFFFFCB0] =	vst v24;
	v22 =	vld.idx.msk [tilespmem:v26+s10+$0x0], $0xffff  }
0x379: {  	v24 =	vadd.s32 s24, v13;
	v25 =	vld.idx.msk [tilespmem:v27+s10+$0x0], $0xffff;
	[tilespmem:s2+$0xFFFFFD30] =	vst v10  }
0x37a: {  	v26 =	vld.idx.msk [tilespmem:v29+s10+$0x0], $0xffff;
	v10 =	vadd.s32 s30, v14;
	[tilespmem:s2+$0xFFFFFDB0] =	vst v28  }
0x37b: {  	v28 =	vadd.s32 s31, v14;
	v27 =	vld.idx.msk [tilespmem:v30+s10+$0x0], $0xffff;
	[tilespmem:s2+$0xFFFFFE30] =	vst v31  }
0x37c: {  	v29 =	vadd.s32 s23, v14;
	v19 =	vld.idx.msk [tilespmem:v19+s10+$0x0], $0xffff;
	[tilespmem:s2+$0xFFFFFEB0] =	vst v23  }
0x37d: {  	v30 =	vadd.s32 s25, v13;
	v18 =	vld.idx.msk [tilespmem:v18+s10+$0x0], $0xffff;
	[tilespmem:s2+$0xFFFFFFC0] =	vst v11  }
0x37e: {  	v11 =	vmul.u32 $0x41, v20;
	v20 =	vadd.s32 s26, v13;
	[tilespmem:s2+$0xFFFFFF30] =	vst v22;
	v23 =	vld.idx.msk [tilespmem:v24+s10+$0x0], $0xffff  }
0x37f: {  	[tilespmem:s2+$0xFFFFFC30] =	vst v25;
	v24 =	vadd.s32 s28, v13;
	v31 =	vld.idx.msk [tilespmem:v10+s10+$0x0], $0xffff  }
0x380: {  	[tilespmem:s2+$0xFFFFFCC0] =	vst v26;
	v22 =	vld.idx.msk [tilespmem:v28+s10+$0x0], $0xffff;
	v25 =	vadd.s32 s24, v11  }
0x381: {  	v26 =	vadd.s32 s29, v13;
	v28 =	vld.idx.msk [tilespmem:v29+s10+$0x0], $0xffff;
	[tilespmem:s2+$0xFFFFFD40] =	vst v27  }
0x382: {  	v29 =	vld.idx.msk [tilespmem:v30+s10+$0x0], $0xffff;
	v27 =	vadd.s32 s30, v13;
	[tilespmem:s2+$0xFFFFFE40] =	vst v19  }
0x383: {  	v30 =	vadd.s32 s23, v13;
	[tilespmem:s2+$0xFFFFFDC0] =	vst v18;
	v20 =	vld.idx.msk [tilespmem:v20+s10+$0x0], $0xffff  }
0x384: {  	v10 =	vmul.u32 $0x41, v21;
	v21 =	vadd.s32 s25, v11;
	v24 =	vld.idx.msk [tilespmem:v24+s10+$0x0], $0xffff;
	[tilespmem:s2+$0xFFFFFFD0] =	vst v23  }
0x385: {  	v18 =	vadd.s32 s31, v13;
	[tilespmem:s2+$0xFFFFFEC0] =	vst v31;
	v19 =	vld.idx.msk [tilespmem:v25+s10+$0x0], $0xffff  }
0x386: {  	v23 =	vadd.s32 s26, v11;
	[tilespmem:s2+$0xFFFFFF40] =	vst v22;
	v25 =	vld.idx.msk [tilespmem:v26+s10+$0x0], $0xffff  }
0x387: {  	[tilespmem:s2+$0xFFFFFC40] =	vst v28;
	v26 =	vld.idx.msk [tilespmem:v27+s10+$0x0], $0xffff;
	v27 =	vadd.s32 s28, v11  }
0x388: {  	v22 =	vadd.s32 s24, v10;
	v28 =	vld.idx.msk [tilespmem:v30+s10+$0x0], $0xffff;
	[tilespmem:s2+$0xFFFFFCD0] =	vst v29  }
0x389: {  	v29 =	vadd.s32 s29, v11;
	v21 =	vld.idx.msk [tilespmem:v21+s10+$0x0], $0xffff;
	[tilespmem:s2+$0xFFFFFD50] =	vst v20  }
0x38a: {  	v18 =	vld.idx.msk [tilespmem:v18+s10+$0x0], $0xffff;
	v20 =	vadd.s32 s30, v11;
	[tilespmem:s2+$0xFFFFFDD0] =	vst v24  }
0x38b: {  	v30 =	vadd.s32 s31, v11;
	v23 =	vld.idx.msk [tilespmem:v23+s10+$0x0], $0xffff;
	[tilespmem:s2+$0xFFFFFFE0] =	vst v19  }
0x38c: {  	v24 =	vadd.s32 s25, v10;
	v27 =	vld.idx.msk [tilespmem:v27+s10+$0x0], $0xffff;
	[tilespmem:s2+$0xFFFFFE50] =	vst v25  }
0x38d: {  	v12 =	vmul.u32 $0x41, v12;
	v19 =	vadd.s32 s23, v11;
	[tilespmem:s2+$0xFFFFFED0] =	vst v26;
	v22 =	vld.idx.msk [tilespmem:v22+s10+$0x0], $0xffff  }
0x38e: {  	[tilespmem:s2+$0xFFFFFC50] =	vst v28;
	v25 =	vld.idx.msk [tilespmem:v29+s10+$0x0], $0xffff;
	v29 =	vadd.s32 s26, v10  }
0x38f: {  	v26 =	vadd.s32 s24, v12;
	[tilespmem:s2+$0xFFFFFF50] =	vst v18;
	v20 =	vld.idx.msk [tilespmem:v20+s10+$0x0], $0xffff  }
0x390: {  	[tilespmem:s2+$0xFFFFFCE0] =	vst v21;
	v18 =	vadd.s32 s28, v10;
	v28 =	vld.idx.msk [tilespmem:v30+s10+$0x0], $0xffff  }
0x391: {  	v21 =	vadd.s32 s29, v10;
	v24 =	vld.idx.msk [tilespmem:v24+s10+$0x0], $0xffff  }
0x392: {  	v30 =	vadd.s32 s30, v10;
	[tilespmem:s2+$0xFFFFFD60] =	vst v23;
	v19 =	vld.idx.msk [tilespmem:v19+s10+$0x0], $0xffff  }
0x393: {  	s1 =	simm.s32 $0x8;
	v31 =	vadd.s32 s31, v10;
	[tilespmem:s2+$0xFFFFFFF0] =	vst v22;
	v33 =	vld.idx.msk [tilespmem:v29+s10+$0x0], $0xffff  }
0x394: {  	[tilespmem:s2+$0xFFFFFDE0] =	vst v27;
	v27 =	vadd.s32 s1, v17;
	v26 =	vld.idx.msk [tilespmem:v26+s10+$0x0], $0xffff  }
0x395: {  	v32 =	vadd.s32 s23, v10;
	[tilespmem:s2+$0xFFFFFE60] =	vst v25;
	v34 =	vld.idx.msk [tilespmem:v18+s10+$0x0], $0xffff  }
0x396: {  	v25 =	vadd.s32 s25, v12;
	v23 =	vld.idx.msk [tilespmem:v21+s10+$0x0], $0xffff;
	[tilespmem:s2+$0xFFFFFEE0] =	vst v20  }
0x397: {  	v35 =	vadd.s32 s26, v12;
	[tilespmem:s2+$0xFFFFFF60] =	vst v28;
	v22 =	vld.idx.msk [tilespmem:v30+s10+$0x0], $0xffff  }
0x398: {  	v29 =	vadd.s32 s28, v12;
	v20 =	vld.idx.msk [tilespmem:v31+s10+$0x0], $0xffff;
	[tilespmem:s2+$0xFFFFFCF0] =	vst v24  }
0x399: {  	v28 =	vadd.s32 s29, v12;
	[tilespmem:s2+$0xFFFFFC60] =	vst v19;
	v18 =	vld.idx.msk [tilespmem:v27+s10+$0x0], $0xffff  }
0x39a: {  	v27 =	vadd.s32 s30, v12;
	v19 =	vld.idx.msk [tilespmem:v32+s10+$0x0], $0xffff;
	[tilespmem:s2+$0xFFFFFD70] =	vst v33  }
0x39b: {  	v21 =	vld.idx.msk [tilespmem:v25+s10+$0x0], $0xffff;
	[tilespmem:s2+$0x0] =	vst v26;
	v26 =	vadd.s32 s31, v12  }
0x39c: {  	s3 =	simm.s32 $0xF;
	s4 =	simm.s32 $0x10;
	v25 =	vadd.s32 s23, v12;
	v24 =	vld.idx.msk [tilespmem:v35+s10+$0x0], $0xffff;
	[tilespmem:s2+$0xFFFFFDF0] =	vst v34  }
.LBB2_9:
0x39d: {  	p1 =	slt.u32 s4, $0x38;
	s5 =	sadd.s32 $0x1, s1;
	v30 =	vadd.s32 s3, v17;
	v29 =	vld.idx.msk [tilespmem:v29+s10+$0x0], $0xffff;
	[tilespmem:s2+$0xFFFFFE70] =	vst v23  }
0x39e: {  	s6 =	sadd.s32 $0x2, s1;
	v23 =	vadd.s32 s5, v17;
	v28 =	vld.idx.msk [tilespmem:v28+s10+$0x0], $0xffff;
	[tilespmem:s2+$0xFFFFFEF0] =	vst v22  }
0x39f: {  	s7 =	sadd.s32 $0x3, s1;
	v22 =	vadd.s32 s6, v17;
	v27 =	vld.idx.msk [tilespmem:v27+s10+$0x0], $0xffff;
	[tilespmem:s2+$0xFFFFFF70] =	vst v20  }
0x3a0: {  	s8 =	sadd.s32 $0x4, s1;
	v20 =	vadd.s32 s7, v17;
	[tilespmem:s2+$0xFFFFFC70] =	vst v19;
	v19 =	vld.idx.msk [tilespmem:v26+s10+$0x0], $0xffff  }
0x3a1: {  	s9 =	sadd.s32 $0x5, s1;
	v26 =	vadd.s32 s8, v17;
	v25 =	vld.idx.msk [tilespmem:v25+s10+$0x0], $0xffff;
	[tilespmem:s2+$0xFFFFFD00] =	vst v21  }
0x3a2: {  	s11 =	sadd.s32 $0x6, s1;
	v21 =	vadd.s32 s9, v17;
	v30 =	vld.idx.msk [tilespmem:v30+s10+$0x0], $0xffff;
	[tilespmem:s2+$0xFFFFFD80] =	vst v24  }
0x3a3: {  	v24 =	vadd.s32 s11, v17;
	v23 =	vld.idx.msk [tilespmem:v23+s10+$0x0], $0xffff;
	[tilespmem:s2+$0xFFFFFE00] =	vst v29  }
0x3a4: {  	v29 =	vadd.s32 s3, v16;
	v22 =	vld.idx.msk [tilespmem:v22+s10+$0x0], $0xffff;
	[tilespmem:s2+$0xFFFFFE80] =	vst v28  }
0x3a5: {  	v28 =	vadd.s32 s5, v16;
	v20 =	vld.idx.msk [tilespmem:v20+s10+$0x0], $0xffff;
	[tilespmem:s2+$0xFFFFFF00] =	vst v27  }
0x3a6: {  	v27 =	vadd.s32 s6, v16;
	v26 =	vld.idx.msk [tilespmem:v26+s10+$0x0], $0xffff;
	[tilespmem:s2+$0xFFFFFF80] =	vst v19  }
0x3a7: {  	v19 =	vadd.s32 s7, v16;
	v21 =	vld.idx.msk [tilespmem:v21+s10+$0x0], $0xffff;
	[tilespmem:s2+$0xFFFFFC80] =	vst v25;
	s2 =	sadd.s32 $0x400, s2  }
0x3a8: {  	v25 =	vadd.s32 s8, v16;
	v24 =	vld.idx.msk [tilespmem:v24+s10+$0x0], $0xffff;
	[tilespmem:s2+$0xFFFFFF90] =	vst v30  }
0x3a9: {  	[tilespmem:s2+$0xFFFFFC90] =	vst v23;
	v23 =	vadd.s32 s9, v16;
	v29 =	vld.idx.msk [tilespmem:v29+s10+$0x0], $0xffff  }
0x3aa: {  	v28 =	vld.idx.msk [tilespmem:v28+s10+$0x0], $0xffff;
	[tilespmem:s2+$0xFFFFFD10] =	vst v22;
	v22 =	vadd.s32 s11, v16  }
0x3ab: {  	v27 =	vld.idx.msk [tilespmem:v27+s10+$0x0], $0xffff;
	[tilespmem:s2+$0xFFFFFD90] =	vst v20;
	v20 =	vadd.s32 s3, v15  }
0x3ac: {  	v30 =	vadd.s32 s1, v16;
	v19 =	vld.idx.msk [tilespmem:v19+s10+$0x0], $0xffff;
	[tilespmem:s2+$0xFFFFFE10] =	vst v26  }
0x3ad: {  	v26 =	vadd.s32 s5, v15;
	v25 =	vld.idx.msk [tilespmem:v25+s10+$0x0], $0xffff;
	[tilespmem:s2+$0xFFFFFE90] =	vst v21  }
0x3ae: {  	v21 =	vadd.s32 s6, v15;
	v23 =	vld.idx.msk [tilespmem:v23+s10+$0x0], $0xffff;
	[tilespmem:s2+$0xFFFFFF10] =	vst v24  }
0x3af: {  	v24 =	vadd.s32 s7, v15;
	v22 =	vld.idx.msk [tilespmem:v22+s10+$0x0], $0xffff;
	[tilespmem:s2+$0xFFFFFFA0] =	vst v29  }
0x3b0: {  	[tilespmem:s2+$0xFFFFFC10] =	vst v18;
	v18 =	vadd.s32 s8, v15;
	v20 =	vld.idx.msk [tilespmem:v20+s10+$0x0], $0xffff  }
0x3b1: {  	v29 =	vld.idx.msk [tilespmem:v30+s10+$0x0], $0xffff;
	[tilespmem:s2+$0xFFFFFCA0] =	vst v28;
	v28 =	vadd.s32 s9, v15  }
0x3b2: {  	v26 =	vld.idx.msk [tilespmem:v26+s10+$0x0], $0xffff;
	[tilespmem:s2+$0xFFFFFD20] =	vst v27;
	v27 =	vadd.s32 s3, v14  }
0x3b3: {  	v21 =	vld.idx.msk [tilespmem:v21+s10+$0x0], $0xffff;
	[tilespmem:s2+$0xFFFFFDA0] =	vst v19;
	v19 =	vadd.s32 s11, v15  }
0x3b4: {  	v30 =	vadd.s32 s1, v15;
	v24 =	vld.idx.msk [tilespmem:v24+s10+$0x0], $0xffff;
	[tilespmem:s2+$0xFFFFFE20] =	vst v25  }
0x3b5: {  	v25 =	vadd.s32 s5, v14;
	v18 =	vld.idx.msk [tilespmem:v18+s10+$0x0], $0xffff;
	[tilespmem:s2+$0xFFFFFEA0] =	vst v23  }
0x3b6: {  	v23 =	vadd.s32 s6, v14;
	v28 =	vld.idx.msk [tilespmem:v28+s10+$0x0], $0xffff;
	[tilespmem:s2+$0xFFFFFFB0] =	vst v20  }
0x3b7: {  	v20 =	vadd.s32 s7, v14;
	[tilespmem:s2+$0xFFFFFF20] =	vst v22;
	v22 =	vld.idx.msk [tilespmem:v27+s10+$0x0], $0xffff  }
0x3b8: {  	v27 =	vadd.s32 s8, v14;
	[tilespmem:s2+$0xFFFFFC20] =	vst v29;
	v19 =	vld.idx.msk [tilespmem:v19+s10+$0x0], $0xffff  }
0x3b9: {  	v29 =	vld.idx.msk [tilespmem:v30+s10+$0x0], $0xffff;
	[tilespmem:s2+$0xFFFFFCB0] =	vst v26;
	v26 =	vadd.s32 s3, v13  }
0x3ba: {  	v25 =	vld.idx.msk [tilespmem:v25+s10+$0x0], $0xffff;
	[tilespmem:s2+$0xFFFFFD30] =	vst v21;
	v21 =	vadd.s32 s9, v14  }
0x3bb: {  	v23 =	vld.idx.msk [tilespmem:v23+s10+$0x0], $0xffff;
	[tilespmem:s2+$0xFFFFFDB0] =	vst v24;
	v24 =	vadd.s32 s11, v14  }
0x3bc: {  	v30 =	vadd.s32 s1, v14;
	v20 =	vld.idx.msk [tilespmem:v20+s10+$0x0], $0xffff;
	[tilespmem:s2+$0xFFFFFE30] =	vst v18  }
0x3bd: {  	v18 =	vadd.s32 s5, v13;
	v27 =	vld.idx.msk [tilespmem:v27+s10+$0x0], $0xffff;
	[tilespmem:s2+$0xFFFFFFC0] =	vst v22  }
0x3be: {  	v22 =	vadd.s32 s6, v13;
	[tilespmem:s2+$0xFFFFFEB0] =	vst v28;
	v26 =	vld.idx.msk [tilespmem:v26+s10+$0x0], $0xffff  }
0x3bf: {  	v28 =	vadd.s32 s7, v13;
	v21 =	vld.idx.msk [tilespmem:v21+s10+$0x0], $0xffff;
	[tilespmem:s2+$0xFFFFFF30] =	vst v19  }
0x3c0: {  	[tilespmem:s2+$0xFFFFFC30] =	vst v29;
	v19 =	vld.idx.msk [tilespmem:v24+s10+$0x0], $0xffff;
	v24 =	vadd.s32 s3, v11  }
0x3c1: {  	v29 =	vld.idx.msk [tilespmem:v30+s10+$0x0], $0xffff;
	[tilespmem:s2+$0xFFFFFCC0] =	vst v25;
	v25 =	vadd.s32 s8, v13  }
0x3c2: {  	v18 =	vld.idx.msk [tilespmem:v18+s10+$0x0], $0xffff;
	[tilespmem:s2+$0xFFFFFD40] =	vst v23;
	v23 =	vadd.s32 s9, v13  }
0x3c3: {  	v22 =	vld.idx.msk [tilespmem:v22+s10+$0x0], $0xffff;
	[tilespmem:s2+$0xFFFFFDC0] =	vst v20;
	v20 =	vadd.s32 s11, v13  }
0x3c4: {  	v30 =	vadd.s32 s1, v13;
	v28 =	vld.idx.msk [tilespmem:v28+s10+$0x0], $0xffff;
	[tilespmem:s2+$0xFFFFFFD0] =	vst v26  }
0x3c5: {  	v26 =	vadd.s32 s5, v11;
	[tilespmem:s2+$0xFFFFFE40] =	vst v27;
	v24 =	vld.idx.msk [tilespmem:v24+s10+$0x0], $0xffff  }
0x3c6: {  	v27 =	vadd.s32 s6, v11;
	v25 =	vld.idx.msk [tilespmem:v25+s10+$0x0], $0xffff;
	[tilespmem:s2+$0xFFFFFEC0] =	vst v21  }
0x3c7: {  	v21 =	vld.idx.msk [tilespmem:v23+s10+$0x0], $0xffff;
	[tilespmem:s2+$0xFFFFFF40] =	vst v19;
	v19 =	vadd.s32 s3, v10  }
0x3c8: {  	v23 =	vadd.s32 s7, v11;
	[tilespmem:s2+$0xFFFFFC40] =	vst v29;
	v20 =	vld.idx.msk [tilespmem:v20+s10+$0x0], $0xffff  }
0x3c9: {  	v29 =	vld.idx.msk [tilespmem:v30+s10+$0x0], $0xffff;
	[tilespmem:s2+$0xFFFFFCD0] =	vst v18;
	v18 =	vadd.s32 s8, v11  }
0x3ca: {  	v26 =	vld.idx.msk [tilespmem:v26+s10+$0x0], $0xffff;
	[tilespmem:s2+$0xFFFFFD50] =	vst v22;
	v22 =	vadd.s32 s9, v11  }
0x3cb: {  	v30 =	vadd.s32 s11, v11;
	v27 =	vld.idx.msk [tilespmem:v27+s10+$0x0], $0xffff;
	[tilespmem:s2+$0xFFFFFFE0] =	vst v24  }
0x3cc: {  	v24 =	vadd.s32 s1, v11;
	[tilespmem:s2+$0xFFFFFDD0] =	vst v28;
	v19 =	vld.idx.msk [tilespmem:v19+s10+$0x0], $0xffff  }
0x3cd: {  	v28 =	vadd.s32 s5, v10;
	v23 =	vld.idx.msk [tilespmem:v23+s10+$0x0], $0xffff;
	[tilespmem:s2+$0xFFFFFE50] =	vst v25  }
0x3ce: {  	v18 =	vld.idx.msk [tilespmem:v18+s10+$0x0], $0xffff;
	[tilespmem:s2+$0xFFFFFED0] =	vst v21;
	v21 =	vadd.s32 s3, v12  }
0x3cf: {  	v25 =	vadd.s32 s6, v10;
	v22 =	vld.idx.msk [tilespmem:v22+s10+$0x0], $0xffff;
	[tilespmem:s2+$0xFFFFFF50] =	vst v20  }
0x3d0: {  	v20 =	vadd.s32 s7, v10;
	[tilespmem:s2+$0xFFFFFC50] =	vst v29;
	v29 =	vld.idx.msk [tilespmem:v30+s10+$0x0], $0xffff  }
0x3d1: {  	v24 =	vld.idx.msk [tilespmem:v24+s10+$0x0], $0xffff;
	[tilespmem:s2+$0xFFFFFCE0] =	vst v26;
	v26 =	vadd.s32 s8, v10  }
0x3d2: {  	v30 =	vld.idx.msk [tilespmem:v28+s10+$0x0], $0xffff;
	v28 =	vadd.s32 s9, v10;
	[tilespmem:s2+$0xFFFFFFF0] =	vst v19  }
0x3d3: {  	v19 =	vadd.s32 s11, v10;
	[tilespmem:s2+$0xFFFFFD60] =	vst v27;
	v21 =	vld.idx.msk [tilespmem:v21+s10+$0x0], $0xffff  }
0x3d4: {  	v27 =	vadd.s32 s1, v10;
	v25 =	vld.idx.msk [tilespmem:v25+s10+$0x0], $0xffff;
	[tilespmem:s2+$0xFFFFFDE0] =	vst v23  }
0x3d5: {  	v31 =	vadd.s32 s4, v17;
	v32 =	vld.idx.msk [tilespmem:v20+s10+$0x0], $0xffff;
	[tilespmem:s2+$0xFFFFFE60] =	vst v18  }
0x3d6: {  	v33 =	vadd.s32 s5, v12;
	v23 =	vld.idx.msk [tilespmem:v26+s10+$0x0], $0xffff;
	[tilespmem:s2+$0xFFFFFEE0] =	vst v22  }
0x3d7: {  	v34 =	vadd.s32 s6, v12;
	v22 =	vld.idx.msk [tilespmem:v28+s10+$0x0], $0xffff;
	[tilespmem:s2+$0xFFFFFF60] =	vst v29  }
.Ltmp3:
0x3d8: {  	v29 =	vadd.s32 s7, v12;
	[tilespmem:s2+$0xFFFFFC60] =	vst v24;
	v20 =	vld.idx.msk [tilespmem:v19+s10+$0x0], $0xffff;
	(pc) =	sbr.rel @p1 .LBB2_9-.Ltmp3, $4  }
0x3d9: {  	v28 =	vadd.s32 s8, v12;
	v19 =	vld.idx.msk [tilespmem:v27+s10+$0x0], $0xffff;
	[tilespmem:s2+$0x0] =	vst v21  }
0x3da: {  	v27 =	vadd.s32 s9, v12;
	v18 =	vld.idx.msk [tilespmem:v31+s10+$0x0], $0xffff;
	[tilespmem:s2+$0xFFFFFCF0] =	vst v30  }
0x3db: {  	v26 =	vadd.s32 s11, v12;
	v21 =	vld.idx.msk [tilespmem:v33+s10+$0x0], $0xffff;
	[tilespmem:s2+$0xFFFFFD70] =	vst v25  }
0x3dc: {  	s3 =	sadd.s32 $0x7, s4;
	v25 =	vadd.s32 s1, v12;
	s1 =	smov.u32 s4;
	s4 =	sadd.s32 $0x8, s4;
	v24 =	vld.idx.msk [tilespmem:v34+s10+$0x0], $0xffff;
	[tilespmem:s2+$0xFFFFFDF0] =	vst v32  }
0x3dd: {  	_ =	sdelay $0x1  }
0x3de: {  	[tilespmem:s2+$0xFFFFFE70] =	vst v23  }
0x3df: {  	[tilespmem:s2+$0xFFFFFEF0] =	vst v22  }
0x3e0: {  	s4 =	sadd.s32 $0x1, s1;
	v23 =	vadd.s32 s3, v17;
	v29 =	vld.idx.msk [tilespmem:v29+s10+$0x0], $0xffff;
	[tilespmem:s2+$0xFFFFFF70] =	vst v20  }
0x3e1: {  	s5 =	sadd.s32 $0x2, s1;
	s21 =	sadd.s32 $0x400, s2;
	v22 =	vadd.s32 s4, v17;
	v28 =	vld.idx.msk [tilespmem:v28+s10+$0x0], $0xffff;
	[tilespmem:s2+$0xFFFFFC70] =	vst v19  }
0x3e2: {  	s6 =	sadd.s32 $0x3, s1;
	v20 =	vadd.s32 s5, v17;
	v27 =	vld.idx.msk [tilespmem:v27+s10+$0x0], $0xffff;
	[tilespmem:s21+$0xFFFFFC10] =	vst v18  }
0x3e3: {  	s7 =	sadd.s32 $0x4, s1;
	v19 =	vadd.s32 s6, v17;
	v26 =	vld.idx.msk [tilespmem:v26+s10+$0x0], $0xffff;
	[tilespmem:s2+$0xFFFFFD00] =	vst v21  }
0x3e4: {  	s8 =	sadd.s32 $0x5, s1;
	v25 =	vld.idx.msk [tilespmem:v25+s10+$0x0], $0xffff;
	v21 =	vadd.s32 s7, v17;
	[tilespmem:s2+$0xFFFFFD80] =	vst v24  }
0x3e5: {  	s9 =	sadd.s32 $0x6, s1;
	v24 =	vadd.s32 s8, v17;
	v23 =	vld.idx.msk [tilespmem:v23+s10+$0x0], $0xffff;
	[tilespmem:s2+$0xFFFFFE00] =	vst v29  }
0x3e6: {  	v17 =	vadd.s32 s9, v17;
	v22 =	vld.idx.msk [tilespmem:v22+s10+$0x0], $0xffff;
	[tilespmem:s2+$0xFFFFFE80] =	vst v28  }
0x3e7: {  	v20 =	vld.idx.msk [tilespmem:v20+s10+$0x0], $0xffff;
	v28 =	vadd.s32 s3, v16;
	[tilespmem:s2+$0xFFFFFF00] =	vst v27  }
0x3e8: {  	v19 =	vld.idx.msk [tilespmem:v19+s10+$0x0], $0xffff;
	[tilespmem:s2+$0xFFFFFF80] =	vst v26;
	v26 =	vadd.s32 s4, v16  }
0x3e9: {  	[tilespmem:s2+$0xFFFFFC80] =	vst v25;
	v25 =	vadd.s32 s5, v16;
	v21 =	vld.idx.msk [tilespmem:v21+s10+$0x0], $0xffff  }
0x3ea: {  	v24 =	vld.idx.msk [tilespmem:v24+s10+$0x0], $0xffff;
	[tilespmem:s21+$0xFFFFFF90] =	vst v23;
	v23 =	vadd.s32 s6, v16  }
0x3eb: {  	v17 =	vld.idx.msk [tilespmem:v17+s10+$0x0], $0xffff;
	[tilespmem:s21+$0xFFFFFC90] =	vst v22;
	v22 =	vadd.s32 s7, v16  }
0x3ec: {  	v27 =	vld.idx.msk [tilespmem:v28+s10+$0x0], $0xffff;
	[tilespmem:s21+$0xFFFFFD10] =	vst v20;
	v20 =	vadd.s32 s8, v16  }
0x3ed: {  	[tilespmem:s21+$0xFFFFFD90] =	vst v19;
	v19 =	vld.idx.msk [tilespmem:v26+s10+$0x0], $0xffff;
	v26 =	vadd.s32 s3, v15  }
0x3ee: {  	v25 =	vld.idx.msk [tilespmem:v25+s10+$0x0], $0xffff;
	[tilespmem:s21+$0xFFFFFE10] =	vst v21;
	v21 =	vadd.s32 s9, v16  }
0x3ef: {  	v16 =	vadd.s32 s1, v16;
	[tilespmem:s21+$0xFFFFFE90] =	vst v24;
	v23 =	vld.idx.msk [tilespmem:v23+s10+$0x0], $0xffff  }
0x3f0: {  	[tilespmem:s21+$0xFFFFFF10] =	vst v17;
	v17 =	vadd.s32 s4, v15;
	v22 =	vld.idx.msk [tilespmem:v22+s10+$0x0], $0xffff  }
0x3f1: {  	v24 =	vadd.s32 s5, v15;
	[tilespmem:s21+$0xFFFFFFA0] =	vst v27;
	v20 =	vld.idx.msk [tilespmem:v20+s10+$0x0], $0xffff  }
0x3f2: {  	v18 =	vadd.s32 s6, v15;
	v26 =	vld.idx.msk [tilespmem:v26+s10+$0x0], $0xffff;
	[tilespmem:s21+$0xFFFFFCA0] =	vst v19  }
0x3f3: {  	[tilespmem:s21+$0xFFFFFD20] =	vst v25;
	v19 =	vld.idx.msk [tilespmem:v21+s10+$0x0], $0xffff;
	v21 =	vadd.s32 s7, v15  }
0x3f4: {  	v25 =	vadd.s32 s3, v14;
	v16 =	vld.idx.msk [tilespmem:v16+s10+$0x0], $0xffff;
	[tilespmem:s21+$0xFFFFFDA0] =	vst v23  }
0x3f5: {  	v17 =	vld.idx.msk [tilespmem:v17+s10+$0x0], $0xffff;
	v23 =	vadd.s32 s8, v15;
	[tilespmem:s21+$0xFFFFFE20] =	vst v22  }
0x3f6: {  	v22 =	vld.idx.msk [tilespmem:v24+s10+$0x0], $0xffff;
	v24 =	vadd.s32 s9, v15;
	[tilespmem:s21+$0xFFFFFEA0] =	vst v20  }
0x3f7: {  	v15 =	vadd.s32 s1, v15;
	v18 =	vld.idx.msk [tilespmem:v18+s10+$0x0], $0xffff;
	[tilespmem:s21+$0xFFFFFFB0] =	vst v26  }
0x3f8: {  	v20 =	vadd.s32 s4, v14;
	v21 =	vld.idx.msk [tilespmem:v21+s10+$0x0], $0xffff;
	[tilespmem:s21+$0xFFFFFF20] =	vst v19  }
0x3f9: {  	v19 =	vadd.s32 s5, v14;
	v25 =	vld.idx.msk [tilespmem:v25+s10+$0x0], $0xffff;
	[tilespmem:s21+$0xFFFFFC20] =	vst v16  }
0x3fa: {  	[tilespmem:s21+$0xFFFFFCB0] =	vst v17;
	v16 =	vld.idx.msk [tilespmem:v23+s10+$0x0], $0xffff;
	v23 =	vadd.s32 s6, v14  }
0x3fb: {  	v17 =	vld.idx.msk [tilespmem:v24+s10+$0x0], $0xffff;
	v24 =	vadd.s32 s3, v13;
	[tilespmem:s21+$0xFFFFFD30] =	vst v22  }
0x3fc: {  	v22 =	vadd.s32 s7, v14;
	v15 =	vld.idx.msk [tilespmem:v15+s10+$0x0], $0xffff;
	[tilespmem:s21+$0xFFFFFDB0] =	vst v18  }
0x3fd: {  	v18 =	vld.idx.msk [tilespmem:v20+s10+$0x0], $0xffff;
	v20 =	vadd.s32 s8, v14;
	[tilespmem:s21+$0xFFFFFE30] =	vst v21  }
0x3fe: {  	v19 =	vld.idx.msk [tilespmem:v19+s10+$0x0], $0xffff;
	v21 =	vadd.s32 s9, v14;
	[tilespmem:s21+$0xFFFFFFC0] =	vst v25  }
0x3ff: {  	v14 =	vadd.s32 s1, v14;
	v23 =	vld.idx.msk [tilespmem:v23+s10+$0x0], $0xffff;
	[tilespmem:s21+$0xFFFFFEB0] =	vst v16  }
0x400: {  	v16 =	vadd.s32 s4, v13;
	v24 =	vld.idx.msk [tilespmem:v24+s10+$0x0], $0xffff;
	[tilespmem:s21+$0xFFFFFF30] =	vst v17  }
0x401: {  	v17 =	vld.idx.msk [tilespmem:v22+s10+$0x0], $0xffff;
	v22 =	vadd.s32 s5, v13;
	[tilespmem:s21+$0xFFFFFC30] =	vst v15  }
0x402: {  	v15 =	vld.idx.msk [tilespmem:v20+s10+$0x0], $0xffff;
	[tilespmem:s21+$0xFFFFFCC0] =	vst v18;
	v18 =	vadd.s32 s6, v13  }
0x403: {  	v20 =	vadd.s32 s3, v11;
	v21 =	vld.idx.msk [tilespmem:v21+s10+$0x0], $0xffff;
	[tilespmem:s21+$0xFFFFFD40] =	vst v19  }
0x404: {  	v14 =	vld.idx.msk [tilespmem:v14+s10+$0x0], $0xffff;
	v19 =	vadd.s32 s7, v13;
	[tilespmem:s21+$0xFFFFFDC0] =	vst v23  }
0x405: {  	v16 =	vld.idx.msk [tilespmem:v16+s10+$0x0], $0xffff;
	v23 =	vadd.s32 s8, v13;
	[tilespmem:s21+$0xFFFFFFD0] =	vst v24  }
0x406: {  	v22 =	vld.idx.msk [tilespmem:v22+s10+$0x0], $0xffff;
	v24 =	vadd.s32 s9, v13;
	[tilespmem:s21+$0xFFFFFE40] =	vst v17  }
0x407: {  	v13 =	vadd.s32 s1, v13;
	[tilespmem:s21+$0xFFFFFEC0] =	vst v15;
	v15 =	vld.idx.msk [tilespmem:v18+s10+$0x0], $0xffff  }
0x408: {  	v18 =	vadd.s32 s4, v11;
	v17 =	vld.idx.msk [tilespmem:v20+s10+$0x0], $0xffff;
	[tilespmem:s21+$0xFFFFFF40] =	vst v21  }
0x409: {  	v20 =	vadd.s32 s3, v10;
	v19 =	vld.idx.msk [tilespmem:v19+s10+$0x0], $0xffff;
	[tilespmem:s21+$0xFFFFFC40] =	vst v14  }
0x40a: {  	v14 =	vadd.s32 s5, v11;
	v21 =	vld.idx.msk [tilespmem:v23+s10+$0x0], $0xffff;
	[tilespmem:s21+$0xFFFFFCD0] =	vst v16  }
0x40b: {  	v16 =	vadd.s32 s6, v11;
	v23 =	vld.idx.msk [tilespmem:v24+s10+$0x0], $0xffff;
	[tilespmem:s21+$0xFFFFFD50] =	vst v22  }
0x40c: {  	v13 =	vld.idx.msk [tilespmem:v13+s10+$0x0], $0xffff;
	v22 =	vadd.s32 s7, v11;
	[tilespmem:s21+$0xFFFFFDD0] =	vst v15  }
0x40d: {  	[tilespmem:s21+$0xFFFFFFE0] =	vst v17;
	v17 =	vld.idx.msk [tilespmem:v18+s10+$0x0], $0xffff;
	v18 =	vadd.s32 s8, v11  }
0x40e: {  	v15 =	vadd.s32 s9, v11;
	v20 =	vld.idx.msk [tilespmem:v20+s10+$0x0], $0xffff;
	[tilespmem:s21+$0xFFFFFE50] =	vst v19  }
0x40f: {  	v11 =	vadd.s32 s1, v11;
	v14 =	vld.idx.msk [tilespmem:v14+s10+$0x0], $0xffff;
	[tilespmem:s21+$0xFFFFFED0] =	vst v21  }
0x410: {  	v19 =	vadd.s32 s3, v12;
	v16 =	vld.idx.msk [tilespmem:v16+s10+$0x0], $0xffff;
	[tilespmem:s21+$0xFFFFFF50] =	vst v23  }
0x411: {  	v21 =	vadd.s32 s4, v10;
	v22 =	vld.idx.msk [tilespmem:v22+s10+$0x0], $0xffff;
	[tilespmem:s21+$0xFFFFFC50] =	vst v13  }
0x412: {  	v13 =	vadd.s32 s5, v10;
	v18 =	vld.idx.msk [tilespmem:v18+s10+$0x0], $0xffff;
	[tilespmem:s21+$0xFFFFFCE0] =	vst v17  }
0x413: {  	v17 =	vadd.s32 s6, v10;
	v15 =	vld.idx.msk [tilespmem:v15+s10+$0x0], $0xffff;
	[tilespmem:s21+$0xFFFFFFF0] =	vst v20  }
0x414: {  	v11 =	vld.idx.msk [tilespmem:v11+s10+$0x0], $0xffff;
	v20 =	vadd.s32 s7, v10;
	[tilespmem:s21+$0xFFFFFD60] =	vst v14  }
0x415: {  	v14 =	vadd.s32 s8, v10;
	v19 =	vld.idx.msk [tilespmem:v19+s10+$0x0], $0xffff;
	[tilespmem:s21+$0xFFFFFDE0] =	vst v16  }
0x416: {  	v16 =	vld.idx.msk [tilespmem:v21+s10+$0x0], $0xffff;
	v21 =	vadd.s32 s9, v10;
	[tilespmem:s21+$0xFFFFFE60] =	vst v22  }
0x417: {  	v10 =	vadd.s32 s1, v10;
	v13 =	vld.idx.msk [tilespmem:v13+s10+$0x0], $0xffff;
	[tilespmem:s21+$0xFFFFFEE0] =	vst v18  }
0x418: {  	v17 =	vld.idx.msk [tilespmem:v17+s10+$0x0], $0xffff;
	v18 =	vadd.s32 s4, v12;
	[tilespmem:s21+$0xFFFFFF60] =	vst v15  }
0x419: {  	[tilespmem:s21+$0xFFFFFC60] =	vst v11;
	v15 =	vld.idx.msk [tilespmem:v20+s10+$0x0], $0xffff;
	v20 =	vadd.s32 s5, v12  }
0x41a: {  	v11 =	vld.idx.msk [tilespmem:v14+s10+$0x0], $0xffff;
	v14 =	vadd.s32 s6, v12;
	[tilespmem:s21+$0x0] =	vst v19  }
0x41b: {  	v19 =	vld.idx.msk [tilespmem:v21+s10+$0x0], $0xffff;
	v21 =	vadd.s32 s7, v12;
	[tilespmem:s21+$0xFFFFFCF0] =	vst v16  }
0x41c: {  	v10 =	vld.idx.msk [tilespmem:v10+s10+$0x0], $0xffff;
	v16 =	vadd.s32 s8, v12;
	[tilespmem:s21+$0xFFFFFD70] =	vst v13  }
0x41d: {  	v13 =	vld.idx.msk [tilespmem:v18+s10+$0x0], $0xffff;
	v18 =	vadd.s32 s9, v12;
	[tilespmem:s21+$0xFFFFFDF0] =	vst v17  }
0x41e: {  	v12 =	vadd.s32 s1, v12;
	v17 =	vld.idx.msk [tilespmem:v20+s10+$0x0], $0xffff;
	[tilespmem:s21+$0xFFFFFE70] =	vst v15  }
0x41f: {  	v14 =	vld.idx.msk [tilespmem:v14+s10+$0x0], $0xffff;
	[tilespmem:s21+$0xFFFFFEF0] =	vst v11  }
0x420: {  	v11 =	vld.idx.msk [tilespmem:v21+s10+$0x0], $0xffff;
	[tilespmem:s21+$0xFFFFFF70] =	vst v19  }
0x421: {  	v15 =	vld.idx.msk [tilespmem:v16+s10+$0x0], $0xffff;
	[tilespmem:s21+$0xFFFFFC70] =	vst v10  }
0x422: {  	v10 =	vld.idx.msk [tilespmem:v18+s10+$0x0], $0xffff;
	[tilespmem:s21+$0xFFFFFD00] =	vst v13  }
0x423: {  	v12 =	vld.idx.msk [tilespmem:v12+s10+$0x0], $0xffff;
	[tilespmem:s21+$0xFFFFFD80] =	vst v17  }
0x424: {  	s22 =	sshll.u32 s20, $0x14;
	[tilespmem:s21+$0xFFFFFE00] =	vst v14  }
0x425: {  	s1 =	sor.u32 s14, s22;
	[tilespmem:s21+$0xFFFFFE80] =	vst v11  }
0x426: {  	s0 =	sor.u32 $0x1, s0;
	s1 =	sshrl.u32 s1, $0x3;
	[tilespmem:s21+$0xFFFFFF00] =	vst v15  }
0x427: {  	s23 =	sadd.s32 s13, s1;
	s1 =	sshll.u32 s0, $0x1;
	[tilespmem:s21+$0xFFFFFF80] =	vst v10  }
0x428: {  	s2 =	simm.s32 @!p0 $0x2;
	[tilespmem:s21+$0xFFFFFC80] =	vst v12;
	v10 =	vadd.s32 s1, v1  }
0x429: {  	[hbm4b:s23+s16] =	stream.strided.scatter [tilespmem:s18], [sflag:$0x1], $0x4000, s17, s16, $0x38;
	[tilespmem:$0x16880] =	vst v63  }
0x42a: {  	_ =	swait.ge @!p0 [sflag:s2], $0x4000  }
0x42b: {  	[sflag:s2] =	ssyncset.done @!p0 $0x0  }
0x42c: {  	[sflag:s2] =	ssyncadd.s32 @!p0 $0xFFFFC000  }
0x42d: {  	v12 =	vadd.s32 s1, v4;
	v10 =	vld.idx.msk [tilespmem:v10+s15+$0x0], $0xffff  }
0x42e: {  	v11 =	vadd.s32 s1, v3  }
0x42f: {  	v13 =	vadd.s32 s1, v5  }
0x430: {  	v14 =	vadd.s32 s1, v6  }
0x431: {  	v15 =	vadd.s32 s1, v7  }
0x432: {  	v18 =	vld.idx.msk [tilespmem:v12+s15+$0x0], $0xffff;
	v12 =	vadd.s32 s1, v9;
	v17 =	vmul.u32 $0x41, v10  }
0x433: {  	s24 =	simm.s32 $0x0;
	v10 =	vld.idx.msk [tilespmem:v11+s15+$0x0], $0xffff;
	v11 =	vadd.s32 s1, v8  }
0x434: {  	s25 =	simm.s32 $0x7;
	v13 =	vld.idx.msk [tilespmem:v13+s15+$0x0], $0xffff;
	v16 =	vadd.s32 s24, v17  }
0x435: {  	s26 =	simm.s32 $0x1;
	v19 =	vld.idx.msk [tilespmem:v14+s15+$0x0], $0xffff;
	v14 =	vadd.s32 s25, v17  }
0x436: {  	s28 =	simm.s32 $0x3;
	v20 =	vld.idx.msk [tilespmem:v15+s15+$0x0], $0xffff;
	v15 =	vadd.s32 s26, v17  }
0x437: {  	s11 =	simm.s32 $0x2;
	v12 =	vld.idx.msk [tilespmem:v12+s15+$0x0], $0xffff;
	v22 =	vadd.s32 s28, v17  }
0x438: {  	s29 =	simm.s32 $0x4;
	v21 =	vld.idx.msk [tilespmem:v11+s15+$0x0], $0xffff;
	v11 =	vadd.s32 s11, v17  }
0x439: {  	s30 =	simm.s32 $0x5;
	v24 =	vadd.s32 s29, v17;
	v23 =	vld.idx.msk [tilespmem:v16+s10+$0x0], $0xffff  }
0x43a: {  	s31 =	simm.s32 $0x6;
	v16 =	vmul.u32 $0x41, v10;
	v10 =	vadd.s32 s30, v17;
	v14 =	vld.idx.msk [tilespmem:v14+s10+$0x0], $0xffff  }
0x43b: {  	v25 =	vld.idx.msk [tilespmem:v15+s10+$0x0], $0xffff;
	v15 =	vadd.s32 s31, v17  }
0x43c: {  	v22 =	vld.idx.msk [tilespmem:v22+s10+$0x0], $0xffff;
	v26 =	vadd.s32 s25, v16  }
0x43d: {  	v27 =	vadd.s32 s26, v16;
	v11 =	vld.idx.msk [tilespmem:v11+s10+$0x0], $0xffff  }
0x43e: {  	s3 =	simm.s32 $0x12A80;
	v24 =	vld.idx.msk [tilespmem:v24+s10+$0x0], $0xffff;
	v28 =	vadd.s32 s11, v16  }
0x43f: {  	v29 =	vadd.s32 s28, v16;
	v10 =	vld.idx.msk [tilespmem:v10+s10+$0x0], $0xffff;
	[tilespmem:s3+$0x180] =	vst v14  }
0x440: {  	v30 =	vadd.s32 s29, v16;
	v31 =	vld.idx.msk [tilespmem:v15+s10+$0x0], $0xffff;
	[tilespmem:s3+$0xFFFFFE80] =	vst v25  }
0x441: {  	v15 =	vmul.u32 $0x41, v18;
	v14 =	vadd.s32 s30, v16;
	[tilespmem:s3+$0xFFFFFF80] =	vst v22;
	v18 =	vld.idx.msk [tilespmem:v26+s10+$0x0], $0xffff  }
0x442: {  	v25 =	vld.idx.msk [tilespmem:v27+s10+$0x0], $0xffff;
	[tilespmem:s3+$0xFFFFFF00] =	vst v11;
	v11 =	vadd.s32 s31, v16  }
0x443: {  	[tilespmem:s3+$0x0] =	vst v24;
	v22 =	vadd.s32 s25, v15;
	v26 =	vld.idx.msk [tilespmem:v28+s10+$0x0], $0xffff  }
0x444: {  	[tilespmem:s3+$0xFFFFFE00] =	vst v23;
	v27 =	vadd.s32 s24, v16;
	v28 =	vld.idx.msk [tilespmem:v29+s10+$0x0], $0xffff  }
0x445: {  	v24 =	vadd.s32 s26, v15;
	v29 =	vld.idx.msk [tilespmem:v30+s10+$0x0], $0xffff;
	[tilespmem:s3+$0x80] =	vst v10  }
0x446: {  	v10 =	vadd.s32 s11, v15;
	[tilespmem:s3+$0x100] =	vst v31;
	v30 =	vld.idx.msk [tilespmem:v14+s10+$0x0], $0xffff  }
0x447: {  	v31 =	vadd.s32 s28, v15;
	[tilespmem:s3+$0x190] =	vst v18;
	v11 =	vld.idx.msk [tilespmem:v11+s10+$0x0], $0xffff  }
0x448: {  	v14 =	vmul.u32 $0x41, v13;
	v13 =	vadd.s32 s29, v15;
	[tilespmem:s3+$0xFFFFFE90] =	vst v25;
	v18 =	vld.idx.msk [tilespmem:v22+s10+$0x0], $0xffff  }
0x449: {  	v23 =	vadd.s32 s30, v15;
	v22 =	vld.idx.msk [tilespmem:v27+s10+$0x0], $0xffff;
	[tilespmem:s3+$0xFFFFFF10] =	vst v26  }
0x44a: {  	v24 =	vld.idx.msk [tilespmem:v24+s10+$0x0], $0xffff;
	v25 =	vadd.s32 s25, v14;
	[tilespmem:s3+$0xFFFFFF90] =	vst v28  }
0x44b: {  	v26 =	vadd.s32 s31, v15;
	[tilespmem:s3+$0x10] =	vst v29;
	v10 =	vld.idx.msk [tilespmem:v10+s10+$0x0], $0xffff  }
0x44c: {  	v27 =	vadd.s32 s24, v15;
	v28 =	vld.idx.msk [tilespmem:v31+s10+$0x0], $0xffff;
	[tilespmem:s3+$0x90] =	vst v30  }
0x44d: {  	v29 =	vadd.s32 s26, v14;
	v31 =	vld.idx.msk [tilespmem:v13+s10+$0x0], $0xffff;
	[tilespmem:s3+$0x1A0] =	vst v18  }
0x44e: {  	v30 =	vadd.s32 s11, v14;
	v23 =	vld.idx.msk [tilespmem:v23+s10+$0x0], $0xffff;
	[tilespmem:s3+$0x110] =	vst v11  }
0x44f: {  	v13 =	vmul.u32 $0x41, v19;
	v19 =	vadd.s32 s29, v14;
	[tilespmem:s3+$0xFFFFFE10] =	vst v22;
	v11 =	vld.idx.msk [tilespmem:v25+s10+$0x0], $0xffff  }
0x450: {  	v18 =	vadd.s32 s28, v14;
	[tilespmem:s3+$0xFFFFFEA0] =	vst v24;
	v22 =	vld.idx.msk [tilespmem:v26+s10+$0x0], $0xffff  }
0x451: {  	v24 =	vadd.s32 s25, v13;
	v25 =	vld.idx.msk [tilespmem:v27+s10+$0x0], $0xffff;
	[tilespmem:s3+$0xFFFFFF20] =	vst v10  }
0x452: {  	v26 =	vld.idx.msk [tilespmem:v29+s10+$0x0], $0xffff;
	v10 =	vadd.s32 s30, v14;
	[tilespmem:s3+$0xFFFFFFA0] =	vst v28  }
0x453: {  	v28 =	vadd.s32 s31, v14;
	v27 =	vld.idx.msk [tilespmem:v30+s10+$0x0], $0xffff;
	[tilespmem:s3+$0x20] =	vst v31  }
0x454: {  	v29 =	vadd.s32 s24, v14;
	v19 =	vld.idx.msk [tilespmem:v19+s10+$0x0], $0xffff;
	[tilespmem:s3+$0xA0] =	vst v23  }
0x455: {  	v30 =	vadd.s32 s26, v13;
	v18 =	vld.idx.msk [tilespmem:v18+s10+$0x0], $0xffff;
	[tilespmem:s3+$0x1B0] =	vst v11  }
0x456: {  	v11 =	vmul.u32 $0x41, v20;
	v20 =	vadd.s32 s11, v13;
	[tilespmem:s3+$0x120] =	vst v22;
	v23 =	vld.idx.msk [tilespmem:v24+s10+$0x0], $0xffff  }
0x457: {  	[tilespmem:s3+$0xFFFFFE20] =	vst v25;
	v24 =	vadd.s32 s28, v13;
	v31 =	vld.idx.msk [tilespmem:v10+s10+$0x0], $0xffff  }
0x458: {  	[tilespmem:s3+$0xFFFFFEB0] =	vst v26;
	v22 =	vld.idx.msk [tilespmem:v28+s10+$0x0], $0xffff;
	v25 =	vadd.s32 s25, v11  }
0x459: {  	v26 =	vadd.s32 s29, v13;
	v28 =	vld.idx.msk [tilespmem:v29+s10+$0x0], $0xffff;
	[tilespmem:s3+$0xFFFFFF30] =	vst v27  }
0x45a: {  	v29 =	vld.idx.msk [tilespmem:v30+s10+$0x0], $0xffff;
	v27 =	vadd.s32 s30, v13;
	[tilespmem:s3+$0x30] =	vst v19  }
0x45b: {  	v30 =	vadd.s32 s24, v13;
	[tilespmem:s3+$0xFFFFFFB0] =	vst v18;
	v20 =	vld.idx.msk [tilespmem:v20+s10+$0x0], $0xffff  }
0x45c: {  	v10 =	vmul.u32 $0x41, v21;
	v21 =	vadd.s32 s26, v11;
	v24 =	vld.idx.msk [tilespmem:v24+s10+$0x0], $0xffff;
	[tilespmem:s3+$0x1C0] =	vst v23  }
0x45d: {  	v18 =	vadd.s32 s31, v13;
	[tilespmem:s3+$0xB0] =	vst v31;
	v19 =	vld.idx.msk [tilespmem:v25+s10+$0x0], $0xffff  }
0x45e: {  	v23 =	vadd.s32 s11, v11;
	[tilespmem:s3+$0x130] =	vst v22;
	v25 =	vld.idx.msk [tilespmem:v26+s10+$0x0], $0xffff  }
0x45f: {  	[tilespmem:s3+$0xFFFFFE30] =	vst v28;
	v26 =	vld.idx.msk [tilespmem:v27+s10+$0x0], $0xffff;
	v27 =	vadd.s32 s28, v11  }
0x460: {  	v22 =	vadd.s32 s25, v10;
	v28 =	vld.idx.msk [tilespmem:v30+s10+$0x0], $0xffff;
	[tilespmem:s3+$0xFFFFFEC0] =	vst v29  }
0x461: {  	v29 =	vadd.s32 s29, v11;
	v21 =	vld.idx.msk [tilespmem:v21+s10+$0x0], $0xffff;
	[tilespmem:s3+$0xFFFFFF40] =	vst v20  }
0x462: {  	v18 =	vld.idx.msk [tilespmem:v18+s10+$0x0], $0xffff;
	v20 =	vadd.s32 s30, v11;
	[tilespmem:s3+$0xFFFFFFC0] =	vst v24  }
0x463: {  	v30 =	vadd.s32 s31, v11;
	v23 =	vld.idx.msk [tilespmem:v23+s10+$0x0], $0xffff;
	[tilespmem:s3+$0x1D0] =	vst v19  }
0x464: {  	v24 =	vadd.s32 s26, v10;
	v27 =	vld.idx.msk [tilespmem:v27+s10+$0x0], $0xffff;
	[tilespmem:s3+$0x40] =	vst v25  }
0x465: {  	v12 =	vmul.u32 $0x41, v12;
	v19 =	vadd.s32 s24, v11;
	[tilespmem:s3+$0xC0] =	vst v26;
	v22 =	vld.idx.msk [tilespmem:v22+s10+$0x0], $0xffff  }
0x466: {  	[tilespmem:s3+$0xFFFFFE40] =	vst v28;
	v25 =	vld.idx.msk [tilespmem:v29+s10+$0x0], $0xffff;
	v29 =	vadd.s32 s11, v10  }
0x467: {  	v26 =	vadd.s32 s25, v12;
	[tilespmem:s3+$0x140] =	vst v18;
	v20 =	vld.idx.msk [tilespmem:v20+s10+$0x0], $0xffff  }
0x468: {  	[tilespmem:s3+$0xFFFFFED0] =	vst v21;
	v18 =	vadd.s32 s28, v10;
	v28 =	vld.idx.msk [tilespmem:v30+s10+$0x0], $0xffff  }
0x469: {  	v21 =	vadd.s32 s29, v10;
	v24 =	vld.idx.msk [tilespmem:v24+s10+$0x0], $0xffff  }
0x46a: {  	v30 =	vadd.s32 s30, v10;
	[tilespmem:s3+$0xFFFFFF50] =	vst v23;
	v19 =	vld.idx.msk [tilespmem:v19+s10+$0x0], $0xffff  }
0x46b: {  	s2 =	simm.s32 $0x8;
	v31 =	vadd.s32 s31, v10;
	[tilespmem:s3+$0x1E0] =	vst v22;
	v33 =	vld.idx.msk [tilespmem:v29+s10+$0x0], $0xffff  }
0x46c: {  	[tilespmem:s3+$0xFFFFFFD0] =	vst v27;
	v27 =	vadd.s32 s2, v17;
	v26 =	vld.idx.msk [tilespmem:v26+s10+$0x0], $0xffff  }
0x46d: {  	v32 =	vadd.s32 s24, v10;
	[tilespmem:s3+$0x50] =	vst v25;
	v34 =	vld.idx.msk [tilespmem:v18+s10+$0x0], $0xffff  }
0x46e: {  	v25 =	vadd.s32 s26, v12;
	v23 =	vld.idx.msk [tilespmem:v21+s10+$0x0], $0xffff;
	[tilespmem:s3+$0xD0] =	vst v20  }
0x46f: {  	v35 =	vadd.s32 s11, v12;
	[tilespmem:s3+$0x150] =	vst v28;
	v22 =	vld.idx.msk [tilespmem:v30+s10+$0x0], $0xffff  }
0x470: {  	v29 =	vadd.s32 s28, v12;
	v20 =	vld.idx.msk [tilespmem:v31+s10+$0x0], $0xffff;
	[tilespmem:s3+$0xFFFFFEE0] =	vst v24  }
0x471: {  	v28 =	vadd.s32 s29, v12;
	[tilespmem:s3+$0xFFFFFE50] =	vst v19;
	v18 =	vld.idx.msk [tilespmem:v27+s10+$0x0], $0xffff  }
0x472: {  	v27 =	vadd.s32 s30, v12;
	v19 =	vld.idx.msk [tilespmem:v32+s10+$0x0], $0xffff;
	[tilespmem:s3+$0xFFFFFF60] =	vst v33  }
0x473: {  	v21 =	vld.idx.msk [tilespmem:v25+s10+$0x0], $0xffff;
	[tilespmem:s3+$0x1F0] =	vst v26;
	v26 =	vadd.s32 s31, v12  }
0x474: {  	s4 =	simm.s32 $0xF;
	s5 =	simm.s32 $0x10;
	v25 =	vadd.s32 s24, v12;
	v24 =	vld.idx.msk [tilespmem:v35+s10+$0x0], $0xffff;
	[tilespmem:s3+$0xFFFFFFE0] =	vst v34  }
.LBB2_11:
0x475: {  	p0 =	slt.u32 s5, $0x38;
	s6 =	sadd.s32 $0x1, s2;
	v30 =	vadd.s32 s4, v17;
	v29 =	vld.idx.msk [tilespmem:v29+s10+$0x0], $0xffff;
	[tilespmem:s3+$0x60] =	vst v23  }
0x476: {  	s7 =	sadd.s32 $0x2, s2;
	v23 =	vadd.s32 s6, v17;
	v28 =	vld.idx.msk [tilespmem:v28+s10+$0x0], $0xffff;
	[tilespmem:s3+$0xE0] =	vst v22  }
0x477: {  	s8 =	sadd.s32 $0x3, s2;
	v22 =	vadd.s32 s7, v17;
	v27 =	vld.idx.msk [tilespmem:v27+s10+$0x0], $0xffff;
	[tilespmem:s3+$0x160] =	vst v20  }
0x478: {  	s9 =	sadd.s32 $0x4, s2;
	v20 =	vadd.s32 s8, v17;
	[tilespmem:s3+$0xFFFFFE60] =	vst v19;
	v19 =	vld.idx.msk [tilespmem:v26+s10+$0x0], $0xffff  }
0x479: {  	s11 =	sadd.s32 $0x5, s2;
	v26 =	vadd.s32 s9, v17;
	v25 =	vld.idx.msk [tilespmem:v25+s10+$0x0], $0xffff;
	[tilespmem:s3+$0xFFFFFEF0] =	vst v21  }
0x47a: {  	s12 =	sadd.s32 $0x6, s2;
	v21 =	vadd.s32 s11, v17;
	v30 =	vld.idx.msk [tilespmem:v30+s10+$0x0], $0xffff;
	[tilespmem:s3+$0xFFFFFF70] =	vst v24  }
0x47b: {  	v24 =	vadd.s32 s12, v17;
	v23 =	vld.idx.msk [tilespmem:v23+s10+$0x0], $0xffff;
	[tilespmem:s3+$0xFFFFFFF0] =	vst v29  }
0x47c: {  	v29 =	vadd.s32 s4, v16;
	v22 =	vld.idx.msk [tilespmem:v22+s10+$0x0], $0xffff;
	[tilespmem:s3+$0x70] =	vst v28  }
0x47d: {  	v28 =	vadd.s32 s6, v16;
	v20 =	vld.idx.msk [tilespmem:v20+s10+$0x0], $0xffff;
	[tilespmem:s3+$0xF0] =	vst v27  }
0x47e: {  	v27 =	vadd.s32 s7, v16;
	v26 =	vld.idx.msk [tilespmem:v26+s10+$0x0], $0xffff;
	[tilespmem:s3+$0x170] =	vst v19  }
0x47f: {  	v19 =	vadd.s32 s8, v16;
	v21 =	vld.idx.msk [tilespmem:v21+s10+$0x0], $0xffff;
	[tilespmem:s3+$0xFFFFFE70] =	vst v25;
	s3 =	sadd.s32 $0x400, s3  }
0x480: {  	v25 =	vadd.s32 s9, v16;
	v24 =	vld.idx.msk [tilespmem:v24+s10+$0x0], $0xffff;
	[tilespmem:s3+$0x180] =	vst v30  }
0x481: {  	[tilespmem:s3+$0xFFFFFE80] =	vst v23;
	v23 =	vadd.s32 s11, v16;
	v29 =	vld.idx.msk [tilespmem:v29+s10+$0x0], $0xffff  }
0x482: {  	v28 =	vld.idx.msk [tilespmem:v28+s10+$0x0], $0xffff;
	[tilespmem:s3+$0xFFFFFF00] =	vst v22;
	v22 =	vadd.s32 s12, v16  }
0x483: {  	v27 =	vld.idx.msk [tilespmem:v27+s10+$0x0], $0xffff;
	[tilespmem:s3+$0xFFFFFF80] =	vst v20;
	v20 =	vadd.s32 s4, v15  }
0x484: {  	v30 =	vadd.s32 s2, v16;
	v19 =	vld.idx.msk [tilespmem:v19+s10+$0x0], $0xffff;
	[tilespmem:s3+$0x0] =	vst v26  }
0x485: {  	v26 =	vadd.s32 s6, v15;
	v25 =	vld.idx.msk [tilespmem:v25+s10+$0x0], $0xffff;
	[tilespmem:s3+$0x80] =	vst v21  }
0x486: {  	v21 =	vadd.s32 s7, v15;
	v23 =	vld.idx.msk [tilespmem:v23+s10+$0x0], $0xffff;
	[tilespmem:s3+$0x100] =	vst v24  }
0x487: {  	v24 =	vadd.s32 s8, v15;
	v22 =	vld.idx.msk [tilespmem:v22+s10+$0x0], $0xffff;
	[tilespmem:s3+$0x190] =	vst v29  }
0x488: {  	[tilespmem:s3+$0xFFFFFE00] =	vst v18;
	v18 =	vadd.s32 s9, v15;
	v20 =	vld.idx.msk [tilespmem:v20+s10+$0x0], $0xffff  }
0x489: {  	v29 =	vld.idx.msk [tilespmem:v30+s10+$0x0], $0xffff;
	[tilespmem:s3+$0xFFFFFE90] =	vst v28;
	v28 =	vadd.s32 s11, v15  }
0x48a: {  	v26 =	vld.idx.msk [tilespmem:v26+s10+$0x0], $0xffff;
	[tilespmem:s3+$0xFFFFFF10] =	vst v27;
	v27 =	vadd.s32 s4, v14  }
0x48b: {  	v21 =	vld.idx.msk [tilespmem:v21+s10+$0x0], $0xffff;
	[tilespmem:s3+$0xFFFFFF90] =	vst v19;
	v19 =	vadd.s32 s12, v15  }
0x48c: {  	v30 =	vadd.s32 s2, v15;
	v24 =	vld.idx.msk [tilespmem:v24+s10+$0x0], $0xffff;
	[tilespmem:s3+$0x10] =	vst v25  }
0x48d: {  	v25 =	vadd.s32 s6, v14;
	v18 =	vld.idx.msk [tilespmem:v18+s10+$0x0], $0xffff;
	[tilespmem:s3+$0x90] =	vst v23  }
0x48e: {  	v23 =	vadd.s32 s7, v14;
	v28 =	vld.idx.msk [tilespmem:v28+s10+$0x0], $0xffff;
	[tilespmem:s3+$0x1A0] =	vst v20  }
0x48f: {  	v20 =	vadd.s32 s8, v14;
	[tilespmem:s3+$0x110] =	vst v22;
	v22 =	vld.idx.msk [tilespmem:v27+s10+$0x0], $0xffff  }
0x490: {  	v27 =	vadd.s32 s9, v14;
	[tilespmem:s3+$0xFFFFFE10] =	vst v29;
	v19 =	vld.idx.msk [tilespmem:v19+s10+$0x0], $0xffff  }
0x491: {  	v29 =	vld.idx.msk [tilespmem:v30+s10+$0x0], $0xffff;
	[tilespmem:s3+$0xFFFFFEA0] =	vst v26;
	v26 =	vadd.s32 s4, v13  }
0x492: {  	v25 =	vld.idx.msk [tilespmem:v25+s10+$0x0], $0xffff;
	[tilespmem:s3+$0xFFFFFF20] =	vst v21;
	v21 =	vadd.s32 s11, v14  }
0x493: {  	v23 =	vld.idx.msk [tilespmem:v23+s10+$0x0], $0xffff;
	[tilespmem:s3+$0xFFFFFFA0] =	vst v24;
	v24 =	vadd.s32 s12, v14  }
0x494: {  	v30 =	vadd.s32 s2, v14;
	v20 =	vld.idx.msk [tilespmem:v20+s10+$0x0], $0xffff;
	[tilespmem:s3+$0x20] =	vst v18  }
0x495: {  	v18 =	vadd.s32 s6, v13;
	v27 =	vld.idx.msk [tilespmem:v27+s10+$0x0], $0xffff;
	[tilespmem:s3+$0x1B0] =	vst v22  }
0x496: {  	v22 =	vadd.s32 s7, v13;
	[tilespmem:s3+$0xA0] =	vst v28;
	v26 =	vld.idx.msk [tilespmem:v26+s10+$0x0], $0xffff  }
0x497: {  	v28 =	vadd.s32 s8, v13;
	v21 =	vld.idx.msk [tilespmem:v21+s10+$0x0], $0xffff;
	[tilespmem:s3+$0x120] =	vst v19  }
0x498: {  	[tilespmem:s3+$0xFFFFFE20] =	vst v29;
	v19 =	vld.idx.msk [tilespmem:v24+s10+$0x0], $0xffff;
	v24 =	vadd.s32 s4, v11  }
0x499: {  	v29 =	vld.idx.msk [tilespmem:v30+s10+$0x0], $0xffff;
	[tilespmem:s3+$0xFFFFFEB0] =	vst v25;
	v25 =	vadd.s32 s9, v13  }
0x49a: {  	v18 =	vld.idx.msk [tilespmem:v18+s10+$0x0], $0xffff;
	[tilespmem:s3+$0xFFFFFF30] =	vst v23;
	v23 =	vadd.s32 s11, v13  }
0x49b: {  	v22 =	vld.idx.msk [tilespmem:v22+s10+$0x0], $0xffff;
	[tilespmem:s3+$0xFFFFFFB0] =	vst v20;
	v20 =	vadd.s32 s12, v13  }
0x49c: {  	v30 =	vadd.s32 s2, v13;
	v28 =	vld.idx.msk [tilespmem:v28+s10+$0x0], $0xffff;
	[tilespmem:s3+$0x1C0] =	vst v26  }
0x49d: {  	v26 =	vadd.s32 s6, v11;
	[tilespmem:s3+$0x30] =	vst v27;
	v24 =	vld.idx.msk [tilespmem:v24+s10+$0x0], $0xffff  }
0x49e: {  	v27 =	vadd.s32 s7, v11;
	v25 =	vld.idx.msk [tilespmem:v25+s10+$0x0], $0xffff;
	[tilespmem:s3+$0xB0] =	vst v21  }
0x49f: {  	v21 =	vld.idx.msk [tilespmem:v23+s10+$0x0], $0xffff;
	[tilespmem:s3+$0x130] =	vst v19;
	v19 =	vadd.s32 s4, v10  }
0x4a0: {  	v23 =	vadd.s32 s8, v11;
	[tilespmem:s3+$0xFFFFFE30] =	vst v29;
	v20 =	vld.idx.msk [tilespmem:v20+s10+$0x0], $0xffff  }
0x4a1: {  	v29 =	vld.idx.msk [tilespmem:v30+s10+$0x0], $0xffff;
	[tilespmem:s3+$0xFFFFFEC0] =	vst v18;
	v18 =	vadd.s32 s9, v11  }
0x4a2: {  	v26 =	vld.idx.msk [tilespmem:v26+s10+$0x0], $0xffff;
	[tilespmem:s3+$0xFFFFFF40] =	vst v22;
	v22 =	vadd.s32 s11, v11  }
0x4a3: {  	v30 =	vadd.s32 s12, v11;
	v27 =	vld.idx.msk [tilespmem:v27+s10+$0x0], $0xffff;
	[tilespmem:s3+$0x1D0] =	vst v24  }
0x4a4: {  	v24 =	vadd.s32 s2, v11;
	[tilespmem:s3+$0xFFFFFFC0] =	vst v28;
	v19 =	vld.idx.msk [tilespmem:v19+s10+$0x0], $0xffff  }
0x4a5: {  	v28 =	vadd.s32 s6, v10;
	v23 =	vld.idx.msk [tilespmem:v23+s10+$0x0], $0xffff;
	[tilespmem:s3+$0x40] =	vst v25  }
0x4a6: {  	v18 =	vld.idx.msk [tilespmem:v18+s10+$0x0], $0xffff;
	[tilespmem:s3+$0xC0] =	vst v21;
	v21 =	vadd.s32 s4, v12  }
0x4a7: {  	v25 =	vadd.s32 s7, v10;
	v22 =	vld.idx.msk [tilespmem:v22+s10+$0x0], $0xffff;
	[tilespmem:s3+$0x140] =	vst v20  }
0x4a8: {  	v20 =	vadd.s32 s8, v10;
	[tilespmem:s3+$0xFFFFFE40] =	vst v29;
	v29 =	vld.idx.msk [tilespmem:v30+s10+$0x0], $0xffff  }
0x4a9: {  	v24 =	vld.idx.msk [tilespmem:v24+s10+$0x0], $0xffff;
	[tilespmem:s3+$0xFFFFFED0] =	vst v26;
	v26 =	vadd.s32 s9, v10  }
0x4aa: {  	v30 =	vld.idx.msk [tilespmem:v28+s10+$0x0], $0xffff;
	v28 =	vadd.s32 s11, v10;
	[tilespmem:s3+$0x1E0] =	vst v19  }
0x4ab: {  	v19 =	vadd.s32 s12, v10;
	[tilespmem:s3+$0xFFFFFF50] =	vst v27;
	v21 =	vld.idx.msk [tilespmem:v21+s10+$0x0], $0xffff  }
0x4ac: {  	v27 =	vadd.s32 s2, v10;
	v25 =	vld.idx.msk [tilespmem:v25+s10+$0x0], $0xffff;
	[tilespmem:s3+$0xFFFFFFD0] =	vst v23  }
0x4ad: {  	v31 =	vadd.s32 s5, v17;
	v32 =	vld.idx.msk [tilespmem:v20+s10+$0x0], $0xffff;
	[tilespmem:s3+$0x50] =	vst v18  }
0x4ae: {  	v33 =	vadd.s32 s6, v12;
	v23 =	vld.idx.msk [tilespmem:v26+s10+$0x0], $0xffff;
	[tilespmem:s3+$0xD0] =	vst v22  }
0x4af: {  	v34 =	vadd.s32 s7, v12;
	v22 =	vld.idx.msk [tilespmem:v28+s10+$0x0], $0xffff;
	[tilespmem:s3+$0x150] =	vst v29  }
.Ltmp4:
0x4b0: {  	v29 =	vadd.s32 s8, v12;
	[tilespmem:s3+$0xFFFFFE50] =	vst v24;
	v20 =	vld.idx.msk [tilespmem:v19+s10+$0x0], $0xffff;
	(pc) =	sbr.rel @p0 .LBB2_11-.Ltmp4, $4  }
0x4b1: {  	v28 =	vadd.s32 s9, v12;
	v19 =	vld.idx.msk [tilespmem:v27+s10+$0x0], $0xffff;
	[tilespmem:s3+$0x1F0] =	vst v21  }
0x4b2: {  	v27 =	vadd.s32 s11, v12;
	v18 =	vld.idx.msk [tilespmem:v31+s10+$0x0], $0xffff;
	[tilespmem:s3+$0xFFFFFEE0] =	vst v30  }
0x4b3: {  	v26 =	vadd.s32 s12, v12;
	v21 =	vld.idx.msk [tilespmem:v33+s10+$0x0], $0xffff;
	[tilespmem:s3+$0xFFFFFF60] =	vst v25  }
0x4b4: {  	s4 =	sadd.s32 $0x7, s5;
	v25 =	vadd.s32 s2, v12;
	s2 =	smov.u32 s5;
	s5 =	sadd.s32 $0x8, s5;
	v24 =	vld.idx.msk [tilespmem:v34+s10+$0x0], $0xffff;
	[tilespmem:s3+$0xFFFFFFE0] =	vst v32  }
0x4b5: {  	_ =	sdelay $0x1  }
0x4b6: {  	[tilespmem:s3+$0x60] =	vst v23  }
0x4b7: {  	[tilespmem:s3+$0xE0] =	vst v22  }
0x4b8: {  	s5 =	sadd.s32 $0x1, s2;
	v23 =	vadd.s32 s4, v17;
	v29 =	vld.idx.msk [tilespmem:v29+s10+$0x0], $0xffff;
	[tilespmem:s3+$0x160] =	vst v20  }
0x4b9: {  	s6 =	sadd.s32 $0x2, s2;
	s22 =	sadd.s32 $0x400, s3;
	v22 =	vadd.s32 s5, v17;
	v28 =	vld.idx.msk [tilespmem:v28+s10+$0x0], $0xffff;
	[tilespmem:s3+$0xFFFFFE60] =	vst v19  }
0x4ba: {  	s7 =	sadd.s32 $0x3, s2;
	v20 =	vadd.s32 s6, v17;
	v27 =	vld.idx.msk [tilespmem:v27+s10+$0x0], $0xffff;
	[tilespmem:s22+$0xFFFFFE00] =	vst v18  }
0x4bb: {  	s8 =	sadd.s32 $0x4, s2;
	v19 =	vadd.s32 s7, v17;
	v26 =	vld.idx.msk [tilespmem:v26+s10+$0x0], $0xffff;
	[tilespmem:s3+$0xFFFFFEF0] =	vst v21  }
0x4bc: {  	s9 =	sadd.s32 $0x5, s2;
	v25 =	vld.idx.msk [tilespmem:v25+s10+$0x0], $0xffff;
	v21 =	vadd.s32 s8, v17;
	[tilespmem:s3+$0xFFFFFF70] =	vst v24  }
0x4bd: {  	s11 =	sadd.s32 $0x6, s2;
	v24 =	vadd.s32 s9, v17;
	v23 =	vld.idx.msk [tilespmem:v23+s10+$0x0], $0xffff;
	[tilespmem:s3+$0xFFFFFFF0] =	vst v29  }
0x4be: {  	v17 =	vadd.s32 s11, v17;
	v22 =	vld.idx.msk [tilespmem:v22+s10+$0x0], $0xffff;
	[tilespmem:s3+$0x70] =	vst v28  }
0x4bf: {  	v20 =	vld.idx.msk [tilespmem:v20+s10+$0x0], $0xffff;
	v28 =	vadd.s32 s4, v16;
	[tilespmem:s3+$0xF0] =	vst v27  }
0x4c0: {  	v19 =	vld.idx.msk [tilespmem:v19+s10+$0x0], $0xffff;
	[tilespmem:s3+$0x170] =	vst v26;
	v26 =	vadd.s32 s5, v16  }
0x4c1: {  	[tilespmem:s3+$0xFFFFFE70] =	vst v25;
	v25 =	vadd.s32 s6, v16;
	v21 =	vld.idx.msk [tilespmem:v21+s10+$0x0], $0xffff  }
0x4c2: {  	v24 =	vld.idx.msk [tilespmem:v24+s10+$0x0], $0xffff;
	[tilespmem:s22+$0x180] =	vst v23;
	v23 =	vadd.s32 s7, v16  }
0x4c3: {  	v17 =	vld.idx.msk [tilespmem:v17+s10+$0x0], $0xffff;
	[tilespmem:s22+$0xFFFFFE80] =	vst v22;
	v22 =	vadd.s32 s8, v16  }
0x4c4: {  	v27 =	vld.idx.msk [tilespmem:v28+s10+$0x0], $0xffff;
	[tilespmem:s22+$0xFFFFFF00] =	vst v20;
	v20 =	vadd.s32 s9, v16  }
0x4c5: {  	[tilespmem:s22+$0xFFFFFF80] =	vst v19;
	v19 =	vld.idx.msk [tilespmem:v26+s10+$0x0], $0xffff;
	v26 =	vadd.s32 s4, v15  }
0x4c6: {  	v25 =	vld.idx.msk [tilespmem:v25+s10+$0x0], $0xffff;
	[tilespmem:s22+$0x0] =	vst v21;
	v21 =	vadd.s32 s11, v16  }
0x4c7: {  	v16 =	vadd.s32 s2, v16;
	[tilespmem:s22+$0x80] =	vst v24;
	v23 =	vld.idx.msk [tilespmem:v23+s10+$0x0], $0xffff  }
0x4c8: {  	[tilespmem:s22+$0x100] =	vst v17;
	v17 =	vadd.s32 s5, v15;
	v22 =	vld.idx.msk [tilespmem:v22+s10+$0x0], $0xffff  }
0x4c9: {  	v24 =	vadd.s32 s6, v15;
	[tilespmem:s22+$0x190] =	vst v27;
	v20 =	vld.idx.msk [tilespmem:v20+s10+$0x0], $0xffff  }
0x4ca: {  	v18 =	vadd.s32 s7, v15;
	v26 =	vld.idx.msk [tilespmem:v26+s10+$0x0], $0xffff;
	[tilespmem:s22+$0xFFFFFE90] =	vst v19  }
0x4cb: {  	[tilespmem:s22+$0xFFFFFF10] =	vst v25;
	v19 =	vld.idx.msk [tilespmem:v21+s10+$0x0], $0xffff;
	v21 =	vadd.s32 s8, v15  }
0x4cc: {  	v25 =	vadd.s32 s4, v14;
	v16 =	vld.idx.msk [tilespmem:v16+s10+$0x0], $0xffff;
	[tilespmem:s22+$0xFFFFFF90] =	vst v23  }
0x4cd: {  	v17 =	vld.idx.msk [tilespmem:v17+s10+$0x0], $0xffff;
	v23 =	vadd.s32 s9, v15;
	[tilespmem:s22+$0x10] =	vst v22  }
0x4ce: {  	v22 =	vld.idx.msk [tilespmem:v24+s10+$0x0], $0xffff;
	v24 =	vadd.s32 s11, v15;
	[tilespmem:s22+$0x90] =	vst v20  }
0x4cf: {  	v15 =	vadd.s32 s2, v15;
	v18 =	vld.idx.msk [tilespmem:v18+s10+$0x0], $0xffff;
	[tilespmem:s22+$0x1A0] =	vst v26  }
0x4d0: {  	v20 =	vadd.s32 s5, v14;
	v21 =	vld.idx.msk [tilespmem:v21+s10+$0x0], $0xffff;
	[tilespmem:s22+$0x110] =	vst v19  }
0x4d1: {  	v19 =	vadd.s32 s6, v14;
	v25 =	vld.idx.msk [tilespmem:v25+s10+$0x0], $0xffff;
	[tilespmem:s22+$0xFFFFFE10] =	vst v16  }
0x4d2: {  	[tilespmem:s22+$0xFFFFFEA0] =	vst v17;
	v16 =	vld.idx.msk [tilespmem:v23+s10+$0x0], $0xffff;
	v23 =	vadd.s32 s7, v14  }
0x4d3: {  	v17 =	vld.idx.msk [tilespmem:v24+s10+$0x0], $0xffff;
	v24 =	vadd.s32 s4, v13;
	[tilespmem:s22+$0xFFFFFF20] =	vst v22  }
0x4d4: {  	v22 =	vadd.s32 s8, v14;
	v15 =	vld.idx.msk [tilespmem:v15+s10+$0x0], $0xffff;
	[tilespmem:s22+$0xFFFFFFA0] =	vst v18  }
0x4d5: {  	v18 =	vld.idx.msk [tilespmem:v20+s10+$0x0], $0xffff;
	v20 =	vadd.s32 s9, v14;
	[tilespmem:s22+$0x20] =	vst v21  }
0x4d6: {  	v19 =	vld.idx.msk [tilespmem:v19+s10+$0x0], $0xffff;
	v21 =	vadd.s32 s11, v14;
	[tilespmem:s22+$0x1B0] =	vst v25  }
0x4d7: {  	v14 =	vadd.s32 s2, v14;
	v23 =	vld.idx.msk [tilespmem:v23+s10+$0x0], $0xffff;
	[tilespmem:s22+$0xA0] =	vst v16  }
0x4d8: {  	v16 =	vadd.s32 s5, v13;
	v24 =	vld.idx.msk [tilespmem:v24+s10+$0x0], $0xffff;
	[tilespmem:s22+$0x120] =	vst v17  }
0x4d9: {  	v17 =	vld.idx.msk [tilespmem:v22+s10+$0x0], $0xffff;
	v22 =	vadd.s32 s6, v13;
	[tilespmem:s22+$0xFFFFFE20] =	vst v15  }
0x4da: {  	v15 =	vld.idx.msk [tilespmem:v20+s10+$0x0], $0xffff;
	[tilespmem:s22+$0xFFFFFEB0] =	vst v18;
	v18 =	vadd.s32 s7, v13  }
0x4db: {  	v20 =	vadd.s32 s4, v11;
	v21 =	vld.idx.msk [tilespmem:v21+s10+$0x0], $0xffff;
	[tilespmem:s22+$0xFFFFFF30] =	vst v19  }
0x4dc: {  	v14 =	vld.idx.msk [tilespmem:v14+s10+$0x0], $0xffff;
	v19 =	vadd.s32 s8, v13;
	[tilespmem:s22+$0xFFFFFFB0] =	vst v23  }
0x4dd: {  	v16 =	vld.idx.msk [tilespmem:v16+s10+$0x0], $0xffff;
	v23 =	vadd.s32 s9, v13;
	[tilespmem:s22+$0x1C0] =	vst v24  }
0x4de: {  	v22 =	vld.idx.msk [tilespmem:v22+s10+$0x0], $0xffff;
	v24 =	vadd.s32 s11, v13;
	[tilespmem:s22+$0x30] =	vst v17  }
0x4df: {  	v13 =	vadd.s32 s2, v13;
	[tilespmem:s22+$0xB0] =	vst v15;
	v15 =	vld.idx.msk [tilespmem:v18+s10+$0x0], $0xffff  }
0x4e0: {  	v18 =	vadd.s32 s5, v11;
	v17 =	vld.idx.msk [tilespmem:v20+s10+$0x0], $0xffff;
	[tilespmem:s22+$0x130] =	vst v21  }
0x4e1: {  	v20 =	vadd.s32 s4, v10;
	v19 =	vld.idx.msk [tilespmem:v19+s10+$0x0], $0xffff;
	[tilespmem:s22+$0xFFFFFE30] =	vst v14  }
0x4e2: {  	v14 =	vadd.s32 s6, v11;
	v21 =	vld.idx.msk [tilespmem:v23+s10+$0x0], $0xffff;
	[tilespmem:s22+$0xFFFFFEC0] =	vst v16  }
0x4e3: {  	v16 =	vadd.s32 s7, v11;
	v23 =	vld.idx.msk [tilespmem:v24+s10+$0x0], $0xffff;
	[tilespmem:s22+$0xFFFFFF40] =	vst v22  }
0x4e4: {  	v13 =	vld.idx.msk [tilespmem:v13+s10+$0x0], $0xffff;
	v22 =	vadd.s32 s8, v11;
	[tilespmem:s22+$0xFFFFFFC0] =	vst v15  }
0x4e5: {  	[tilespmem:s22+$0x1D0] =	vst v17;
	v17 =	vld.idx.msk [tilespmem:v18+s10+$0x0], $0xffff;
	v18 =	vadd.s32 s9, v11  }
0x4e6: {  	v15 =	vadd.s32 s11, v11;
	v20 =	vld.idx.msk [tilespmem:v20+s10+$0x0], $0xffff;
	[tilespmem:s22+$0x40] =	vst v19  }
0x4e7: {  	v11 =	vadd.s32 s2, v11;
	v14 =	vld.idx.msk [tilespmem:v14+s10+$0x0], $0xffff;
	[tilespmem:s22+$0xC0] =	vst v21  }
0x4e8: {  	v19 =	vadd.s32 s4, v12;
	v16 =	vld.idx.msk [tilespmem:v16+s10+$0x0], $0xffff;
	[tilespmem:s22+$0x140] =	vst v23  }
0x4e9: {  	v21 =	vadd.s32 s5, v10;
	v22 =	vld.idx.msk [tilespmem:v22+s10+$0x0], $0xffff;
	[tilespmem:s22+$0xFFFFFE40] =	vst v13  }
0x4ea: {  	v13 =	vadd.s32 s6, v10;
	v18 =	vld.idx.msk [tilespmem:v18+s10+$0x0], $0xffff;
	[tilespmem:s22+$0xFFFFFED0] =	vst v17  }
0x4eb: {  	v17 =	vadd.s32 s7, v10;
	v15 =	vld.idx.msk [tilespmem:v15+s10+$0x0], $0xffff;
	[tilespmem:s22+$0x1E0] =	vst v20  }
0x4ec: {  	v11 =	vld.idx.msk [tilespmem:v11+s10+$0x0], $0xffff;
	v20 =	vadd.s32 s8, v10;
	[tilespmem:s22+$0xFFFFFF50] =	vst v14  }
0x4ed: {  	v14 =	vadd.s32 s9, v10;
	v19 =	vld.idx.msk [tilespmem:v19+s10+$0x0], $0xffff;
	[tilespmem:s22+$0xFFFFFFD0] =	vst v16  }
0x4ee: {  	v16 =	vld.idx.msk [tilespmem:v21+s10+$0x0], $0xffff;
	v21 =	vadd.s32 s11, v10;
	[tilespmem:s22+$0x50] =	vst v22  }
0x4ef: {  	v10 =	vadd.s32 s2, v10;
	v13 =	vld.idx.msk [tilespmem:v13+s10+$0x0], $0xffff;
	[tilespmem:s22+$0xD0] =	vst v18  }
0x4f0: {  	v17 =	vld.idx.msk [tilespmem:v17+s10+$0x0], $0xffff;
	v18 =	vadd.s32 s5, v12;
	[tilespmem:s22+$0x150] =	vst v15  }
0x4f1: {  	[tilespmem:s22+$0xFFFFFE50] =	vst v11;
	v15 =	vld.idx.msk [tilespmem:v20+s10+$0x0], $0xffff;
	v20 =	vadd.s32 s6, v12  }
0x4f2: {  	v11 =	vld.idx.msk [tilespmem:v14+s10+$0x0], $0xffff;
	v14 =	vadd.s32 s7, v12;
	[tilespmem:s22+$0x1F0] =	vst v19  }
0x4f3: {  	v19 =	vld.idx.msk [tilespmem:v21+s10+$0x0], $0xffff;
	v21 =	vadd.s32 s8, v12;
	[tilespmem:s22+$0xFFFFFEE0] =	vst v16  }
0x4f4: {  	v10 =	vld.idx.msk [tilespmem:v10+s10+$0x0], $0xffff;
	v16 =	vadd.s32 s9, v12;
	[tilespmem:s22+$0xFFFFFF60] =	vst v13  }
0x4f5: {  	v13 =	vld.idx.msk [tilespmem:v18+s10+$0x0], $0xffff;
	v18 =	vadd.s32 s11, v12;
	[tilespmem:s22+$0xFFFFFFE0] =	vst v17  }
0x4f6: {  	v12 =	vadd.s32 s2, v12;
	v17 =	vld.idx.msk [tilespmem:v20+s10+$0x0], $0xffff;
	[tilespmem:s22+$0x60] =	vst v15  }
0x4f7: {  	v14 =	vld.idx.msk [tilespmem:v14+s10+$0x0], $0xffff;
	[tilespmem:s22+$0xE0] =	vst v11  }
0x4f8: {  	v11 =	vld.idx.msk [tilespmem:v21+s10+$0x0], $0xffff;
	[tilespmem:s22+$0x160] =	vst v19  }
0x4f9: {  	v15 =	vld.idx.msk [tilespmem:v16+s10+$0x0], $0xffff;
	[tilespmem:s22+$0xFFFFFE60] =	vst v10  }
0x4fa: {  	v10 =	vld.idx.msk [tilespmem:v18+s10+$0x0], $0xffff;
	[tilespmem:s22+$0xFFFFFEF0] =	vst v13  }
0x4fb: {  	s1 =	sor.u32 $0x1, s1;
	v12 =	vld.idx.msk [tilespmem:v12+s10+$0x0], $0xffff;
	[tilespmem:s22+$0xFFFFFF70] =	vst v17  }
0x4fc: {  	v13 =	vadd.s32 s1, v1;
	[tilespmem:s22+$0xFFFFFFF0] =	vst v14  }
0x4fd: {  	[tilespmem:s22+$0x70] =	vst v11  }
0x4fe: {  	[tilespmem:s22+$0xF0] =	vst v15  }
0x4ff: {  	[tilespmem:s22+$0x170] =	vst v10  }
0x500: {  	[tilespmem:s22+$0xFFFFFE70] =	vst v12  }
0x501: {  	v12 =	vadd.s32 s1, v4;
	v10 =	vld.idx.msk [tilespmem:v13+s15+$0x0], $0xffff  }
0x502: {  	v11 =	vadd.s32 s1, v3  }
0x503: {  	v14 =	vadd.s32 s1, v6  }
0x504: {  	v15 =	vadd.s32 s1, v7  }
0x505: {  	v13 =	vadd.s32 s1, v5  }
0x506: {  	v18 =	vld.idx.msk [tilespmem:v12+s15+$0x0], $0xffff;
	v12 =	vadd.s32 s1, v9;
	v17 =	vmul.u32 $0x41, v10  }
0x507: {  	s23 =	simm.s32 $0x0;
	v10 =	vld.idx.msk [tilespmem:v11+s15+$0x0], $0xffff;
	v11 =	vadd.s32 s1, v8  }
0x508: {  	s24 =	simm.s32 $0x7;
	v19 =	vld.idx.msk [tilespmem:v14+s15+$0x0], $0xffff;
	v16 =	vadd.s32 s23, v17  }
0x509: {  	s25 =	simm.s32 $0x1;
	v20 =	vld.idx.msk [tilespmem:v15+s15+$0x0], $0xffff;
	v14 =	vadd.s32 s24, v17  }
0x50a: {  	s28 =	simm.s32 $0x3;
	v13 =	vld.idx.msk [tilespmem:v13+s15+$0x0], $0xffff;
	v15 =	vadd.s32 s25, v17  }
0x50b: {  	s26 =	simm.s32 $0x2;
	v22 =	vadd.s32 s28, v17;
	v12 =	vld.idx.msk [tilespmem:v12+s15+$0x0], $0xffff  }
0x50c: {  	s29 =	simm.s32 $0x4;
	v21 =	vld.idx.msk [tilespmem:v11+s15+$0x0], $0xffff;
	v11 =	vadd.s32 s26, v17  }
0x50d: {  	s30 =	simm.s32 $0x5;
	v24 =	vadd.s32 s29, v17;
	v23 =	vld.idx.msk [tilespmem:v16+s10+$0x0], $0xffff  }
0x50e: {  	s31 =	simm.s32 $0x6;
	v16 =	vmul.u32 $0x41, v10;
	v10 =	vadd.s32 s30, v17;
	v14 =	vld.idx.msk [tilespmem:v14+s10+$0x0], $0xffff  }
0x50f: {  	v25 =	vld.idx.msk [tilespmem:v15+s10+$0x0], $0xffff;
	v15 =	vadd.s32 s31, v17  }
0x510: {  	v22 =	vld.idx.msk [tilespmem:v22+s10+$0x0], $0xffff;
	v26 =	vadd.s32 s24, v16  }
0x511: {  	v27 =	vadd.s32 s25, v16;
	v11 =	vld.idx.msk [tilespmem:v11+s10+$0x0], $0xffff  }
0x512: {  	s2 =	simm.s32 $0x14C70;
	v24 =	vld.idx.msk [tilespmem:v24+s10+$0x0], $0xffff;
	v28 =	vadd.s32 s26, v16  }
0x513: {  	v29 =	vadd.s32 s28, v16;
	v10 =	vld.idx.msk [tilespmem:v10+s10+$0x0], $0xffff;
	[tilespmem:s2+$0xFFFFFF90] =	vst v14  }
0x514: {  	v30 =	vadd.s32 s29, v16;
	v31 =	vld.idx.msk [tilespmem:v15+s10+$0x0], $0xffff;
	[tilespmem:s2+$0xFFFFFC90] =	vst v25  }
0x515: {  	v15 =	vmul.u32 $0x41, v18;
	v14 =	vadd.s32 s30, v16;
	[tilespmem:s2+$0xFFFFFD90] =	vst v22;
	v18 =	vld.idx.msk [tilespmem:v26+s10+$0x0], $0xffff  }
0x516: {  	v25 =	vld.idx.msk [tilespmem:v27+s10+$0x0], $0xffff;
	[tilespmem:s2+$0xFFFFFD10] =	vst v11;
	v11 =	vadd.s32 s31, v16  }
0x517: {  	[tilespmem:s2+$0xFFFFFE10] =	vst v24;
	v22 =	vadd.s32 s24, v15;
	v26 =	vld.idx.msk [tilespmem:v28+s10+$0x0], $0xffff  }
0x518: {  	[tilespmem:s2+$0xFFFFFC10] =	vst v23;
	v27 =	vadd.s32 s23, v16;
	v28 =	vld.idx.msk [tilespmem:v29+s10+$0x0], $0xffff  }
0x519: {  	v24 =	vadd.s32 s25, v15;
	v29 =	vld.idx.msk [tilespmem:v30+s10+$0x0], $0xffff;
	[tilespmem:s2+$0xFFFFFE90] =	vst v10  }
0x51a: {  	v10 =	vadd.s32 s26, v15;
	[tilespmem:s2+$0xFFFFFF10] =	vst v31;
	v30 =	vld.idx.msk [tilespmem:v14+s10+$0x0], $0xffff  }
0x51b: {  	v31 =	vadd.s32 s28, v15;
	[tilespmem:s2+$0xFFFFFFA0] =	vst v18;
	v11 =	vld.idx.msk [tilespmem:v11+s10+$0x0], $0xffff  }
0x51c: {  	v14 =	vmul.u32 $0x41, v13;
	v13 =	vadd.s32 s29, v15;
	[tilespmem:s2+$0xFFFFFCA0] =	vst v25;
	v18 =	vld.idx.msk [tilespmem:v22+s10+$0x0], $0xffff  }
0x51d: {  	v23 =	vadd.s32 s30, v15;
	v22 =	vld.idx.msk [tilespmem:v27+s10+$0x0], $0xffff;
	[tilespmem:s2+$0xFFFFFD20] =	vst v26  }
0x51e: {  	v24 =	vld.idx.msk [tilespmem:v24+s10+$0x0], $0xffff;
	v25 =	vadd.s32 s24, v14;
	[tilespmem:s2+$0xFFFFFDA0] =	vst v28  }
0x51f: {  	v26 =	vadd.s32 s31, v15;
	[tilespmem:s2+$0xFFFFFE20] =	vst v29;
	v10 =	vld.idx.msk [tilespmem:v10+s10+$0x0], $0xffff  }
0x520: {  	v27 =	vadd.s32 s23, v15;
	v28 =	vld.idx.msk [tilespmem:v31+s10+$0x0], $0xffff;
	[tilespmem:s2+$0xFFFFFEA0] =	vst v30  }
0x521: {  	v29 =	vadd.s32 s25, v14;
	v31 =	vld.idx.msk [tilespmem:v13+s10+$0x0], $0xffff;
	[tilespmem:s2+$0xFFFFFFB0] =	vst v18  }
0x522: {  	v30 =	vadd.s32 s26, v14;
	v23 =	vld.idx.msk [tilespmem:v23+s10+$0x0], $0xffff;
	[tilespmem:s2+$0xFFFFFF20] =	vst v11  }
0x523: {  	v13 =	vmul.u32 $0x41, v19;
	v19 =	vadd.s32 s29, v14;
	[tilespmem:s2+$0xFFFFFC20] =	vst v22;
	v11 =	vld.idx.msk [tilespmem:v25+s10+$0x0], $0xffff  }
0x524: {  	v18 =	vadd.s32 s28, v14;
	[tilespmem:s2+$0xFFFFFCB0] =	vst v24;
	v22 =	vld.idx.msk [tilespmem:v26+s10+$0x0], $0xffff  }
0x525: {  	v24 =	vadd.s32 s24, v13;
	v25 =	vld.idx.msk [tilespmem:v27+s10+$0x0], $0xffff;
	[tilespmem:s2+$0xFFFFFD30] =	vst v10  }
0x526: {  	v26 =	vld.idx.msk [tilespmem:v29+s10+$0x0], $0xffff;
	v10 =	vadd.s32 s30, v14;
	[tilespmem:s2+$0xFFFFFDB0] =	vst v28  }
0x527: {  	v28 =	vadd.s32 s31, v14;
	v27 =	vld.idx.msk [tilespmem:v30+s10+$0x0], $0xffff;
	[tilespmem:s2+$0xFFFFFE30] =	vst v31  }
0x528: {  	v29 =	vadd.s32 s23, v14;
	v19 =	vld.idx.msk [tilespmem:v19+s10+$0x0], $0xffff;
	[tilespmem:s2+$0xFFFFFEB0] =	vst v23  }
0x529: {  	v30 =	vadd.s32 s25, v13;
	v18 =	vld.idx.msk [tilespmem:v18+s10+$0x0], $0xffff;
	[tilespmem:s2+$0xFFFFFFC0] =	vst v11  }
0x52a: {  	v11 =	vmul.u32 $0x41, v20;
	v20 =	vadd.s32 s26, v13;
	[tilespmem:s2+$0xFFFFFF30] =	vst v22;
	v23 =	vld.idx.msk [tilespmem:v24+s10+$0x0], $0xffff  }
0x52b: {  	[tilespmem:s2+$0xFFFFFC30] =	vst v25;
	v24 =	vadd.s32 s28, v13;
	v31 =	vld.idx.msk [tilespmem:v10+s10+$0x0], $0xffff  }
0x52c: {  	[tilespmem:s2+$0xFFFFFCC0] =	vst v26;
	v22 =	vld.idx.msk [tilespmem:v28+s10+$0x0], $0xffff;
	v25 =	vadd.s32 s24, v11  }
0x52d: {  	v26 =	vadd.s32 s29, v13;
	v28 =	vld.idx.msk [tilespmem:v29+s10+$0x0], $0xffff;
	[tilespmem:s2+$0xFFFFFD40] =	vst v27  }
0x52e: {  	v29 =	vld.idx.msk [tilespmem:v30+s10+$0x0], $0xffff;
	v27 =	vadd.s32 s30, v13;
	[tilespmem:s2+$0xFFFFFE40] =	vst v19  }
0x52f: {  	v30 =	vadd.s32 s23, v13;
	[tilespmem:s2+$0xFFFFFDC0] =	vst v18;
	v20 =	vld.idx.msk [tilespmem:v20+s10+$0x0], $0xffff  }
0x530: {  	v10 =	vmul.u32 $0x41, v21;
	v21 =	vadd.s32 s25, v11;
	v24 =	vld.idx.msk [tilespmem:v24+s10+$0x0], $0xffff;
	[tilespmem:s2+$0xFFFFFFD0] =	vst v23  }
0x531: {  	v18 =	vadd.s32 s31, v13;
	[tilespmem:s2+$0xFFFFFEC0] =	vst v31;
	v19 =	vld.idx.msk [tilespmem:v25+s10+$0x0], $0xffff  }
0x532: {  	v23 =	vadd.s32 s26, v11;
	[tilespmem:s2+$0xFFFFFF40] =	vst v22;
	v25 =	vld.idx.msk [tilespmem:v26+s10+$0x0], $0xffff  }
0x533: {  	[tilespmem:s2+$0xFFFFFC40] =	vst v28;
	v26 =	vld.idx.msk [tilespmem:v27+s10+$0x0], $0xffff;
	v27 =	vadd.s32 s28, v11  }
0x534: {  	v22 =	vadd.s32 s24, v10;
	v28 =	vld.idx.msk [tilespmem:v30+s10+$0x0], $0xffff;
	[tilespmem:s2+$0xFFFFFCD0] =	vst v29  }
0x535: {  	v29 =	vadd.s32 s29, v11;
	v21 =	vld.idx.msk [tilespmem:v21+s10+$0x0], $0xffff;
	[tilespmem:s2+$0xFFFFFD50] =	vst v20  }
0x536: {  	v18 =	vld.idx.msk [tilespmem:v18+s10+$0x0], $0xffff;
	v20 =	vadd.s32 s30, v11;
	[tilespmem:s2+$0xFFFFFDD0] =	vst v24  }
0x537: {  	v30 =	vadd.s32 s31, v11;
	v23 =	vld.idx.msk [tilespmem:v23+s10+$0x0], $0xffff;
	[tilespmem:s2+$0xFFFFFFE0] =	vst v19  }
0x538: {  	v24 =	vadd.s32 s25, v10;
	v27 =	vld.idx.msk [tilespmem:v27+s10+$0x0], $0xffff;
	[tilespmem:s2+$0xFFFFFE50] =	vst v25  }
0x539: {  	v12 =	vmul.u32 $0x41, v12;
	v19 =	vadd.s32 s23, v11;
	[tilespmem:s2+$0xFFFFFED0] =	vst v26;
	v22 =	vld.idx.msk [tilespmem:v22+s10+$0x0], $0xffff  }
0x53a: {  	[tilespmem:s2+$0xFFFFFC50] =	vst v28;
	v25 =	vld.idx.msk [tilespmem:v29+s10+$0x0], $0xffff;
	v29 =	vadd.s32 s26, v10  }
0x53b: {  	v26 =	vadd.s32 s24, v12;
	[tilespmem:s2+$0xFFFFFF50] =	vst v18;
	v20 =	vld.idx.msk [tilespmem:v20+s10+$0x0], $0xffff  }
0x53c: {  	[tilespmem:s2+$0xFFFFFCE0] =	vst v21;
	v18 =	vadd.s32 s28, v10;
	v28 =	vld.idx.msk [tilespmem:v30+s10+$0x0], $0xffff  }
0x53d: {  	v21 =	vadd.s32 s29, v10;
	v24 =	vld.idx.msk [tilespmem:v24+s10+$0x0], $0xffff  }
0x53e: {  	v30 =	vadd.s32 s30, v10;
	[tilespmem:s2+$0xFFFFFD60] =	vst v23;
	v19 =	vld.idx.msk [tilespmem:v19+s10+$0x0], $0xffff  }
0x53f: {  	s1 =	simm.s32 $0x8;
	v31 =	vadd.s32 s31, v10;
	[tilespmem:s2+$0xFFFFFFF0] =	vst v22;
	v33 =	vld.idx.msk [tilespmem:v29+s10+$0x0], $0xffff  }
0x540: {  	[tilespmem:s2+$0xFFFFFDE0] =	vst v27;
	v27 =	vadd.s32 s1, v17;
	v26 =	vld.idx.msk [tilespmem:v26+s10+$0x0], $0xffff  }
0x541: {  	v32 =	vadd.s32 s23, v10;
	[tilespmem:s2+$0xFFFFFE60] =	vst v25;
	v34 =	vld.idx.msk [tilespmem:v18+s10+$0x0], $0xffff  }
0x542: {  	v25 =	vadd.s32 s25, v12;
	v23 =	vld.idx.msk [tilespmem:v21+s10+$0x0], $0xffff;
	[tilespmem:s2+$0xFFFFFEE0] =	vst v20  }
0x543: {  	v35 =	vadd.s32 s26, v12;
	[tilespmem:s2+$0xFFFFFF60] =	vst v28;
	v22 =	vld.idx.msk [tilespmem:v30+s10+$0x0], $0xffff  }
0x544: {  	v29 =	vadd.s32 s28, v12;
	v20 =	vld.idx.msk [tilespmem:v31+s10+$0x0], $0xffff;
	[tilespmem:s2+$0xFFFFFCF0] =	vst v24  }
0x545: {  	v28 =	vadd.s32 s29, v12;
	[tilespmem:s2+$0xFFFFFC60] =	vst v19;
	v18 =	vld.idx.msk [tilespmem:v27+s10+$0x0], $0xffff  }
0x546: {  	v27 =	vadd.s32 s30, v12;
	v19 =	vld.idx.msk [tilespmem:v32+s10+$0x0], $0xffff;
	[tilespmem:s2+$0xFFFFFD70] =	vst v33  }
0x547: {  	v21 =	vld.idx.msk [tilespmem:v25+s10+$0x0], $0xffff;
	[tilespmem:s2+$0x0] =	vst v26;
	v26 =	vadd.s32 s31, v12  }
0x548: {  	s3 =	simm.s32 $0xF;
	s4 =	simm.s32 $0x10;
	v25 =	vadd.s32 s23, v12;
	v24 =	vld.idx.msk [tilespmem:v35+s10+$0x0], $0xffff;
	[tilespmem:s2+$0xFFFFFDF0] =	vst v34  }
.LBB2_13:
0x549: {  	p0 =	slt.u32 s4, $0x38;
	s5 =	sadd.s32 $0x1, s1;
	v30 =	vadd.s32 s3, v17;
	v29 =	vld.idx.msk [tilespmem:v29+s10+$0x0], $0xffff;
	[tilespmem:s2+$0xFFFFFE70] =	vst v23  }
0x54a: {  	s6 =	sadd.s32 $0x2, s1;
	v23 =	vadd.s32 s5, v17;
	v28 =	vld.idx.msk [tilespmem:v28+s10+$0x0], $0xffff;
	[tilespmem:s2+$0xFFFFFEF0] =	vst v22  }
0x54b: {  	s7 =	sadd.s32 $0x3, s1;
	v22 =	vadd.s32 s6, v17;
	v27 =	vld.idx.msk [tilespmem:v27+s10+$0x0], $0xffff;
	[tilespmem:s2+$0xFFFFFF70] =	vst v20  }
0x54c: {  	s8 =	sadd.s32 $0x4, s1;
	v20 =	vadd.s32 s7, v17;
	[tilespmem:s2+$0xFFFFFC70] =	vst v19;
	v19 =	vld.idx.msk [tilespmem:v26+s10+$0x0], $0xffff  }
0x54d: {  	s9 =	sadd.s32 $0x5, s1;
	v26 =	vadd.s32 s8, v17;
	v25 =	vld.idx.msk [tilespmem:v25+s10+$0x0], $0xffff;
	[tilespmem:s2+$0xFFFFFD00] =	vst v21  }
0x54e: {  	s11 =	sadd.s32 $0x6, s1;
	v21 =	vadd.s32 s9, v17;
	v30 =	vld.idx.msk [tilespmem:v30+s10+$0x0], $0xffff;
	[tilespmem:s2+$0xFFFFFD80] =	vst v24  }
0x54f: {  	v24 =	vadd.s32 s11, v17;
	v23 =	vld.idx.msk [tilespmem:v23+s10+$0x0], $0xffff;
	[tilespmem:s2+$0xFFFFFE00] =	vst v29  }
0x550: {  	v29 =	vadd.s32 s3, v16;
	v22 =	vld.idx.msk [tilespmem:v22+s10+$0x0], $0xffff;
	[tilespmem:s2+$0xFFFFFE80] =	vst v28  }
0x551: {  	v28 =	vadd.s32 s5, v16;
	v20 =	vld.idx.msk [tilespmem:v20+s10+$0x0], $0xffff;
	[tilespmem:s2+$0xFFFFFF00] =	vst v27  }
0x552: {  	v27 =	vadd.s32 s6, v16;
	v26 =	vld.idx.msk [tilespmem:v26+s10+$0x0], $0xffff;
	[tilespmem:s2+$0xFFFFFF80] =	vst v19  }
0x553: {  	v19 =	vadd.s32 s7, v16;
	v21 =	vld.idx.msk [tilespmem:v21+s10+$0x0], $0xffff;
	[tilespmem:s2+$0xFFFFFC80] =	vst v25;
	s2 =	sadd.s32 $0x400, s2  }
0x554: {  	v25 =	vadd.s32 s8, v16;
	v24 =	vld.idx.msk [tilespmem:v24+s10+$0x0], $0xffff;
	[tilespmem:s2+$0xFFFFFF90] =	vst v30  }
0x555: {  	[tilespmem:s2+$0xFFFFFC90] =	vst v23;
	v23 =	vadd.s32 s9, v16;
	v29 =	vld.idx.msk [tilespmem:v29+s10+$0x0], $0xffff  }
0x556: {  	v28 =	vld.idx.msk [tilespmem:v28+s10+$0x0], $0xffff;
	[tilespmem:s2+$0xFFFFFD10] =	vst v22;
	v22 =	vadd.s32 s11, v16  }
0x557: {  	v27 =	vld.idx.msk [tilespmem:v27+s10+$0x0], $0xffff;
	[tilespmem:s2+$0xFFFFFD90] =	vst v20;
	v20 =	vadd.s32 s3, v15  }
0x558: {  	v30 =	vadd.s32 s1, v16;
	v19 =	vld.idx.msk [tilespmem:v19+s10+$0x0], $0xffff;
	[tilespmem:s2+$0xFFFFFE10] =	vst v26  }
0x559: {  	v26 =	vadd.s32 s5, v15;
	v25 =	vld.idx.msk [tilespmem:v25+s10+$0x0], $0xffff;
	[tilespmem:s2+$0xFFFFFE90] =	vst v21  }
0x55a: {  	v21 =	vadd.s32 s6, v15;
	v23 =	vld.idx.msk [tilespmem:v23+s10+$0x0], $0xffff;
	[tilespmem:s2+$0xFFFFFF10] =	vst v24  }
0x55b: {  	v24 =	vadd.s32 s7, v15;
	v22 =	vld.idx.msk [tilespmem:v22+s10+$0x0], $0xffff;
	[tilespmem:s2+$0xFFFFFFA0] =	vst v29  }
0x55c: {  	[tilespmem:s2+$0xFFFFFC10] =	vst v18;
	v18 =	vadd.s32 s8, v15;
	v20 =	vld.idx.msk [tilespmem:v20+s10+$0x0], $0xffff  }
0x55d: {  	v29 =	vld.idx.msk [tilespmem:v30+s10+$0x0], $0xffff;
	[tilespmem:s2+$0xFFFFFCA0] =	vst v28;
	v28 =	vadd.s32 s9, v15  }
0x55e: {  	v26 =	vld.idx.msk [tilespmem:v26+s10+$0x0], $0xffff;
	[tilespmem:s2+$0xFFFFFD20] =	vst v27;
	v27 =	vadd.s32 s3, v14  }
0x55f: {  	v21 =	vld.idx.msk [tilespmem:v21+s10+$0x0], $0xffff;
	[tilespmem:s2+$0xFFFFFDA0] =	vst v19;
	v19 =	vadd.s32 s11, v15  }
0x560: {  	v30 =	vadd.s32 s1, v15;
	v24 =	vld.idx.msk [tilespmem:v24+s10+$0x0], $0xffff;
	[tilespmem:s2+$0xFFFFFE20] =	vst v25  }
0x561: {  	v25 =	vadd.s32 s5, v14;
	v18 =	vld.idx.msk [tilespmem:v18+s10+$0x0], $0xffff;
	[tilespmem:s2+$0xFFFFFEA0] =	vst v23  }
0x562: {  	v23 =	vadd.s32 s6, v14;
	v28 =	vld.idx.msk [tilespmem:v28+s10+$0x0], $0xffff;
	[tilespmem:s2+$0xFFFFFFB0] =	vst v20  }
0x563: {  	v20 =	vadd.s32 s7, v14;
	[tilespmem:s2+$0xFFFFFF20] =	vst v22;
	v22 =	vld.idx.msk [tilespmem:v27+s10+$0x0], $0xffff  }
0x564: {  	v27 =	vadd.s32 s8, v14;
	[tilespmem:s2+$0xFFFFFC20] =	vst v29;
	v19 =	vld.idx.msk [tilespmem:v19+s10+$0x0], $0xffff  }
0x565: {  	v29 =	vld.idx.msk [tilespmem:v30+s10+$0x0], $0xffff;
	[tilespmem:s2+$0xFFFFFCB0] =	vst v26;
	v26 =	vadd.s32 s3, v13  }
0x566: {  	v25 =	vld.idx.msk [tilespmem:v25+s10+$0x0], $0xffff;
	[tilespmem:s2+$0xFFFFFD30] =	vst v21;
	v21 =	vadd.s32 s9, v14  }
0x567: {  	v23 =	vld.idx.msk [tilespmem:v23+s10+$0x0], $0xffff;
	[tilespmem:s2+$0xFFFFFDB0] =	vst v24;
	v24 =	vadd.s32 s11, v14  }
0x568: {  	v30 =	vadd.s32 s1, v14;
	v20 =	vld.idx.msk [tilespmem:v20+s10+$0x0], $0xffff;
	[tilespmem:s2+$0xFFFFFE30] =	vst v18  }
0x569: {  	v18 =	vadd.s32 s5, v13;
	v27 =	vld.idx.msk [tilespmem:v27+s10+$0x0], $0xffff;
	[tilespmem:s2+$0xFFFFFFC0] =	vst v22  }
0x56a: {  	v22 =	vadd.s32 s6, v13;
	[tilespmem:s2+$0xFFFFFEB0] =	vst v28;
	v26 =	vld.idx.msk [tilespmem:v26+s10+$0x0], $0xffff  }
0x56b: {  	v28 =	vadd.s32 s7, v13;
	v21 =	vld.idx.msk [tilespmem:v21+s10+$0x0], $0xffff;
	[tilespmem:s2+$0xFFFFFF30] =	vst v19  }
0x56c: {  	[tilespmem:s2+$0xFFFFFC30] =	vst v29;
	v19 =	vld.idx.msk [tilespmem:v24+s10+$0x0], $0xffff;
	v24 =	vadd.s32 s3, v11  }
0x56d: {  	v29 =	vld.idx.msk [tilespmem:v30+s10+$0x0], $0xffff;
	[tilespmem:s2+$0xFFFFFCC0] =	vst v25;
	v25 =	vadd.s32 s8, v13  }
0x56e: {  	v18 =	vld.idx.msk [tilespmem:v18+s10+$0x0], $0xffff;
	[tilespmem:s2+$0xFFFFFD40] =	vst v23;
	v23 =	vadd.s32 s9, v13  }
0x56f: {  	v22 =	vld.idx.msk [tilespmem:v22+s10+$0x0], $0xffff;
	[tilespmem:s2+$0xFFFFFDC0] =	vst v20;
	v20 =	vadd.s32 s11, v13  }
0x570: {  	v30 =	vadd.s32 s1, v13;
	v28 =	vld.idx.msk [tilespmem:v28+s10+$0x0], $0xffff;
	[tilespmem:s2+$0xFFFFFFD0] =	vst v26  }
0x571: {  	v26 =	vadd.s32 s5, v11;
	[tilespmem:s2+$0xFFFFFE40] =	vst v27;
	v24 =	vld.idx.msk [tilespmem:v24+s10+$0x0], $0xffff  }
0x572: {  	v27 =	vadd.s32 s6, v11;
	v25 =	vld.idx.msk [tilespmem:v25+s10+$0x0], $0xffff;
	[tilespmem:s2+$0xFFFFFEC0] =	vst v21  }
0x573: {  	v21 =	vld.idx.msk [tilespmem:v23+s10+$0x0], $0xffff;
	[tilespmem:s2+$0xFFFFFF40] =	vst v19;
	v19 =	vadd.s32 s3, v10  }
0x574: {  	v23 =	vadd.s32 s7, v11;
	[tilespmem:s2+$0xFFFFFC40] =	vst v29;
	v20 =	vld.idx.msk [tilespmem:v20+s10+$0x0], $0xffff  }
0x575: {  	v29 =	vld.idx.msk [tilespmem:v30+s10+$0x0], $0xffff;
	[tilespmem:s2+$0xFFFFFCD0] =	vst v18;
	v18 =	vadd.s32 s8, v11  }
0x576: {  	v26 =	vld.idx.msk [tilespmem:v26+s10+$0x0], $0xffff;
	[tilespmem:s2+$0xFFFFFD50] =	vst v22;
	v22 =	vadd.s32 s9, v11  }
0x577: {  	v30 =	vadd.s32 s11, v11;
	v27 =	vld.idx.msk [tilespmem:v27+s10+$0x0], $0xffff;
	[tilespmem:s2+$0xFFFFFFE0] =	vst v24  }
0x578: {  	v24 =	vadd.s32 s1, v11;
	[tilespmem:s2+$0xFFFFFDD0] =	vst v28;
	v19 =	vld.idx.msk [tilespmem:v19+s10+$0x0], $0xffff  }
0x579: {  	v28 =	vadd.s32 s5, v10;
	v23 =	vld.idx.msk [tilespmem:v23+s10+$0x0], $0xffff;
	[tilespmem:s2+$0xFFFFFE50] =	vst v25  }
0x57a: {  	v18 =	vld.idx.msk [tilespmem:v18+s10+$0x0], $0xffff;
	[tilespmem:s2+$0xFFFFFED0] =	vst v21;
	v21 =	vadd.s32 s3, v12  }
0x57b: {  	v25 =	vadd.s32 s6, v10;
	v22 =	vld.idx.msk [tilespmem:v22+s10+$0x0], $0xffff;
	[tilespmem:s2+$0xFFFFFF50] =	vst v20  }
0x57c: {  	v20 =	vadd.s32 s7, v10;
	[tilespmem:s2+$0xFFFFFC50] =	vst v29;
	v29 =	vld.idx.msk [tilespmem:v30+s10+$0x0], $0xffff  }
0x57d: {  	v24 =	vld.idx.msk [tilespmem:v24+s10+$0x0], $0xffff;
	[tilespmem:s2+$0xFFFFFCE0] =	vst v26;
	v26 =	vadd.s32 s8, v10  }
0x57e: {  	v30 =	vld.idx.msk [tilespmem:v28+s10+$0x0], $0xffff;
	v28 =	vadd.s32 s9, v10;
	[tilespmem:s2+$0xFFFFFFF0] =	vst v19  }
0x57f: {  	v19 =	vadd.s32 s11, v10;
	[tilespmem:s2+$0xFFFFFD60] =	vst v27;
	v21 =	vld.idx.msk [tilespmem:v21+s10+$0x0], $0xffff  }
0x580: {  	v27 =	vadd.s32 s1, v10;
	v25 =	vld.idx.msk [tilespmem:v25+s10+$0x0], $0xffff;
	[tilespmem:s2+$0xFFFFFDE0] =	vst v23  }
0x581: {  	v31 =	vadd.s32 s4, v17;
	v32 =	vld.idx.msk [tilespmem:v20+s10+$0x0], $0xffff;
	[tilespmem:s2+$0xFFFFFE60] =	vst v18  }
0x582: {  	v33 =	vadd.s32 s5, v12;
	v23 =	vld.idx.msk [tilespmem:v26+s10+$0x0], $0xffff;
	[tilespmem:s2+$0xFFFFFEE0] =	vst v22  }
0x583: {  	v34 =	vadd.s32 s6, v12;
	v22 =	vld.idx.msk [tilespmem:v28+s10+$0x0], $0xffff;
	[tilespmem:s2+$0xFFFFFF60] =	vst v29  }
.Ltmp5:
0x584: {  	v29 =	vadd.s32 s7, v12;
	[tilespmem:s2+$0xFFFFFC60] =	vst v24;
	v20 =	vld.idx.msk [tilespmem:v19+s10+$0x0], $0xffff;
	(pc) =	sbr.rel @p0 .LBB2_13-.Ltmp5, $4  }
0x585: {  	v28 =	vadd.s32 s8, v12;
	v19 =	vld.idx.msk [tilespmem:v27+s10+$0x0], $0xffff;
	[tilespmem:s2+$0x0] =	vst v21  }
0x586: {  	v27 =	vadd.s32 s9, v12;
	v18 =	vld.idx.msk [tilespmem:v31+s10+$0x0], $0xffff;
	[tilespmem:s2+$0xFFFFFCF0] =	vst v30  }
0x587: {  	v26 =	vadd.s32 s11, v12;
	v21 =	vld.idx.msk [tilespmem:v33+s10+$0x0], $0xffff;
	[tilespmem:s2+$0xFFFFFD70] =	vst v25  }
0x588: {  	s3 =	sadd.s32 $0x7, s4;
	v25 =	vadd.s32 s1, v12;
	s1 =	smov.u32 s4;
	s4 =	sadd.s32 $0x8, s4;
	v24 =	vld.idx.msk [tilespmem:v34+s10+$0x0], $0xffff;
	[tilespmem:s2+$0xFFFFFDF0] =	vst v32  }
0x589: {  	_ =	sdelay $0x1  }
0x58a: {  	[tilespmem:s2+$0xFFFFFE70] =	vst v23  }
0x58b: {  	[tilespmem:s2+$0xFFFFFEF0] =	vst v22  }
0x58c: {  	v53 =	vadd.s32 s3, v17;
	v29 =	vld.idx.msk [tilespmem:v29+s10+$0x0], $0xffff;
	[tilespmem:s2+$0xFFFFFF70] =	vst v20  }
0x58d: {  	s4 =	sadd.s32 $0x1, s1;
	s31 =	sadd.s32 $0x400, s2;
	v36 =	vadd.s32 s1, v16;
	v28 =	vld.idx.msk [tilespmem:v28+s10+$0x0], $0xffff;
	[tilespmem:s2+$0xFFFFFC70] =	vst v19  }
0x58e: {  	s5 =	sadd.s32 $0x2, s1;
	s6 =	sadd.s32 $0x3, s1;
	v60 =	vadd.s32 s3, v16;
	v54 =	vadd.s32 s4, v17;
	v27 =	vld.idx.msk [tilespmem:v27+s10+$0x0], $0xffff;
	[tilespmem:s31+$0xFFFFFC10] =	vst v18  }
0x58f: {  	v55 =	vadd.s32 s5, v17;
	v56 =	vadd.s32 s6, v17;
	v26 =	vld.idx.msk [tilespmem:v26+s10+$0x0], $0xffff;
	[tilespmem:s2+$0xFFFFFD00] =	vst v21  }
0x590: {  	s7 =	sadd.s32 $0x4, s1;
	v61 =	vadd.s32 s4, v16;
	v62 =	vadd.s32 s5, v16;
	v25 =	vld.idx.msk [tilespmem:v25+s10+$0x0], $0xffff;
	[tilespmem:s2+$0xFFFFFD80] =	vst v24  }
0x591: {  	s8 =	sadd.s32 $0x5, s1;
	s9 =	sadd.s32 $0x6, s1;
	v57 =	vadd.s32 s7, v17;
	v63 =	vadd.s32 s6, v16;
	v30 =	vadd.s32 s7, v16;
	v23 =	vld.idx.msk [tilespmem:v53+s10+$0x0], $0xffff;
	[tilespmem:s2+$0xFFFFFE00] =	vst v29  }
0x592: {  	v58 =	vadd.s32 s8, v17;
	v32 =	vadd.s32 s8, v16;
	v35 =	vadd.s32 s9, v16;
	v16 =	vld.idx.msk [tilespmem:v36+s10+$0x0], $0xffff;
	[tilespmem:s2+$0xFFFFFE80] =	vst v28  }
0x593: {  	v59 =	vadd.s32 s9, v17;
	v22 =	vld.idx.msk [tilespmem:v54+s10+$0x0], $0xffff;
	[tilespmem:s2+$0xFFFFFF00] =	vst v27  }
0x594: {  	v20 =	vld.idx.msk [tilespmem:v55+s10+$0x0], $0xffff;
	[tilespmem:s2+$0xFFFFFF80] =	vst v26  }
0x595: {  	v46 =	vadd.s32 s1, v15;
	v19 =	vld.idx.msk [tilespmem:v56+s10+$0x0], $0xffff;
	[tilespmem:s2+$0xFFFFFC80] =	vst v25  }
0x596: {  	v21 =	vld.idx.msk [tilespmem:v57+s10+$0x0], $0xffff;
	[tilespmem:s31+$0xFFFFFF90] =	vst v23  }
0x597: {  	v34 =	vadd.s32 s3, v15;
	v24 =	vld.idx.msk [tilespmem:v58+s10+$0x0], $0xffff;
	[tilespmem:s31+$0xFFFFFC20] =	vst v16  }
0x598: {  	v37 =	vadd.s32 s4, v15;
	v38 =	vadd.s32 s5, v15;
	v17 =	vld.idx.msk [tilespmem:v59+s10+$0x0], $0xffff;
	[tilespmem:s31+$0xFFFFFC90] =	vst v22  }
0x599: {  	v39 =	vadd.s32 s6, v15;
	v41 =	vadd.s32 s7, v15;
	v31 =	vld.idx.msk [tilespmem:v60+s10+$0x0], $0xffff;
	[tilespmem:s31+$0xFFFFFD10] =	vst v20  }
0x59a: {  	v43 =	vadd.s32 s8, v15;
	v45 =	vadd.s32 s9, v15;
	[tilespmem:s31+$0xFFFFFD90] =	vst v19;
	v15 =	vld.idx.msk [tilespmem:v46+s10+$0x0], $0xffff  }
0x59b: {  	[tilespmem:s31+$0xFFFFFE10] =	vst v21;
	v33 =	vld.idx.msk [tilespmem:v61+s10+$0x0], $0xffff  }
0x59c: {  	[tilespmem:s31+$0xFFFFFE90] =	vst v24;
	v25 =	vld.idx.msk [tilespmem:v62+s10+$0x0], $0xffff  }
0x59d: {  	v57 =	vadd.s32 s1, v14;
	[tilespmem:s31+$0xFFFFFF10] =	vst v17;
	v23 =	vld.idx.msk [tilespmem:v63+s10+$0x0], $0xffff  }
0x59e: {  	v22 =	vld.idx.msk [tilespmem:v30+s10+$0x0], $0xffff;
	[tilespmem:s31+$0xFFFFFFA0] =	vst v31  }
0x59f: {  	v42 =	vadd.s32 s3, v14;
	v20 =	vld.idx.msk [tilespmem:v32+s10+$0x0], $0xffff;
	[tilespmem:s31+$0xFFFFFC30] =	vst v15  }
0x5a0: {  	v47 =	vadd.s32 s4, v14;
	v48 =	vadd.s32 s5, v14;
	v40 =	vld.idx.msk [tilespmem:v35+s10+$0x0], $0xffff;
	[tilespmem:s31+$0xFFFFFCA0] =	vst v33  }
0x5a1: {  	v50 =	vadd.s32 s6, v14;
	v53 =	vadd.s32 s7, v14;
	v26 =	vld.idx.msk [tilespmem:v34+s10+$0x0], $0xffff;
	[tilespmem:s31+$0xFFFFFD20] =	vst v25  }
0x5a2: {  	v55 =	vadd.s32 s8, v14;
	v56 =	vadd.s32 s9, v14;
	[tilespmem:s31+$0xFFFFFDA0] =	vst v23;
	v14 =	vld.idx.msk [tilespmem:v57+s10+$0x0], $0xffff  }
0x5a3: {  	[tilespmem:s31+$0xFFFFFE20] =	vst v22;
	v17 =	vld.idx.msk [tilespmem:v37+s10+$0x0], $0xffff  }
0x5a4: {  	[tilespmem:s31+$0xFFFFFEA0] =	vst v20;
	v44 =	vld.idx.msk [tilespmem:v38+s10+$0x0], $0xffff  }
0x5a5: {  	v31 =	vadd.s32 s1, v13;
	[tilespmem:s31+$0xFFFFFF20] =	vst v40;
	v18 =	vld.idx.msk [tilespmem:v39+s10+$0x0], $0xffff  }
0x5a6: {  	v21 =	vld.idx.msk [tilespmem:v41+s10+$0x0], $0xffff;
	[tilespmem:s31+$0xFFFFFFB0] =	vst v26  }
0x5a7: {  	v52 =	vadd.s32 s3, v13;
	v29 =	vadd.s32 s8, v13;
	v49 =	vld.idx.msk [tilespmem:v43+s10+$0x0], $0xffff;
	[tilespmem:s31+$0xFFFFFC40] =	vst v14  }
0x5a8: {  	v58 =	vadd.s32 s4, v13;
	v28 =	vadd.s32 s7, v13;
	v51 =	vld.idx.msk [tilespmem:v45+s10+$0x0], $0xffff;
	[tilespmem:s31+$0xFFFFFCB0] =	vst v17  }
0x5a9: {  	v36 =	vadd.s32 s5, v11;
	v60 =	vadd.s32 s5, v13;
	v62 =	vadd.s32 s3, v11;
	v25 =	vld.idx.msk [tilespmem:v42+s10+$0x0], $0xffff;
	[tilespmem:s31+$0xFFFFFD30] =	vst v44  }
0x5aa: {  	v63 =	vadd.s32 s6, v13;
	v30 =	vadd.s32 s9, v13;
	[tilespmem:s31+$0xFFFFFDB0] =	vst v18;
	v13 =	vld.idx.msk [tilespmem:v31+s10+$0x0], $0xffff  }
0x5ab: {  	v34 =	vadd.s32 s4, v11;
	v40 =	vadd.s32 s7, v11;
	[tilespmem:s31+$0xFFFFFE30] =	vst v21;
	v54 =	vld.idx.msk [tilespmem:v47+s10+$0x0], $0xffff  }
0x5ac: {  	v38 =	vadd.s32 s6, v11;
	v43 =	vadd.s32 s9, v11;
	[tilespmem:s31+$0xFFFFFEB0] =	vst v49;
	v19 =	vld.idx.msk [tilespmem:v48+s10+$0x0], $0xffff  }
0x5ad: {  	[tilespmem:s31+$0xFFFFFF30] =	vst v51;
	v42 =	vadd.s32 s8, v11;
	v11 =	vadd.s32 s1, v11;
	v23 =	vld.idx.msk [tilespmem:v50+s10+$0x0], $0xffff  }
0x5ae: {  	v59 =	vld.idx.msk [tilespmem:v53+s10+$0x0], $0xffff;
	[tilespmem:s31+$0xFFFFFFC0] =	vst v25  }
0x5af: {  	v61 =	vld.idx.msk [tilespmem:v55+s10+$0x0], $0xffff;
	[tilespmem:s31+$0xFFFFFC50] =	vst v13  }
0x5b0: {  	v21 =	vld.idx.msk [tilespmem:v56+s10+$0x0], $0xffff;
	[tilespmem:s31+$0xFFFFFCC0] =	vst v54  }
0x5b1: {  	v24 =	vld.idx.msk [tilespmem:v52+s10+$0x0], $0xffff;
	[tilespmem:s31+$0xFFFFFD40] =	vst v19  }
0x5b2: {  	v46 =	vadd.s32 s5, v10;
	v35 =	vadd.s32 s3, v10;
	[tilespmem:s31+$0xFFFFFDC0] =	vst v23;
	v11 =	vld.idx.msk [tilespmem:v11+s10+$0x0], $0xffff  }
0x5b3: {  	v45 =	vadd.s32 s4, v10;
	v49 =	vadd.s32 s8, v10;
	[tilespmem:s31+$0xFFFFFE40] =	vst v59;
	v16 =	vld.idx.msk [tilespmem:v58+s10+$0x0], $0xffff  }
0x5b4: {  	v51 =	vadd.s32 s9, v10;
	v47 =	vadd.s32 s6, v10;
	[tilespmem:s31+$0xFFFFFEC0] =	vst v61;
	v22 =	vld.idx.msk [tilespmem:v60+s10+$0x0], $0xffff  }
0x5b5: {  	v48 =	vadd.s32 s7, v10;
	v10 =	vadd.s32 s1, v10;
	[tilespmem:s31+$0xFFFFFF40] =	vst v21;
	v33 =	vld.idx.msk [tilespmem:v63+s10+$0x0], $0xffff  }
0x5b6: {  	v19 =	vld.idx.msk [tilespmem:v28+s10+$0x0], $0xffff;
	[tilespmem:s31+$0xFFFFFFD0] =	vst v24  }
0x5b7: {  	v37 =	vld.idx.msk [tilespmem:v29+s10+$0x0], $0xffff;
	[tilespmem:s31+$0xFFFFFC60] =	vst v11  }
0x5b8: {  	v39 =	vld.idx.msk [tilespmem:v30+s10+$0x0], $0xffff;
	[tilespmem:s31+$0xFFFFFCD0] =	vst v16  }
0x5b9: {  	v32 =	vld.idx.msk [tilespmem:v62+s10+$0x0], $0xffff;
	[tilespmem:s31+$0xFFFFFD50] =	vst v22  }
0x5ba: {  	[tilespmem:s31+$0xFFFFFDD0] =	vst v33;
	v10 =	vld.idx.msk [tilespmem:v10+s10+$0x0], $0xffff  }
0x5bb: {  	[tilespmem:s31+$0xFFFFFE50] =	vst v19;
	v41 =	vld.idx.msk [tilespmem:v34+s10+$0x0], $0xffff  }
0x5bc: {  	[tilespmem:s31+$0xFFFFFED0] =	vst v37;
	v14 =	vld.idx.msk [tilespmem:v36+s10+$0x0], $0xffff  }
0x5bd: {  	v61 =	vadd.s32 s1, v12;
	[tilespmem:s31+$0xFFFFFF50] =	vst v39;
	v16 =	vld.idx.msk [tilespmem:v38+s10+$0x0], $0xffff  }
0x5be: {  	v22 =	vld.idx.msk [tilespmem:v40+s10+$0x0], $0xffff;
	[tilespmem:s31+$0xFFFFFFE0] =	vst v32  }
0x5bf: {  	v57 =	vadd.s32 s7, v12;
	v18 =	vld.idx.msk [tilespmem:v42+s10+$0x0], $0xffff;
	[tilespmem:s31+$0xFFFFFC70] =	vst v10  }
0x5c0: {  	v44 =	vadd.s32 s3, v12;
	v55 =	vadd.s32 s6, v12;
	v15 =	vld.idx.msk [tilespmem:v43+s10+$0x0], $0xffff;
	[tilespmem:s31+$0xFFFFFCE0] =	vst v41  }
0x5c1: {  	v52 =	vadd.s32 s4, v12;
	v54 =	vadd.s32 s5, v12;
	v20 =	vld.idx.msk [tilespmem:v35+s10+$0x0], $0xffff;
	[tilespmem:s31+$0xFFFFFD60] =	vst v14  }
0x5c2: {  	v58 =	vadd.s32 s8, v12;
	v60 =	vadd.s32 s9, v12;
	[tilespmem:s31+$0xFFFFFDE0] =	vst v16;
	v12 =	vld.idx.msk [tilespmem:v61+s10+$0x0], $0xffff  }
0x5c3: {  	[tilespmem:s31+$0xFFFFFE60] =	vst v22;
	v50 =	vld.idx.msk [tilespmem:v45+s10+$0x0], $0xffff  }
0x5c4: {  	[tilespmem:s31+$0xFFFFFEE0] =	vst v18;
	v13 =	vld.idx.msk [tilespmem:v46+s10+$0x0], $0xffff  }
0x5c5: {  	[tilespmem:s31+$0xFFFFFF60] =	vst v15;
	v17 =	vld.idx.msk [tilespmem:v47+s10+$0x0], $0xffff  }
0x5c6: {  	v53 =	vld.idx.msk [tilespmem:v48+s10+$0x0], $0xffff;
	[tilespmem:s31+$0xFFFFFFF0] =	vst v20  }
0x5c7: {  	v11 =	vld.idx.msk [tilespmem:v49+s10+$0x0], $0xffff;
	[tilespmem:s31+$0xFFFFFC80] =	vst v12  }
0x5c8: {  	v56 =	vld.idx.msk [tilespmem:v51+s10+$0x0], $0xffff;
	[tilespmem:s31+$0xFFFFFCF0] =	vst v50  }
0x5c9: {  	v19 =	vld.idx.msk [tilespmem:v44+s10+$0x0], $0xffff;
	[tilespmem:s31+$0xFFFFFD70] =	vst v13  }
0x5ca: {  	[tilespmem:s31+$0xFFFFFDF0] =	vst v17;
	v59 =	vld.idx.msk [tilespmem:v52+s10+$0x0], $0xffff  }
0x5cb: {  	[tilespmem:s31+$0xFFFFFE70] =	vst v53;
	v62 =	vld.idx.msk [tilespmem:v54+s10+$0x0], $0xffff  }
0x5cc: {  	[tilespmem:s31+$0xFFFFFEF0] =	vst v11;
	v14 =	vld.idx.msk [tilespmem:v55+s10+$0x0], $0xffff  }
0x5cd: {  	[tilespmem:s31+$0xFFFFFF70] =	vst v56;
	v11 =	vld.idx.msk [tilespmem:v57+s10+$0x0], $0xffff  }
0x5ce: {  	v63 =	vld.idx.msk [tilespmem:v58+s10+$0x0], $0xffff;
	[tilespmem:s31+$0x0] =	vst v19  }
0x5cf: {  	s20 =	sadd.s32 $0x1, s20;
	v10 =	vld.idx.msk [tilespmem:v60+s10+$0x0], $0xffff;
	[tilespmem:s31+$0xFFFFFD00] =	vst v59  }
0x5d0: {  	p0 =	sne.s32 s20, $0x32;
	[tilespmem:s31+$0xFFFFFD80] =	vst v62  }
.Ltmp6:
0x5d1: {  	s0 =	sshll.u32 s0, $0x13;
	[tilespmem:s31+$0xFFFFFE00] =	vst v14;
	(pc) =	sbr.rel @p0 .LBB2_6-.Ltmp6, $4  }
0x5d2: {  	s0 =	sor.u32 s14, s0;
	[tilespmem:s31+$0xFFFFFE80] =	vst v11  }
0x5d3: {  	s0 =	sshrl.u32 s0, $0x3;
	[tilespmem:s31+$0xFFFFFF00] =	vst v63  }
0x5d4: {  	s0 =	sadd.s32 s13, s0;
	[tilespmem:s31+$0xFFFFFF80] =	vst v10  }
0x5d5: {  	[hbm4b:s0+s16] =	stream.strided.scatter [tilespmem:s19], [sflag:$0x2], $0x4000, s17, s16, $0x38;
	[tilespmem:$0x16880] =	vst v63  }
0x5d6: {  	s0 =	simm.s32 $0x1  }
0x5d7: {  	_ =	swait.ge [sflag:s0], $0x4000  }
0x5d8: {  	[sflag:s0] =	ssyncset.done $0x0  }
0x5d9: {  	s1 =	simm.s32 $0x2;
	[sflag:s0] =	ssyncadd.s32 $0xFFFFC000  }
0x5da: {  	_ =	swait.ge [sflag:s1], $0x4000  }
0x5db: {  	s2 =	sld [smem:$0x7FC]  }
0x5dc: {  	s31 =	sld [smem:$0x7FD];
	_ =	sdelay $0x1  }
0x5dd: {  	s2 =	sadd.s32 $0x1, s2  }
0x5de: {  	p0 =	sne.s32 s2, s31  }
.Ltmp7:
0x5df: {  	_ = 	snop;
	(pc) =	sbr.rel @p0 .LBB2_1-.Ltmp7, $3  }
0x5e0: {  	_ =	sdelay $0x1  }
0x5e1: {  	[sflag:s1] =	ssyncset.done $0x0  }
0x5e2: {  	[sflag:s1] =	ssyncadd.s32 $0xFFFFC000  }
0x5e3: {  	_ =	sfence.sel $0x180000  }
0x5e4: {  	[bflag:$0x0] =	sbarrier.arrive $0xFFFF  }
0x5e5: {  	_ =	strace $0x90000047  }
0x5e6: {  	s0 =	stileid.u32;
	[bflag:$0x2] =	sbarrier.arrive $0xFFFF  }
0x5e7: {  	p0 =	sne.s32 s0, $0x0;
	s0 =	rddreg [dreg:$0x2]  }
0x5e8: {  	s0 =	sadd.s32 @!p0 $0x100000, s0  }
0x5e9: {  	[sflag:s0] =	ssyncadd.tile.s32 @!p0 $0x1;
	_ =	shalt  }
.Lfunc_end2:
_tile_overlayer_lowered:
.L_overlay_start_2:
0x5ea: {  	(tag) =	ssettag $0x2  }
0x5eb: {  	s0 =	rddreg [dreg:$0x0];
	s2 =	stileid.u32  }
0x5ec: {  	s1 =	rddreg [dreg:$0x1];
	p0 =	sne.s32 s2, $0x0  }
0x5ed: {  	s3 =	rddreg [dreg:$0x2];
	[bflag:$0x3] =	sbarrier.arrive $0xFFFF;
	s2 =	simm.s32 @!p0 $0x1C03  }
0x5ee: {  	[timem:s3], [sflag:s2] =	dma.local @!p0 [hbm:s0], s1  }
0x5ef: {  	s0 =	simm.s32 @!p0 $0x3  }
0x5f0: {  	_ =	swait.ge @!p0 [sflag:s0], s1  }
0x5f1: {  	s1 =	ssub.s32 @!p0 $0x0, s1;
	[sflag:s0] =	ssyncset.done @!p0 $0x0  }
0x5f2: {  	[sflag:s0] =	ssyncadd.s32 @!p0 s1  }
0x5f3: {  	[bflag:$0x3] =	sbarrier.arrive $0xFFFF  }
0x5f4: {  	_ =	shalt  }

</sc_bundles>
